<compile_context>
chip_gen: v7x
topology: tpu7x:2x2x1
jax: 0.10.2.dev20260603
libtpu: 0.0.44.dev20260713+nightly
codegen_flags: <defaults>
</compile_context>

<pallas_src>
import functools

import jax
import jax.numpy as jnp
from jax import lax
from jax.experimental import pallas as pl
from jax.experimental.pallas import tpu as pltpu
from jax.experimental.pallas import tpu_sc as plsc

NN = 10000
EE = 320000
DIN = 128
HID = 64

NC = 2
NS = 16
NW = NC * NS

NPAD = 10240
CHUNK = 128
NCHUNK = 80
EPT = CHUNK * NCHUNK
EPAD = EPT * NW
RPT = NPAD // NS

_mesh = plsc.VectorSubcoreMesh(core_axis_name="c", subcore_axis_name="s")


def _zero_fill(zero_v, nrow, width):
    z16 = jnp.zeros((16,), jnp.float32)
    for i in range(nrow):
        for k in range(width // 16):
            zero_v[i, pl.ds(k * 16, 16)] = z16


def _zero_acc(acc, zero_v, s, width):
    def zbody(i, _):
        pltpu.sync_copy(zero_v, acc.at[pl.ds(s * RPT + i * 16, 16)])
        return 0
    lax.fori_loop(0, RPT // 16, zbody, 0)


def _copy_out(acc, out_hbm, c, s, buf_v, width):
    def obody(i, _):
        pltpu.sync_copy(acc.at[pl.ds(s * RPT + i * 128, 128)], buf_v)
        pltpu.sync_copy(buf_v, out_hbm.at[c, pl.ds(s * RPT + i * 128, 128)])
        return 0
    lax.fori_loop(0, RPT // 128, obody, 0)


@functools.partial(
    pl.kernel,
    out_type=jax.ShapeDtypeStruct((NC, NPAD, 16), jnp.float32),
    mesh=_mesh,
    scratch_types=[
        pltpu.VMEM((NCHUNK, CHUNK), jnp.int32),
        pltpu.VMEM((CHUNK, 16), jnp.float32),
        pltpu.VMEM((16, 16), jnp.float32),
        pltpu.VMEM((128, 16), jnp.float32),
        pltpu.VMEM_SHARED((NPAD, 16), jnp.float32),
    ],
    compiler_params=pltpu.CompilerParams(use_tc_tiling_on_sc=False),
)
def _deg_kernel(dst_hbm, out_hbm, dst_v, ones_v, zero_v, buf_v, acc):
    c = lax.axis_index("c")
    s = lax.axis_index("s")
    w = c * NS + s
    one_row = jnp.where(lax.iota(jnp.int32, 16) == 0, 1.0, 0.0).astype(jnp.float32)
    for i in range(CHUNK):
        ones_v[i, :] = one_row
    _zero_fill(zero_v, 16, 16)
    pltpu.sync_copy(dst_hbm.at[w], dst_v)
    _zero_acc(acc, zero_v, s, 16)
    plsc.subcore_barrier()

    def body(j, _):
        pltpu.sync_copy(ones_v, acc.at[dst_v.at[j]], add=True)
        return 0
    lax.fori_loop(0, NCHUNK, body, 0)
    plsc.subcore_barrier()
    _copy_out(acc, out_hbm, c, s, buf_v, 16)


NBUF = 4
GROUPS = NCHUNK // NBUF


@functools.partial(
    pl.kernel,
    out_type=jax.ShapeDtypeStruct((NC, NPAD, HID), jnp.float32),
    mesh=_mesh,
    scratch_types=[
        pltpu.VMEM((NCHUNK, CHUNK), jnp.int32),
        pltpu.VMEM((NCHUNK, CHUNK), jnp.int32),
        pltpu.VMEM((NBUF, CHUNK, HID), jnp.float32),
        pltpu.VMEM((16, HID), jnp.float32),
        pltpu.VMEM((128, HID), jnp.float32),
        pltpu.VMEM_SHARED((NPAD, HID), jnp.float32),
        pltpu.SemaphoreType.DMA,
        pltpu.SemaphoreType.DMA,
        pltpu.SemaphoreType.DMA,
        pltpu.SemaphoreType.DMA,
        pltpu.SemaphoreType.DMA,
        pltpu.SemaphoreType.DMA,
        pltpu.SemaphoreType.DMA,
        pltpu.SemaphoreType.DMA,
    ],
    compiler_params=pltpu.CompilerParams(use_tc_tiling_on_sc=False),
)
def _edge_kernel(g_hbm, src_hbm, dst_hbm, out_hbm,
                 src_v, dst_v, rows_v, zero_v, buf_v, acc,
                 gs0, gs1, gs2, gs3, ss0, ss1, ss2, ss3):
    c = lax.axis_index("c")
    s = lax.axis_index("s")
    w = c * NS + s
    gsems = (gs0, gs1, gs2, gs3)
    ssems = (ss0, ss1, ss2, ss3)
    _zero_fill(zero_v, 16, HID)
    pltpu.sync_copy(src_hbm.at[w], src_v)
    pltpu.sync_copy(dst_hbm.at[w], dst_v)
    _zero_acc(acc, zero_v, s, HID)
    plsc.subcore_barrier()

    for b in range(NBUF):
        pltpu.async_copy(g_hbm.at[src_v.at[b]], rows_v.at[b], gsems[b])

    def body(i, _):
        for b in range(NBUF):
            j = i * NBUF + b
            pltpu.make_async_copy(g_hbm.at[src_v.at[j]], rows_v.at[b],
                                  gsems[b]).wait()
            pltpu.async_copy(rows_v.at[b], acc.at[dst_v.at[j]], ssems[b],
                             add=True)

            @pl.when(i < GROUPS - 1)
            def _():
                pltpu.make_async_copy(rows_v.at[b], acc.at[dst_v.at[j]],
                                      ssems[b]).wait()
                pltpu.async_copy(g_hbm.at[src_v.at[j + NBUF]], rows_v.at[b],
                                 gsems[b])
        return 0
    lax.fori_loop(0, GROUPS, body, 0)
    for b in range(NBUF):
        pltpu.make_async_copy(rows_v.at[b],
                              acc.at[dst_v.at[NCHUNK - NBUF + b]],
                              ssems[b]).wait()
    plsc.subcore_barrier()
    _copy_out(acc, out_hbm, c, s, buf_v, HID)


BLK = 1024
GRID = NPAD // BLK


def _t1_body(deg_ref, x_ref, w1_ref, dinv_ref, g_ref):
    deg = deg_ref[0][:, 0:1] + deg_ref[1][:, 0:1] + 1.0
    dinv = 1.0 / jnp.sqrt(deg)
    g = dinv * jnp.dot(x_ref[...], w1_ref[...], preferred_element_type=jnp.float32)
    dinv_ref[...] = jnp.broadcast_to(dinv, (BLK, HID))
    g_ref[...] = g


def _t2_body(p_ref, g_ref, dinv_ref, b_ref, w_ref, out_ref):
    dinv = dinv_ref[...]
    h = jnp.maximum(dinv * (p_ref[0] + p_ref[1] + g_ref[...]) + b_ref[...], 0.0)
    out_ref[...] = dinv * jnp.dot(h, w_ref[...], preferred_element_type=jnp.float32)


def _t3_body(p_ref, g_ref, dinv_ref, b3_ref, wf1_ref, bf1_ref, wf2_ref, bf2_ref,
             out_ref):
    dinv = dinv_ref[...]
    h3 = jnp.maximum(dinv * (p_ref[0] + p_ref[1] + g_ref[...]) + b3_ref[...], 0.0)
    t = jnp.maximum(jnp.dot(h3, wf1_ref[...], preferred_element_type=jnp.float32)
                    + bf1_ref[...], 0.0)
    logits = (jnp.dot(t, wf2_ref[...], preferred_element_type=jnp.float32)
              + bf2_ref[...])
    m = jnp.max(logits, axis=-1, keepdims=True)
    e = jnp.exp(logits - m)
    out_ref[...] = e / jnp.sum(e, axis=-1, keepdims=True)


def _row_spec(width):
    return pl.BlockSpec((BLK, width), lambda i: (i, 0))


def _part_spec(width):
    return pl.BlockSpec((NC, BLK, width), lambda i: (0, i, 0))


def _full_spec(a, b):
    return pl.BlockSpec((a, b), lambda i: (0, 0))


def kernel(x, edge_index, W1, b1, W2, b2, W3, b3, Wf1, bf1, Wf2, bf2):
    f32 = jnp.float32
    src = edge_index[0]
    dst = edge_index[1]
    npad_e = EPAD - EE
    src_p = jnp.concatenate([src, jnp.zeros((npad_e,), jnp.int32)])
    dst_p = jnp.concatenate([dst, jnp.full((npad_e,), NN, jnp.int32)])
    src_t = src_p.reshape(NW, NCHUNK, CHUNK)
    dst_t = dst_p.reshape(NW, NCHUNK, CHUNK)

    x_p = jnp.zeros((NPAD, DIN), f32).at[:NN].set(x)

    deg_part = _deg_kernel(dst_t)

    dinv, g1 = pl.pallas_call(
        _t1_body,
        grid=(GRID,),
        in_specs=[_part_spec(16), _row_spec(DIN), _full_spec(DIN, HID)],
        out_specs=[_row_spec(HID), _row_spec(HID)],
        out_shape=[jax.ShapeDtypeStruct((NPAD, HID), f32),
                   jax.ShapeDtypeStruct((NPAD, HID), f32)],
    )(deg_part, x_p, W1)

    def combine(part, g, b, w):
        return pl.pallas_call(
            _t2_body,
            grid=(GRID,),
            in_specs=[_part_spec(HID), _row_spec(HID), _row_spec(HID),
                      _full_spec(1, HID), _full_spec(HID, HID)],
            out_specs=_row_spec(HID),
            out_shape=jax.ShapeDtypeStruct((NPAD, HID), f32),
        )(part, g, dinv, b.reshape(1, HID), w)

    s1 = _edge_kernel(g1, src_t, dst_t)
    g2 = combine(s1, g1, b1, W2)
    s2 = _edge_kernel(g2, src_t, dst_t)
    g3 = combine(s2, g2, b2, W3)
    s3 = _edge_kernel(g3, src_t, dst_t)

    wf2_p = jnp.zeros((HID, 128), f32).at[:, :3].set(Wf2)
    bf2_p = jnp.full((1, 128), -1e30, f32).at[0, :3].set(bf2)
    probs = pl.pallas_call(
        _t3_body,
        grid=(GRID,),
        in_specs=[_part_spec(HID), _row_spec(HID), _row_spec(HID),
                  _full_spec(1, HID), _full_spec(HID, HID), _full_spec(1, HID),
                  _full_spec(HID, 128), _full_spec(1, 128)],
        out_specs=_row_spec(128),
        out_shape=jax.ShapeDtypeStruct((NPAD, 128), f32),
    )(s3, g3, dinv, b3.reshape(1, HID), Wf1, bf1.reshape(1, HID), wf2_p, bf2_p)
    return probs[:NN, :3]

# --- scband reference (transcript-rebuilt; emitter-appended) ---
"""Pipeline reference for scband-gnnnode-classifier-2585570312959 (READ-ONLY COPY).

The authoritative reference and input builder live on the scoring server;
editing this copy changes nothing except your own understanding.
"""

import jax, jax.numpy as jnp
import numpy as np

N = 10000
E = 320000
D_IN = 128
H = 64
LABELS = 3


def setup_inputs(seed: int = 0) -> dict:
    key = jax.random.key(seed)
    ks = jax.random.split(key, 12)
    x = jax.random.normal(ks[0], (N, D_IN), dtype=jnp.float32)
    edge_index = jax.random.randint(ks[1], (2, E), 0, N, dtype=jnp.int32)
    W1 = jax.random.normal(ks[2], (D_IN, H), dtype=jnp.float32) * (1.0 / np.sqrt(D_IN))
    b1 = jnp.zeros((H,), dtype=jnp.float32)
    W2 = jax.random.normal(ks[3], (H, H), dtype=jnp.float32) * (1.0 / np.sqrt(H))
    b2 = jnp.zeros((H,), dtype=jnp.float32)
    W3 = jax.random.normal(ks[4], (H, H), dtype=jnp.float32) * (1.0 / np.sqrt(H))
    b3 = jnp.zeros((H,), dtype=jnp.float32)
    Wf1 = jax.random.normal(ks[5], (H, H), dtype=jnp.float32) * (1.0 / np.sqrt(H))
    bf1 = jnp.zeros((H,), dtype=jnp.float32)
    Wf2 = jax.random.normal(ks[6], (H, LABELS), dtype=jnp.float32) * (1.0 / np.sqrt(H))
    bf2 = jnp.zeros((LABELS,), dtype=jnp.float32)
    return {"x": x, "edge_index": edge_index, "W1": W1, "b1": b1, "W2": W2, "b2": b2,
            "W3": W3, "b3": b3, "Wf1": Wf1, "bf1": bf1, "Wf2": Wf2, "bf2": bf2}


def reference(x, edge_index, W1, b1, W2, b2, W3, b3, Wf1, bf1, Wf2, bf2):
    src = edge_index[0]
    dst = edge_index[1]
    loop = jnp.arange(N, dtype=src.dtype)
    src = jnp.concatenate([src, loop])
    dst = jnp.concatenate([dst, loop])
    # GCN symmetric normalization: D^{-1/2} (A + I) D^{-1/2}
    deg = jax.ops.segment_sum(jnp.ones_like(src, dtype=jnp.float32), dst, num_segments=N)
    dinv = jnp.where(deg > 0, 1.0 / jnp.sqrt(jnp.maximum(deg, 1e-12)), 0.0)
    ew = dinv[src] * dinv[dst]

    def gcn(h, W, b):
        h = h @ W
        msg = h[src] * ew[:, None]
        agg = jax.ops.segment_sum(msg, dst, num_segments=N)
        return jax.nn.relu(agg + b)

    h = gcn(x, W1, b1)
    h = gcn(h, W2, b2)
    h = gcn(h, W3, b3)
    h = jax.nn.relu(h @ Wf1 + bf1)
    logits = h @ Wf2 + bf2
    return jax.nn.softmax(logits, axis=-1)

if __name__ == "__main__":
    import jax
    _d = setup_inputs()
    print(jax.jit(kernel)(*tuple(_d.values())))

</pallas_src>

<mosaic_0001>
#map = affine_map<(d0, d1) -> (0, 0, 0)>
module attributes {stable_mosaic.version = 14 : i64} {
  func.func @_deg_kernel(%arg0: i32, %arg1: i32, %arg2: memref<32x80x128xi32, #tpu.memory_space<hbm>>, %arg3: memref<2x10240x16xf32, #tpu.memory_space<hbm>>, %arg4: memref<80x128xi32, #tpu.memory_space<vmem>>, %arg5: memref<128x16xf32, #tpu.memory_space<vmem>>, %arg6: memref<16x16xf32, #tpu.memory_space<vmem>>, %arg7: memref<128x16xf32, #tpu.memory_space<vmem>>, %arg8: memref<10240x16xf32, #tpu.memory_space<vmem_shared>>) attributes {dimension_semantics = [#tpu.dimension_semantics<core_parallel>, #tpu.dimension_semantics<subcore_parallel>], iteration_bounds = array<i64: 2, 16>, scalar_prefetch = 0 : i64, scratch_operands = 5 : i64, tpu.core_type = #tpu.core_type<sc_vector_subcore>, window_params = [{transform_indices = #map}, {transform_indices = #map}]} {
    %mul3A = arith.constant 16 : i32
    %mul3A_0 = arith.muli %arg0, %mul3A : i32
    %add3A = arith.addi %mul3A_0, %arg1 : i32
    %iota3A = tpu.iota {dimensions = array<i32: 0>} : vector<16xi32>
    %eq3A = arith.constant 0 : i32
    %eq3A_1 = vector.broadcast %eq3A : i32 to vector<16xi32>
    %eq3A_2 = arith.cmpi eq, %iota3A, %eq3A_1 : vector<16xi32>
    %jit3A = arith.constant 1.000000e+00 : f32
    %jit3A_3 = arith.constant 0.000000e+00 : f32
    %broadcast_in_dim3A = vector.broadcast %jit3A : f32 to vector<16xf32>
    %broadcast_in_dim3A_4 = vector.broadcast %jit3A_3 : f32 to vector<16xf32>
    %select_n3A = arith.select %eq3A_2, %broadcast_in_dim3A, %broadcast_in_dim3A_4 : vector<16xi1>, vector<16xf32>
    %swap3A = arith.constant 0 : i32
    %swap3A_5 = arith.index_cast %swap3A : i32 to index
    %swap3A_6 = arith.constant 0 : index
    %swap3A_7 = tpu.vector_load %arg5[%swap3A_5, %swap3A_6] {strides = array<i32>} : memref<128x16xf32, #tpu.memory_space<vmem>>, vector<1x16xf32>,
    %swap3A_8 = vector.shape_cast %swap3A_7 : vector<1x16xf32> to vector<16xf32>
    %swap3A_9 = vector.shape_cast %select_n3A : vector<16xf32> to vector<1x16xf32>
    tpu.vector_store %arg5[%swap3A_5, %swap3A_6], %swap3A_9 {strides = array<i32>} : memref<128x16xf32, #tpu.memory_space<vmem>>, vector<1x16xf32>,
    %swap3A_10 = arith.constant 1 : i32
    %swap3A_11 = arith.index_cast %swap3A_10 : i32 to index
    %swap3A_12 = arith.constant 0 : index
    %swap3A_13 = tpu.vector_load %arg5[%swap3A_11, %swap3A_12] {strides = array<i32>} : memref<128x16xf32, #tpu.memory_space<vmem>>, vector<1x16xf32>,
    %swap3A_14 = vector.shape_cast %swap3A_13 : vector<1x16xf32> to vector<16xf32>
    %swap3A_15 = vector.shape_cast %select_n3A : vector<16xf32> to vector<1x16xf32>
    tpu.vector_store %arg5[%swap3A_11, %swap3A_12], %swap3A_15 {strides = array<i32>} : memref<128x16xf32, #tpu.memory_space<vmem>>, vector<1x16xf32>,
    %swap3A_16 = arith.constant 2 : i32
    %swap3A_17 = arith.index_cast %swap3A_16 : i32 to index
    %swap3A_18 = arith.constant 0 : index
    %swap3A_19 = tpu.vector_load %arg5[%swap3A_17, %swap3A_18] {strides = array<i32>} : memref<128x16xf32, #tpu.memory_space<vmem>>, vector<1x16xf32>,
    %swap3A_20 = vector.shape_cast %swap3A_19 : vector<1x16xf32> to vector<16xf32>
    %swap3A_21 = vector.shape_cast %select_n3A : vector<16xf32> to vector<1x16xf32>
    tpu.vector_store %arg5[%swap3A_17, %swap3A_18], %swap3A_21 {strides = array<i32>} : memref<128x16xf32, #tpu.memory_space<vmem>>, vector<1x16xf32>,
    %swap3A_22 = arith.constant 3 : i32
    %swap3A_23 = arith.index_cast %swap3A_22 : i32 to index
    %swap3A_24 = arith.constant 0 : index
    %swap3A_25 = tpu.vector_load %arg5[%swap3A_23, %swap3A_24] {strides = array<i32>} : memref<128x16xf32, #tpu.memory_space<vmem>>, vector<1x16xf32>,
    %swap3A_26 = vector.shape_cast %swap3A_25 : vector<1x16xf32> to vector<16xf32>
    %swap3A_27 = vector.shape_cast %select_n3A : vector<16xf32> to vector<1x16xf32>
    tpu.vector_store %arg5[%swap3A_23, %swap3A_24], %swap3A_27 {strides = array<i32>} : memref<128x16xf32, #tpu.memory_space<vmem>>, vector<1x16xf32>,
    %swap3A_28 = arith.constant 4 : i32
    %swap3A_29 = arith.index_cast %swap3A_28 : i32 to index
    %swap3A_30 = arith.constant 0 : index
    %swap3A_31 = tpu.vector_load %arg5[%swap3A_29, %swap3A_30] {strides = array<i32>} : memref<128x16xf32, #tpu.memory_space<vmem>>, vector<1x16xf32>,
    %swap3A_32 = vector.shape_cast %swap3A_31 : vector<1x16xf32> to vector<16xf32>
    %swap3A_33 = vector.shape_cast %select_n3A : vector<16xf32> to vector<1x16xf32>
    tpu.vector_store %arg5[%swap3A_29, %swap3A_30], %swap3A_33 {strides = array<i32>} : memref<128x16xf32, #tpu.memory_space<vmem>>, vector<1x16xf32>,
    %swap3A_34 = arith.constant 5 : i32
    %swap3A_35 = arith.index_cast %swap3A_34 : i32 to index
    %swap3A_36 = arith.constant 0 : index
    %swap3A_37 = tpu.vector_load %arg5[%swap3A_35, %swap3A_36] {strides = array<i32>} : memref<128x16xf32, #tpu.memory_space<vmem>>, vector<1x16xf32>,
    %swap3A_38 = vector.shape_cast %swap3A_37 : vector<1x16xf32> to vector<16xf32>
    %swap3A_39 = vector.shape_cast %select_n3A : vector<16xf32> to vector<1x16xf32>
    tpu.vector_store %arg5[%swap3A_35, %swap3A_36], %swap3A_39 {strides = array<i32>} : memref<128x16xf32, #tpu.memory_space<vmem>>, vector<1x16xf32>,
    %swap3A_40 = arith.constant 6 : i32
    %swap3A_41 = arith.index_cast %swap3A_40 : i32 to index
    %swap3A_42 = arith.constant 0 : index
    %swap3A_43 = tpu.vector_load %arg5[%swap3A_41, %swap3A_42] {strides = array<i32>} : memref<128x16xf32, #tpu.memory_space<vmem>>, vector<1x16xf32>,
    %swap3A_44 = vector.shape_cast %swap3A_43 : vector<1x16xf32> to vector<16xf32>
    %swap3A_45 = vector.shape_cast %select_n3A : vector<16xf32> to vector<1x16xf32>
    tpu.vector_store %arg5[%swap3A_41, %swap3A_42], %swap3A_45 {strides = array<i32>} : memref<128x16xf32, #tpu.memory_space<vmem>>, vector<1x16xf32>,
    %swap3A_46 = arith.constant 7 : i32
    %swap3A_47 = arith.index_cast %swap3A_46 : i32 to index
    %swap3A_48 = arith.constant 0 : index
    %swap3A_49 = tpu.vector_load %arg5[%swap3A_47, %swap3A_48] {strides = array<i32>} : memref<128x16xf32, #tpu.memory_space<vmem>>, vector<1x16xf32>,
    %swap3A_50 = vector.shape_cast %swap3A_49 : vector<1x16xf32> to vector<16xf32>
    %swap3A_51 = vector.shape_cast %select_n3A : vector<16xf32> to vector<1x16xf32>
    tpu.vector_store %arg5[%swap3A_47, %swap3A_48], %swap3A_51 {strides = array<i32>} : memref<128x16xf32, #tpu.memory_space<vmem>>, vector<1x16xf32>,
    %swap3A_52 = arith.constant 8 : i32
    %swap3A_53 = arith.index_cast %swap3A_52 : i32 to index
    %swap3A_54 = arith.constant 0 : index
    %swap3A_55 = tpu.vector_load %arg5[%swap3A_53, %swap3A_54] {strides = array<i32>} : memref<128x16xf32, #tpu.memory_space<vmem>>, vector<1x16xf32>,
    %swap3A_56 = vector.shape_cast %swap3A_55 : vector<1x16xf32> to vector<16xf32>
    %swap3A_57 = vector.shape_cast %select_n3A : vector<16xf32> to vector<1x16xf32>
    tpu.vector_store %arg5[%swap3A_53, %swap3A_54], %swap3A_57 {strides = array<i32>} : memref<128x16xf32, #tpu.memory_space<vmem>>, vector<1x16xf32>,
    %swap3A_58 = arith.constant 9 : i32
    %swap3A_59 = arith.index_cast %swap3A_58 : i32 to index
    %swap3A_60 = arith.constant 0 : index
    %swap3A_61 = tpu.vector_load %arg5[%swap3A_59, %swap3A_60] {strides = array<i32>} : memref<128x16xf32, #tpu.memory_space<vmem>>, vector<1x16xf32>,
    %swap3A_62 = vector.shape_cast %swap3A_61 : vector<1x16xf32> to vector<16xf32>
    %swap3A_63 = vector.shape_cast %select_n3A : vector<16xf32> to vector<1x16xf32>
    tpu.vector_store %arg5[%swap3A_59, %swap3A_60], %swap3A_63 {strides = array<i32>} : memref<128x16xf32, #tpu.memory_space<vmem>>, vector<1x16xf32>,
    %swap3A_64 = arith.constant 10 : i32
    %swap3A_65 = arith.index_cast %swap3A_64 : i32 to index
    %swap3A_66 = arith.constant 0 : index
    %swap3A_67 = tpu.vector_load %arg5[%swap3A_65, %swap3A_66] {strides = array<i32>} : memref<128x16xf32, #tpu.memory_space<vmem>>, vector<1x16xf32>,
    %swap3A_68 = vector.shape_cast %swap3A_67 : vector<1x16xf32> to vector<16xf32>
    %swap3A_69 = vector.shape_cast %select_n3A : vector<16xf32> to vector<1x16xf32>
    tpu.vector_store %arg5[%swap3A_65, %swap3A_66], %swap3A_69 {strides = array<i32>} : memref<128x16xf32, #tpu.memory_space<vmem>>, vector<1x16xf32>,
    %swap3A_70 = arith.constant 11 : i32
    %swap3A_71 = arith.index_cast %swap3A_70 : i32 to index
    %swap3A_72 = arith.constant 0 : index
    %swap3A_73 = tpu.vector_load %arg5[%swap3A_71, %swap3A_72] {strides = array<i32>} : memref<128x16xf32, #tpu.memory_space<vmem>>, vector<1x16xf32>,
    %swap3A_74 = vector.shape_cast %swap3A_73 : vector<1x16xf32> to vector<16xf32>
    %swap3A_75 = vector.shape_cast %select_n3A : vector<16xf32> to vector<1x16xf32>
    tpu.vector_store %arg5[%swap3A_71, %swap3A_72], %swap3A_75 {strides = array<i32>} : memref<128x16xf32, #tpu.memory_space<vmem>>, vector<1x16xf32>,
    %swap3A_76 = arith.constant 12 : i32
    %swap3A_77 = arith.index_cast %swap3A_76 : i32 to index
    %swap3A_78 = arith.constant 0 : index
    %swap3A_79 = tpu.vector_load %arg5[%swap3A_77, %swap3A_78] {strides = array<i32>} : memref<128x16xf32, #tpu.memory_space<vmem>>, vector<1x16xf32>,
    %swap3A_80 = vector.shape_cast %swap3A_79 : vector<1x16xf32> to vector<16xf32>
    %swap3A_81 = vector.shape_cast %select_n3A : vector<16xf32> to vector<1x16xf32>
    tpu.vector_store %arg5[%swap3A_77, %swap3A_78], %swap3A_81 {strides = array<i32>} : memref<128x16xf32, #tpu.memory_space<vmem>>, vector<1x16xf32>,
    %swap3A_82 = arith.constant 13 : i32
    %swap3A_83 = arith.index_cast %swap3A_82 : i32 to index
    %swap3A_84 = arith.constant 0 : index
    %swap3A_85 = tpu.vector_load %arg5[%swap3A_83, %swap3A_84] {strides = array<i32>} : memref<128x16xf32, #tpu.memory_space<vmem>>, vector<1x16xf32>,
    %swap3A_86 = vector.shape_cast %swap3A_85 : vector<1x16xf32> to vector<16xf32>
    %swap3A_87 = vector.shape_cast %select_n3A : vector<16xf32> to vector<1x16xf32>
    tpu.vector_store %arg5[%swap3A_83, %swap3A_84], %swap3A_87 {strides = array<i32>} : memref<128x16xf32, #tpu.memory_space<vmem>>, vector<1x16xf32>,
    %swap3A_88 = arith.constant 14 : i32
    %swap3A_89 = arith.index_cast %swap3A_88 : i32 to index
    %swap3A_90 = arith.constant 0 : index
    %swap3A_91 = tpu.vector_load %arg5[%swap3A_89, %swap3A_90] {strides = array<i32>} : memref<128x16xf32, #tpu.memory_space<vmem>>, vector<1x16xf32>,
    %swap3A_92 = vector.shape_cast %swap3A_91 : vector<1x16xf32> to vector<16xf32>
    %swap3A_93 = vector.shape_cast %select_n3A : vector<16xf32> to vector<1x16xf32>
    tpu.vector_store %arg5[%swap3A_89, %swap3A_90], %swap3A_93 {strides = array<i32>} : memref<128x16xf32, #tpu.memory_space<vmem>>, vector<1x16xf32>,
    %swap3A_94 = arith.constant 15 : i32
    %swap3A_95 = arith.index_cast %swap3A_94 : i32 to index
    %swap3A_96 = arith.constant 0 : index
    %swap3A_97 = tpu.vector_load %arg5[%swap3A_95, %swap3A_96] {strides = array<i32>} : memref<128x16xf32, #tpu.memory_space<vmem>>, vector<1x16xf32>,
    %swap3A_98 = vector.shape_cast %swap3A_97 : vector<1x16xf32> to vector<16xf32>
    %swap3A_99 = vector.shape_cast %select_n3A : vector<16xf32> to vector<1x16xf32>
    tpu.vector_store %arg5[%swap3A_95, %swap3A_96], %swap3A_99 {strides = array<i32>} : memref<128x16xf32, #tpu.memory_space<vmem>>, vector<1x16xf32>,
    %swap3A_100 = arith.constant 16 : i32
    %swap3A_101 = arith.index_cast %swap3A_100 : i32 to index
    %swap3A_102 = arith.constant 0 : index
    %swap3A_103 = tpu.vector_load %arg5[%swap3A_101, %swap3A_102] {strides = array<i32>} : memref<128x16xf32, #tpu.memory_space<vmem>>, vector<1x16xf32>,
    %swap3A_104 = vector.shape_cast %swap3A_103 : vector<1x16xf32> to vector<16xf32>
    %swap3A_105 = vector.shape_cast %select_n3A : vector<16xf32> to vector<1x16xf32>
    tpu.vector_store %arg5[%swap3A_101, %swap3A_102], %swap3A_105 {strides = array<i32>} : memref<128x16xf32, #tpu.memory_space<vmem>>, vector<1x16xf32>,
    %swap3A_106 = arith.constant 17 : i32
    %swap3A_107 = arith.index_cast %swap3A_106 : i32 to index
    %swap3A_108 = arith.constant 0 : index
    %swap3A_109 = tpu.vector_load %arg5[%swap3A_107, %swap3A_108] {strides = array<i32>} : memref<128x16xf32, #tpu.memory_space<vmem>>, vector<1x16xf32>,
    %swap3A_110 = vector.shape_cast %swap3A_109 : vector<1x16xf32> to vector<16xf32>
    %swap3A_111 = vector.shape_cast %select_n3A : vector<16xf32> to vector<1x16xf32>
    tpu.vector_store %arg5[%swap3A_107, %swap3A_108], %swap3A_111 {strides = array<i32>} : memref<128x16xf32, #tpu.memory_space<vmem>>, vector<1x16xf32>,
    %swap3A_112 = arith.constant 18 : i32
    %swap3A_113 = arith.index_cast %swap3A_112 : i32 to index
    %swap3A_114 = arith.constant 0 : index
    %swap3A_115 = tpu.vector_load %arg5[%swap3A_113, %swap3A_114] {strides = array<i32>} : memref<128x16xf32, #tpu.memory_space<vmem>>, vector<1x16xf32>,
    %swap3A_116 = vector.shape_cast %swap3A_115 : vector<1x16xf32> to vector<16xf32>
    %swap3A_117 = vector.shape_cast %select_n3A : vector<16xf32> to vector<1x16xf32>
    tpu.vector_store %arg5[%swap3A_113, %swap3A_114], %swap3A_117 {strides = array<i32>} : memref<128x16xf32, #tpu.memory_space<vmem>>, vector<1x16xf32>,
    %swap3A_118 = arith.constant 19 : i32
    %swap3A_119 = arith.index_cast %swap3A_118 : i32 to index
    %swap3A_120 = arith.constant 0 : index
    %swap3A_121 = tpu.vector_load %arg5[%swap3A_119, %swap3A_120] {strides = array<i32>} : memref<128x16xf32, #tpu.memory_space<vmem>>, vector<1x16xf32>,
    %swap3A_122 = vector.shape_cast %swap3A_121 : vector<1x16xf32> to vector<16xf32>
    %swap3A_123 = vector.shape_cast %select_n3A : vector<16xf32> to vector<1x16xf32>
    tpu.vector_store %arg5[%swap3A_119, %swap3A_120], %swap3A_123 {strides = array<i32>} : memref<128x16xf32, #tpu.memory_space<vmem>>, vector<1x16xf32>,
    %swap3A_124 = arith.constant 20 : i32
    %swap3A_125 = arith.index_cast %swap3A_124 : i32 to index
    %swap3A_126 = arith.constant 0 : index
    %swap3A_127 = tpu.vector_load %arg5[%swap3A_125, %swap3A_126] {strides = array<i32>} : memref<128x16xf32, #tpu.memory_space<vmem>>, vector<1x16xf32>,
    %swap3A_128 = vector.shape_cast %swap3A_127 : vector<1x16xf32> to vector<16xf32>
    %swap3A_129 = vector.shape_cast %select_n3A : vector<16xf32> to vector<1x16xf32>
    tpu.vector_store %arg5[%swap3A_125, %swap3A_126], %swap3A_129 {strides = array<i32>} : memref<128x16xf32, #tpu.memory_space<vmem>>, vector<1x16xf32>,
    %swap3A_130 = arith.constant 21 : i32
    %swap3A_131 = arith.index_cast %swap3A_130 : i32 to index
    %swap3A_132 = arith.constant 0 : index
    %swap3A_133 = tpu.vector_load %arg5[%swap3A_131, %swap3A_132] {strides = array<i32>} : memref<128x16xf32, #tpu.memory_space<vmem>>, vector<1x16xf32>,
    %swap3A_134 = vector.shape_cast %swap3A_133 : vector<1x16xf32> to vector<16xf32>
    %swap3A_135 = vector.shape_cast %select_n3A : vector<16xf32> to vector<1x16xf32>
    tpu.vector_store %arg5[%swap3A_131, %swap3A_132], %swap3A_135 {strides = array<i32>} : memref<128x16xf32, #tpu.memory_space<vmem>>, vector<1x16xf32>,
    %swap3A_136 = arith.constant 22 : i32
    %swap3A_137 = arith.index_cast %swap3A_136 : i32 to index
    %swap3A_138 = arith.constant 0 : index
    %swap3A_139 = tpu.vector_load %arg5[%swap3A_137, %swap3A_138] {strides = array<i32>} : memref<128x16xf32, #tpu.memory_space<vmem>>, vector<1x16xf32>,
    %swap3A_140 = vector.shape_cast %swap3A_139 : vector<1x16xf32> to vector<16xf32>
    %swap3A_141 = vector.shape_cast %select_n3A : vector<16xf32> to vector<1x16xf32>
    tpu.vector_store %arg5[%swap3A_137, %swap3A_138], %swap3A_141 {strides = array<i32>} : memref<128x16xf32, #tpu.memory_space<vmem>>, vector<1x16xf32>,
    %swap3A_142 = arith.constant 23 : i32
    %swap3A_143 = arith.index_cast %swap3A_142 : i32 to index
    %swap3A_144 = arith.constant 0 : index
    %swap3A_145 = tpu.vector_load %arg5[%swap3A_143, %swap3A_144] {strides = array<i32>} : memref<128x16xf32, #tpu.memory_space<vmem>>, vector<1x16xf32>,
    %swap3A_146 = vector.shape_cast %swap3A_145 : vector<1x16xf32> to vector<16xf32>
    %swap3A_147 = vector.shape_cast %select_n3A : vector<16xf32> to vector<1x16xf32>
    tpu.vector_store %arg5[%swap3A_143, %swap3A_144], %swap3A_147 {strides = array<i32>} : memref<128x16xf32, #tpu.memory_space<vmem>>, vector<1x16xf32>,
    %swap3A_148 = arith.constant 24 : i32
    %swap3A_149 = arith.index_cast %swap3A_148 : i32 to index
    %swap3A_150 = arith.constant 0 : index
    %swap3A_151 = tpu.vector_load %arg5[%swap3A_149, %swap3A_150] {strides = array<i32>} : memref<128x16xf32, #tpu.memory_space<vmem>>, vector<1x16xf32>,
    %swap3A_152 = vector.shape_cast %swap3A_151 : vector<1x16xf32> to vector<16xf32>
    %swap3A_153 = vector.shape_cast %select_n3A : vector<16xf32> to vector<1x16xf32>
    tpu.vector_store %arg5[%swap3A_149, %swap3A_150], %swap3A_153 {strides = array<i32>} : memref<128x16xf32, #tpu.memory_space<vmem>>, vector<1x16xf32>,
    %swap3A_154 = arith.constant 25 : i32
    %swap3A_155 = arith.index_cast %swap3A_154 : i32 to index
    %swap3A_156 = arith.constant 0 : index
    %swap3A_157 = tpu.vector_load %arg5[%swap3A_155, %swap3A_156] {strides = array<i32>} : memref<128x16xf32, #tpu.memory_space<vmem>>, vector<1x16xf32>,
    %swap3A_158 = vector.shape_cast %swap3A_157 : vector<1x16xf32> to vector<16xf32>
    %swap3A_159 = vector.shape_cast %select_n3A : vector<16xf32> to vector<1x16xf32>
    tpu.vector_store %arg5[%swap3A_155, %swap3A_156], %swap3A_159 {strides = array<i32>} : memref<128x16xf32, #tpu.memory_space<vmem>>, vector<1x16xf32>,
    %swap3A_160 = arith.constant 26 : i32
    %swap3A_161 = arith.index_cast %swap3A_160 : i32 to index
    %swap3A_162 = arith.constant 0 : index
    %swap3A_163 = tpu.vector_load %arg5[%swap3A_161, %swap3A_162] {strides = array<i32>} : memref<128x16xf32, #tpu.memory_space<vmem>>, vector<1x16xf32>,
    %swap3A_164 = vector.shape_cast %swap3A_163 : vector<1x16xf32> to vector<16xf32>
    %swap3A_165 = vector.shape_cast %select_n3A : vector<16xf32> to vector<1x16xf32>
    tpu.vector_store %arg5[%swap3A_161, %swap3A_162], %swap3A_165 {strides = array<i32>} : memref<128x16xf32, #tpu.memory_space<vmem>>, vector<1x16xf32>,
    %swap3A_166 = arith.constant 27 : i32
    %swap3A_167 = arith.index_cast %swap3A_166 : i32 to index
    %swap3A_168 = arith.constant 0 : index
    %swap3A_169 = tpu.vector_load %arg5[%swap3A_167, %swap3A_168] {strides = array<i32>} : memref<128x16xf32, #tpu.memory_space<vmem>>, vector<1x16xf32>,
    %swap3A_170 = vector.shape_cast %swap3A_169 : vector<1x16xf32> to vector<16xf32>
    %swap3A_171 = vector.shape_cast %select_n3A : vector<16xf32> to vector<1x16xf32>
    tpu.vector_store %arg5[%swap3A_167, %swap3A_168], %swap3A_171 {strides = array<i32>} : memref<128x16xf32, #tpu.memory_space<vmem>>, vector<1x16xf32>,
    %swap3A_172 = arith.constant 28 : i32
    %swap3A_173 = arith.index_cast %swap3A_172 : i32 to index
    %swap3A_174 = arith.constant 0 : index
    %swap3A_175 = tpu.vector_load %arg5[%swap3A_173, %swap3A_174] {strides = array<i32>} : memref<128x16xf32, #tpu.memory_space<vmem>>, vector<1x16xf32>,
    %swap3A_176 = vector.shape_cast %swap3A_175 : vector<1x16xf32> to vector<16xf32>
    %swap3A_177 = vector.shape_cast %select_n3A : vector<16xf32> to vector<1x16xf32>
    tpu.vector_store %arg5[%swap3A_173, %swap3A_174], %swap3A_177 {strides = array<i32>} : memref<128x16xf32, #tpu.memory_space<vmem>>, vector<1x16xf32>,
    %swap3A_178 = arith.constant 29 : i32
    %swap3A_179 = arith.index_cast %swap3A_178 : i32 to index
    %swap3A_180 = arith.constant 0 : index
    %swap3A_181 = tpu.vector_load %arg5[%swap3A_179, %swap3A_180] {strides = array<i32>} : memref<128x16xf32, #tpu.memory_space<vmem>>, vector<1x16xf32>,
    %swap3A_182 = vector.shape_cast %swap3A_181 : vector<1x16xf32> to vector<16xf32>
    %swap3A_183 = vector.shape_cast %select_n3A : vector<16xf32> to vector<1x16xf32>
    tpu.vector_store %arg5[%swap3A_179, %swap3A_180], %swap3A_183 {strides = array<i32>} : memref<128x16xf32, #tpu.memory_space<vmem>>, vector<1x16xf32>,
    %swap3A_184 = arith.constant 30 : i32
    %swap3A_185 = arith.index_cast %swap3A_184 : i32 to index
    %swap3A_186 = arith.constant 0 : index
    %swap3A_187 = tpu.vector_load %arg5[%swap3A_185, %swap3A_186] {strides = array<i32>} : memref<128x16xf32, #tpu.memory_space<vmem>>, vector<1x16xf32>,
    %swap3A_188 = vector.shape_cast %swap3A_187 : vector<1x16xf32> to vector<16xf32>
    %swap3A_189 = vector.shape_cast %select_n3A : vector<16xf32> to vector<1x16xf32>
    tpu.vector_store %arg5[%swap3A_185, %swap3A_186], %swap3A_189 {strides = array<i32>} : memref<128x16xf32, #tpu.memory_space<vmem>>, vector<1x16xf32>,
    %swap3A_190 = arith.constant 31 : i32
    %swap3A_191 = arith.index_cast %swap3A_190 : i32 to index
    %swap3A_192 = arith.constant 0 : index
    %swap3A_193 = tpu.vector_load %arg5[%swap3A_191, %swap3A_192] {strides = array<i32>} : memref<128x16xf32, #tpu.memory_space<vmem>>, vector<1x16xf32>,
    %swap3A_194 = vector.shape_cast %swap3A_193 : vector<1x16xf32> to vector<16xf32>
    %swap3A_195 = vector.shape_cast %select_n3A : vector<16xf32> to vector<1x16xf32>
    tpu.vector_store %arg5[%swap3A_191, %swap3A_192], %swap3A_195 {strides = array<i32>} : memref<128x16xf32, #tpu.memory_space<vmem>>, vector<1x16xf32>,
    %swap3A_196 = arith.constant 32 : i32
    %swap3A_197 = arith.index_cast %swap3A_196 : i32 to index
    %swap3A_198 = arith.constant 0 : index
    %swap3A_199 = tpu.vector_load %arg5[%swap3A_197, %swap3A_198] {strides = array<i32>} : memref<128x16xf32, #tpu.memory_space<vmem>>, vector<1x16xf32>,
    %swap3A_200 = vector.shape_cast %swap3A_199 : vector<1x16xf32> to vector<16xf32>
    %swap3A_201 = vector.shape_cast %select_n3A : vector<16xf32> to vector<1x16xf32>
    tpu.vector_store %arg5[%swap3A_197, %swap3A_198], %swap3A_201 {strides = array<i32>} : memref<128x16xf32, #tpu.memory_space<vmem>>, vector<1x16xf32>,
    %swap3A_202 = arith.constant 33 : i32
    %swap3A_203 = arith.index_cast %swap3A_202 : i32 to index
    %swap3A_204 = arith.constant 0 : index
    %swap3A_205 = tpu.vector_load %arg5[%swap3A_203, %swap3A_204] {strides = array<i32>} : memref<128x16xf32, #tpu.memory_space<vmem>>, vector<1x16xf32>,
    %swap3A_206 = vector.shape_cast %swap3A_205 : vector<1x16xf32> to vector<16xf32>
    %swap3A_207 = vector.shape_cast %select_n3A : vector<16xf32> to vector<1x16xf32>
    tpu.vector_store %arg5[%swap3A_203, %swap3A_204], %swap3A_207 {strides = array<i32>} : memref<128x16xf32, #tpu.memory_space<vmem>>, vector<1x16xf32>,
    %swap3A_208 = arith.constant 34 : i32
    %swap3A_209 = arith.index_cast %swap3A_208 : i32 to index
    %swap3A_210 = arith.constant 0 : index
    %swap3A_211 = tpu.vector_load %arg5[%swap3A_209, %swap3A_210] {strides = array<i32>} : memref<128x16xf32, #tpu.memory_space<vmem>>, vector<1x16xf32>,
    %swap3A_212 = vector.shape_cast %swap3A_211 : vector<1x16xf32> to vector<16xf32>
    %swap3A_213 = vector.shape_cast %select_n3A : vector<16xf32> to vector<1x16xf32>
    tpu.vector_store %arg5[%swap3A_209, %swap3A_210], %swap3A_213 {strides = array<i32>} : memref<128x16xf32, #tpu.memory_space<vmem>>, vector<1x16xf32>,
    %swap3A_214 = arith.constant 35 : i32
    %swap3A_215 = arith.index_cast %swap3A_214 : i32 to index
    %swap3A_216 = arith.constant 0 : index
    %swap3A_217 = tpu.vector_load %arg5[%swap3A_215, %swap3A_216] {strides = array<i32>} : memref<128x16xf32, #tpu.memory_space<vmem>>, vector<1x16xf32>,
    %swap3A_218 = vector.shape_cast %swap3A_217 : vector<1x16xf32> to vector<16xf32>
    %swap3A_219 = vector.shape_cast %select_n3A : vector<16xf32> to vector<1x16xf32>
    tpu.vector_store %arg5[%swap3A_215, %swap3A_216], %swap3A_219 {strides = array<i32>} : memref<128x16xf32, #tpu.memory_space<vmem>>, vector<1x16xf32>,
    %swap3A_220 = arith.constant 36 : i32
    %swap3A_221 = arith.index_cast %swap3A_220 : i32 to index
    %swap3A_222 = arith.constant 0 : index
    %swap3A_223 = tpu.vector_load %arg5[%swap3A_221, %swap3A_222] {strides = array<i32>} : memref<128x16xf32, #tpu.memory_space<vmem>>, vector<1x16xf32>,
    %swap3A_224 = vector.shape_cast %swap3A_223 : vector<1x16xf32> to vector<16xf32>
    %swap3A_225 = vector.shape_cast %select_n3A : vector<16xf32> to vector<1x16xf32>
    tpu.vector_store %arg5[%swap3A_221, %swap3A_222], %swap3A_225 {strides = array<i32>} : memref<128x16xf32, #tpu.memory_space<vmem>>, vector<1x16xf32>,
    %swap3A_226 = arith.constant 37 : i32
    %swap3A_227 = arith.index_cast %swap3A_226 : i32 to index
    %swap3A_228 = arith.constant 0 : index
    %swap3A_229 = tpu.vector_load %arg5[%swap3A_227, %swap3A_228] {strides = array<i32>} : memref<128x16xf32, #tpu.memory_space<vmem>>, vector<1x16xf32>,
    %swap3A_230 = vector.shape_cast %swap3A_229 : vector<1x16xf32> to vector<16xf32>
    %swap3A_231 = vector.shape_cast %select_n3A : vector<16xf32> to vector<1x16xf32>
    tpu.vector_store %arg5[%swap3A_227, %swap3A_228], %swap3A_231 {strides = array<i32>} : memref<128x16xf32, #tpu.memory_space<vmem>>, vector<1x16xf32>,
    %swap3A_232 = arith.constant 38 : i32
    %swap3A_233 = arith.index_cast %swap3A_232 : i32 to index
    %swap3A_234 = arith.constant 0 : index
    %swap3A_235 = tpu.vector_load %arg5[%swap3A_233, %swap3A_234] {strides = array<i32>} : memref<128x16xf32, #tpu.memory_space<vmem>>, vector<1x16xf32>,
    %swap3A_236 = vector.shape_cast %swap3A_235 : vector<1x16xf32> to vector<16xf32>
    %swap3A_237 = vector.shape_cast %select_n3A : vector<16xf32> to vector<1x16xf32>
    tpu.vector_store %arg5[%swap3A_233, %swap3A_234], %swap3A_237 {strides = array<i32>} : memref<128x16xf32, #tpu.memory_space<vmem>>, vector<1x16xf32>,
    %swap3A_238 = arith.constant 39 : i32
    %swap3A_239 = arith.index_cast %swap3A_238 : i32 to index
    %swap3A_240 = arith.constant 0 : index
    %swap3A_241 = tpu.vector_load %arg5[%swap3A_239, %swap3A_240] {strides = array<i32>} : memref<128x16xf32, #tpu.memory_space<vmem>>, vector<1x16xf32>,
    %swap3A_242 = vector.shape_cast %swap3A_241 : vector<1x16xf32> to vector<16xf32>
    %swap3A_243 = vector.shape_cast %select_n3A : vector<16xf32> to vector<1x16xf32>
    tpu.vector_store %arg5[%swap3A_239, %swap3A_240], %swap3A_243 {strides = array<i32>} : memref<128x16xf32, #tpu.memory_space<vmem>>, vector<1x16xf32>,
    %swap3A_244 = arith.constant 40 : i32
    %swap3A_245 = arith.index_cast %swap3A_244 : i32 to index
    %swap3A_246 = arith.constant 0 : index
    %swap3A_247 = tpu.vector_load %arg5[%swap3A_245, %swap3A_246] {strides = array<i32>} : memref<128x16xf32, #tpu.memory_space<vmem>>, vector<1x16xf32>,
    %swap3A_248 = vector.shape_cast %swap3A_247 : vector<1x16xf32> to vector<16xf32>
    %swap3A_249 = vector.shape_cast %select_n3A : vector<16xf32> to vector<1x16xf32>
    tpu.vector_store %arg5[%swap3A_245, %swap3A_246], %swap3A_249 {strides = array<i32>} : memref<128x16xf32, #tpu.memory_space<vmem>>, vector<1x16xf32>,
    %swap3A_250 = arith.constant 41 : i32
    %swap3A_251 = arith.index_cast %swap3A_250 : i32 to index
    %swap3A_252 = arith.constant 0 : index
    %swap3A_253 = tpu.vector_load %arg5[%swap3A_251, %swap3A_252] {strides = array<i32>} : memref<128x16xf32, #tpu.memory_space<vmem>>, vector<1x16xf32>,
    %swap3A_254 = vector.shape_cast %swap3A_253 : vector<1x16xf32> to vector<16xf32>
    %swap3A_255 = vector.shape_cast %select_n3A : vector<16xf32> to vector<1x16xf32>
    tpu.vector_store %arg5[%swap3A_251, %swap3A_252], %swap3A_255 {strides = array<i32>} : memref<128x16xf32, #tpu.memory_space<vmem>>, vector<1x16xf32>,
    %swap3A_256 = arith.constant 42 : i32
    %swap3A_257 = arith.index_cast %swap3A_256 : i32 to index
    %swap3A_258 = arith.constant 0 : index
    %swap3A_259 = tpu.vector_load %arg5[%swap3A_257, %swap3A_258] {strides = array<i32>} : memref<128x16xf32, #tpu.memory_space<vmem>>, vector<1x16xf32>,
    %swap3A_260 = vector.shape_cast %swap3A_259 : vector<1x16xf32> to vector<16xf32>
    %swap3A_261 = vector.shape_cast %select_n3A : vector<16xf32> to vector<1x16xf32>
    tpu.vector_store %arg5[%swap3A_257, %swap3A_258], %swap3A_261 {strides = array<i32>} : memref<128x16xf32, #tpu.memory_space<vmem>>, vector<1x16xf32>,
    %swap3A_262 = arith.constant 43 : i32
    %swap3A_263 = arith.index_cast %swap3A_262 : i32 to index
    %swap3A_264 = arith.constant 0 : index
    %swap3A_265 = tpu.vector_load %arg5[%swap3A_263, %swap3A_264] {strides = array<i32>} : memref<128x16xf32, #tpu.memory_space<vmem>>, vector<1x16xf32>,
    %swap3A_266 = vector.shape_cast %swap3A_265 : vector<1x16xf32> to vector<16xf32>
    %swap3A_267 = vector.shape_cast %select_n3A : vector<16xf32> to vector<1x16xf32>
    tpu.vector_store %arg5[%swap3A_263, %swap3A_264], %swap3A_267 {strides = array<i32>} : memref<128x16xf32, #tpu.memory_space<vmem>>, vector<1x16xf32>,
    %swap3A_268 = arith.constant 44 : i32
    %swap3A_269 = arith.index_cast %swap3A_268 : i32 to index
    %swap3A_270 = arith.constant 0 : index
    %swap3A_271 = tpu.vector_load %arg5[%swap3A_269, %swap3A_270] {strides = array<i32>} : memref<128x16xf32, #tpu.memory_space<vmem>>, vector<1x16xf32>,
    %swap3A_272 = vector.shape_cast %swap3A_271 : vector<1x16xf32> to vector<16xf32>
    %swap3A_273 = vector.shape_cast %select_n3A : vector<16xf32> to vector<1x16xf32>
    tpu.vector_store %arg5[%swap3A_269, %swap3A_270], %swap3A_273 {strides = array<i32>} : memref<128x16xf32, #tpu.memory_space<vmem>>, vector<1x16xf32>,
    %swap3A_274 = arith.constant 45 : i32
    %swap3A_275 = arith.index_cast %swap3A_274 : i32 to index
    %swap3A_276 = arith.constant 0 : index
    %swap3A_277 = tpu.vector_load %arg5[%swap3A_275, %swap3A_276] {strides = array<i32>} : memref<128x16xf32, #tpu.memory_space<vmem>>, vector<1x16xf32>,
    %swap3A_278 = vector.shape_cast %swap3A_277 : vector<1x16xf32> to vector<16xf32>
    %swap3A_279 = vector.shape_cast %select_n3A : vector<16xf32> to vector<1x16xf32>
    tpu.vector_store %arg5[%swap3A_275, %swap3A_276], %swap3A_279 {strides = array<i32>} : memref<128x16xf32, #tpu.memory_space<vmem>>, vector<1x16xf32>,
    %swap3A_280 = arith.constant 46 : i32
    %swap3A_281 = arith.index_cast %swap3A_280 : i32 to index
    %swap3A_282 = arith.constant 0 : index
    %swap3A_283 = tpu.vector_load %arg5[%swap3A_281, %swap3A_282] {strides = array<i32>} : memref<128x16xf32, #tpu.memory_space<vmem>>, vector<1x16xf32>,
    %swap3A_284 = vector.shape_cast %swap3A_283 : vector<1x16xf32> to vector<16xf32>
    %swap3A_285 = vector.shape_cast %select_n3A : vector<16xf32> to vector<1x16xf32>
    tpu.vector_store %arg5[%swap3A_281, %swap3A_282], %swap3A_285 {strides = array<i32>} : memref<128x16xf32, #tpu.memory_space<vmem>>, vector<1x16xf32>,
    %swap3A_286 = arith.constant 47 : i32
    %swap3A_287 = arith.index_cast %swap3A_286 : i32 to index
    %swap3A_288 = arith.constant 0 : index
    %swap3A_289 = tpu.vector_load %arg5[%swap3A_287, %swap3A_288] {strides = array<i32>} : memref<128x16xf32, #tpu.memory_space<vmem>>, vector<1x16xf32>,
    %swap3A_290 = vector.shape_cast %swap3A_289 : vector<1x16xf32> to vector<16xf32>
    %swap3A_291 = vector.shape_cast %select_n3A : vector<16xf32> to vector<1x16xf32>
    tpu.vector_store %arg5[%swap3A_287, %swap3A_288], %swap3A_291 {strides = array<i32>} : memref<128x16xf32, #tpu.memory_space<vmem>>, vector<1x16xf32>,
    %swap3A_292 = arith.constant 48 : i32
    %swap3A_293 = arith.index_cast %swap3A_292 : i32 to index
    %swap3A_294 = arith.constant 0 : index
    %swap3A_295 = tpu.vector_load %arg5[%swap3A_293, %swap3A_294] {strides = array<i32>} : memref<128x16xf32, #tpu.memory_space<vmem>>, vector<1x16xf32>,
    %swap3A_296 = vector.shape_cast %swap3A_295 : vector<1x16xf32> to vector<16xf32>
    %swap3A_297 = vector.shape_cast %select_n3A : vector<16xf32> to vector<1x16xf32>
    tpu.vector_store %arg5[%swap3A_293, %swap3A_294], %swap3A_297 {strides = array<i32>} : memref<128x16xf32, #tpu.memory_space<vmem>>, vector<1x16xf32>,
    %swap3A_298 = arith.constant 49 : i32
    %swap3A_299 = arith.index_cast %swap3A_298 : i32 to index
    %swap3A_300 = arith.constant 0 : index
    %swap3A_301 = tpu.vector_load %arg5[%swap3A_299, %swap3A_300] {strides = array<i32>} : memref<128x16xf32, #tpu.memory_space<vmem>>, vector<1x16xf32>,
    %swap3A_302 = vector.shape_cast %swap3A_301 : vector<1x16xf32> to vector<16xf32>
    %swap3A_303 = vector.shape_cast %select_n3A : vector<16xf32> to vector<1x16xf32>
    tpu.vector_store %arg5[%swap3A_299, %swap3A_300], %swap3A_303 {strides = array<i32>} : memref<128x16xf32, #tpu.memory_space<vmem>>, vector<1x16xf32>,
    %swap3A_304 = arith.constant 50 : i32
    %swap3A_305 = arith.index_cast %swap3A_304 : i32 to index
    %swap3A_306 = arith.constant 0 : index
    %swap3A_307 = tpu.vector_load %arg5[%swap3A_305, %swap3A_306] {strides = array<i32>} : memref<128x16xf32, #tpu.memory_space<vmem>>, vector<1x16xf32>,
    %swap3A_308 = vector.shape_cast %swap3A_307 : vector<1x16xf32> to vector<16xf32>
    %swap3A_309 = vector.shape_cast %select_n3A : vector<16xf32> to vector<1x16xf32>
    tpu.vector_store %arg5[%swap3A_305, %swap3A_306], %swap3A_309 {strides = array<i32>} : memref<128x16xf32, #tpu.memory_space<vmem>>, vector<1x16xf32>,
    %swap3A_310 = arith.constant 51 : i32
    %swap3A_311 = arith.index_cast %swap3A_310 : i32 to index
    %swap3A_312 = arith.constant 0 : index
    %swap3A_313 = tpu.vector_load %arg5[%swap3A_311, %swap3A_312] {strides = array<i32>} : memref<128x16xf32, #tpu.memory_space<vmem>>, vector<1x16xf32>,
    %swap3A_314 = vector.shape_cast %swap3A_313 : vector<1x16xf32> to vector<16xf32>
    %swap3A_315 = vector.shape_cast %select_n3A : vector<16xf32> to vector<1x16xf32>
    tpu.vector_store %arg5[%swap3A_311, %swap3A_312], %swap3A_315 {strides = array<i32>} : memref<128x16xf32, #tpu.memory_space<vmem>>, vector<1x16xf32>,
    %swap3A_316 = arith.constant 52 : i32
    %swap3A_317 = arith.index_cast %swap3A_316 : i32 to index
    %swap3A_318 = arith.constant 0 : index
    %swap3A_319 = tpu.vector_load %arg5[%swap3A_317, %swap3A_318] {strides = array<i32>} : memref<128x16xf32, #tpu.memory_space<vmem>>, vector<1x16xf32>,
    %swap3A_320 = vector.shape_cast %swap3A_319 : vector<1x16xf32> to vector<16xf32>
    %swap3A_321 = vector.shape_cast %select_n3A : vector<16xf32> to vector<1x16xf32>
    tpu.vector_store %arg5[%swap3A_317, %swap3A_318], %swap3A_321 {strides = array<i32>} : memref<128x16xf32, #tpu.memory_space<vmem>>, vector<1x16xf32>,
    %swap3A_322 = arith.constant 53 : i32
    %swap3A_323 = arith.index_cast %swap3A_322 : i32 to index
    %swap3A_324 = arith.constant 0 : index
    %swap3A_325 = tpu.vector_load %arg5[%swap3A_323, %swap3A_324] {strides = array<i32>} : memref<128x16xf32, #tpu.memory_space<vmem>>, vector<1x16xf32>,
    %swap3A_326 = vector.shape_cast %swap3A_325 : vector<1x16xf32> to vector<16xf32>
    %swap3A_327 = vector.shape_cast %select_n3A : vector<16xf32> to vector<1x16xf32>
    tpu.vector_store %arg5[%swap3A_323, %swap3A_324], %swap3A_327 {strides = array<i32>} : memref<128x16xf32, #tpu.memory_space<vmem>>, vector<1x16xf32>,
    %swap3A_328 = arith.constant 54 : i32
    %swap3A_329 = arith.index_cast %swap3A_328 : i32 to index
    %swap3A_330 = arith.constant 0 : index
    %swap3A_331 = tpu.vector_load %arg5[%swap3A_329, %swap3A_330] {strides = array<i32>} : memref<128x16xf32, #tpu.memory_space<vmem>>, vector<1x16xf32>,
    %swap3A_332 = vector.shape_cast %swap3A_331 : vector<1x16xf32> to vector<16xf32>
    %swap3A_333 = vector.shape_cast %select_n3A : vector<16xf32> to vector<1x16xf32>
    tpu.vector_store %arg5[%swap3A_329, %swap3A_330], %swap3A_333 {strides = array<i32>} : memref<128x16xf32, #tpu.memory_space<vmem>>, vector<1x16xf32>,
    %swap3A_334 = arith.constant 55 : i32
    %swap3A_335 = arith.index_cast %swap3A_334 : i32 to index
    %swap3A_336 = arith.constant 0 : index
    %swap3A_337 = tpu.vector_load %arg5[%swap3A_335, %swap3A_336] {strides = array<i32>} : memref<128x16xf32, #tpu.memory_space<vmem>>, vector<1x16xf32>,
    %swap3A_338 = vector.shape_cast %swap3A_337 : vector<1x16xf32> to vector<16xf32>
    %swap3A_339 = vector.shape_cast %select_n3A : vector<16xf32> to vector<1x16xf32>
    tpu.vector_store %arg5[%swap3A_335, %swap3A_336], %swap3A_339 {strides = array<i32>} : memref<128x16xf32, #tpu.memory_space<vmem>>, vector<1x16xf32>,
    %swap3A_340 = arith.constant 56 : i32
    %swap3A_341 = arith.index_cast %swap3A_340 : i32 to index
    %swap3A_342 = arith.constant 0 : index
    %swap3A_343 = tpu.vector_load %arg5[%swap3A_341, %swap3A_342] {strides = array<i32>} : memref<128x16xf32, #tpu.memory_space<vmem>>, vector<1x16xf32>,
    %swap3A_344 = vector.shape_cast %swap3A_343 : vector<1x16xf32> to vector<16xf32>
    %swap3A_345 = vector.shape_cast %select_n3A : vector<16xf32> to vector<1x16xf32>
    tpu.vector_store %arg5[%swap3A_341, %swap3A_342], %swap3A_345 {strides = array<i32>} : memref<128x16xf32, #tpu.memory_space<vmem>>, vector<1x16xf32>,
    %swap3A_346 = arith.constant 57 : i32
    %swap3A_347 = arith.index_cast %swap3A_346 : i32 to index
    %swap3A_348 = arith.constant 0 : index
    %swap3A_349 = tpu.vector_load %arg5[%swap3A_347, %swap3A_348] {strides = array<i32>} : memref<128x16xf32, #tpu.memory_space<vmem>>, vector<1x16xf32>,
    %swap3A_350 = vector.shape_cast %swap3A_349 : vector<1x16xf32> to vector<16xf32>
    %swap3A_351 = vector.shape_cast %select_n3A : vector<16xf32> to vector<1x16xf32>
    tpu.vector_store %arg5[%swap3A_347, %swap3A_348], %swap3A_351 {strides = array<i32>} : memref<128x16xf32, #tpu.memory_space<vmem>>, vector<1x16xf32>,
    %swap3A_352 = arith.constant 58 : i32
    %swap3A_353 = arith.index_cast %swap3A_352 : i32 to index
    %swap3A_354 = arith.constant 0 : index
    %swap3A_355 = tpu.vector_load %arg5[%swap3A_353, %swap3A_354] {strides = array<i32>} : memref<128x16xf32, #tpu.memory_space<vmem>>, vector<1x16xf32>,
    %swap3A_356 = vector.shape_cast %swap3A_355 : vector<1x16xf32> to vector<16xf32>
    %swap3A_357 = vector.shape_cast %select_n3A : vector<16xf32> to vector<1x16xf32>
    tpu.vector_store %arg5[%swap3A_353, %swap3A_354], %swap3A_357 {strides = array<i32>} : memref<128x16xf32, #tpu.memory_space<vmem>>, vector<1x16xf32>,
    %swap3A_358 = arith.constant 59 : i32
    %swap3A_359 = arith.index_cast %swap3A_358 : i32 to index
    %swap3A_360 = arith.constant 0 : index
    %swap3A_361 = tpu.vector_load %arg5[%swap3A_359, %swap3A_360] {strides = array<i32>} : memref<128x16xf32, #tpu.memory_space<vmem>>, vector<1x16xf32>,
    %swap3A_362 = vector.shape_cast %swap3A_361 : vector<1x16xf32> to vector<16xf32>
    %swap3A_363 = vector.shape_cast %select_n3A : vector<16xf32> to vector<1x16xf32>
    tpu.vector_store %arg5[%swap3A_359, %swap3A_360], %swap3A_363 {strides = array<i32>} : memref<128x16xf32, #tpu.memory_space<vmem>>, vector<1x16xf32>,
    %swap3A_364 = arith.constant 60 : i32
    %swap3A_365 = arith.index_cast %swap3A_364 : i32 to index
    %swap3A_366 = arith.constant 0 : index
    %swap3A_367 = tpu.vector_load %arg5[%swap3A_365, %swap3A_366] {strides = array<i32>} : memref<128x16xf32, #tpu.memory_space<vmem>>, vector<1x16xf32>,
    %swap3A_368 = vector.shape_cast %swap3A_367 : vector<1x16xf32> to vector<16xf32>
    %swap3A_369 = vector.shape_cast %select_n3A : vector<16xf32> to vector<1x16xf32>
    tpu.vector_store %arg5[%swap3A_365, %swap3A_366], %swap3A_369 {strides = array<i32>} : memref<128x16xf32, #tpu.memory_space<vmem>>, vector<1x16xf32>,
    %swap3A_370 = arith.constant 61 : i32
    %swap3A_371 = arith.index_cast %swap3A_370 : i32 to index
    %swap3A_372 = arith.constant 0 : index
    %swap3A_373 = tpu.vector_load %arg5[%swap3A_371, %swap3A_372] {strides = array<i32>} : memref<128x16xf32, #tpu.memory_space<vmem>>, vector<1x16xf32>,
    %swap3A_374 = vector.shape_cast %swap3A_373 : vector<1x16xf32> to vector<16xf32>
    %swap3A_375 = vector.shape_cast %select_n3A : vector<16xf32> to vector<1x16xf32>
    tpu.vector_store %arg5[%swap3A_371, %swap3A_372], %swap3A_375 {strides = array<i32>} : memref<128x16xf32, #tpu.memory_space<vmem>>, vector<1x16xf32>,
    %swap3A_376 = arith.constant 62 : i32
    %swap3A_377 = arith.index_cast %swap3A_376 : i32 to index
    %swap3A_378 = arith.constant 0 : index
    %swap3A_379 = tpu.vector_load %arg5[%swap3A_377, %swap3A_378] {strides = array<i32>} : memref<128x16xf32, #tpu.memory_space<vmem>>, vector<1x16xf32>,
    %swap3A_380 = vector.shape_cast %swap3A_379 : vector<1x16xf32> to vector<16xf32>
    %swap3A_381 = vector.shape_cast %select_n3A : vector<16xf32> to vector<1x16xf32>
    tpu.vector_store %arg5[%swap3A_377, %swap3A_378], %swap3A_381 {strides = array<i32>} : memref<128x16xf32, #tpu.memory_space<vmem>>, vector<1x16xf32>,
    %swap3A_382 = arith.constant 63 : i32
    %swap3A_383 = arith.index_cast %swap3A_382 : i32 to index
    %swap3A_384 = arith.constant 0 : index
    %swap3A_385 = tpu.vector_load %arg5[%swap3A_383, %swap3A_384] {strides = array<i32>} : memref<128x16xf32, #tpu.memory_space<vmem>>, vector<1x16xf32>,
    %swap3A_386 = vector.shape_cast %swap3A_385 : vector<1x16xf32> to vector<16xf32>
    %swap3A_387 = vector.shape_cast %select_n3A : vector<16xf32> to vector<1x16xf32>
    tpu.vector_store %arg5[%swap3A_383, %swap3A_384], %swap3A_387 {strides = array<i32>} : memref<128x16xf32, #tpu.memory_space<vmem>>, vector<1x16xf32>,
    %swap3A_388 = arith.constant 64 : i32
    %swap3A_389 = arith.index_cast %swap3A_388 : i32 to index
    %swap3A_390 = arith.constant 0 : index
    %swap3A_391 = tpu.vector_load %arg5[%swap3A_389, %swap3A_390] {strides = array<i32>} : memref<128x16xf32, #tpu.memory_space<vmem>>, vector<1x16xf32>,
    %swap3A_392 = vector.shape_cast %swap3A_391 : vector<1x16xf32> to vector<16xf32>
    %swap3A_393 = vector.shape_cast %select_n3A : vector<16xf32> to vector<1x16xf32>
    tpu.vector_store %arg5[%swap3A_389, %swap3A_390], %swap3A_393 {strides = array<i32>} : memref<128x16xf32, #tpu.memory_space<vmem>>, vector<1x16xf32>,
    %swap3A_394 = arith.constant 65 : i32
    %swap3A_395 = arith.index_cast %swap3A_394 : i32 to index
    %swap3A_396 = arith.constant 0 : index
    %swap3A_397 = tpu.vector_load %arg5[%swap3A_395, %swap3A_396] {strides = array<i32>} : memref<128x16xf32, #tpu.memory_space<vmem>>, vector<1x16xf32>,
    %swap3A_398 = vector.shape_cast %swap3A_397 : vector<1x16xf32> to vector<16xf32>
    %swap3A_399 = vector.shape_cast %select_n3A : vector<16xf32> to vector<1x16xf32>
    tpu.vector_store %arg5[%swap3A_395, %swap3A_396], %swap3A_399 {strides = array<i32>} : memref<128x16xf32, #tpu.memory_space<vmem>>, vector<1x16xf32>,
    %swap3A_400 = arith.constant 66 : i32
    %swap3A_401 = arith.index_cast %swap3A_400 : i32 to index
    %swap3A_402 = arith.constant 0 : index
    %swap3A_403 = tpu.vector_load %arg5[%swap3A_401, %swap3A_402] {strides = array<i32>} : memref<128x16xf32, #tpu.memory_space<vmem>>, vector<1x16xf32>,
    %swap3A_404 = vector.shape_cast %swap3A_403 : vector<1x16xf32> to vector<16xf32>
    %swap3A_405 = vector.shape_cast %select_n3A : vector<16xf32> to vector<1x16xf32>
    tpu.vector_store %arg5[%swap3A_401, %swap3A_402], %swap3A_405 {strides = array<i32>} : memref<128x16xf32, #tpu.memory_space<vmem>>, vector<1x16xf32>,
    %swap3A_406 = arith.constant 67 : i32
    %swap3A_407 = arith.index_cast %swap3A_406 : i32 to index
    %swap3A_408 = arith.constant 0 : index
    %swap3A_409 = tpu.vector_load %arg5[%swap3A_407, %swap3A_408] {strides = array<i32>} : memref<128x16xf32, #tpu.memory_space<vmem>>, vector<1x16xf32>,
    %swap3A_410 = vector.shape_cast %swap3A_409 : vector<1x16xf32> to vector<16xf32>
    %swap3A_411 = vector.shape_cast %select_n3A : vector<16xf32> to vector<1x16xf32>
    tpu.vector_store %arg5[%swap3A_407, %swap3A_408], %swap3A_411 {strides = array<i32>} : memref<128x16xf32, #tpu.memory_space<vmem>>, vector<1x16xf32>,
    %swap3A_412 = arith.constant 68 : i32
    %swap3A_413 = arith.index_cast %swap3A_412 : i32 to index
    %swap3A_414 = arith.constant 0 : index
    %swap3A_415 = tpu.vector_load %arg5[%swap3A_413, %swap3A_414] {strides = array<i32>} : memref<128x16xf32, #tpu.memory_space<vmem>>, vector<1x16xf32>,
    %swap3A_416 = vector.shape_cast %swap3A_415 : vector<1x16xf32> to vector<16xf32>
    %swap3A_417 = vector.shape_cast %select_n3A : vector<16xf32> to vector<1x16xf32>
    tpu.vector_store %arg5[%swap3A_413, %swap3A_414], %swap3A_417 {strides = array<i32>} : memref<128x16xf32, #tpu.memory_space<vmem>>, vector<1x16xf32>,
    %swap3A_418 = arith.constant 69 : i32
    %swap3A_419 = arith.index_cast %swap3A_418 : i32 to index
    %swap3A_420 = arith.constant 0 : index
    %swap3A_421 = tpu.vector_load %arg5[%swap3A_419, %swap3A_420] {strides = array<i32>} : memref<128x16xf32, #tpu.memory_space<vmem>>, vector<1x16xf32>,
    %swap3A_422 = vector.shape_cast %swap3A_421 : vector<1x16xf32> to vector<16xf32>
    %swap3A_423 = vector.shape_cast %select_n3A : vector<16xf32> to vector<1x16xf32>
    tpu.vector_store %arg5[%swap3A_419, %swap3A_420], %swap3A_423 {strides = array<i32>} : memref<128x16xf32, #tpu.memory_space<vmem>>, vector<1x16xf32>,
    %swap3A_424 = arith.constant 70 : i32
    %swap3A_425 = arith.index_cast %swap3A_424 : i32 to index
    %swap3A_426 = arith.constant 0 : index
    %swap3A_427 = tpu.vector_load %arg5[%swap3A_425, %swap3A_426] {strides = array<i32>} : memref<128x16xf32, #tpu.memory_space<vmem>>, vector<1x16xf32>,
    %swap3A_428 = vector.shape_cast %swap3A_427 : vector<1x16xf32> to vector<16xf32>
    %swap3A_429 = vector.shape_cast %select_n3A : vector<16xf32> to vector<1x16xf32>
    tpu.vector_store %arg5[%swap3A_425, %swap3A_426], %swap3A_429 {strides = array<i32>} : memref<128x16xf32, #tpu.memory_space<vmem>>, vector<1x16xf32>,
    %swap3A_430 = arith.constant 71 : i32
    %swap3A_431 = arith.index_cast %swap3A_430 : i32 to index
    %swap3A_432 = arith.constant 0 : index
    %swap3A_433 = tpu.vector_load %arg5[%swap3A_431, %swap3A_432] {strides = array<i32>} : memref<128x16xf32, #tpu.memory_space<vmem>>, vector<1x16xf32>,
    %swap3A_434 = vector.shape_cast %swap3A_433 : vector<1x16xf32> to vector<16xf32>
    %swap3A_435 = vector.shape_cast %select_n3A : vector<16xf32> to vector<1x16xf32>
    tpu.vector_store %arg5[%swap3A_431, %swap3A_432], %swap3A_435 {strides = array<i32>} : memref<128x16xf32, #tpu.memory_space<vmem>>, vector<1x16xf32>,
    %swap3A_436 = arith.constant 72 : i32
    %swap3A_437 = arith.index_cast %swap3A_436 : i32 to index
    %swap3A_438 = arith.constant 0 : index
    %swap3A_439 = tpu.vector_load %arg5[%swap3A_437, %swap3A_438] {strides = array<i32>} : memref<128x16xf32, #tpu.memory_space<vmem>>, vector<1x16xf32>,
    %swap3A_440 = vector.shape_cast %swap3A_439 : vector<1x16xf32> to vector<16xf32>
    %swap3A_441 = vector.shape_cast %select_n3A : vector<16xf32> to vector<1x16xf32>
    tpu.vector_store %arg5[%swap3A_437, %swap3A_438], %swap3A_441 {strides = array<i32>} : memref<128x16xf32, #tpu.memory_space<vmem>>, vector<1x16xf32>,
    %swap3A_442 = arith.constant 73 : i32
    %swap3A_443 = arith.index_cast %swap3A_442 : i32 to index
    %swap3A_444 = arith.constant 0 : index
    %swap3A_445 = tpu.vector_load %arg5[%swap3A_443, %swap3A_444] {strides = array<i32>} : memref<128x16xf32, #tpu.memory_space<vmem>>, vector<1x16xf32>,
    %swap3A_446 = vector.shape_cast %swap3A_445 : vector<1x16xf32> to vector<16xf32>
    %swap3A_447 = vector.shape_cast %select_n3A : vector<16xf32> to vector<1x16xf32>
    tpu.vector_store %arg5[%swap3A_443, %swap3A_444], %swap3A_447 {strides = array<i32>} : memref<128x16xf32, #tpu.memory_space<vmem>>, vector<1x16xf32>,
    %swap3A_448 = arith.constant 74 : i32
    %swap3A_449 = arith.index_cast %swap3A_448 : i32 to index
    %swap3A_450 = arith.constant 0 : index
    %swap3A_451 = tpu.vector_load %arg5[%swap3A_449, %swap3A_450] {strides = array<i32>} : memref<128x16xf32, #tpu.memory_space<vmem>>, vector<1x16xf32>,
    %swap3A_452 = vector.shape_cast %swap3A_451 : vector<1x16xf32> to vector<16xf32>
    %swap3A_453 = vector.shape_cast %select_n3A : vector<16xf32> to vector<1x16xf32>
    tpu.vector_store %arg5[%swap3A_449, %swap3A_450], %swap3A_453 {strides = array<i32>} : memref<128x16xf32, #tpu.memory_space<vmem>>, vector<1x16xf32>,
    %swap3A_454 = arith.constant 75 : i32
    %swap3A_455 = arith.index_cast %swap3A_454 : i32 to index
    %swap3A_456 = arith.constant 0 : index
    %swap3A_457 = tpu.vector_load %arg5[%swap3A_455, %swap3A_456] {strides = array<i32>} : memref<128x16xf32, #tpu.memory_space<vmem>>, vector<1x16xf32>,
    %swap3A_458 = vector.shape_cast %swap3A_457 : vector<1x16xf32> to vector<16xf32>
    %swap3A_459 = vector.shape_cast %select_n3A : vector<16xf32> to vector<1x16xf32>
    tpu.vector_store %arg5[%swap3A_455, %swap3A_456], %swap3A_459 {strides = array<i32>} : memref<128x16xf32, #tpu.memory_space<vmem>>, vector<1x16xf32>,
    %swap3A_460 = arith.constant 76 : i32
    %swap3A_461 = arith.index_cast %swap3A_460 : i32 to index
    %swap3A_462 = arith.constant 0 : index
    %swap3A_463 = tpu.vector_load %arg5[%swap3A_461, %swap3A_462] {strides = array<i32>} : memref<128x16xf32, #tpu.memory_space<vmem>>, vector<1x16xf32>,
    %swap3A_464 = vector.shape_cast %swap3A_463 : vector<1x16xf32> to vector<16xf32>
    %swap3A_465 = vector.shape_cast %select_n3A : vector<16xf32> to vector<1x16xf32>
    tpu.vector_store %arg5[%swap3A_461, %swap3A_462], %swap3A_465 {strides = array<i32>} : memref<128x16xf32, #tpu.memory_space<vmem>>, vector<1x16xf32>,
    %swap3A_466 = arith.constant 77 : i32
    %swap3A_467 = arith.index_cast %swap3A_466 : i32 to index
    %swap3A_468 = arith.constant 0 : index
    %swap3A_469 = tpu.vector_load %arg5[%swap3A_467, %swap3A_468] {strides = array<i32>} : memref<128x16xf32, #tpu.memory_space<vmem>>, vector<1x16xf32>,
    %swap3A_470 = vector.shape_cast %swap3A_469 : vector<1x16xf32> to vector<16xf32>
    %swap3A_471 = vector.shape_cast %select_n3A : vector<16xf32> to vector<1x16xf32>
    tpu.vector_store %arg5[%swap3A_467, %swap3A_468], %swap3A_471 {strides = array<i32>} : memref<128x16xf32, #tpu.memory_space<vmem>>, vector<1x16xf32>,
    %swap3A_472 = arith.constant 78 : i32
    %swap3A_473 = arith.index_cast %swap3A_472 : i32 to index
    %swap3A_474 = arith.constant 0 : index
    %swap3A_475 = tpu.vector_load %arg5[%swap3A_473, %swap3A_474] {strides = array<i32>} : memref<128x16xf32, #tpu.memory_space<vmem>>, vector<1x16xf32>,
    %swap3A_476 = vector.shape_cast %swap3A_475 : vector<1x16xf32> to vector<16xf32>
    %swap3A_477 = vector.shape_cast %select_n3A : vector<16xf32> to vector<1x16xf32>
    tpu.vector_store %arg5[%swap3A_473, %swap3A_474], %swap3A_477 {strides = array<i32>} : memref<128x16xf32, #tpu.memory_space<vmem>>, vector<1x16xf32>,
    %swap3A_478 = arith.constant 79 : i32
    %swap3A_479 = arith.index_cast %swap3A_478 : i32 to index
    %swap3A_480 = arith.constant 0 : index
    %swap3A_481 = tpu.vector_load %arg5[%swap3A_479, %swap3A_480] {strides = array<i32>} : memref<128x16xf32, #tpu.memory_space<vmem>>, vector<1x16xf32>,
    %swap3A_482 = vector.shape_cast %swap3A_481 : vector<1x16xf32> to vector<16xf32>
    %swap3A_483 = vector.shape_cast %select_n3A : vector<16xf32> to vector<1x16xf32>
    tpu.vector_store %arg5[%swap3A_479, %swap3A_480], %swap3A_483 {strides = array<i32>} : memref<128x16xf32, #tpu.memory_space<vmem>>, vector<1x16xf32>,
    %swap3A_484 = arith.constant 80 : i32
    %swap3A_485 = arith.index_cast %swap3A_484 : i32 to index
    %swap3A_486 = arith.constant 0 : index
    %swap3A_487 = tpu.vector_load %arg5[%swap3A_485, %swap3A_486] {strides = array<i32>} : memref<128x16xf32, #tpu.memory_space<vmem>>, vector<1x16xf32>,
    %swap3A_488 = vector.shape_cast %swap3A_487 : vector<1x16xf32> to vector<16xf32>
    %swap3A_489 = vector.shape_cast %select_n3A : vector<16xf32> to vector<1x16xf32>
    tpu.vector_store %arg5[%swap3A_485, %swap3A_486], %swap3A_489 {strides = array<i32>} : memref<128x16xf32, #tpu.memory_space<vmem>>, vector<1x16xf32>,
    %swap3A_490 = arith.constant 81 : i32
    %swap3A_491 = arith.index_cast %swap3A_490 : i32 to index
    %swap3A_492 = arith.constant 0 : index
    %swap3A_493 = tpu.vector_load %arg5[%swap3A_491, %swap3A_492] {strides = array<i32>} : memref<128x16xf32, #tpu.memory_space<vmem>>, vector<1x16xf32>,
    %swap3A_494 = vector.shape_cast %swap3A_493 : vector<1x16xf32> to vector<16xf32>
    %swap3A_495 = vector.shape_cast %select_n3A : vector<16xf32> to vector<1x16xf32>
    tpu.vector_store %arg5[%swap3A_491, %swap3A_492], %swap3A_495 {strides = array<i32>} : memref<128x16xf32, #tpu.memory_space<vmem>>, vector<1x16xf32>,
    %swap3A_496 = arith.constant 82 : i32
    %swap3A_497 = arith.index_cast %swap3A_496 : i32 to index
    %swap3A_498 = arith.constant 0 : index
    %swap3A_499 = tpu.vector_load %arg5[%swap3A_497, %swap3A_498] {strides = array<i32>} : memref<128x16xf32, #tpu.memory_space<vmem>>, vector<1x16xf32>,
    %swap3A_500 = vector.shape_cast %swap3A_499 : vector<1x16xf32> to vector<16xf32>
    %swap3A_501 = vector.shape_cast %select_n3A : vector<16xf32> to vector<1x16xf32>
    tpu.vector_store %arg5[%swap3A_497, %swap3A_498], %swap3A_501 {strides = array<i32>} : memref<128x16xf32, #tpu.memory_space<vmem>>, vector<1x16xf32>,
    %swap3A_502 = arith.constant 83 : i32
    %swap3A_503 = arith.index_cast %swap3A_502 : i32 to index
    %swap3A_504 = arith.constant 0 : index
    %swap3A_505 = tpu.vector_load %arg5[%swap3A_503, %swap3A_504] {strides = array<i32>} : memref<128x16xf32, #tpu.memory_space<vmem>>, vector<1x16xf32>,
    %swap3A_506 = vector.shape_cast %swap3A_505 : vector<1x16xf32> to vector<16xf32>
    %swap3A_507 = vector.shape_cast %select_n3A : vector<16xf32> to vector<1x16xf32>
    tpu.vector_store %arg5[%swap3A_503, %swap3A_504], %swap3A_507 {strides = array<i32>} : memref<128x16xf32, #tpu.memory_space<vmem>>, vector<1x16xf32>,
    %swap3A_508 = arith.constant 84 : i32
    %swap3A_509 = arith.index_cast %swap3A_508 : i32 to index
    %swap3A_510 = arith.constant 0 : index
    %swap3A_511 = tpu.vector_load %arg5[%swap3A_509, %swap3A_510] {strides = array<i32>} : memref<128x16xf32, #tpu.memory_space<vmem>>, vector<1x16xf32>,
    %swap3A_512 = vector.shape_cast %swap3A_511 : vector<1x16xf32> to vector<16xf32>
    %swap3A_513 = vector.shape_cast %select_n3A : vector<16xf32> to vector<1x16xf32>
    tpu.vector_store %arg5[%swap3A_509, %swap3A_510], %swap3A_513 {strides = array<i32>} : memref<128x16xf32, #tpu.memory_space<vmem>>, vector<1x16xf32>,
    %swap3A_514 = arith.constant 85 : i32
    %swap3A_515 = arith.index_cast %swap3A_514 : i32 to index
    %swap3A_516 = arith.constant 0 : index
    %swap3A_517 = tpu.vector_load %arg5[%swap3A_515, %swap3A_516] {strides = array<i32>} : memref<128x16xf32, #tpu.memory_space<vmem>>, vector<1x16xf32>,
    %swap3A_518 = vector.shape_cast %swap3A_517 : vector<1x16xf32> to vector<16xf32>
    %swap3A_519 = vector.shape_cast %select_n3A : vector<16xf32> to vector<1x16xf32>
    tpu.vector_store %arg5[%swap3A_515, %swap3A_516], %swap3A_519 {strides = array<i32>} : memref<128x16xf32, #tpu.memory_space<vmem>>, vector<1x16xf32>,
    %swap3A_520 = arith.constant 86 : i32
    %swap3A_521 = arith.index_cast %swap3A_520 : i32 to index
    %swap3A_522 = arith.constant 0 : index
    %swap3A_523 = tpu.vector_load %arg5[%swap3A_521, %swap3A_522] {strides = array<i32>} : memref<128x16xf32, #tpu.memory_space<vmem>>, vector<1x16xf32>,
    %swap3A_524 = vector.shape_cast %swap3A_523 : vector<1x16xf32> to vector<16xf32>
    %swap3A_525 = vector.shape_cast %select_n3A : vector<16xf32> to vector<1x16xf32>
    tpu.vector_store %arg5[%swap3A_521, %swap3A_522], %swap3A_525 {strides = array<i32>} : memref<128x16xf32, #tpu.memory_space<vmem>>, vector<1x16xf32>,
    %swap3A_526 = arith.constant 87 : i32
    %swap3A_527 = arith.index_cast %swap3A_526 : i32 to index
    %swap3A_528 = arith.constant 0 : index
    %swap3A_529 = tpu.vector_load %arg5[%swap3A_527, %swap3A_528] {strides = array<i32>} : memref<128x16xf32, #tpu.memory_space<vmem>>, vector<1x16xf32>,
    %swap3A_530 = vector.shape_cast %swap3A_529 : vector<1x16xf32> to vector<16xf32>
    %swap3A_531 = vector.shape_cast %select_n3A : vector<16xf32> to vector<1x16xf32>
    tpu.vector_store %arg5[%swap3A_527, %swap3A_528], %swap3A_531 {strides = array<i32>} : memref<128x16xf32, #tpu.memory_space<vmem>>, vector<1x16xf32>,
    %swap3A_532 = arith.constant 88 : i32
    %swap3A_533 = arith.index_cast %swap3A_532 : i32 to index
    %swap3A_534 = arith.constant 0 : index
    %swap3A_535 = tpu.vector_load %arg5[%swap3A_533, %swap3A_534] {strides = array<i32>} : memref<128x16xf32, #tpu.memory_space<vmem>>, vector<1x16xf32>,
    %swap3A_536 = vector.shape_cast %swap3A_535 : vector<1x16xf32> to vector<16xf32>
    %swap3A_537 = vector.shape_cast %select_n3A : vector<16xf32> to vector<1x16xf32>
    tpu.vector_store %arg5[%swap3A_533, %swap3A_534], %swap3A_537 {strides = array<i32>} : memref<128x16xf32, #tpu.memory_space<vmem>>, vector<1x16xf32>,
    %swap3A_538 = arith.constant 89 : i32
    %swap3A_539 = arith.index_cast %swap3A_538 : i32 to index
    %swap3A_540 = arith.constant 0 : index
    %swap3A_541 = tpu.vector_load %arg5[%swap3A_539, %swap3A_540] {strides = array<i32>} : memref<128x16xf32, #tpu.memory_space<vmem>>, vector<1x16xf32>,
    %swap3A_542 = vector.shape_cast %swap3A_541 : vector<1x16xf32> to vector<16xf32>
    %swap3A_543 = vector.shape_cast %select_n3A : vector<16xf32> to vector<1x16xf32>
    tpu.vector_store %arg5[%swap3A_539, %swap3A_540], %swap3A_543 {strides = array<i32>} : memref<128x16xf32, #tpu.memory_space<vmem>>, vector<1x16xf32>,
    %swap3A_544 = arith.constant 90 : i32
    %swap3A_545 = arith.index_cast %swap3A_544 : i32 to index
    %swap3A_546 = arith.constant 0 : index
    %swap3A_547 = tpu.vector_load %arg5[%swap3A_545, %swap3A_546] {strides = array<i32>} : memref<128x16xf32, #tpu.memory_space<vmem>>, vector<1x16xf32>,
    %swap3A_548 = vector.shape_cast %swap3A_547 : vector<1x16xf32> to vector<16xf32>
    %swap3A_549 = vector.shape_cast %select_n3A : vector<16xf32> to vector<1x16xf32>
    tpu.vector_store %arg5[%swap3A_545, %swap3A_546], %swap3A_549 {strides = array<i32>} : memref<128x16xf32, #tpu.memory_space<vmem>>, vector<1x16xf32>,
    %swap3A_550 = arith.constant 91 : i32
    %swap3A_551 = arith.index_cast %swap3A_550 : i32 to index
    %swap3A_552 = arith.constant 0 : index
    %swap3A_553 = tpu.vector_load %arg5[%swap3A_551, %swap3A_552] {strides = array<i32>} : memref<128x16xf32, #tpu.memory_space<vmem>>, vector<1x16xf32>,
    %swap3A_554 = vector.shape_cast %swap3A_553 : vector<1x16xf32> to vector<16xf32>
    %swap3A_555 = vector.shape_cast %select_n3A : vector<16xf32> to vector<1x16xf32>
    tpu.vector_store %arg5[%swap3A_551, %swap3A_552], %swap3A_555 {strides = array<i32>} : memref<128x16xf32, #tpu.memory_space<vmem>>, vector<1x16xf32>,
    %swap3A_556 = arith.constant 92 : i32
    %swap3A_557 = arith.index_cast %swap3A_556 : i32 to index
    %swap3A_558 = arith.constant 0 : index
    %swap3A_559 = tpu.vector_load %arg5[%swap3A_557, %swap3A_558] {strides = array<i32>} : memref<128x16xf32, #tpu.memory_space<vmem>>, vector<1x16xf32>,
    %swap3A_560 = vector.shape_cast %swap3A_559 : vector<1x16xf32> to vector<16xf32>
    %swap3A_561 = vector.shape_cast %select_n3A : vector<16xf32> to vector<1x16xf32>
    tpu.vector_store %arg5[%swap3A_557, %swap3A_558], %swap3A_561 {strides = array<i32>} : memref<128x16xf32, #tpu.memory_space<vmem>>, vector<1x16xf32>,
    %swap3A_562 = arith.constant 93 : i32
    %swap3A_563 = arith.index_cast %swap3A_562 : i32 to index
    %swap3A_564 = arith.constant 0 : index
    %swap3A_565 = tpu.vector_load %arg5[%swap3A_563, %swap3A_564] {strides = array<i32>} : memref<128x16xf32, #tpu.memory_space<vmem>>, vector<1x16xf32>,
    %swap3A_566 = vector.shape_cast %swap3A_565 : vector<1x16xf32> to vector<16xf32>
    %swap3A_567 = vector.shape_cast %select_n3A : vector<16xf32> to vector<1x16xf32>
    tpu.vector_store %arg5[%swap3A_563, %swap3A_564], %swap3A_567 {strides = array<i32>} : memref<128x16xf32, #tpu.memory_space<vmem>>, vector<1x16xf32>,
    %swap3A_568 = arith.constant 94 : i32
    %swap3A_569 = arith.index_cast %swap3A_568 : i32 to index
    %swap3A_570 = arith.constant 0 : index
    %swap3A_571 = tpu.vector_load %arg5[%swap3A_569, %swap3A_570] {strides = array<i32>} : memref<128x16xf32, #tpu.memory_space<vmem>>, vector<1x16xf32>,
    %swap3A_572 = vector.shape_cast %swap3A_571 : vector<1x16xf32> to vector<16xf32>
    %swap3A_573 = vector.shape_cast %select_n3A : vector<16xf32> to vector<1x16xf32>
    tpu.vector_store %arg5[%swap3A_569, %swap3A_570], %swap3A_573 {strides = array<i32>} : memref<128x16xf32, #tpu.memory_space<vmem>>, vector<1x16xf32>,
    %swap3A_574 = arith.constant 95 : i32
    %swap3A_575 = arith.index_cast %swap3A_574 : i32 to index
    %swap3A_576 = arith.constant 0 : index
    %swap3A_577 = tpu.vector_load %arg5[%swap3A_575, %swap3A_576] {strides = array<i32>} : memref<128x16xf32, #tpu.memory_space<vmem>>, vector<1x16xf32>,
    %swap3A_578 = vector.shape_cast %swap3A_577 : vector<1x16xf32> to vector<16xf32>
    %swap3A_579 = vector.shape_cast %select_n3A : vector<16xf32> to vector<1x16xf32>
    tpu.vector_store %arg5[%swap3A_575, %swap3A_576], %swap3A_579 {strides = array<i32>} : memref<128x16xf32, #tpu.memory_space<vmem>>, vector<1x16xf32>,
    %swap3A_580 = arith.constant 96 : i32
    %swap3A_581 = arith.index_cast %swap3A_580 : i32 to index
    %swap3A_582 = arith.constant 0 : index
    %swap3A_583 = tpu.vector_load %arg5[%swap3A_581, %swap3A_582] {strides = array<i32>} : memref<128x16xf32, #tpu.memory_space<vmem>>, vector<1x16xf32>,
    %swap3A_584 = vector.shape_cast %swap3A_583 : vector<1x16xf32> to vector<16xf32>
    %swap3A_585 = vector.shape_cast %select_n3A : vector<16xf32> to vector<1x16xf32>
    tpu.vector_store %arg5[%swap3A_581, %swap3A_582], %swap3A_585 {strides = array<i32>} : memref<128x16xf32, #tpu.memory_space<vmem>>, vector<1x16xf32>,
    %swap3A_586 = arith.constant 97 : i32
    %swap3A_587 = arith.index_cast %swap3A_586 : i32 to index
    %swap3A_588 = arith.constant 0 : index
    %swap3A_589 = tpu.vector_load %arg5[%swap3A_587, %swap3A_588] {strides = array<i32>} : memref<128x16xf32, #tpu.memory_space<vmem>>, vector<1x16xf32>,
    %swap3A_590 = vector.shape_cast %swap3A_589 : vector<1x16xf32> to vector<16xf32>
    %swap3A_591 = vector.shape_cast %select_n3A : vector<16xf32> to vector<1x16xf32>
    tpu.vector_store %arg5[%swap3A_587, %swap3A_588], %swap3A_591 {strides = array<i32>} : memref<128x16xf32, #tpu.memory_space<vmem>>, vector<1x16xf32>,
    %swap3A_592 = arith.constant 98 : i32
    %swap3A_593 = arith.index_cast %swap3A_592 : i32 to index
    %swap3A_594 = arith.constant 0 : index
    %swap3A_595 = tpu.vector_load %arg5[%swap3A_593, %swap3A_594] {strides = array<i32>} : memref<128x16xf32, #tpu.memory_space<vmem>>, vector<1x16xf32>,
    %swap3A_596 = vector.shape_cast %swap3A_595 : vector<1x16xf32> to vector<16xf32>
    %swap3A_597 = vector.shape_cast %select_n3A : vector<16xf32> to vector<1x16xf32>
    tpu.vector_store %arg5[%swap3A_593, %swap3A_594], %swap3A_597 {strides = array<i32>} : memref<128x16xf32, #tpu.memory_space<vmem>>, vector<1x16xf32>,
    %swap3A_598 = arith.constant 99 : i32
    %swap3A_599 = arith.index_cast %swap3A_598 : i32 to index
    %swap3A_600 = arith.constant 0 : index
    %swap3A_601 = tpu.vector_load %arg5[%swap3A_599, %swap3A_600] {strides = array<i32>} : memref<128x16xf32, #tpu.memory_space<vmem>>, vector<1x16xf32>,
    %swap3A_602 = vector.shape_cast %swap3A_601 : vector<1x16xf32> to vector<16xf32>
    %swap3A_603 = vector.shape_cast %select_n3A : vector<16xf32> to vector<1x16xf32>
    tpu.vector_store %arg5[%swap3A_599, %swap3A_600], %swap3A_603 {strides = array<i32>} : memref<128x16xf32, #tpu.memory_space<vmem>>, vector<1x16xf32>,
    %swap3A_604 = arith.constant 100 : i32
    %swap3A_605 = arith.index_cast %swap3A_604 : i32 to index
    %swap3A_606 = arith.constant 0 : index
    %swap3A_607 = tpu.vector_load %arg5[%swap3A_605, %swap3A_606] {strides = array<i32>} : memref<128x16xf32, #tpu.memory_space<vmem>>, vector<1x16xf32>,
    %swap3A_608 = vector.shape_cast %swap3A_607 : vector<1x16xf32> to vector<16xf32>
    %swap3A_609 = vector.shape_cast %select_n3A : vector<16xf32> to vector<1x16xf32>
    tpu.vector_store %arg5[%swap3A_605, %swap3A_606], %swap3A_609 {strides = array<i32>} : memref<128x16xf32, #tpu.memory_space<vmem>>, vector<1x16xf32>,
    %swap3A_610 = arith.constant 101 : i32
    %swap3A_611 = arith.index_cast %swap3A_610 : i32 to index
    %swap3A_612 = arith.constant 0 : index
    %swap3A_613 = tpu.vector_load %arg5[%swap3A_611, %swap3A_612] {strides = array<i32>} : memref<128x16xf32, #tpu.memory_space<vmem>>, vector<1x16xf32>,
    %swap3A_614 = vector.shape_cast %swap3A_613 : vector<1x16xf32> to vector<16xf32>
    %swap3A_615 = vector.shape_cast %select_n3A : vector<16xf32> to vector<1x16xf32>
    tpu.vector_store %arg5[%swap3A_611, %swap3A_612], %swap3A_615 {strides = array<i32>} : memref<128x16xf32, #tpu.memory_space<vmem>>, vector<1x16xf32>,
    %swap3A_616 = arith.constant 102 : i32
    %swap3A_617 = arith.index_cast %swap3A_616 : i32 to index
    %swap3A_618 = arith.constant 0 : index
    %swap3A_619 = tpu.vector_load %arg5[%swap3A_617, %swap3A_618] {strides = array<i32>} : memref<128x16xf32, #tpu.memory_space<vmem>>, vector<1x16xf32>,
    %swap3A_620 = vector.shape_cast %swap3A_619 : vector<1x16xf32> to vector<16xf32>
    %swap3A_621 = vector.shape_cast %select_n3A : vector<16xf32> to vector<1x16xf32>
    tpu.vector_store %arg5[%swap3A_617, %swap3A_618], %swap3A_621 {strides = array<i32>} : memref<128x16xf32, #tpu.memory_space<vmem>>, vector<1x16xf32>,
    %swap3A_622 = arith.constant 103 : i32
    %swap3A_623 = arith.index_cast %swap3A_622 : i32 to index
    %swap3A_624 = arith.constant 0 : index
    %swap3A_625 = tpu.vector_load %arg5[%swap3A_623, %swap3A_624] {strides = array<i32>} : memref<128x16xf32, #tpu.memory_space<vmem>>, vector<1x16xf32>,
    %swap3A_626 = vector.shape_cast %swap3A_625 : vector<1x16xf32> to vector<16xf32>
    %swap3A_627 = vector.shape_cast %select_n3A : vector<16xf32> to vector<1x16xf32>
    tpu.vector_store %arg5[%swap3A_623, %swap3A_624], %swap3A_627 {strides = array<i32>} : memref<128x16xf32, #tpu.memory_space<vmem>>, vector<1x16xf32>,
    %swap3A_628 = arith.constant 104 : i32
    %swap3A_629 = arith.index_cast %swap3A_628 : i32 to index
    %swap3A_630 = arith.constant 0 : index
    %swap3A_631 = tpu.vector_load %arg5[%swap3A_629, %swap3A_630] {strides = array<i32>} : memref<128x16xf32, #tpu.memory_space<vmem>>, vector<1x16xf32>,
    %swap3A_632 = vector.shape_cast %swap3A_631 : vector<1x16xf32> to vector<16xf32>
    %swap3A_633 = vector.shape_cast %select_n3A : vector<16xf32> to vector<1x16xf32>
    tpu.vector_store %arg5[%swap3A_629, %swap3A_630], %swap3A_633 {strides = array<i32>} : memref<128x16xf32, #tpu.memory_space<vmem>>, vector<1x16xf32>,
    %swap3A_634 = arith.constant 105 : i32
    %swap3A_635 = arith.index_cast %swap3A_634 : i32 to index
    %swap3A_636 = arith.constant 0 : index
    %swap3A_637 = tpu.vector_load %arg5[%swap3A_635, %swap3A_636] {strides = array<i32>} : memref<128x16xf32, #tpu.memory_space<vmem>>, vector<1x16xf32>,
    %swap3A_638 = vector.shape_cast %swap3A_637 : vector<1x16xf32> to vector<16xf32>
    %swap3A_639 = vector.shape_cast %select_n3A : vector<16xf32> to vector<1x16xf32>
    tpu.vector_store %arg5[%swap3A_635, %swap3A_636], %swap3A_639 {strides = array<i32>} : memref<128x16xf32, #tpu.memory_space<vmem>>, vector<1x16xf32>,
    %swap3A_640 = arith.constant 106 : i32
    %swap3A_641 = arith.index_cast %swap3A_640 : i32 to index
    %swap3A_642 = arith.constant 0 : index
    %swap3A_643 = tpu.vector_load %arg5[%swap3A_641, %swap3A_642] {strides = array<i32>} : memref<128x16xf32, #tpu.memory_space<vmem>>, vector<1x16xf32>,
    %swap3A_644 = vector.shape_cast %swap3A_643 : vector<1x16xf32> to vector<16xf32>
    %swap3A_645 = vector.shape_cast %select_n3A : vector<16xf32> to vector<1x16xf32>
    tpu.vector_store %arg5[%swap3A_641, %swap3A_642], %swap3A_645 {strides = array<i32>} : memref<128x16xf32, #tpu.memory_space<vmem>>, vector<1x16xf32>,
    %swap3A_646 = arith.constant 107 : i32
    %swap3A_647 = arith.index_cast %swap3A_646 : i32 to index
    %swap3A_648 = arith.constant 0 : index
    %swap3A_649 = tpu.vector_load %arg5[%swap3A_647, %swap3A_648] {strides = array<i32>} : memref<128x16xf32, #tpu.memory_space<vmem>>, vector<1x16xf32>,
    %swap3A_650 = vector.shape_cast %swap3A_649 : vector<1x16xf32> to vector<16xf32>
    %swap3A_651 = vector.shape_cast %select_n3A : vector<16xf32> to vector<1x16xf32>
    tpu.vector_store %arg5[%swap3A_647, %swap3A_648], %swap3A_651 {strides = array<i32>} : memref<128x16xf32, #tpu.memory_space<vmem>>, vector<1x16xf32>,
    %swap3A_652 = arith.constant 108 : i32
    %swap3A_653 = arith.index_cast %swap3A_652 : i32 to index
    %swap3A_654 = arith.constant 0 : index
    %swap3A_655 = tpu.vector_load %arg5[%swap3A_653, %swap3A_654] {strides = array<i32>} : memref<128x16xf32, #tpu.memory_space<vmem>>, vector<1x16xf32>,
    %swap3A_656 = vector.shape_cast %swap3A_655 : vector<1x16xf32> to vector<16xf32>
    %swap3A_657 = vector.shape_cast %select_n3A : vector<16xf32> to vector<1x16xf32>
    tpu.vector_store %arg5[%swap3A_653, %swap3A_654], %swap3A_657 {strides = array<i32>} : memref<128x16xf32, #tpu.memory_space<vmem>>, vector<1x16xf32>,
    %swap3A_658 = arith.constant 109 : i32
    %swap3A_659 = arith.index_cast %swap3A_658 : i32 to index
    %swap3A_660 = arith.constant 0 : index
    %swap3A_661 = tpu.vector_load %arg5[%swap3A_659, %swap3A_660] {strides = array<i32>} : memref<128x16xf32, #tpu.memory_space<vmem>>, vector<1x16xf32>,
    %swap3A_662 = vector.shape_cast %swap3A_661 : vector<1x16xf32> to vector<16xf32>
    %swap3A_663 = vector.shape_cast %select_n3A : vector<16xf32> to vector<1x16xf32>
    tpu.vector_store %arg5[%swap3A_659, %swap3A_660], %swap3A_663 {strides = array<i32>} : memref<128x16xf32, #tpu.memory_space<vmem>>, vector<1x16xf32>,
    %swap3A_664 = arith.constant 110 : i32
    %swap3A_665 = arith.index_cast %swap3A_664 : i32 to index
    %swap3A_666 = arith.constant 0 : index
    %swap3A_667 = tpu.vector_load %arg5[%swap3A_665, %swap3A_666] {strides = array<i32>} : memref<128x16xf32, #tpu.memory_space<vmem>>, vector<1x16xf32>,
    %swap3A_668 = vector.shape_cast %swap3A_667 : vector<1x16xf32> to vector<16xf32>
    %swap3A_669 = vector.shape_cast %select_n3A : vector<16xf32> to vector<1x16xf32>
    tpu.vector_store %arg5[%swap3A_665, %swap3A_666], %swap3A_669 {strides = array<i32>} : memref<128x16xf32, #tpu.memory_space<vmem>>, vector<1x16xf32>,
    %swap3A_670 = arith.constant 111 : i32
    %swap3A_671 = arith.index_cast %swap3A_670 : i32 to index
    %swap3A_672 = arith.constant 0 : index
    %swap3A_673 = tpu.vector_load %arg5[%swap3A_671, %swap3A_672] {strides = array<i32>} : memref<128x16xf32, #tpu.memory_space<vmem>>, vector<1x16xf32>,
    %swap3A_674 = vector.shape_cast %swap3A_673 : vector<1x16xf32> to vector<16xf32>
    %swap3A_675 = vector.shape_cast %select_n3A : vector<16xf32> to vector<1x16xf32>
    tpu.vector_store %arg5[%swap3A_671, %swap3A_672], %swap3A_675 {strides = array<i32>} : memref<128x16xf32, #tpu.memory_space<vmem>>, vector<1x16xf32>,
    %swap3A_676 = arith.constant 112 : i32
    %swap3A_677 = arith.index_cast %swap3A_676 : i32 to index
    %swap3A_678 = arith.constant 0 : index
    %swap3A_679 = tpu.vector_load %arg5[%swap3A_677, %swap3A_678] {strides = array<i32>} : memref<128x16xf32, #tpu.memory_space<vmem>>, vector<1x16xf32>,
    %swap3A_680 = vector.shape_cast %swap3A_679 : vector<1x16xf32> to vector<16xf32>
    %swap3A_681 = vector.shape_cast %select_n3A : vector<16xf32> to vector<1x16xf32>
    tpu.vector_store %arg5[%swap3A_677, %swap3A_678], %swap3A_681 {strides = array<i32>} : memref<128x16xf32, #tpu.memory_space<vmem>>, vector<1x16xf32>,
    %swap3A_682 = arith.constant 113 : i32
    %swap3A_683 = arith.index_cast %swap3A_682 : i32 to index
    %swap3A_684 = arith.constant 0 : index
    %swap3A_685 = tpu.vector_load %arg5[%swap3A_683, %swap3A_684] {strides = array<i32>} : memref<128x16xf32, #tpu.memory_space<vmem>>, vector<1x16xf32>,
    %swap3A_686 = vector.shape_cast %swap3A_685 : vector<1x16xf32> to vector<16xf32>
    %swap3A_687 = vector.shape_cast %select_n3A : vector<16xf32> to vector<1x16xf32>
    tpu.vector_store %arg5[%swap3A_683, %swap3A_684], %swap3A_687 {strides = array<i32>} : memref<128x16xf32, #tpu.memory_space<vmem>>, vector<1x16xf32>,
    %swap3A_688 = arith.constant 114 : i32
    %swap3A_689 = arith.index_cast %swap3A_688 : i32 to index
    %swap3A_690 = arith.constant 0 : index
    %swap3A_691 = tpu.vector_load %arg5[%swap3A_689, %swap3A_690] {strides = array<i32>} : memref<128x16xf32, #tpu.memory_space<vmem>>, vector<1x16xf32>,
    %swap3A_692 = vector.shape_cast %swap3A_691 : vector<1x16xf32> to vector<16xf32>
    %swap3A_693 = vector.shape_cast %select_n3A : vector<16xf32> to vector<1x16xf32>
    tpu.vector_store %arg5[%swap3A_689, %swap3A_690], %swap3A_693 {strides = array<i32>} : memref<128x16xf32, #tpu.memory_space<vmem>>, vector<1x16xf32>,
    %swap3A_694 = arith.constant 115 : i32
    %swap3A_695 = arith.index_cast %swap3A_694 : i32 to index
    %swap3A_696 = arith.constant 0 : index
    %swap3A_697 = tpu.vector_load %arg5[%swap3A_695, %swap3A_696] {strides = array<i32>} : memref<128x16xf32, #tpu.memory_space<vmem>>, vector<1x16xf32>,
    %swap3A_698 = vector.shape_cast %swap3A_697 : vector<1x16xf32> to vector<16xf32>
    %swap3A_699 = vector.shape_cast %select_n3A : vector<16xf32> to vector<1x16xf32>
    tpu.vector_store %arg5[%swap3A_695, %swap3A_696], %swap3A_699 {strides = array<i32>} : memref<128x16xf32, #tpu.memory_space<vmem>>, vector<1x16xf32>,
    %swap3A_700 = arith.constant 116 : i32
    %swap3A_701 = arith.index_cast %swap3A_700 : i32 to index
    %swap3A_702 = arith.constant 0 : index
    %swap3A_703 = tpu.vector_load %arg5[%swap3A_701, %swap3A_702] {strides = array<i32>} : memref<128x16xf32, #tpu.memory_space<vmem>>, vector<1x16xf32>,
    %swap3A_704 = vector.shape_cast %swap3A_703 : vector<1x16xf32> to vector<16xf32>
    %swap3A_705 = vector.shape_cast %select_n3A : vector<16xf32> to vector<1x16xf32>
    tpu.vector_store %arg5[%swap3A_701, %swap3A_702], %swap3A_705 {strides = array<i32>} : memref<128x16xf32, #tpu.memory_space<vmem>>, vector<1x16xf32>,
    %swap3A_706 = arith.constant 117 : i32
    %swap3A_707 = arith.index_cast %swap3A_706 : i32 to index
    %swap3A_708 = arith.constant 0 : index
    %swap3A_709 = tpu.vector_load %arg5[%swap3A_707, %swap3A_708] {strides = array<i32>} : memref<128x16xf32, #tpu.memory_space<vmem>>, vector<1x16xf32>,
    %swap3A_710 = vector.shape_cast %swap3A_709 : vector<1x16xf32> to vector<16xf32>
    %swap3A_711 = vector.shape_cast %select_n3A : vector<16xf32> to vector<1x16xf32>
    tpu.vector_store %arg5[%swap3A_707, %swap3A_708], %swap3A_711 {strides = array<i32>} : memref<128x16xf32, #tpu.memory_space<vmem>>, vector<1x16xf32>,
    %swap3A_712 = arith.constant 118 : i32
    %swap3A_713 = arith.index_cast %swap3A_712 : i32 to index
    %swap3A_714 = arith.constant 0 : index
    %swap3A_715 = tpu.vector_load %arg5[%swap3A_713, %swap3A_714] {strides = array<i32>} : memref<128x16xf32, #tpu.memory_space<vmem>>, vector<1x16xf32>,
    %swap3A_716 = vector.shape_cast %swap3A_715 : vector<1x16xf32> to vector<16xf32>
    %swap3A_717 = vector.shape_cast %select_n3A : vector<16xf32> to vector<1x16xf32>
    tpu.vector_store %arg5[%swap3A_713, %swap3A_714], %swap3A_717 {strides = array<i32>} : memref<128x16xf32, #tpu.memory_space<vmem>>, vector<1x16xf32>,
    %swap3A_718 = arith.constant 119 : i32
    %swap3A_719 = arith.index_cast %swap3A_718 : i32 to index
    %swap3A_720 = arith.constant 0 : index
    %swap3A_721 = tpu.vector_load %arg5[%swap3A_719, %swap3A_720] {strides = array<i32>} : memref<128x16xf32, #tpu.memory_space<vmem>>, vector<1x16xf32>,
    %swap3A_722 = vector.shape_cast %swap3A_721 : vector<1x16xf32> to vector<16xf32>
    %swap3A_723 = vector.shape_cast %select_n3A : vector<16xf32> to vector<1x16xf32>
    tpu.vector_store %arg5[%swap3A_719, %swap3A_720], %swap3A_723 {strides = array<i32>} : memref<128x16xf32, #tpu.memory_space<vmem>>, vector<1x16xf32>,
    %swap3A_724 = arith.constant 120 : i32
    %swap3A_725 = arith.index_cast %swap3A_724 : i32 to index
    %swap3A_726 = arith.constant 0 : index
    %swap3A_727 = tpu.vector_load %arg5[%swap3A_725, %swap3A_726] {strides = array<i32>} : memref<128x16xf32, #tpu.memory_space<vmem>>, vector<1x16xf32>,
    %swap3A_728 = vector.shape_cast %swap3A_727 : vector<1x16xf32> to vector<16xf32>
    %swap3A_729 = vector.shape_cast %select_n3A : vector<16xf32> to vector<1x16xf32>
    tpu.vector_store %arg5[%swap3A_725, %swap3A_726], %swap3A_729 {strides = array<i32>} : memref<128x16xf32, #tpu.memory_space<vmem>>, vector<1x16xf32>,
    %swap3A_730 = arith.constant 121 : i32
    %swap3A_731 = arith.index_cast %swap3A_730 : i32 to index
    %swap3A_732 = arith.constant 0 : index
    %swap3A_733 = tpu.vector_load %arg5[%swap3A_731, %swap3A_732] {strides = array<i32>} : memref<128x16xf32, #tpu.memory_space<vmem>>, vector<1x16xf32>,
    %swap3A_734 = vector.shape_cast %swap3A_733 : vector<1x16xf32> to vector<16xf32>
    %swap3A_735 = vector.shape_cast %select_n3A : vector<16xf32> to vector<1x16xf32>
    tpu.vector_store %arg5[%swap3A_731, %swap3A_732], %swap3A_735 {strides = array<i32>} : memref<128x16xf32, #tpu.memory_space<vmem>>, vector<1x16xf32>,
    %swap3A_736 = arith.constant 122 : i32
    %swap3A_737 = arith.index_cast %swap3A_736 : i32 to index
    %swap3A_738 = arith.constant 0 : index
    %swap3A_739 = tpu.vector_load %arg5[%swap3A_737, %swap3A_738] {strides = array<i32>} : memref<128x16xf32, #tpu.memory_space<vmem>>, vector<1x16xf32>,
    %swap3A_740 = vector.shape_cast %swap3A_739 : vector<1x16xf32> to vector<16xf32>
    %swap3A_741 = vector.shape_cast %select_n3A : vector<16xf32> to vector<1x16xf32>
    tpu.vector_store %arg5[%swap3A_737, %swap3A_738], %swap3A_741 {strides = array<i32>} : memref<128x16xf32, #tpu.memory_space<vmem>>, vector<1x16xf32>,
    %swap3A_742 = arith.constant 123 : i32
    %swap3A_743 = arith.index_cast %swap3A_742 : i32 to index
    %swap3A_744 = arith.constant 0 : index
    %swap3A_745 = tpu.vector_load %arg5[%swap3A_743, %swap3A_744] {strides = array<i32>} : memref<128x16xf32, #tpu.memory_space<vmem>>, vector<1x16xf32>,
    %swap3A_746 = vector.shape_cast %swap3A_745 : vector<1x16xf32> to vector<16xf32>
    %swap3A_747 = vector.shape_cast %select_n3A : vector<16xf32> to vector<1x16xf32>
    tpu.vector_store %arg5[%swap3A_743, %swap3A_744], %swap3A_747 {strides = array<i32>} : memref<128x16xf32, #tpu.memory_space<vmem>>, vector<1x16xf32>,
    %swap3A_748 = arith.constant 124 : i32
    %swap3A_749 = arith.index_cast %swap3A_748 : i32 to index
    %swap3A_750 = arith.constant 0 : index
    %swap3A_751 = tpu.vector_load %arg5[%swap3A_749, %swap3A_750] {strides = array<i32>} : memref<128x16xf32, #tpu.memory_space<vmem>>, vector<1x16xf32>,
    %swap3A_752 = vector.shape_cast %swap3A_751 : vector<1x16xf32> to vector<16xf32>
    %swap3A_753 = vector.shape_cast %select_n3A : vector<16xf32> to vector<1x16xf32>
    tpu.vector_store %arg5[%swap3A_749, %swap3A_750], %swap3A_753 {strides = array<i32>} : memref<128x16xf32, #tpu.memory_space<vmem>>, vector<1x16xf32>,
    %swap3A_754 = arith.constant 125 : i32
    %swap3A_755 = arith.index_cast %swap3A_754 : i32 to index
    %swap3A_756 = arith.constant 0 : index
    %swap3A_757 = tpu.vector_load %arg5[%swap3A_755, %swap3A_756] {strides = array<i32>} : memref<128x16xf32, #tpu.memory_space<vmem>>, vector<1x16xf32>,
    %swap3A_758 = vector.shape_cast %swap3A_757 : vector<1x16xf32> to vector<16xf32>
    %swap3A_759 = vector.shape_cast %select_n3A : vector<16xf32> to vector<1x16xf32>
    tpu.vector_store %arg5[%swap3A_755, %swap3A_756], %swap3A_759 {strides = array<i32>} : memref<128x16xf32, #tpu.memory_space<vmem>>, vector<1x16xf32>,
    %swap3A_760 = arith.constant 126 : i32
    %swap3A_761 = arith.index_cast %swap3A_760 : i32 to index
    %swap3A_762 = arith.constant 0 : index
    %swap3A_763 = tpu.vector_load %arg5[%swap3A_761, %swap3A_762] {strides = array<i32>} : memref<128x16xf32, #tpu.memory_space<vmem>>, vector<1x16xf32>,
    %swap3A_764 = vector.shape_cast %swap3A_763 : vector<1x16xf32> to vector<16xf32>
    %swap3A_765 = vector.shape_cast %select_n3A : vector<16xf32> to vector<1x16xf32>
    tpu.vector_store %arg5[%swap3A_761, %swap3A_762], %swap3A_765 {strides = array<i32>} : memref<128x16xf32, #tpu.memory_space<vmem>>, vector<1x16xf32>,
    %swap3A_766 = arith.constant 127 : i32
    %swap3A_767 = arith.index_cast %swap3A_766 : i32 to index
    %swap3A_768 = arith.constant 0 : index
    %swap3A_769 = tpu.vector_load %arg5[%swap3A_767, %swap3A_768] {strides = array<i32>} : memref<128x16xf32, #tpu.memory_space<vmem>>, vector<1x16xf32>,
    %swap3A_770 = vector.shape_cast %swap3A_769 : vector<1x16xf32> to vector<16xf32>
    %swap3A_771 = vector.shape_cast %select_n3A : vector<16xf32> to vector<1x16xf32>
    tpu.vector_store %arg5[%swap3A_767, %swap3A_768], %swap3A_771 {strides = array<i32>} : memref<128x16xf32, #tpu.memory_space<vmem>>, vector<1x16xf32>,
    %broadcast_in_dim3A_772 = arith.constant 0.000000e+00 : f32
    %broadcast_in_dim3A_773 = vector.broadcast %broadcast_in_dim3A_772 : f32 to vector<16xf32>
    %swap3A_774 = arith.constant 0 : i32
    %swap3A_775 = arith.index_cast %swap3A_774 : i32 to index
    %swap3A_776 = arith.constant 0 : index
    %swap3A_777 = tpu.vector_load %arg6[%swap3A_775, %swap3A_776] {strides = array<i32>} : memref<16x16xf32, #tpu.memory_space<vmem>>, vector<1x16xf32>,
    %swap3A_778 = vector.shape_cast %swap3A_777 : vector<1x16xf32> to vector<16xf32>
    %swap3A_779 = vector.shape_cast %broadcast_in_dim3A_773 : vector<16xf32> to vector<1x16xf32>
    tpu.vector_store %arg6[%swap3A_775, %swap3A_776], %swap3A_779 {strides = array<i32>} : memref<16x16xf32, #tpu.memory_space<vmem>>, vector<1x16xf32>,
    %swap3A_780 = arith.constant 1 : i32
    %swap3A_781 = arith.index_cast %swap3A_780 : i32 to index
    %swap3A_782 = arith.constant 0 : index
    %swap3A_783 = tpu.vector_load %arg6[%swap3A_781, %swap3A_782] {strides = array<i32>} : memref<16x16xf32, #tpu.memory_space<vmem>>, vector<1x16xf32>,
    %swap3A_784 = vector.shape_cast %swap3A_783 : vector<1x16xf32> to vector<16xf32>
    %swap3A_785 = vector.shape_cast %broadcast_in_dim3A_773 : vector<16xf32> to vector<1x16xf32>
    tpu.vector_store %arg6[%swap3A_781, %swap3A_782], %swap3A_785 {strides = array<i32>} : memref<16x16xf32, #tpu.memory_space<vmem>>, vector<1x16xf32>,
    %swap3A_786 = arith.constant 2 : i32
    %swap3A_787 = arith.index_cast %swap3A_786 : i32 to index
    %swap3A_788 = arith.constant 0 : index
    %swap3A_789 = tpu.vector_load %arg6[%swap3A_787, %swap3A_788] {strides = array<i32>} : memref<16x16xf32, #tpu.memory_space<vmem>>, vector<1x16xf32>,
    %swap3A_790 = vector.shape_cast %swap3A_789 : vector<1x16xf32> to vector<16xf32>
    %swap3A_791 = vector.shape_cast %broadcast_in_dim3A_773 : vector<16xf32> to vector<1x16xf32>
    tpu.vector_store %arg6[%swap3A_787, %swap3A_788], %swap3A_791 {strides = array<i32>} : memref<16x16xf32, #tpu.memory_space<vmem>>, vector<1x16xf32>,
    %swap3A_792 = arith.constant 3 : i32
    %swap3A_793 = arith.index_cast %swap3A_792 : i32 to index
    %swap3A_794 = arith.constant 0 : index
    %swap3A_795 = tpu.vector_load %arg6[%swap3A_793, %swap3A_794] {strides = array<i32>} : memref<16x16xf32, #tpu.memory_space<vmem>>, vector<1x16xf32>,
    %swap3A_796 = vector.shape_cast %swap3A_795 : vector<1x16xf32> to vector<16xf32>
    %swap3A_797 = vector.shape_cast %broadcast_in_dim3A_773 : vector<16xf32> to vector<1x16xf32>
    tpu.vector_store %arg6[%swap3A_793, %swap3A_794], %swap3A_797 {strides = array<i32>} : memref<16x16xf32, #tpu.memory_space<vmem>>, vector<1x16xf32>,
    %swap3A_798 = arith.constant 4 : i32
    %swap3A_799 = arith.index_cast %swap3A_798 : i32 to index
    %swap3A_800 = arith.constant 0 : index
    %swap3A_801 = tpu.vector_load %arg6[%swap3A_799, %swap3A_800] {strides = array<i32>} : memref<16x16xf32, #tpu.memory_space<vmem>>, vector<1x16xf32>,
    %swap3A_802 = vector.shape_cast %swap3A_801 : vector<1x16xf32> to vector<16xf32>
    %swap3A_803 = vector.shape_cast %broadcast_in_dim3A_773 : vector<16xf32> to vector<1x16xf32>
    tpu.vector_store %arg6[%swap3A_799, %swap3A_800], %swap3A_803 {strides = array<i32>} : memref<16x16xf32, #tpu.memory_space<vmem>>, vector<1x16xf32>,
    %swap3A_804 = arith.constant 5 : i32
    %swap3A_805 = arith.index_cast %swap3A_804 : i32 to index
    %swap3A_806 = arith.constant 0 : index
    %swap3A_807 = tpu.vector_load %arg6[%swap3A_805, %swap3A_806] {strides = array<i32>} : memref<16x16xf32, #tpu.memory_space<vmem>>, vector<1x16xf32>,
    %swap3A_808 = vector.shape_cast %swap3A_807 : vector<1x16xf32> to vector<16xf32>
    %swap3A_809 = vector.shape_cast %broadcast_in_dim3A_773 : vector<16xf32> to vector<1x16xf32>
    tpu.vector_store %arg6[%swap3A_805, %swap3A_806], %swap3A_809 {strides = array<i32>} : memref<16x16xf32, #tpu.memory_space<vmem>>, vector<1x16xf32>,
    %swap3A_810 = arith.constant 6 : i32
    %swap3A_811 = arith.index_cast %swap3A_810 : i32 to index
    %swap3A_812 = arith.constant 0 : index
    %swap3A_813 = tpu.vector_load %arg6[%swap3A_811, %swap3A_812] {strides = array<i32>} : memref<16x16xf32, #tpu.memory_space<vmem>>, vector<1x16xf32>,
    %swap3A_814 = vector.shape_cast %swap3A_813 : vector<1x16xf32> to vector<16xf32>
    %swap3A_815 = vector.shape_cast %broadcast_in_dim3A_773 : vector<16xf32> to vector<1x16xf32>
    tpu.vector_store %arg6[%swap3A_811, %swap3A_812], %swap3A_815 {strides = array<i32>} : memref<16x16xf32, #tpu.memory_space<vmem>>, vector<1x16xf32>,
    %swap3A_816 = arith.constant 7 : i32
    %swap3A_817 = arith.index_cast %swap3A_816 : i32 to index
    %swap3A_818 = arith.constant 0 : index
    %swap3A_819 = tpu.vector_load %arg6[%swap3A_817, %swap3A_818] {strides = array<i32>} : memref<16x16xf32, #tpu.memory_space<vmem>>, vector<1x16xf32>,
    %swap3A_820 = vector.shape_cast %swap3A_819 : vector<1x16xf32> to vector<16xf32>
    %swap3A_821 = vector.shape_cast %broadcast_in_dim3A_773 : vector<16xf32> to vector<1x16xf32>
    tpu.vector_store %arg6[%swap3A_817, %swap3A_818], %swap3A_821 {strides = array<i32>} : memref<16x16xf32, #tpu.memory_space<vmem>>, vector<1x16xf32>,
    %swap3A_822 = arith.constant 8 : i32
    %swap3A_823 = arith.index_cast %swap3A_822 : i32 to index
    %swap3A_824 = arith.constant 0 : index
    %swap3A_825 = tpu.vector_load %arg6[%swap3A_823, %swap3A_824] {strides = array<i32>} : memref<16x16xf32, #tpu.memory_space<vmem>>, vector<1x16xf32>,
    %swap3A_826 = vector.shape_cast %swap3A_825 : vector<1x16xf32> to vector<16xf32>
    %swap3A_827 = vector.shape_cast %broadcast_in_dim3A_773 : vector<16xf32> to vector<1x16xf32>
    tpu.vector_store %arg6[%swap3A_823, %swap3A_824], %swap3A_827 {strides = array<i32>} : memref<16x16xf32, #tpu.memory_space<vmem>>, vector<1x16xf32>,
    %swap3A_828 = arith.constant 9 : i32
    %swap3A_829 = arith.index_cast %swap3A_828 : i32 to index
    %swap3A_830 = arith.constant 0 : index
    %swap3A_831 = tpu.vector_load %arg6[%swap3A_829, %swap3A_830] {strides = array<i32>} : memref<16x16xf32, #tpu.memory_space<vmem>>, vector<1x16xf32>,
    %swap3A_832 = vector.shape_cast %swap3A_831 : vector<1x16xf32> to vector<16xf32>
    %swap3A_833 = vector.shape_cast %broadcast_in_dim3A_773 : vector<16xf32> to vector<1x16xf32>
    tpu.vector_store %arg6[%swap3A_829, %swap3A_830], %swap3A_833 {strides = array<i32>} : memref<16x16xf32, #tpu.memory_space<vmem>>, vector<1x16xf32>,
    %swap3A_834 = arith.constant 10 : i32
    %swap3A_835 = arith.index_cast %swap3A_834 : i32 to index
    %swap3A_836 = arith.constant 0 : index
    %swap3A_837 = tpu.vector_load %arg6[%swap3A_835, %swap3A_836] {strides = array<i32>} : memref<16x16xf32, #tpu.memory_space<vmem>>, vector<1x16xf32>,
    %swap3A_838 = vector.shape_cast %swap3A_837 : vector<1x16xf32> to vector<16xf32>
    %swap3A_839 = vector.shape_cast %broadcast_in_dim3A_773 : vector<16xf32> to vector<1x16xf32>
    tpu.vector_store %arg6[%swap3A_835, %swap3A_836], %swap3A_839 {strides = array<i32>} : memref<16x16xf32, #tpu.memory_space<vmem>>, vector<1x16xf32>,
    %swap3A_840 = arith.constant 11 : i32
    %swap3A_841 = arith.index_cast %swap3A_840 : i32 to index
    %swap3A_842 = arith.constant 0 : index
    %swap3A_843 = tpu.vector_load %arg6[%swap3A_841, %swap3A_842] {strides = array<i32>} : memref<16x16xf32, #tpu.memory_space<vmem>>, vector<1x16xf32>,
    %swap3A_844 = vector.shape_cast %swap3A_843 : vector<1x16xf32> to vector<16xf32>
    %swap3A_845 = vector.shape_cast %broadcast_in_dim3A_773 : vector<16xf32> to vector<1x16xf32>
    tpu.vector_store %arg6[%swap3A_841, %swap3A_842], %swap3A_845 {strides = array<i32>} : memref<16x16xf32, #tpu.memory_space<vmem>>, vector<1x16xf32>,
    %swap3A_846 = arith.constant 12 : i32
    %swap3A_847 = arith.index_cast %swap3A_846 : i32 to index
    %swap3A_848 = arith.constant 0 : index
    %swap3A_849 = tpu.vector_load %arg6[%swap3A_847, %swap3A_848] {strides = array<i32>} : memref<16x16xf32, #tpu.memory_space<vmem>>, vector<1x16xf32>,
    %swap3A_850 = vector.shape_cast %swap3A_849 : vector<1x16xf32> to vector<16xf32>
    %swap3A_851 = vector.shape_cast %broadcast_in_dim3A_773 : vector<16xf32> to vector<1x16xf32>
    tpu.vector_store %arg6[%swap3A_847, %swap3A_848], %swap3A_851 {strides = array<i32>} : memref<16x16xf32, #tpu.memory_space<vmem>>, vector<1x16xf32>,
    %swap3A_852 = arith.constant 13 : i32
    %swap3A_853 = arith.index_cast %swap3A_852 : i32 to index
    %swap3A_854 = arith.constant 0 : index
    %swap3A_855 = tpu.vector_load %arg6[%swap3A_853, %swap3A_854] {strides = array<i32>} : memref<16x16xf32, #tpu.memory_space<vmem>>, vector<1x16xf32>,
    %swap3A_856 = vector.shape_cast %swap3A_855 : vector<1x16xf32> to vector<16xf32>
    %swap3A_857 = vector.shape_cast %broadcast_in_dim3A_773 : vector<16xf32> to vector<1x16xf32>
    tpu.vector_store %arg6[%swap3A_853, %swap3A_854], %swap3A_857 {strides = array<i32>} : memref<16x16xf32, #tpu.memory_space<vmem>>, vector<1x16xf32>,
    %swap3A_858 = arith.constant 14 : i32
    %swap3A_859 = arith.index_cast %swap3A_858 : i32 to index
    %swap3A_860 = arith.constant 0 : index
    %swap3A_861 = tpu.vector_load %arg6[%swap3A_859, %swap3A_860] {strides = array<i32>} : memref<16x16xf32, #tpu.memory_space<vmem>>, vector<1x16xf32>,
    %swap3A_862 = vector.shape_cast %swap3A_861 : vector<1x16xf32> to vector<16xf32>
    %swap3A_863 = vector.shape_cast %broadcast_in_dim3A_773 : vector<16xf32> to vector<1x16xf32>
    tpu.vector_store %arg6[%swap3A_859, %swap3A_860], %swap3A_863 {strides = array<i32>} : memref<16x16xf32, #tpu.memory_space<vmem>>, vector<1x16xf32>,
    %swap3A_864 = arith.constant 15 : i32
    %swap3A_865 = arith.index_cast %swap3A_864 : i32 to index
    %swap3A_866 = arith.constant 0 : index
    %swap3A_867 = tpu.vector_load %arg6[%swap3A_865, %swap3A_866] {strides = array<i32>} : memref<16x16xf32, #tpu.memory_space<vmem>>, vector<1x16xf32>,
    %swap3A_868 = vector.shape_cast %swap3A_867 : vector<1x16xf32> to vector<16xf32>
    %swap3A_869 = vector.shape_cast %broadcast_in_dim3A_773 : vector<16xf32> to vector<1x16xf32>
    tpu.vector_store %arg6[%swap3A_865, %swap3A_866], %swap3A_869 {strides = array<i32>} : memref<16x16xf32, #tpu.memory_space<vmem>>, vector<1x16xf32>,
    "tpu.region"() ({
      %run_scoped3A = tpu.sem_alloc : memref<!tpu.dma_semaphore, #tpu.memory_space<semaphore_mem>>
      %dma_start3A = arith.constant 0 : i32
      %dma_start3A_891 = arith.constant 0 : i32
      %dma_start3A_892 = tpu.memref_slice %arg2[%add3A, %dma_start3A, %dma_start3A_891] : memref<32x80x128xi32, #tpu.memory_space<hbm>> -> memref<1x80x128xi32, #tpu.memory_space<hbm>>
      %dma_start3A_893 = tpu.memref_squeeze %dma_start3A_892 : memref<1x80x128xi32, #tpu.memory_space<hbm>> -> memref<80x128xi32, #tpu.memory_space<hbm>>
      %dma_start3A_894 = arith.constant 0 : i32
      %dma_start3A_895 = arith.constant 0 : i32
      %dma_start3A_896 = tpu.memref_slice %arg2[%add3A, %dma_start3A_894, %dma_start3A_895] : memref<32x80x128xi32, #tpu.memory_space<hbm>> -> memref<1x80x128xi32, #tpu.memory_space<hbm>>
      %dma_start3A_897 = tpu.memref_squeeze %dma_start3A_896 : memref<1x80x128xi32, #tpu.memory_space<hbm>> -> memref<80x128xi32, #tpu.memory_space<hbm>>
      tpu.enqueue_dma source(%dma_start3A_897 : memref<80x128xi32, #tpu.memory_space<hbm>>) target(%arg4 : memref<80x128xi32, #tpu.memory_space<vmem>>) target_semaphore(%run_scoped3A : memref<!tpu.dma_semaphore, #tpu.memory_space<semaphore_mem>>)
      %dma_wait3A = arith.constant 0 : i32
      %dma_wait3A_898 = arith.constant 0 : i32
      %dma_wait3A_899 = tpu.memref_slice %arg2[%add3A, %dma_wait3A, %dma_wait3A_898] : memref<32x80x128xi32, #tpu.memory_space<hbm>> -> memref<1x80x128xi32, #tpu.memory_space<hbm>>
      %dma_wait3A_900 = tpu.memref_squeeze %dma_wait3A_899 : memref<1x80x128xi32, #tpu.memory_space<hbm>> -> memref<80x128xi32, #tpu.memory_space<hbm>>
      %dma_wait3A_901 = arith.constant 0 : i32
      %dma_wait3A_902 = arith.constant 0 : i32
      %dma_wait3A_903 = tpu.memref_slice %arg2[%add3A, %dma_wait3A_901, %dma_wait3A_902] : memref<32x80x128xi32, #tpu.memory_space<hbm>> -> memref<1x80x128xi32, #tpu.memory_space<hbm>>
      %dma_wait3A_904 = tpu.memref_squeeze %dma_wait3A_903 : memref<1x80x128xi32, #tpu.memory_space<hbm>> -> memref<80x128xi32, #tpu.memory_space<hbm>>
      tpu.wait_dma2 semaphore(%run_scoped3A : memref<!tpu.dma_semaphore, #tpu.memory_space<semaphore_mem>>) src(%dma_wait3A_904 : memref<80x128xi32, #tpu.memory_space<hbm>>) dst(%arg4 : memref<80x128xi32, #tpu.memory_space<vmem>>)
      tpu.yield
    }) : () -> ()
    %scan3A = arith.constant 0 : i32
    %scan3A_870 = arith.constant 0 : i32
    %scan3A_871 = arith.constant 40 : i32
    %scan3A_872 = arith.addi %scan3A_870, %scan3A_871 : i32
    %scan3A_873 = arith.constant 1 : i32
    %scan3A_874 = scf.for %scan3A_891 = %scan3A_870 to %scan3A_872 step %scan3A_873 iter_args(%scan3A_892 = %scan3A) -> (i32)  : i32 {
      %mul3A_893 = arith.constant 640 : i32
      %mul3A_894 = arith.muli %arg1, %mul3A_893 : i32
      %mul3A_895 = arith.constant 16 : i32
      %mul3A_896 = arith.muli %scan3A_891, %mul3A_895 : i32
      %add3A_897 = arith.addi %mul3A_894, %mul3A_896 : i32
      "tpu.region"() ({
        %run_scoped3A = tpu.sem_alloc : memref<!tpu.dma_semaphore, #tpu.memory_space<semaphore_mem>>
        %dma_start3A = arith.constant 0 : i32
        %dma_start3A_899 = tpu.memref_slice %arg8[%add3A_897, %dma_start3A] : memref<10240x16xf32, #tpu.memory_space<vmem_shared>> -> memref<16x16xf32, #tpu.memory_space<vmem_shared>>
        %dma_start3A_900 = arith.constant 0 : i32
        %dma_start3A_901 = tpu.memref_slice %arg8[%add3A_897, %dma_start3A_900] : memref<10240x16xf32, #tpu.memory_space<vmem_shared>> -> memref<16x16xf32, #tpu.memory_space<vmem_shared>>
        tpu.enqueue_dma source(%arg6 : memref<16x16xf32, #tpu.memory_space<vmem>>) target(%dma_start3A_901 : memref<16x16xf32, #tpu.memory_space<vmem_shared>>) target_semaphore(%run_scoped3A : memref<!tpu.dma_semaphore, #tpu.memory_space<semaphore_mem>>)
        %dma_wait3A = arith.constant 0 : i32
        %dma_wait3A_902 = tpu.memref_slice %arg8[%add3A_897, %dma_wait3A] : memref<10240x16xf32, #tpu.memory_space<vmem_shared>> -> memref<16x16xf32, #tpu.memory_space<vmem_shared>>
        %dma_wait3A_903 = arith.constant 0 : i32
        %dma_wait3A_904 = tpu.memref_slice %arg8[%add3A_897, %dma_wait3A_903] : memref<10240x16xf32, #tpu.memory_space<vmem_shared>> -> memref<16x16xf32, #tpu.memory_space<vmem_shared>>
        tpu.wait_dma2 semaphore(%run_scoped3A : memref<!tpu.dma_semaphore, #tpu.memory_space<semaphore_mem>>) src(%arg6 : memref<16x16xf32, #tpu.memory_space<vmem>>) dst(%dma_wait3A_904 : memref<16x16xf32, #tpu.memory_space<vmem_shared>>)
        tpu.yield
      }) : () -> ()
      %scan3A_898 = arith.constant 0 : i32
      scf.yield %scan3A_898 : i32
    }
    %scan3A_875 = arith.constant 40 : i32
    %barrier3A = arith.constant 0 : index
    tpu.barrier barrier_id(%barrier3A)
    %scan3A_876 = arith.constant 0 : i32
    %scan3A_877 = arith.constant 0 : i32
    %scan3A_878 = arith.constant 80 : i32
    %scan3A_879 = arith.addi %scan3A_877, %scan3A_878 : i32
    %scan3A_880 = arith.constant 1 : i32
    %scan3A_881 = scf.for %scan3A_891 = %scan3A_877 to %scan3A_879 step %scan3A_880 iter_args(%scan3A_892 = %scan3A_876) -> (i32)  : i32 {
      "tpu.region"() ({
        %run_scoped3A = tpu.sem_alloc : memref<!tpu.dma_semaphore, #tpu.memory_space<semaphore_mem>>
        %dma_start3A = arith.constant 0 : i32
        %dma_start3A_894 = tpu.memref_slice %arg4[%scan3A_891, %dma_start3A] : memref<80x128xi32, #tpu.memory_space<vmem>> -> memref<1x128xi32, #tpu.memory_space<vmem>>
        %dma_start3A_895 = tpu.memref_squeeze %dma_start3A_894 : memref<1x128xi32, #tpu.memory_space<vmem>> -> memref<128xi32, #tpu.memory_space<vmem>>
        %dma_start3A_896 = arith.constant 0 : i32
        %dma_start3A_897 = arith.constant 0 : i32
        %dma_start3A_898 = tpu.memref_slice %arg8[%dma_start3A_896, %dma_start3A_897] : memref<10240x16xf32, #tpu.memory_space<vmem_shared>> -> memref<10240x16xf32, #tpu.memory_space<vmem_shared>>
        tpu.enqueue_indirect_dma source(%arg5 : memref<128x16xf32, #tpu.memory_space<vmem>>) target(%dma_start3A_898 : memref<10240x16xf32, #tpu.memory_space<vmem_shared>>) offsets(%dma_start3A_895 : memref<128xi32, #tpu.memory_space<vmem>>) semaphore(%run_scoped3A : memref<!tpu.dma_semaphore, #tpu.memory_space<semaphore_mem>>) {add = true}
        %dma_wait3A = arith.constant 0 : i32
        %dma_wait3A_899 = tpu.memref_slice %arg4[%scan3A_891, %dma_wait3A] : memref<80x128xi32, #tpu.memory_space<vmem>> -> memref<1x128xi32, #tpu.memory_space<vmem>>
        %dma_wait3A_900 = tpu.memref_squeeze %dma_wait3A_899 : memref<1x128xi32, #tpu.memory_space<vmem>> -> memref<128xi32, #tpu.memory_space<vmem>>
        %dma_wait3A_901 = arith.constant 0 : i32
        %dma_wait3A_902 = arith.constant 0 : i32
        %dma_wait3A_903 = tpu.memref_slice %arg8[%dma_wait3A_901, %dma_wait3A_902] : memref<10240x16xf32, #tpu.memory_space<vmem_shared>> -> memref<10240x16xf32, #tpu.memory_space<vmem_shared>>
        tpu.wait_indirect_dma semaphore(%run_scoped3A : memref<!tpu.dma_semaphore, #tpu.memory_space<semaphore_mem>>) src(%arg5 : memref<128x16xf32, #tpu.memory_space<vmem>>) dst(%dma_wait3A_903 : memref<10240x16xf32, #tpu.memory_space<vmem_shared>>)
        tpu.yield
      }) : () -> ()
      %scan3A_893 = arith.constant 0 : i32
      scf.yield %scan3A_893 : i32
    }
    %scan3A_882 = arith.constant 80 : i32
    %barrier3A_883 = arith.constant 0 : index
    tpu.barrier barrier_id(%barrier3A_883)
    %scan3A_884 = arith.constant 0 : i32
    %scan3A_885 = arith.constant 0 : i32
    %scan3A_886 = arith.constant 5 : i32
    %scan3A_887 = arith.addi %scan3A_885, %scan3A_886 : i32
    %scan3A_888 = arith.constant 1 : i32
    %scan3A_889 = scf.for %scan3A_891 = %scan3A_885 to %scan3A_887 step %scan3A_888 iter_args(%scan3A_892 = %scan3A_884) -> (i32)  : i32 {
      %mul3A_893 = arith.constant 640 : i32
      %mul3A_894 = arith.muli %arg1, %mul3A_893 : i32
      %mul3A_895 = arith.constant 128 : i32
      %mul3A_896 = arith.muli %scan3A_891, %mul3A_895 : i32
      %add3A_897 = arith.addi %mul3A_894, %mul3A_896 : i32
      "tpu.region"() ({
        %run_scoped3A = tpu.sem_alloc : memref<!tpu.dma_semaphore, #tpu.memory_space<semaphore_mem>>
        %dma_start3A = arith.constant 0 : i32
        %dma_start3A_904 = tpu.memref_slice %arg8[%add3A_897, %dma_start3A] : memref<10240x16xf32, #tpu.memory_space<vmem_shared>> -> memref<128x16xf32, #tpu.memory_space<vmem_shared>>
        %dma_start3A_905 = arith.constant 0 : i32
        %dma_start3A_906 = tpu.memref_slice %arg8[%add3A_897, %dma_start3A_905] : memref<10240x16xf32, #tpu.memory_space<vmem_shared>> -> memref<128x16xf32, #tpu.memory_space<vmem_shared>>
        tpu.enqueue_dma source(%dma_start3A_906 : memref<128x16xf32, #tpu.memory_space<vmem_shared>>) target(%arg7 : memref<128x16xf32, #tpu.memory_space<vmem>>) target_semaphore(%run_scoped3A : memref<!tpu.dma_semaphore, #tpu.memory_space<semaphore_mem>>)
        %dma_wait3A = arith.constant 0 : i32
        %dma_wait3A_907 = tpu.memref_slice %arg8[%add3A_897, %dma_wait3A] : memref<10240x16xf32, #tpu.memory_space<vmem_shared>> -> memref<128x16xf32, #tpu.memory_space<vmem_shared>>
        %dma_wait3A_908 = arith.constant 0 : i32
        %dma_wait3A_909 = tpu.memref_slice %arg8[%add3A_897, %dma_wait3A_908] : memref<10240x16xf32, #tpu.memory_space<vmem_shared>> -> memref<128x16xf32, #tpu.memory_space<vmem_shared>>
        tpu.wait_dma2 semaphore(%run_scoped3A : memref<!tpu.dma_semaphore, #tpu.memory_space<semaphore_mem>>) src(%dma_wait3A_909 : memref<128x16xf32, #tpu.memory_space<vmem_shared>>) dst(%arg7 : memref<128x16xf32, #tpu.memory_space<vmem>>)
        tpu.yield
      }) : () -> ()
      %mul3A_898 = arith.constant 640 : i32
      %mul3A_899 = arith.muli %arg1, %mul3A_898 : i32
      %mul3A_900 = arith.constant 128 : i32
      %mul3A_901 = arith.muli %scan3A_891, %mul3A_900 : i32
      %add3A_902 = arith.addi %mul3A_899, %mul3A_901 : i32
      "tpu.region"() ({
        %run_scoped3A = tpu.sem_alloc : memref<!tpu.dma_semaphore, #tpu.memory_space<semaphore_mem>>
        %dma_start3A = arith.constant 0 : i32
        %dma_start3A_904 = tpu.memref_slice %arg3[%arg0, %add3A_902, %dma_start3A] : memref<2x10240x16xf32, #tpu.memory_space<hbm>> -> memref<1x128x16xf32, #tpu.memory_space<hbm>>
        %dma_start3A_905 = tpu.memref_squeeze %dma_start3A_904 : memref<1x128x16xf32, #tpu.memory_space<hbm>> -> memref<128x16xf32, #tpu.memory_space<hbm>>
        %dma_start3A_906 = arith.constant 0 : i32
        %dma_start3A_907 = tpu.memref_slice %arg3[%arg0, %add3A_902, %dma_start3A_906] : memref<2x10240x16xf32, #tpu.memory_space<hbm>> -> memref<1x128x16xf32, #tpu.memory_space<hbm>>
        %dma_start3A_908 = tpu.memref_squeeze %dma_start3A_907 : memref<1x128x16xf32, #tpu.memory_space<hbm>> -> memref<128x16xf32, #tpu.memory_space<hbm>>
        tpu.enqueue_dma source(%arg7 : memref<128x16xf32, #tpu.memory_space<vmem>>) target(%dma_start3A_908 : memref<128x16xf32, #tpu.memory_space<hbm>>) target_semaphore(%run_scoped3A : memref<!tpu.dma_semaphore, #tpu.memory_space<semaphore_mem>>)
        %dma_wait3A = arith.constant 0 : i32
        %dma_wait3A_909 = tpu.memref_slice %arg3[%arg0, %add3A_902, %dma_wait3A] : memref<2x10240x16xf32, #tpu.memory_space<hbm>> -> memref<1x128x16xf32, #tpu.memory_space<hbm>>
        %dma_wait3A_910 = tpu.memref_squeeze %dma_wait3A_909 : memref<1x128x16xf32, #tpu.memory_space<hbm>> -> memref<128x16xf32, #tpu.memory_space<hbm>>
        %dma_wait3A_911 = arith.constant 0 : i32
        %dma_wait3A_912 = tpu.memref_slice %arg3[%arg0, %add3A_902, %dma_wait3A_911] : memref<2x10240x16xf32, #tpu.memory_space<hbm>> -> memref<1x128x16xf32, #tpu.memory_space<hbm>>
        %dma_wait3A_913 = tpu.memref_squeeze %dma_wait3A_912 : memref<1x128x16xf32, #tpu.memory_space<hbm>> -> memref<128x16xf32, #tpu.memory_space<hbm>>
        tpu.wait_dma2 semaphore(%run_scoped3A : memref<!tpu.dma_semaphore, #tpu.memory_space<semaphore_mem>>) src(%arg7 : memref<128x16xf32, #tpu.memory_space<vmem>>) dst(%dma_wait3A_913 : memref<128x16xf32, #tpu.memory_space<hbm>>)
        tpu.yield
      }) : () -> ()
      %scan3A_903 = arith.constant 0 : i32
      scf.yield %scan3A_903 : i32
    }
    %scan3A_890 = arith.constant 5 : i32
    return
  }
}

#map = affine_map<(d0, d1) -> (0, 0)>
#map1 = affine_map<(d0, d1) -> (0, 0, 0)>
module attributes {stable_mosaic.version = 14 : i64} {
  func.func @_edge_kernel(%arg0: i32, %arg1: i32, %arg2: memref<10240x64xf32, #tpu.memory_space<hbm>>, %arg3: memref<32x80x128xi32, #tpu.memory_space<hbm>>, %arg4: memref<32x80x128xi32, #tpu.memory_space<hbm>>, %arg5: memref<2x10240x64xf32, #tpu.memory_space<hbm>>, %arg6: memref<80x128xi32, #tpu.memory_space<vmem>>, %arg7: memref<80x128xi32, #tpu.memory_space<vmem>>, %arg8: memref<4x128x64xf32, #tpu.memory_space<vmem>>, %arg9: memref<16x64xf32, #tpu.memory_space<vmem>>, %arg10: memref<128x64xf32, #tpu.memory_space<vmem>>, %arg11: memref<10240x64xf32, #tpu.memory_space<vmem_shared>>, %arg12: memref<!tpu.dma_semaphore, #tpu.memory_space<semaphore_mem>>, %arg13: memref<!tpu.dma_semaphore, #tpu.memory_space<semaphore_mem>>, %arg14: memref<!tpu.dma_semaphore, #tpu.memory_space<semaphore_mem>>, %arg15: memref<!tpu.dma_semaphore, #tpu.memory_space<semaphore_mem>>, %arg16: memref<!tpu.dma_semaphore, #tpu.memory_space<semaphore_mem>>, %arg17: memref<!tpu.dma_semaphore, #tpu.memory_space<semaphore_mem>>, %arg18: memref<!tpu.dma_semaphore, #tpu.memory_space<semaphore_mem>>, %arg19: memref<!tpu.dma_semaphore, #tpu.memory_space<semaphore_mem>>) attributes {dimension_semantics = [#tpu.dimension_semantics<core_parallel>, #tpu.dimension_semantics<subcore_parallel>], iteration_bounds = array<i64: 2, 16>, scalar_prefetch = 0 : i64, scratch_operands = 14 : i64, tpu.core_type = #tpu.core_type<sc_vector_subcore>, window_params = [{transform_indices = #map}, {transform_indices = #map1}, {transform_indices = #map1}, {transform_indices = #map1}]} {
    %mul3A = arith.constant 16 : i32
    %mul3A_0 = arith.muli %arg0, %mul3A : i32
    %add3A = arith.addi %mul3A_0, %arg1 : i32
    %broadcast_in_dim3A = arith.constant 0.000000e+00 : f32
    %broadcast_in_dim3A_1 = vector.broadcast %broadcast_in_dim3A : f32 to vector<16xf32>
    %swap3A = arith.constant 0 : i32
    %swap3A_2 = arith.index_cast %swap3A : i32 to index
    %swap3A_3 = arith.constant 0 : index
    %swap3A_4 = tpu.vector_load %arg9[%swap3A_2, %swap3A_3] {strides = array<i32>} : memref<16x64xf32, #tpu.memory_space<vmem>>, vector<1x16xf32>,
    %swap3A_5 = vector.shape_cast %swap3A_4 : vector<1x16xf32> to vector<16xf32>
    %swap3A_6 = vector.shape_cast %broadcast_in_dim3A_1 : vector<16xf32> to vector<1x16xf32>
    tpu.vector_store %arg9[%swap3A_2, %swap3A_3], %swap3A_6 {strides = array<i32>} : memref<16x64xf32, #tpu.memory_space<vmem>>, vector<1x16xf32>,
    %swap3A_7 = arith.constant 0 : i32
    %swap3A_8 = arith.index_cast %swap3A_7 : i32 to index
    %swap3A_9 = arith.constant 16 : index
    %swap3A_10 = tpu.vector_load %arg9[%swap3A_8, %swap3A_9] {strides = array<i32>} : memref<16x64xf32, #tpu.memory_space<vmem>>, vector<1x16xf32>,
    %swap3A_11 = vector.shape_cast %swap3A_10 : vector<1x16xf32> to vector<16xf32>
    %swap3A_12 = vector.shape_cast %broadcast_in_dim3A_1 : vector<16xf32> to vector<1x16xf32>
    tpu.vector_store %arg9[%swap3A_8, %swap3A_9], %swap3A_12 {strides = array<i32>} : memref<16x64xf32, #tpu.memory_space<vmem>>, vector<1x16xf32>,
    %swap3A_13 = arith.constant 0 : i32
    %swap3A_14 = arith.index_cast %swap3A_13 : i32 to index
    %swap3A_15 = arith.constant 32 : index
    %swap3A_16 = tpu.vector_load %arg9[%swap3A_14, %swap3A_15] {strides = array<i32>} : memref<16x64xf32, #tpu.memory_space<vmem>>, vector<1x16xf32>,
    %swap3A_17 = vector.shape_cast %swap3A_16 : vector<1x16xf32> to vector<16xf32>
    %swap3A_18 = vector.shape_cast %broadcast_in_dim3A_1 : vector<16xf32> to vector<1x16xf32>
    tpu.vector_store %arg9[%swap3A_14, %swap3A_15], %swap3A_18 {strides = array<i32>} : memref<16x64xf32, #tpu.memory_space<vmem>>, vector<1x16xf32>,
    %swap3A_19 = arith.constant 0 : i32
    %swap3A_20 = arith.index_cast %swap3A_19 : i32 to index
    %swap3A_21 = arith.constant 48 : index
    %swap3A_22 = tpu.vector_load %arg9[%swap3A_20, %swap3A_21] {strides = array<i32>} : memref<16x64xf32, #tpu.memory_space<vmem>>, vector<1x16xf32>,
    %swap3A_23 = vector.shape_cast %swap3A_22 : vector<1x16xf32> to vector<16xf32>
    %swap3A_24 = vector.shape_cast %broadcast_in_dim3A_1 : vector<16xf32> to vector<1x16xf32>
    tpu.vector_store %arg9[%swap3A_20, %swap3A_21], %swap3A_24 {strides = array<i32>} : memref<16x64xf32, #tpu.memory_space<vmem>>, vector<1x16xf32>,
    %swap3A_25 = arith.constant 1 : i32
    %swap3A_26 = arith.index_cast %swap3A_25 : i32 to index
    %swap3A_27 = arith.constant 0 : index
    %swap3A_28 = tpu.vector_load %arg9[%swap3A_26, %swap3A_27] {strides = array<i32>} : memref<16x64xf32, #tpu.memory_space<vmem>>, vector<1x16xf32>,
    %swap3A_29 = vector.shape_cast %swap3A_28 : vector<1x16xf32> to vector<16xf32>
    %swap3A_30 = vector.shape_cast %broadcast_in_dim3A_1 : vector<16xf32> to vector<1x16xf32>
    tpu.vector_store %arg9[%swap3A_26, %swap3A_27], %swap3A_30 {strides = array<i32>} : memref<16x64xf32, #tpu.memory_space<vmem>>, vector<1x16xf32>,
    %swap3A_31 = arith.constant 1 : i32
    %swap3A_32 = arith.index_cast %swap3A_31 : i32 to index
    %swap3A_33 = arith.constant 16 : index
    %swap3A_34 = tpu.vector_load %arg9[%swap3A_32, %swap3A_33] {strides = array<i32>} : memref<16x64xf32, #tpu.memory_space<vmem>>, vector<1x16xf32>,
    %swap3A_35 = vector.shape_cast %swap3A_34 : vector<1x16xf32> to vector<16xf32>
    %swap3A_36 = vector.shape_cast %broadcast_in_dim3A_1 : vector<16xf32> to vector<1x16xf32>
    tpu.vector_store %arg9[%swap3A_32, %swap3A_33], %swap3A_36 {strides = array<i32>} : memref<16x64xf32, #tpu.memory_space<vmem>>, vector<1x16xf32>,
    %swap3A_37 = arith.constant 1 : i32
    %swap3A_38 = arith.index_cast %swap3A_37 : i32 to index
    %swap3A_39 = arith.constant 32 : index
    %swap3A_40 = tpu.vector_load %arg9[%swap3A_38, %swap3A_39] {strides = array<i32>} : memref<16x64xf32, #tpu.memory_space<vmem>>, vector<1x16xf32>,
    %swap3A_41 = vector.shape_cast %swap3A_40 : vector<1x16xf32> to vector<16xf32>
    %swap3A_42 = vector.shape_cast %broadcast_in_dim3A_1 : vector<16xf32> to vector<1x16xf32>
    tpu.vector_store %arg9[%swap3A_38, %swap3A_39], %swap3A_42 {strides = array<i32>} : memref<16x64xf32, #tpu.memory_space<vmem>>, vector<1x16xf32>,
    %swap3A_43 = arith.constant 1 : i32
    %swap3A_44 = arith.index_cast %swap3A_43 : i32 to index
    %swap3A_45 = arith.constant 48 : index
    %swap3A_46 = tpu.vector_load %arg9[%swap3A_44, %swap3A_45] {strides = array<i32>} : memref<16x64xf32, #tpu.memory_space<vmem>>, vector<1x16xf32>,
    %swap3A_47 = vector.shape_cast %swap3A_46 : vector<1x16xf32> to vector<16xf32>
    %swap3A_48 = vector.shape_cast %broadcast_in_dim3A_1 : vector<16xf32> to vector<1x16xf32>
    tpu.vector_store %arg9[%swap3A_44, %swap3A_45], %swap3A_48 {strides = array<i32>} : memref<16x64xf32, #tpu.memory_space<vmem>>, vector<1x16xf32>,
    %swap3A_49 = arith.constant 2 : i32
    %swap3A_50 = arith.index_cast %swap3A_49 : i32 to index
    %swap3A_51 = arith.constant 0 : index
    %swap3A_52 = tpu.vector_load %arg9[%swap3A_50, %swap3A_51] {strides = array<i32>} : memref<16x64xf32, #tpu.memory_space<vmem>>, vector<1x16xf32>,
    %swap3A_53 = vector.shape_cast %swap3A_52 : vector<1x16xf32> to vector<16xf32>
    %swap3A_54 = vector.shape_cast %broadcast_in_dim3A_1 : vector<16xf32> to vector<1x16xf32>
    tpu.vector_store %arg9[%swap3A_50, %swap3A_51], %swap3A_54 {strides = array<i32>} : memref<16x64xf32, #tpu.memory_space<vmem>>, vector<1x16xf32>,
    %swap3A_55 = arith.constant 2 : i32
    %swap3A_56 = arith.index_cast %swap3A_55 : i32 to index
    %swap3A_57 = arith.constant 16 : index
    %swap3A_58 = tpu.vector_load %arg9[%swap3A_56, %swap3A_57] {strides = array<i32>} : memref<16x64xf32, #tpu.memory_space<vmem>>, vector<1x16xf32>,
    %swap3A_59 = vector.shape_cast %swap3A_58 : vector<1x16xf32> to vector<16xf32>
    %swap3A_60 = vector.shape_cast %broadcast_in_dim3A_1 : vector<16xf32> to vector<1x16xf32>
    tpu.vector_store %arg9[%swap3A_56, %swap3A_57], %swap3A_60 {strides = array<i32>} : memref<16x64xf32, #tpu.memory_space<vmem>>, vector<1x16xf32>,
    %swap3A_61 = arith.constant 2 : i32
    %swap3A_62 = arith.index_cast %swap3A_61 : i32 to index
    %swap3A_63 = arith.constant 32 : index
    %swap3A_64 = tpu.vector_load %arg9[%swap3A_62, %swap3A_63] {strides = array<i32>} : memref<16x64xf32, #tpu.memory_space<vmem>>, vector<1x16xf32>,
    %swap3A_65 = vector.shape_cast %swap3A_64 : vector<1x16xf32> to vector<16xf32>
    %swap3A_66 = vector.shape_cast %broadcast_in_dim3A_1 : vector<16xf32> to vector<1x16xf32>
    tpu.vector_store %arg9[%swap3A_62, %swap3A_63], %swap3A_66 {strides = array<i32>} : memref<16x64xf32, #tpu.memory_space<vmem>>, vector<1x16xf32>,
    %swap3A_67 = arith.constant 2 : i32
    %swap3A_68 = arith.index_cast %swap3A_67 : i32 to index
    %swap3A_69 = arith.constant 48 : index
    %swap3A_70 = tpu.vector_load %arg9[%swap3A_68, %swap3A_69] {strides = array<i32>} : memref<16x64xf32, #tpu.memory_space<vmem>>, vector<1x16xf32>,
    %swap3A_71 = vector.shape_cast %swap3A_70 : vector<1x16xf32> to vector<16xf32>
    %swap3A_72 = vector.shape_cast %broadcast_in_dim3A_1 : vector<16xf32> to vector<1x16xf32>
    tpu.vector_store %arg9[%swap3A_68, %swap3A_69], %swap3A_72 {strides = array<i32>} : memref<16x64xf32, #tpu.memory_space<vmem>>, vector<1x16xf32>,
    %swap3A_73 = arith.constant 3 : i32
    %swap3A_74 = arith.index_cast %swap3A_73 : i32 to index
    %swap3A_75 = arith.constant 0 : index
    %swap3A_76 = tpu.vector_load %arg9[%swap3A_74, %swap3A_75] {strides = array<i32>} : memref<16x64xf32, #tpu.memory_space<vmem>>, vector<1x16xf32>,
    %swap3A_77 = vector.shape_cast %swap3A_76 : vector<1x16xf32> to vector<16xf32>
    %swap3A_78 = vector.shape_cast %broadcast_in_dim3A_1 : vector<16xf32> to vector<1x16xf32>
    tpu.vector_store %arg9[%swap3A_74, %swap3A_75], %swap3A_78 {strides = array<i32>} : memref<16x64xf32, #tpu.memory_space<vmem>>, vector<1x16xf32>,
    %swap3A_79 = arith.constant 3 : i32
    %swap3A_80 = arith.index_cast %swap3A_79 : i32 to index
    %swap3A_81 = arith.constant 16 : index
    %swap3A_82 = tpu.vector_load %arg9[%swap3A_80, %swap3A_81] {strides = array<i32>} : memref<16x64xf32, #tpu.memory_space<vmem>>, vector<1x16xf32>,
    %swap3A_83 = vector.shape_cast %swap3A_82 : vector<1x16xf32> to vector<16xf32>
    %swap3A_84 = vector.shape_cast %broadcast_in_dim3A_1 : vector<16xf32> to vector<1x16xf32>
    tpu.vector_store %arg9[%swap3A_80, %swap3A_81], %swap3A_84 {strides = array<i32>} : memref<16x64xf32, #tpu.memory_space<vmem>>, vector<1x16xf32>,
    %swap3A_85 = arith.constant 3 : i32
    %swap3A_86 = arith.index_cast %swap3A_85 : i32 to index
    %swap3A_87 = arith.constant 32 : index
    %swap3A_88 = tpu.vector_load %arg9[%swap3A_86, %swap3A_87] {strides = array<i32>} : memref<16x64xf32, #tpu.memory_space<vmem>>, vector<1x16xf32>,
    %swap3A_89 = vector.shape_cast %swap3A_88 : vector<1x16xf32> to vector<16xf32>
    %swap3A_90 = vector.shape_cast %broadcast_in_dim3A_1 : vector<16xf32> to vector<1x16xf32>
    tpu.vector_store %arg9[%swap3A_86, %swap3A_87], %swap3A_90 {strides = array<i32>} : memref<16x64xf32, #tpu.memory_space<vmem>>, vector<1x16xf32>,
    %swap3A_91 = arith.constant 3 : i32
    %swap3A_92 = arith.index_cast %swap3A_91 : i32 to index
    %swap3A_93 = arith.constant 48 : index
    %swap3A_94 = tpu.vector_load %arg9[%swap3A_92, %swap3A_93] {strides = array<i32>} : memref<16x64xf32, #tpu.memory_space<vmem>>, vector<1x16xf32>,
    %swap3A_95 = vector.shape_cast %swap3A_94 : vector<1x16xf32> to vector<16xf32>
    %swap3A_96 = vector.shape_cast %broadcast_in_dim3A_1 : vector<16xf32> to vector<1x16xf32>
    tpu.vector_store %arg9[%swap3A_92, %swap3A_93], %swap3A_96 {strides = array<i32>} : memref<16x64xf32, #tpu.memory_space<vmem>>, vector<1x16xf32>,
    %swap3A_97 = arith.constant 4 : i32
    %swap3A_98 = arith.index_cast %swap3A_97 : i32 to index
    %swap3A_99 = arith.constant 0 : index
    %swap3A_100 = tpu.vector_load %arg9[%swap3A_98, %swap3A_99] {strides = array<i32>} : memref<16x64xf32, #tpu.memory_space<vmem>>, vector<1x16xf32>,
    %swap3A_101 = vector.shape_cast %swap3A_100 : vector<1x16xf32> to vector<16xf32>
    %swap3A_102 = vector.shape_cast %broadcast_in_dim3A_1 : vector<16xf32> to vector<1x16xf32>
    tpu.vector_store %arg9[%swap3A_98, %swap3A_99], %swap3A_102 {strides = array<i32>} : memref<16x64xf32, #tpu.memory_space<vmem>>, vector<1x16xf32>,
    %swap3A_103 = arith.constant 4 : i32
    %swap3A_104 = arith.index_cast %swap3A_103 : i32 to index
    %swap3A_105 = arith.constant 16 : index
    %swap3A_106 = tpu.vector_load %arg9[%swap3A_104, %swap3A_105] {strides = array<i32>} : memref<16x64xf32, #tpu.memory_space<vmem>>, vector<1x16xf32>,
    %swap3A_107 = vector.shape_cast %swap3A_106 : vector<1x16xf32> to vector<16xf32>
    %swap3A_108 = vector.shape_cast %broadcast_in_dim3A_1 : vector<16xf32> to vector<1x16xf32>
    tpu.vector_store %arg9[%swap3A_104, %swap3A_105], %swap3A_108 {strides = array<i32>} : memref<16x64xf32, #tpu.memory_space<vmem>>, vector<1x16xf32>,
    %swap3A_109 = arith.constant 4 : i32
    %swap3A_110 = arith.index_cast %swap3A_109 : i32 to index
    %swap3A_111 = arith.constant 32 : index
    %swap3A_112 = tpu.vector_load %arg9[%swap3A_110, %swap3A_111] {strides = array<i32>} : memref<16x64xf32, #tpu.memory_space<vmem>>, vector<1x16xf32>,
    %swap3A_113 = vector.shape_cast %swap3A_112 : vector<1x16xf32> to vector<16xf32>
    %swap3A_114 = vector.shape_cast %broadcast_in_dim3A_1 : vector<16xf32> to vector<1x16xf32>
    tpu.vector_store %arg9[%swap3A_110, %swap3A_111], %swap3A_114 {strides = array<i32>} : memref<16x64xf32, #tpu.memory_space<vmem>>, vector<1x16xf32>,
    %swap3A_115 = arith.constant 4 : i32
    %swap3A_116 = arith.index_cast %swap3A_115 : i32 to index
    %swap3A_117 = arith.constant 48 : index
    %swap3A_118 = tpu.vector_load %arg9[%swap3A_116, %swap3A_117] {strides = array<i32>} : memref<16x64xf32, #tpu.memory_space<vmem>>, vector<1x16xf32>,
    %swap3A_119 = vector.shape_cast %swap3A_118 : vector<1x16xf32> to vector<16xf32>
    %swap3A_120 = vector.shape_cast %broadcast_in_dim3A_1 : vector<16xf32> to vector<1x16xf32>
    tpu.vector_store %arg9[%swap3A_116, %swap3A_117], %swap3A_120 {strides = array<i32>} : memref<16x64xf32, #tpu.memory_space<vmem>>, vector<1x16xf32>,
    %swap3A_121 = arith.constant 5 : i32
    %swap3A_122 = arith.index_cast %swap3A_121 : i32 to index
    %swap3A_123 = arith.constant 0 : index
    %swap3A_124 = tpu.vector_load %arg9[%swap3A_122, %swap3A_123] {strides = array<i32>} : memref<16x64xf32, #tpu.memory_space<vmem>>, vector<1x16xf32>,
    %swap3A_125 = vector.shape_cast %swap3A_124 : vector<1x16xf32> to vector<16xf32>
    %swap3A_126 = vector.shape_cast %broadcast_in_dim3A_1 : vector<16xf32> to vector<1x16xf32>
    tpu.vector_store %arg9[%swap3A_122, %swap3A_123], %swap3A_126 {strides = array<i32>} : memref<16x64xf32, #tpu.memory_space<vmem>>, vector<1x16xf32>,
    %swap3A_127 = arith.constant 5 : i32
    %swap3A_128 = arith.index_cast %swap3A_127 : i32 to index
    %swap3A_129 = arith.constant 16 : index
    %swap3A_130 = tpu.vector_load %arg9[%swap3A_128, %swap3A_129] {strides = array<i32>} : memref<16x64xf32, #tpu.memory_space<vmem>>, vector<1x16xf32>,
    %swap3A_131 = vector.shape_cast %swap3A_130 : vector<1x16xf32> to vector<16xf32>
    %swap3A_132 = vector.shape_cast %broadcast_in_dim3A_1 : vector<16xf32> to vector<1x16xf32>
    tpu.vector_store %arg9[%swap3A_128, %swap3A_129], %swap3A_132 {strides = array<i32>} : memref<16x64xf32, #tpu.memory_space<vmem>>, vector<1x16xf32>,
    %swap3A_133 = arith.constant 5 : i32
    %swap3A_134 = arith.index_cast %swap3A_133 : i32 to index
    %swap3A_135 = arith.constant 32 : index
    %swap3A_136 = tpu.vector_load %arg9[%swap3A_134, %swap3A_135] {strides = array<i32>} : memref<16x64xf32, #tpu.memory_space<vmem>>, vector<1x16xf32>,
    %swap3A_137 = vector.shape_cast %swap3A_136 : vector<1x16xf32> to vector<16xf32>
    %swap3A_138 = vector.shape_cast %broadcast_in_dim3A_1 : vector<16xf32> to vector<1x16xf32>
    tpu.vector_store %arg9[%swap3A_134, %swap3A_135], %swap3A_138 {strides = array<i32>} : memref<16x64xf32, #tpu.memory_space<vmem>>, vector<1x16xf32>,
    %swap3A_139 = arith.constant 5 : i32
    %swap3A_140 = arith.index_cast %swap3A_139 : i32 to index
    %swap3A_141 = arith.constant 48 : index
    %swap3A_142 = tpu.vector_load %arg9[%swap3A_140, %swap3A_141] {strides = array<i32>} : memref<16x64xf32, #tpu.memory_space<vmem>>, vector<1x16xf32>,
    %swap3A_143 = vector.shape_cast %swap3A_142 : vector<1x16xf32> to vector<16xf32>
    %swap3A_144 = vector.shape_cast %broadcast_in_dim3A_1 : vector<16xf32> to vector<1x16xf32>
    tpu.vector_store %arg9[%swap3A_140, %swap3A_141], %swap3A_144 {strides = array<i32>} : memref<16x64xf32, #tpu.memory_space<vmem>>, vector<1x16xf32>,
    %swap3A_145 = arith.constant 6 : i32
    %swap3A_146 = arith.index_cast %swap3A_145 : i32 to index
    %swap3A_147 = arith.constant 0 : index
    %swap3A_148 = tpu.vector_load %arg9[%swap3A_146, %swap3A_147] {strides = array<i32>} : memref<16x64xf32, #tpu.memory_space<vmem>>, vector<1x16xf32>,
    %swap3A_149 = vector.shape_cast %swap3A_148 : vector<1x16xf32> to vector<16xf32>
    %swap3A_150 = vector.shape_cast %broadcast_in_dim3A_1 : vector<16xf32> to vector<1x16xf32>
    tpu.vector_store %arg9[%swap3A_146, %swap3A_147], %swap3A_150 {strides = array<i32>} : memref<16x64xf32, #tpu.memory_space<vmem>>, vector<1x16xf32>,
    %swap3A_151 = arith.constant 6 : i32
    %swap3A_152 = arith.index_cast %swap3A_151 : i32 to index
    %swap3A_153 = arith.constant 16 : index
    %swap3A_154 = tpu.vector_load %arg9[%swap3A_152, %swap3A_153] {strides = array<i32>} : memref<16x64xf32, #tpu.memory_space<vmem>>, vector<1x16xf32>,
    %swap3A_155 = vector.shape_cast %swap3A_154 : vector<1x16xf32> to vector<16xf32>
    %swap3A_156 = vector.shape_cast %broadcast_in_dim3A_1 : vector<16xf32> to vector<1x16xf32>
    tpu.vector_store %arg9[%swap3A_152, %swap3A_153], %swap3A_156 {strides = array<i32>} : memref<16x64xf32, #tpu.memory_space<vmem>>, vector<1x16xf32>,
    %swap3A_157 = arith.constant 6 : i32
    %swap3A_158 = arith.index_cast %swap3A_157 : i32 to index
    %swap3A_159 = arith.constant 32 : index
    %swap3A_160 = tpu.vector_load %arg9[%swap3A_158, %swap3A_159] {strides = array<i32>} : memref<16x64xf32, #tpu.memory_space<vmem>>, vector<1x16xf32>,
    %swap3A_161 = vector.shape_cast %swap3A_160 : vector<1x16xf32> to vector<16xf32>
    %swap3A_162 = vector.shape_cast %broadcast_in_dim3A_1 : vector<16xf32> to vector<1x16xf32>
    tpu.vector_store %arg9[%swap3A_158, %swap3A_159], %swap3A_162 {strides = array<i32>} : memref<16x64xf32, #tpu.memory_space<vmem>>, vector<1x16xf32>,
    %swap3A_163 = arith.constant 6 : i32
    %swap3A_164 = arith.index_cast %swap3A_163 : i32 to index
    %swap3A_165 = arith.constant 48 : index
    %swap3A_166 = tpu.vector_load %arg9[%swap3A_164, %swap3A_165] {strides = array<i32>} : memref<16x64xf32, #tpu.memory_space<vmem>>, vector<1x16xf32>,
    %swap3A_167 = vector.shape_cast %swap3A_166 : vector<1x16xf32> to vector<16xf32>
    %swap3A_168 = vector.shape_cast %broadcast_in_dim3A_1 : vector<16xf32> to vector<1x16xf32>
    tpu.vector_store %arg9[%swap3A_164, %swap3A_165], %swap3A_168 {strides = array<i32>} : memref<16x64xf32, #tpu.memory_space<vmem>>, vector<1x16xf32>,
    %swap3A_169 = arith.constant 7 : i32
    %swap3A_170 = arith.index_cast %swap3A_169 : i32 to index
    %swap3A_171 = arith.constant 0 : index
    %swap3A_172 = tpu.vector_load %arg9[%swap3A_170, %swap3A_171] {strides = array<i32>} : memref<16x64xf32, #tpu.memory_space<vmem>>, vector<1x16xf32>,
    %swap3A_173 = vector.shape_cast %swap3A_172 : vector<1x16xf32> to vector<16xf32>
    %swap3A_174 = vector.shape_cast %broadcast_in_dim3A_1 : vector<16xf32> to vector<1x16xf32>
    tpu.vector_store %arg9[%swap3A_170, %swap3A_171], %swap3A_174 {strides = array<i32>} : memref<16x64xf32, #tpu.memory_space<vmem>>, vector<1x16xf32>,
    %swap3A_175 = arith.constant 7 : i32
    %swap3A_176 = arith.index_cast %swap3A_175 : i32 to index
    %swap3A_177 = arith.constant 16 : index
    %swap3A_178 = tpu.vector_load %arg9[%swap3A_176, %swap3A_177] {strides = array<i32>} : memref<16x64xf32, #tpu.memory_space<vmem>>, vector<1x16xf32>,
    %swap3A_179 = vector.shape_cast %swap3A_178 : vector<1x16xf32> to vector<16xf32>
    %swap3A_180 = vector.shape_cast %broadcast_in_dim3A_1 : vector<16xf32> to vector<1x16xf32>
    tpu.vector_store %arg9[%swap3A_176, %swap3A_177], %swap3A_180 {strides = array<i32>} : memref<16x64xf32, #tpu.memory_space<vmem>>, vector<1x16xf32>,
    %swap3A_181 = arith.constant 7 : i32
    %swap3A_182 = arith.index_cast %swap3A_181 : i32 to index
    %swap3A_183 = arith.constant 32 : index
    %swap3A_184 = tpu.vector_load %arg9[%swap3A_182, %swap3A_183] {strides = array<i32>} : memref<16x64xf32, #tpu.memory_space<vmem>>, vector<1x16xf32>,
    %swap3A_185 = vector.shape_cast %swap3A_184 : vector<1x16xf32> to vector<16xf32>
    %swap3A_186 = vector.shape_cast %broadcast_in_dim3A_1 : vector<16xf32> to vector<1x16xf32>
    tpu.vector_store %arg9[%swap3A_182, %swap3A_183], %swap3A_186 {strides = array<i32>} : memref<16x64xf32, #tpu.memory_space<vmem>>, vector<1x16xf32>,
    %swap3A_187 = arith.constant 7 : i32
    %swap3A_188 = arith.index_cast %swap3A_187 : i32 to index
    %swap3A_189 = arith.constant 48 : index
    %swap3A_190 = tpu.vector_load %arg9[%swap3A_188, %swap3A_189] {strides = array<i32>} : memref<16x64xf32, #tpu.memory_space<vmem>>, vector<1x16xf32>,
    %swap3A_191 = vector.shape_cast %swap3A_190 : vector<1x16xf32> to vector<16xf32>
    %swap3A_192 = vector.shape_cast %broadcast_in_dim3A_1 : vector<16xf32> to vector<1x16xf32>
    tpu.vector_store %arg9[%swap3A_188, %swap3A_189], %swap3A_192 {strides = array<i32>} : memref<16x64xf32, #tpu.memory_space<vmem>>, vector<1x16xf32>,
    %swap3A_193 = arith.constant 8 : i32
    %swap3A_194 = arith.index_cast %swap3A_193 : i32 to index
    %swap3A_195 = arith.constant 0 : index
    %swap3A_196 = tpu.vector_load %arg9[%swap3A_194, %swap3A_195] {strides = array<i32>} : memref<16x64xf32, #tpu.memory_space<vmem>>, vector<1x16xf32>,
    %swap3A_197 = vector.shape_cast %swap3A_196 : vector<1x16xf32> to vector<16xf32>
    %swap3A_198 = vector.shape_cast %broadcast_in_dim3A_1 : vector<16xf32> to vector<1x16xf32>
    tpu.vector_store %arg9[%swap3A_194, %swap3A_195], %swap3A_198 {strides = array<i32>} : memref<16x64xf32, #tpu.memory_space<vmem>>, vector<1x16xf32>,
    %swap3A_199 = arith.constant 8 : i32
    %swap3A_200 = arith.index_cast %swap3A_199 : i32 to index
    %swap3A_201 = arith.constant 16 : index
    %swap3A_202 = tpu.vector_load %arg9[%swap3A_200, %swap3A_201] {strides = array<i32>} : memref<16x64xf32, #tpu.memory_space<vmem>>, vector<1x16xf32>,
    %swap3A_203 = vector.shape_cast %swap3A_202 : vector<1x16xf32> to vector<16xf32>
    %swap3A_204 = vector.shape_cast %broadcast_in_dim3A_1 : vector<16xf32> to vector<1x16xf32>
    tpu.vector_store %arg9[%swap3A_200, %swap3A_201], %swap3A_204 {strides = array<i32>} : memref<16x64xf32, #tpu.memory_space<vmem>>, vector<1x16xf32>,
    %swap3A_205 = arith.constant 8 : i32
    %swap3A_206 = arith.index_cast %swap3A_205 : i32 to index
    %swap3A_207 = arith.constant 32 : index
    %swap3A_208 = tpu.vector_load %arg9[%swap3A_206, %swap3A_207] {strides = array<i32>} : memref<16x64xf32, #tpu.memory_space<vmem>>, vector<1x16xf32>,
    %swap3A_209 = vector.shape_cast %swap3A_208 : vector<1x16xf32> to vector<16xf32>
    %swap3A_210 = vector.shape_cast %broadcast_in_dim3A_1 : vector<16xf32> to vector<1x16xf32>
    tpu.vector_store %arg9[%swap3A_206, %swap3A_207], %swap3A_210 {strides = array<i32>} : memref<16x64xf32, #tpu.memory_space<vmem>>, vector<1x16xf32>,
    %swap3A_211 = arith.constant 8 : i32
    %swap3A_212 = arith.index_cast %swap3A_211 : i32 to index
    %swap3A_213 = arith.constant 48 : index
    %swap3A_214 = tpu.vector_load %arg9[%swap3A_212, %swap3A_213] {strides = array<i32>} : memref<16x64xf32, #tpu.memory_space<vmem>>, vector<1x16xf32>,
    %swap3A_215 = vector.shape_cast %swap3A_214 : vector<1x16xf32> to vector<16xf32>
    %swap3A_216 = vector.shape_cast %broadcast_in_dim3A_1 : vector<16xf32> to vector<1x16xf32>
    tpu.vector_store %arg9[%swap3A_212, %swap3A_213], %swap3A_216 {strides = array<i32>} : memref<16x64xf32, #tpu.memory_space<vmem>>, vector<1x16xf32>,
    %swap3A_217 = arith.constant 9 : i32
    %swap3A_218 = arith.index_cast %swap3A_217 : i32 to index
    %swap3A_219 = arith.constant 0 : index
    %swap3A_220 = tpu.vector_load %arg9[%swap3A_218, %swap3A_219] {strides = array<i32>} : memref<16x64xf32, #tpu.memory_space<vmem>>, vector<1x16xf32>,
    %swap3A_221 = vector.shape_cast %swap3A_220 : vector<1x16xf32> to vector<16xf32>
    %swap3A_222 = vector.shape_cast %broadcast_in_dim3A_1 : vector<16xf32> to vector<1x16xf32>
    tpu.vector_store %arg9[%swap3A_218, %swap3A_219], %swap3A_222 {strides = array<i32>} : memref<16x64xf32, #tpu.memory_space<vmem>>, vector<1x16xf32>,
    %swap3A_223 = arith.constant 9 : i32
    %swap3A_224 = arith.index_cast %swap3A_223 : i32 to index
    %swap3A_225 = arith.constant 16 : index
    %swap3A_226 = tpu.vector_load %arg9[%swap3A_224, %swap3A_225] {strides = array<i32>} : memref<16x64xf32, #tpu.memory_space<vmem>>, vector<1x16xf32>,
    %swap3A_227 = vector.shape_cast %swap3A_226 : vector<1x16xf32> to vector<16xf32>
    %swap3A_228 = vector.shape_cast %broadcast_in_dim3A_1 : vector<16xf32> to vector<1x16xf32>
    tpu.vector_store %arg9[%swap3A_224, %swap3A_225], %swap3A_228 {strides = array<i32>} : memref<16x64xf32, #tpu.memory_space<vmem>>, vector<1x16xf32>,
    %swap3A_229 = arith.constant 9 : i32
    %swap3A_230 = arith.index_cast %swap3A_229 : i32 to index
    %swap3A_231 = arith.constant 32 : index
    %swap3A_232 = tpu.vector_load %arg9[%swap3A_230, %swap3A_231] {strides = array<i32>} : memref<16x64xf32, #tpu.memory_space<vmem>>, vector<1x16xf32>,
    %swap3A_233 = vector.shape_cast %swap3A_232 : vector<1x16xf32> to vector<16xf32>
    %swap3A_234 = vector.shape_cast %broadcast_in_dim3A_1 : vector<16xf32> to vector<1x16xf32>
    tpu.vector_store %arg9[%swap3A_230, %swap3A_231], %swap3A_234 {strides = array<i32>} : memref<16x64xf32, #tpu.memory_space<vmem>>, vector<1x16xf32>,
    %swap3A_235 = arith.constant 9 : i32
    %swap3A_236 = arith.index_cast %swap3A_235 : i32 to index
    %swap3A_237 = arith.constant 48 : index
    %swap3A_238 = tpu.vector_load %arg9[%swap3A_236, %swap3A_237] {strides = array<i32>} : memref<16x64xf32, #tpu.memory_space<vmem>>, vector<1x16xf32>,
    %swap3A_239 = vector.shape_cast %swap3A_238 : vector<1x16xf32> to vector<16xf32>
    %swap3A_240 = vector.shape_cast %broadcast_in_dim3A_1 : vector<16xf32> to vector<1x16xf32>
    tpu.vector_store %arg9[%swap3A_236, %swap3A_237], %swap3A_240 {strides = array<i32>} : memref<16x64xf32, #tpu.memory_space<vmem>>, vector<1x16xf32>,
    %swap3A_241 = arith.constant 10 : i32
    %swap3A_242 = arith.index_cast %swap3A_241 : i32 to index
    %swap3A_243 = arith.constant 0 : index
    %swap3A_244 = tpu.vector_load %arg9[%swap3A_242, %swap3A_243] {strides = array<i32>} : memref<16x64xf32, #tpu.memory_space<vmem>>, vector<1x16xf32>,
    %swap3A_245 = vector.shape_cast %swap3A_244 : vector<1x16xf32> to vector<16xf32>
    %swap3A_246 = vector.shape_cast %broadcast_in_dim3A_1 : vector<16xf32> to vector<1x16xf32>
    tpu.vector_store %arg9[%swap3A_242, %swap3A_243], %swap3A_246 {strides = array<i32>} : memref<16x64xf32, #tpu.memory_space<vmem>>, vector<1x16xf32>,
    %swap3A_247 = arith.constant 10 : i32
    %swap3A_248 = arith.index_cast %swap3A_247 : i32 to index
    %swap3A_249 = arith.constant 16 : index
    %swap3A_250 = tpu.vector_load %arg9[%swap3A_248, %swap3A_249] {strides = array<i32>} : memref<16x64xf32, #tpu.memory_space<vmem>>, vector<1x16xf32>,
    %swap3A_251 = vector.shape_cast %swap3A_250 : vector<1x16xf32> to vector<16xf32>
    %swap3A_252 = vector.shape_cast %broadcast_in_dim3A_1 : vector<16xf32> to vector<1x16xf32>
    tpu.vector_store %arg9[%swap3A_248, %swap3A_249], %swap3A_252 {strides = array<i32>} : memref<16x64xf32, #tpu.memory_space<vmem>>, vector<1x16xf32>,
    %swap3A_253 = arith.constant 10 : i32
    %swap3A_254 = arith.index_cast %swap3A_253 : i32 to index
    %swap3A_255 = arith.constant 32 : index
    %swap3A_256 = tpu.vector_load %arg9[%swap3A_254, %swap3A_255] {strides = array<i32>} : memref<16x64xf32, #tpu.memory_space<vmem>>, vector<1x16xf32>,
    %swap3A_257 = vector.shape_cast %swap3A_256 : vector<1x16xf32> to vector<16xf32>
    %swap3A_258 = vector.shape_cast %broadcast_in_dim3A_1 : vector<16xf32> to vector<1x16xf32>
    tpu.vector_store %arg9[%swap3A_254, %swap3A_255], %swap3A_258 {strides = array<i32>} : memref<16x64xf32, #tpu.memory_space<vmem>>, vector<1x16xf32>,
    %swap3A_259 = arith.constant 10 : i32
    %swap3A_260 = arith.index_cast %swap3A_259 : i32 to index
    %swap3A_261 = arith.constant 48 : index
    %swap3A_262 = tpu.vector_load %arg9[%swap3A_260, %swap3A_261] {strides = array<i32>} : memref<16x64xf32, #tpu.memory_space<vmem>>, vector<1x16xf32>,
    %swap3A_263 = vector.shape_cast %swap3A_262 : vector<1x16xf32> to vector<16xf32>
    %swap3A_264 = vector.shape_cast %broadcast_in_dim3A_1 : vector<16xf32> to vector<1x16xf32>
    tpu.vector_store %arg9[%swap3A_260, %swap3A_261], %swap3A_264 {strides = array<i32>} : memref<16x64xf32, #tpu.memory_space<vmem>>, vector<1x16xf32>,
    %swap3A_265 = arith.constant 11 : i32
    %swap3A_266 = arith.index_cast %swap3A_265 : i32 to index
    %swap3A_267 = arith.constant 0 : index
    %swap3A_268 = tpu.vector_load %arg9[%swap3A_266, %swap3A_267] {strides = array<i32>} : memref<16x64xf32, #tpu.memory_space<vmem>>, vector<1x16xf32>,
    %swap3A_269 = vector.shape_cast %swap3A_268 : vector<1x16xf32> to vector<16xf32>
    %swap3A_270 = vector.shape_cast %broadcast_in_dim3A_1 : vector<16xf32> to vector<1x16xf32>
    tpu.vector_store %arg9[%swap3A_266, %swap3A_267], %swap3A_270 {strides = array<i32>} : memref<16x64xf32, #tpu.memory_space<vmem>>, vector<1x16xf32>,
    %swap3A_271 = arith.constant 11 : i32
    %swap3A_272 = arith.index_cast %swap3A_271 : i32 to index
    %swap3A_273 = arith.constant 16 : index
    %swap3A_274 = tpu.vector_load %arg9[%swap3A_272, %swap3A_273] {strides = array<i32>} : memref<16x64xf32, #tpu.memory_space<vmem>>, vector<1x16xf32>,
    %swap3A_275 = vector.shape_cast %swap3A_274 : vector<1x16xf32> to vector<16xf32>
    %swap3A_276 = vector.shape_cast %broadcast_in_dim3A_1 : vector<16xf32> to vector<1x16xf32>
    tpu.vector_store %arg9[%swap3A_272, %swap3A_273], %swap3A_276 {strides = array<i32>} : memref<16x64xf32, #tpu.memory_space<vmem>>, vector<1x16xf32>,
    %swap3A_277 = arith.constant 11 : i32
    %swap3A_278 = arith.index_cast %swap3A_277 : i32 to index
    %swap3A_279 = arith.constant 32 : index
    %swap3A_280 = tpu.vector_load %arg9[%swap3A_278, %swap3A_279] {strides = array<i32>} : memref<16x64xf32, #tpu.memory_space<vmem>>, vector<1x16xf32>,
    %swap3A_281 = vector.shape_cast %swap3A_280 : vector<1x16xf32> to vector<16xf32>
    %swap3A_282 = vector.shape_cast %broadcast_in_dim3A_1 : vector<16xf32> to vector<1x16xf32>
    tpu.vector_store %arg9[%swap3A_278, %swap3A_279], %swap3A_282 {strides = array<i32>} : memref<16x64xf32, #tpu.memory_space<vmem>>, vector<1x16xf32>,
    %swap3A_283 = arith.constant 11 : i32
    %swap3A_284 = arith.index_cast %swap3A_283 : i32 to index
    %swap3A_285 = arith.constant 48 : index
    %swap3A_286 = tpu.vector_load %arg9[%swap3A_284, %swap3A_285] {strides = array<i32>} : memref<16x64xf32, #tpu.memory_space<vmem>>, vector<1x16xf32>,
    %swap3A_287 = vector.shape_cast %swap3A_286 : vector<1x16xf32> to vector<16xf32>
    %swap3A_288 = vector.shape_cast %broadcast_in_dim3A_1 : vector<16xf32> to vector<1x16xf32>
    tpu.vector_store %arg9[%swap3A_284, %swap3A_285], %swap3A_288 {strides = array<i32>} : memref<16x64xf32, #tpu.memory_space<vmem>>, vector<1x16xf32>,
    %swap3A_289 = arith.constant 12 : i32
    %swap3A_290 = arith.index_cast %swap3A_289 : i32 to index
    %swap3A_291 = arith.constant 0 : index
    %swap3A_292 = tpu.vector_load %arg9[%swap3A_290, %swap3A_291] {strides = array<i32>} : memref<16x64xf32, #tpu.memory_space<vmem>>, vector<1x16xf32>,
    %swap3A_293 = vector.shape_cast %swap3A_292 : vector<1x16xf32> to vector<16xf32>
    %swap3A_294 = vector.shape_cast %broadcast_in_dim3A_1 : vector<16xf32> to vector<1x16xf32>
    tpu.vector_store %arg9[%swap3A_290, %swap3A_291], %swap3A_294 {strides = array<i32>} : memref<16x64xf32, #tpu.memory_space<vmem>>, vector<1x16xf32>,
    %swap3A_295 = arith.constant 12 : i32
    %swap3A_296 = arith.index_cast %swap3A_295 : i32 to index
    %swap3A_297 = arith.constant 16 : index
    %swap3A_298 = tpu.vector_load %arg9[%swap3A_296, %swap3A_297] {strides = array<i32>} : memref<16x64xf32, #tpu.memory_space<vmem>>, vector<1x16xf32>,
    %swap3A_299 = vector.shape_cast %swap3A_298 : vector<1x16xf32> to vector<16xf32>
    %swap3A_300 = vector.shape_cast %broadcast_in_dim3A_1 : vector<16xf32> to vector<1x16xf32>
    tpu.vector_store %arg9[%swap3A_296, %swap3A_297], %swap3A_300 {strides = array<i32>} : memref<16x64xf32, #tpu.memory_space<vmem>>, vector<1x16xf32>,
    %swap3A_301 = arith.constant 12 : i32
    %swap3A_302 = arith.index_cast %swap3A_301 : i32 to index
    %swap3A_303 = arith.constant 32 : index
    %swap3A_304 = tpu.vector_load %arg9[%swap3A_302, %swap3A_303] {strides = array<i32>} : memref<16x64xf32, #tpu.memory_space<vmem>>, vector<1x16xf32>,
    %swap3A_305 = vector.shape_cast %swap3A_304 : vector<1x16xf32> to vector<16xf32>
    %swap3A_306 = vector.shape_cast %broadcast_in_dim3A_1 : vector<16xf32> to vector<1x16xf32>
    tpu.vector_store %arg9[%swap3A_302, %swap3A_303], %swap3A_306 {strides = array<i32>} : memref<16x64xf32, #tpu.memory_space<vmem>>, vector<1x16xf32>,
    %swap3A_307 = arith.constant 12 : i32
    %swap3A_308 = arith.index_cast %swap3A_307 : i32 to index
    %swap3A_309 = arith.constant 48 : index
    %swap3A_310 = tpu.vector_load %arg9[%swap3A_308, %swap3A_309] {strides = array<i32>} : memref<16x64xf32, #tpu.memory_space<vmem>>, vector<1x16xf32>,
    %swap3A_311 = vector.shape_cast %swap3A_310 : vector<1x16xf32> to vector<16xf32>
    %swap3A_312 = vector.shape_cast %broadcast_in_dim3A_1 : vector<16xf32> to vector<1x16xf32>
    tpu.vector_store %arg9[%swap3A_308, %swap3A_309], %swap3A_312 {strides = array<i32>} : memref<16x64xf32, #tpu.memory_space<vmem>>, vector<1x16xf32>,
    %swap3A_313 = arith.constant 13 : i32
    %swap3A_314 = arith.index_cast %swap3A_313 : i32 to index
    %swap3A_315 = arith.constant 0 : index
    %swap3A_316 = tpu.vector_load %arg9[%swap3A_314, %swap3A_315] {strides = array<i32>} : memref<16x64xf32, #tpu.memory_space<vmem>>, vector<1x16xf32>,
    %swap3A_317 = vector.shape_cast %swap3A_316 : vector<1x16xf32> to vector<16xf32>
    %swap3A_318 = vector.shape_cast %broadcast_in_dim3A_1 : vector<16xf32> to vector<1x16xf32>
    tpu.vector_store %arg9[%swap3A_314, %swap3A_315], %swap3A_318 {strides = array<i32>} : memref<16x64xf32, #tpu.memory_space<vmem>>, vector<1x16xf32>,
    %swap3A_319 = arith.constant 13 : i32
    %swap3A_320 = arith.index_cast %swap3A_319 : i32 to index
    %swap3A_321 = arith.constant 16 : index
    %swap3A_322 = tpu.vector_load %arg9[%swap3A_320, %swap3A_321] {strides = array<i32>} : memref<16x64xf32, #tpu.memory_space<vmem>>, vector<1x16xf32>,
    %swap3A_323 = vector.shape_cast %swap3A_322 : vector<1x16xf32> to vector<16xf32>
    %swap3A_324 = vector.shape_cast %broadcast_in_dim3A_1 : vector<16xf32> to vector<1x16xf32>
    tpu.vector_store %arg9[%swap3A_320, %swap3A_321], %swap3A_324 {strides = array<i32>} : memref<16x64xf32, #tpu.memory_space<vmem>>, vector<1x16xf32>,
    %swap3A_325 = arith.constant 13 : i32
    %swap3A_326 = arith.index_cast %swap3A_325 : i32 to index
    %swap3A_327 = arith.constant 32 : index
    %swap3A_328 = tpu.vector_load %arg9[%swap3A_326, %swap3A_327] {strides = array<i32>} : memref<16x64xf32, #tpu.memory_space<vmem>>, vector<1x16xf32>,
    %swap3A_329 = vector.shape_cast %swap3A_328 : vector<1x16xf32> to vector<16xf32>
    %swap3A_330 = vector.shape_cast %broadcast_in_dim3A_1 : vector<16xf32> to vector<1x16xf32>
    tpu.vector_store %arg9[%swap3A_326, %swap3A_327], %swap3A_330 {strides = array<i32>} : memref<16x64xf32, #tpu.memory_space<vmem>>, vector<1x16xf32>,
    %swap3A_331 = arith.constant 13 : i32
    %swap3A_332 = arith.index_cast %swap3A_331 : i32 to index
    %swap3A_333 = arith.constant 48 : index
    %swap3A_334 = tpu.vector_load %arg9[%swap3A_332, %swap3A_333] {strides = array<i32>} : memref<16x64xf32, #tpu.memory_space<vmem>>, vector<1x16xf32>,
    %swap3A_335 = vector.shape_cast %swap3A_334 : vector<1x16xf32> to vector<16xf32>
    %swap3A_336 = vector.shape_cast %broadcast_in_dim3A_1 : vector<16xf32> to vector<1x16xf32>
    tpu.vector_store %arg9[%swap3A_332, %swap3A_333], %swap3A_336 {strides = array<i32>} : memref<16x64xf32, #tpu.memory_space<vmem>>, vector<1x16xf32>,
    %swap3A_337 = arith.constant 14 : i32
    %swap3A_338 = arith.index_cast %swap3A_337 : i32 to index
    %swap3A_339 = arith.constant 0 : index
    %swap3A_340 = tpu.vector_load %arg9[%swap3A_338, %swap3A_339] {strides = array<i32>} : memref<16x64xf32, #tpu.memory_space<vmem>>, vector<1x16xf32>,
    %swap3A_341 = vector.shape_cast %swap3A_340 : vector<1x16xf32> to vector<16xf32>
    %swap3A_342 = vector.shape_cast %broadcast_in_dim3A_1 : vector<16xf32> to vector<1x16xf32>
    tpu.vector_store %arg9[%swap3A_338, %swap3A_339], %swap3A_342 {strides = array<i32>} : memref<16x64xf32, #tpu.memory_space<vmem>>, vector<1x16xf32>,
    %swap3A_343 = arith.constant 14 : i32
    %swap3A_344 = arith.index_cast %swap3A_343 : i32 to index
    %swap3A_345 = arith.constant 16 : index
    %swap3A_346 = tpu.vector_load %arg9[%swap3A_344, %swap3A_345] {strides = array<i32>} : memref<16x64xf32, #tpu.memory_space<vmem>>, vector<1x16xf32>,
    %swap3A_347 = vector.shape_cast %swap3A_346 : vector<1x16xf32> to vector<16xf32>
    %swap3A_348 = vector.shape_cast %broadcast_in_dim3A_1 : vector<16xf32> to vector<1x16xf32>
    tpu.vector_store %arg9[%swap3A_344, %swap3A_345], %swap3A_348 {strides = array<i32>} : memref<16x64xf32, #tpu.memory_space<vmem>>, vector<1x16xf32>,
    %swap3A_349 = arith.constant 14 : i32
    %swap3A_350 = arith.index_cast %swap3A_349 : i32 to index
    %swap3A_351 = arith.constant 32 : index
    %swap3A_352 = tpu.vector_load %arg9[%swap3A_350, %swap3A_351] {strides = array<i32>} : memref<16x64xf32, #tpu.memory_space<vmem>>, vector<1x16xf32>,
    %swap3A_353 = vector.shape_cast %swap3A_352 : vector<1x16xf32> to vector<16xf32>
    %swap3A_354 = vector.shape_cast %broadcast_in_dim3A_1 : vector<16xf32> to vector<1x16xf32>
    tpu.vector_store %arg9[%swap3A_350, %swap3A_351], %swap3A_354 {strides = array<i32>} : memref<16x64xf32, #tpu.memory_space<vmem>>, vector<1x16xf32>,
    %swap3A_355 = arith.constant 14 : i32
    %swap3A_356 = arith.index_cast %swap3A_355 : i32 to index
    %swap3A_357 = arith.constant 48 : index
    %swap3A_358 = tpu.vector_load %arg9[%swap3A_356, %swap3A_357] {strides = array<i32>} : memref<16x64xf32, #tpu.memory_space<vmem>>, vector<1x16xf32>,
    %swap3A_359 = vector.shape_cast %swap3A_358 : vector<1x16xf32> to vector<16xf32>
    %swap3A_360 = vector.shape_cast %broadcast_in_dim3A_1 : vector<16xf32> to vector<1x16xf32>
    tpu.vector_store %arg9[%swap3A_356, %swap3A_357], %swap3A_360 {strides = array<i32>} : memref<16x64xf32, #tpu.memory_space<vmem>>, vector<1x16xf32>,
    %swap3A_361 = arith.constant 15 : i32
    %swap3A_362 = arith.index_cast %swap3A_361 : i32 to index
    %swap3A_363 = arith.constant 0 : index
    %swap3A_364 = tpu.vector_load %arg9[%swap3A_362, %swap3A_363] {strides = array<i32>} : memref<16x64xf32, #tpu.memory_space<vmem>>, vector<1x16xf32>,
    %swap3A_365 = vector.shape_cast %swap3A_364 : vector<1x16xf32> to vector<16xf32>
    %swap3A_366 = vector.shape_cast %broadcast_in_dim3A_1 : vector<16xf32> to vector<1x16xf32>
    tpu.vector_store %arg9[%swap3A_362, %swap3A_363], %swap3A_366 {strides = array<i32>} : memref<16x64xf32, #tpu.memory_space<vmem>>, vector<1x16xf32>,
    %swap3A_367 = arith.constant 15 : i32
    %swap3A_368 = arith.index_cast %swap3A_367 : i32 to index
    %swap3A_369 = arith.constant 16 : index
    %swap3A_370 = tpu.vector_load %arg9[%swap3A_368, %swap3A_369] {strides = array<i32>} : memref<16x64xf32, #tpu.memory_space<vmem>>, vector<1x16xf32>,
    %swap3A_371 = vector.shape_cast %swap3A_370 : vector<1x16xf32> to vector<16xf32>
    %swap3A_372 = vector.shape_cast %broadcast_in_dim3A_1 : vector<16xf32> to vector<1x16xf32>
    tpu.vector_store %arg9[%swap3A_368, %swap3A_369], %swap3A_372 {strides = array<i32>} : memref<16x64xf32, #tpu.memory_space<vmem>>, vector<1x16xf32>,
    %swap3A_373 = arith.constant 15 : i32
    %swap3A_374 = arith.index_cast %swap3A_373 : i32 to index
    %swap3A_375 = arith.constant 32 : index
    %swap3A_376 = tpu.vector_load %arg9[%swap3A_374, %swap3A_375] {strides = array<i32>} : memref<16x64xf32, #tpu.memory_space<vmem>>, vector<1x16xf32>,
    %swap3A_377 = vector.shape_cast %swap3A_376 : vector<1x16xf32> to vector<16xf32>
    %swap3A_378 = vector.shape_cast %broadcast_in_dim3A_1 : vector<16xf32> to vector<1x16xf32>
    tpu.vector_store %arg9[%swap3A_374, %swap3A_375], %swap3A_378 {strides = array<i32>} : memref<16x64xf32, #tpu.memory_space<vmem>>, vector<1x16xf32>,
    %swap3A_379 = arith.constant 15 : i32
    %swap3A_380 = arith.index_cast %swap3A_379 : i32 to index
    %swap3A_381 = arith.constant 48 : index
    %swap3A_382 = tpu.vector_load %arg9[%swap3A_380, %swap3A_381] {strides = array<i32>} : memref<16x64xf32, #tpu.memory_space<vmem>>, vector<1x16xf32>,
    %swap3A_383 = vector.shape_cast %swap3A_382 : vector<1x16xf32> to vector<16xf32>
    %swap3A_384 = vector.shape_cast %broadcast_in_dim3A_1 : vector<16xf32> to vector<1x16xf32>
    tpu.vector_store %arg9[%swap3A_380, %swap3A_381], %swap3A_384 {strides = array<i32>} : memref<16x64xf32, #tpu.memory_space<vmem>>, vector<1x16xf32>,
    "tpu.region"() ({
      %run_scoped3A = tpu.sem_alloc : memref<!tpu.dma_semaphore, #tpu.memory_space<semaphore_mem>>
      %dma_start3A_500 = arith.constant 0 : i32
      %dma_start3A_501 = arith.constant 0 : i32
      %dma_start3A_502 = tpu.memref_slice %arg3[%add3A, %dma_start3A_500, %dma_start3A_501] : memref<32x80x128xi32, #tpu.memory_space<hbm>> -> memref<1x80x128xi32, #tpu.memory_space<hbm>>
      %dma_start3A_503 = tpu.memref_squeeze %dma_start3A_502 : memref<1x80x128xi32, #tpu.memory_space<hbm>> -> memref<80x128xi32, #tpu.memory_space<hbm>>
      %dma_start3A_504 = arith.constant 0 : i32
      %dma_start3A_505 = arith.constant 0 : i32
      %dma_start3A_506 = tpu.memref_slice %arg3[%add3A, %dma_start3A_504, %dma_start3A_505] : memref<32x80x128xi32, #tpu.memory_space<hbm>> -> memref<1x80x128xi32, #tpu.memory_space<hbm>>
      %dma_start3A_507 = tpu.memref_squeeze %dma_start3A_506 : memref<1x80x128xi32, #tpu.memory_space<hbm>> -> memref<80x128xi32, #tpu.memory_space<hbm>>
      tpu.enqueue_dma source(%dma_start3A_507 : memref<80x128xi32, #tpu.memory_space<hbm>>) target(%arg6 : memref<80x128xi32, #tpu.memory_space<vmem>>) target_semaphore(%run_scoped3A : memref<!tpu.dma_semaphore, #tpu.memory_space<semaphore_mem>>)
      %dma_wait3A_508 = arith.constant 0 : i32
      %dma_wait3A_509 = arith.constant 0 : i32
      %dma_wait3A_510 = tpu.memref_slice %arg3[%add3A, %dma_wait3A_508, %dma_wait3A_509] : memref<32x80x128xi32, #tpu.memory_space<hbm>> -> memref<1x80x128xi32, #tpu.memory_space<hbm>>
      %dma_wait3A_511 = tpu.memref_squeeze %dma_wait3A_510 : memref<1x80x128xi32, #tpu.memory_space<hbm>> -> memref<80x128xi32, #tpu.memory_space<hbm>>
      %dma_wait3A_512 = arith.constant 0 : i32
      %dma_wait3A_513 = arith.constant 0 : i32
      %dma_wait3A_514 = tpu.memref_slice %arg3[%add3A, %dma_wait3A_512, %dma_wait3A_513] : memref<32x80x128xi32, #tpu.memory_space<hbm>> -> memref<1x80x128xi32, #tpu.memory_space<hbm>>
      %dma_wait3A_515 = tpu.memref_squeeze %dma_wait3A_514 : memref<1x80x128xi32, #tpu.memory_space<hbm>> -> memref<80x128xi32, #tpu.memory_space<hbm>>
      tpu.wait_dma2 semaphore(%run_scoped3A : memref<!tpu.dma_semaphore, #tpu.memory_space<semaphore_mem>>) src(%dma_wait3A_515 : memref<80x128xi32, #tpu.memory_space<hbm>>) dst(%arg6 : memref<80x128xi32, #tpu.memory_space<vmem>>)
      tpu.yield
    }) : () -> ()
    "tpu.region"() ({
      %run_scoped3A = tpu.sem_alloc : memref<!tpu.dma_semaphore, #tpu.memory_space<semaphore_mem>>
      %dma_start3A_500 = arith.constant 0 : i32
      %dma_start3A_501 = arith.constant 0 : i32
      %dma_start3A_502 = tpu.memref_slice %arg4[%add3A, %dma_start3A_500, %dma_start3A_501] : memref<32x80x128xi32, #tpu.memory_space<hbm>> -> memref<1x80x128xi32, #tpu.memory_space<hbm>>
      %dma_start3A_503 = tpu.memref_squeeze %dma_start3A_502 : memref<1x80x128xi32, #tpu.memory_space<hbm>> -> memref<80x128xi32, #tpu.memory_space<hbm>>
      %dma_start3A_504 = arith.constant 0 : i32
      %dma_start3A_505 = arith.constant 0 : i32
      %dma_start3A_506 = tpu.memref_slice %arg4[%add3A, %dma_start3A_504, %dma_start3A_505] : memref<32x80x128xi32, #tpu.memory_space<hbm>> -> memref<1x80x128xi32, #tpu.memory_space<hbm>>
      %dma_start3A_507 = tpu.memref_squeeze %dma_start3A_506 : memref<1x80x128xi32, #tpu.memory_space<hbm>> -> memref<80x128xi32, #tpu.memory_space<hbm>>
      tpu.enqueue_dma source(%dma_start3A_507 : memref<80x128xi32, #tpu.memory_space<hbm>>) target(%arg7 : memref<80x128xi32, #tpu.memory_space<vmem>>) target_semaphore(%run_scoped3A : memref<!tpu.dma_semaphore, #tpu.memory_space<semaphore_mem>>)
      %dma_wait3A_508 = arith.constant 0 : i32
      %dma_wait3A_509 = arith.constant 0 : i32
      %dma_wait3A_510 = tpu.memref_slice %arg4[%add3A, %dma_wait3A_508, %dma_wait3A_509] : memref<32x80x128xi32, #tpu.memory_space<hbm>> -> memref<1x80x128xi32, #tpu.memory_space<hbm>>
      %dma_wait3A_511 = tpu.memref_squeeze %dma_wait3A_510 : memref<1x80x128xi32, #tpu.memory_space<hbm>> -> memref<80x128xi32, #tpu.memory_space<hbm>>
      %dma_wait3A_512 = arith.constant 0 : i32
      %dma_wait3A_513 = arith.constant 0 : i32
      %dma_wait3A_514 = tpu.memref_slice %arg4[%add3A, %dma_wait3A_512, %dma_wait3A_513] : memref<32x80x128xi32, #tpu.memory_space<hbm>> -> memref<1x80x128xi32, #tpu.memory_space<hbm>>
      %dma_wait3A_515 = tpu.memref_squeeze %dma_wait3A_514 : memref<1x80x128xi32, #tpu.memory_space<hbm>> -> memref<80x128xi32, #tpu.memory_space<hbm>>
      tpu.wait_dma2 semaphore(%run_scoped3A : memref<!tpu.dma_semaphore, #tpu.memory_space<semaphore_mem>>) src(%dma_wait3A_515 : memref<80x128xi32, #tpu.memory_space<hbm>>) dst(%arg7 : memref<80x128xi32, #tpu.memory_space<vmem>>)
      tpu.yield
    }) : () -> ()
    %scan3A = arith.constant 0 : i32
    %scan3A_385 = arith.constant 0 : i32
    %scan3A_386 = arith.constant 40 : i32
    %scan3A_387 = arith.addi %scan3A_385, %scan3A_386 : i32
    %scan3A_388 = arith.constant 1 : i32
    %scan3A_389 = scf.for %scan3A_500 = %scan3A_385 to %scan3A_387 step %scan3A_388 iter_args(%scan3A_501 = %scan3A) -> (i32)  : i32 {
      %mul3A_502 = arith.constant 640 : i32
      %mul3A_503 = arith.muli %arg1, %mul3A_502 : i32
      %mul3A_504 = arith.constant 16 : i32
      %mul3A_505 = arith.muli %scan3A_500, %mul3A_504 : i32
      %add3A_506 = arith.addi %mul3A_503, %mul3A_505 : i32
      "tpu.region"() ({
        %run_scoped3A = tpu.sem_alloc : memref<!tpu.dma_semaphore, #tpu.memory_space<semaphore_mem>>
        %dma_start3A_508 = arith.constant 0 : i32
        %dma_start3A_509 = tpu.memref_slice %arg11[%add3A_506, %dma_start3A_508] : memref<10240x64xf32, #tpu.memory_space<vmem_shared>> -> memref<16x64xf32, #tpu.memory_space<vmem_shared>>
        %dma_start3A_510 = arith.constant 0 : i32
        %dma_start3A_511 = tpu.memref_slice %arg11[%add3A_506, %dma_start3A_510] : memref<10240x64xf32, #tpu.memory_space<vmem_shared>> -> memref<16x64xf32, #tpu.memory_space<vmem_shared>>
        tpu.enqueue_dma source(%arg9 : memref<16x64xf32, #tpu.memory_space<vmem>>) target(%dma_start3A_511 : memref<16x64xf32, #tpu.memory_space<vmem_shared>>) target_semaphore(%run_scoped3A : memref<!tpu.dma_semaphore, #tpu.memory_space<semaphore_mem>>)
        %dma_wait3A_512 = arith.constant 0 : i32
        %dma_wait3A_513 = tpu.memref_slice %arg11[%add3A_506, %dma_wait3A_512] : memref<10240x64xf32, #tpu.memory_space<vmem_shared>> -> memref<16x64xf32, #tpu.memory_space<vmem_shared>>
        %dma_wait3A_514 = arith.constant 0 : i32
        %dma_wait3A_515 = tpu.memref_slice %arg11[%add3A_506, %dma_wait3A_514] : memref<10240x64xf32, #tpu.memory_space<vmem_shared>> -> memref<16x64xf32, #tpu.memory_space<vmem_shared>>
        tpu.wait_dma2 semaphore(%run_scoped3A : memref<!tpu.dma_semaphore, #tpu.memory_space<semaphore_mem>>) src(%arg9 : memref<16x64xf32, #tpu.memory_space<vmem>>) dst(%dma_wait3A_515 : memref<16x64xf32, #tpu.memory_space<vmem_shared>>)
        tpu.yield
      }) : () -> ()
      %scan3A_507 = arith.constant 0 : i32
      scf.yield %scan3A_507 : i32
    }
    %scan3A_390 = arith.constant 40 : i32
    %barrier3A = arith.constant 0 : index
    tpu.barrier barrier_id(%barrier3A)
    %dma_start3A = arith.constant 0 : i32
    %dma_start3A_391 = arith.constant 0 : i32
    %dma_start3A_392 = arith.constant 0 : i32
    %dma_start3A_393 = arith.constant 0 : i32
    %dma_start3A_394 = tpu.memref_slice %arg8[%dma_start3A_391, %dma_start3A_392, %dma_start3A_393] : memref<4x128x64xf32, #tpu.memory_space<vmem>> -> memref<1x128x64xf32, #tpu.memory_space<vmem>>
    %dma_start3A_395 = tpu.memref_squeeze %dma_start3A_394 : memref<1x128x64xf32, #tpu.memory_space<vmem>> -> memref<128x64xf32, #tpu.memory_space<vmem>>
    %dma_start3A_396 = arith.constant 0 : i32
    %dma_start3A_397 = tpu.memref_slice %arg6[%dma_start3A, %dma_start3A_396] : memref<80x128xi32, #tpu.memory_space<vmem>> -> memref<1x128xi32, #tpu.memory_space<vmem>>
    %dma_start3A_398 = tpu.memref_squeeze %dma_start3A_397 : memref<1x128xi32, #tpu.memory_space<vmem>> -> memref<128xi32, #tpu.memory_space<vmem>>
    %dma_start3A_399 = arith.constant 0 : i32
    %dma_start3A_400 = arith.constant 0 : i32
    %dma_start3A_401 = tpu.memref_slice %arg2[%dma_start3A_399, %dma_start3A_400] : memref<10240x64xf32, #tpu.memory_space<hbm>> -> memref<10240x64xf32, #tpu.memory_space<hbm>>
    tpu.enqueue_indirect_dma source(%dma_start3A_401 : memref<10240x64xf32, #tpu.memory_space<hbm>>) target(%dma_start3A_395 : memref<128x64xf32, #tpu.memory_space<vmem>>) offsets(%dma_start3A_398 : memref<128xi32, #tpu.memory_space<vmem>>) semaphore(%arg12 : memref<!tpu.dma_semaphore, #tpu.memory_space<semaphore_mem>>)
    %dma_start3A_402 = arith.constant 1 : i32
    %dma_start3A_403 = arith.constant 1 : i32
    %dma_start3A_404 = arith.constant 0 : i32
    %dma_start3A_405 = arith.constant 0 : i32
    %dma_start3A_406 = tpu.memref_slice %arg8[%dma_start3A_403, %dma_start3A_404, %dma_start3A_405] : memref<4x128x64xf32, #tpu.memory_space<vmem>> -> memref<1x128x64xf32, #tpu.memory_space<vmem>>
    %dma_start3A_407 = tpu.memref_squeeze %dma_start3A_406 : memref<1x128x64xf32, #tpu.memory_space<vmem>> -> memref<128x64xf32, #tpu.memory_space<vmem>>
    %dma_start3A_408 = arith.constant 0 : i32
    %dma_start3A_409 = tpu.memref_slice %arg6[%dma_start3A_402, %dma_start3A_408] : memref<80x128xi32, #tpu.memory_space<vmem>> -> memref<1x128xi32, #tpu.memory_space<vmem>>
    %dma_start3A_410 = tpu.memref_squeeze %dma_start3A_409 : memref<1x128xi32, #tpu.memory_space<vmem>> -> memref<128xi32, #tpu.memory_space<vmem>>
    %dma_start3A_411 = arith.constant 0 : i32
    %dma_start3A_412 = arith.constant 0 : i32
    %dma_start3A_413 = tpu.memref_slice %arg2[%dma_start3A_411, %dma_start3A_412] : memref<10240x64xf32, #tpu.memory_space<hbm>> -> memref<10240x64xf32, #tpu.memory_space<hbm>>
    tpu.enqueue_indirect_dma source(%dma_start3A_413 : memref<10240x64xf32, #tpu.memory_space<hbm>>) target(%dma_start3A_407 : memref<128x64xf32, #tpu.memory_space<vmem>>) offsets(%dma_start3A_410 : memref<128xi32, #tpu.memory_space<vmem>>) semaphore(%arg13 : memref<!tpu.dma_semaphore, #tpu.memory_space<semaphore_mem>>)
    %dma_start3A_414 = arith.constant 2 : i32
    %dma_start3A_415 = arith.constant 2 : i32
    %dma_start3A_416 = arith.constant 0 : i32
    %dma_start3A_417 = arith.constant 0 : i32
    %dma_start3A_418 = tpu.memref_slice %arg8[%dma_start3A_415, %dma_start3A_416, %dma_start3A_417] : memref<4x128x64xf32, #tpu.memory_space<vmem>> -> memref<1x128x64xf32, #tpu.memory_space<vmem>>
    %dma_start3A_419 = tpu.memref_squeeze %dma_start3A_418 : memref<1x128x64xf32, #tpu.memory_space<vmem>> -> memref<128x64xf32, #tpu.memory_space<vmem>>
    %dma_start3A_420 = arith.constant 0 : i32
    %dma_start3A_421 = tpu.memref_slice %arg6[%dma_start3A_414, %dma_start3A_420] : memref<80x128xi32, #tpu.memory_space<vmem>> -> memref<1x128xi32, #tpu.memory_space<vmem>>
    %dma_start3A_422 = tpu.memref_squeeze %dma_start3A_421 : memref<1x128xi32, #tpu.memory_space<vmem>> -> memref<128xi32, #tpu.memory_space<vmem>>
    %dma_start3A_423 = arith.constant 0 : i32
    %dma_start3A_424 = arith.constant 0 : i32
    %dma_start3A_425 = tpu.memref_slice %arg2[%dma_start3A_423, %dma_start3A_424] : memref<10240x64xf32, #tpu.memory_space<hbm>> -> memref<10240x64xf32, #tpu.memory_space<hbm>>
    tpu.enqueue_indirect_dma source(%dma_start3A_425 : memref<10240x64xf32, #tpu.memory_space<hbm>>) target(%dma_start3A_419 : memref<128x64xf32, #tpu.memory_space<vmem>>) offsets(%dma_start3A_422 : memref<128xi32, #tpu.memory_space<vmem>>) semaphore(%arg14 : memref<!tpu.dma_semaphore, #tpu.memory_space<semaphore_mem>>)
    %dma_start3A_426 = arith.constant 3 : i32
    %dma_start3A_427 = arith.constant 3 : i32
    %dma_start3A_428 = arith.constant 0 : i32
    %dma_start3A_429 = arith.constant 0 : i32
    %dma_start3A_430 = tpu.memref_slice %arg8[%dma_start3A_427, %dma_start3A_428, %dma_start3A_429] : memref<4x128x64xf32, #tpu.memory_space<vmem>> -> memref<1x128x64xf32, #tpu.memory_space<vmem>>
    %dma_start3A_431 = tpu.memref_squeeze %dma_start3A_430 : memref<1x128x64xf32, #tpu.memory_space<vmem>> -> memref<128x64xf32, #tpu.memory_space<vmem>>
    %dma_start3A_432 = arith.constant 0 : i32
    %dma_start3A_433 = tpu.memref_slice %arg6[%dma_start3A_426, %dma_start3A_432] : memref<80x128xi32, #tpu.memory_space<vmem>> -> memref<1x128xi32, #tpu.memory_space<vmem>>
    %dma_start3A_434 = tpu.memref_squeeze %dma_start3A_433 : memref<1x128xi32, #tpu.memory_space<vmem>> -> memref<128xi32, #tpu.memory_space<vmem>>
    %dma_start3A_435 = arith.constant 0 : i32
    %dma_start3A_436 = arith.constant 0 : i32
    %dma_start3A_437 = tpu.memref_slice %arg2[%dma_start3A_435, %dma_start3A_436] : memref<10240x64xf32, #tpu.memory_space<hbm>> -> memref<10240x64xf32, #tpu.memory_space<hbm>>
    tpu.enqueue_indirect_dma source(%dma_start3A_437 : memref<10240x64xf32, #tpu.memory_space<hbm>>) target(%dma_start3A_431 : memref<128x64xf32, #tpu.memory_space<vmem>>) offsets(%dma_start3A_434 : memref<128xi32, #tpu.memory_space<vmem>>) semaphore(%arg15 : memref<!tpu.dma_semaphore, #tpu.memory_space<semaphore_mem>>)
    %scan3A_438 = arith.constant 0 : i32
    %scan3A_439 = arith.constant 0 : i32
    %scan3A_440 = arith.constant 20 : i32
    %scan3A_441 = arith.addi %scan3A_439, %scan3A_440 : i32
    %scan3A_442 = arith.constant 1 : i32
    %scan3A_443 = scf.for %scan3A_500 = %scan3A_439 to %scan3A_441 step %scan3A_442 iter_args(%scan3A_501 = %scan3A_438) -> (i32)  : i32 {
      %mul3A_502 = arith.constant 4 : i32
      %mul3A_503 = arith.muli %scan3A_500, %mul3A_502 : i32
      %add3A_504 = arith.constant 0 : i32
      %add3A_505 = arith.addi %mul3A_503, %add3A_504 : i32
      %dma_wait3A_506 = arith.constant 0 : i32
      %dma_wait3A_507 = arith.constant 0 : i32
      %dma_wait3A_508 = arith.constant 0 : i32
      %dma_wait3A_509 = tpu.memref_slice %arg8[%dma_wait3A_506, %dma_wait3A_507, %dma_wait3A_508] : memref<4x128x64xf32, #tpu.memory_space<vmem>> -> memref<1x128x64xf32, #tpu.memory_space<vmem>>
      %dma_wait3A_510 = tpu.memref_squeeze %dma_wait3A_509 : memref<1x128x64xf32, #tpu.memory_space<vmem>> -> memref<128x64xf32, #tpu.memory_space<vmem>>
      %dma_wait3A_511 = arith.constant 0 : i32
      %dma_wait3A_512 = tpu.memref_slice %arg6[%add3A_505, %dma_wait3A_511] : memref<80x128xi32, #tpu.memory_space<vmem>> -> memref<1x128xi32, #tpu.memory_space<vmem>>
      %dma_wait3A_513 = tpu.memref_squeeze %dma_wait3A_512 : memref<1x128xi32, #tpu.memory_space<vmem>> -> memref<128xi32, #tpu.memory_space<vmem>>
      %dma_wait3A_514 = arith.constant 0 : i32
      %dma_wait3A_515 = arith.constant 0 : i32
      %dma_wait3A_516 = tpu.memref_slice %arg2[%dma_wait3A_514, %dma_wait3A_515] : memref<10240x64xf32, #tpu.memory_space<hbm>> -> memref<10240x64xf32, #tpu.memory_space<hbm>>
      tpu.wait_indirect_dma semaphore(%arg12 : memref<!tpu.dma_semaphore, #tpu.memory_space<semaphore_mem>>) src(%dma_wait3A_516 : memref<10240x64xf32, #tpu.memory_space<hbm>>) dst(%dma_wait3A_510 : memref<128x64xf32, #tpu.memory_space<vmem>>)
      %dma_start3A_517 = arith.constant 0 : i32
      %dma_start3A_518 = arith.constant 0 : i32
      %dma_start3A_519 = arith.constant 0 : i32
      %dma_start3A_520 = tpu.memref_slice %arg8[%dma_start3A_517, %dma_start3A_518, %dma_start3A_519] : memref<4x128x64xf32, #tpu.memory_space<vmem>> -> memref<1x128x64xf32, #tpu.memory_space<vmem>>
      %dma_start3A_521 = tpu.memref_squeeze %dma_start3A_520 : memref<1x128x64xf32, #tpu.memory_space<vmem>> -> memref<128x64xf32, #tpu.memory_space<vmem>>
      %dma_start3A_522 = arith.constant 0 : i32
      %dma_start3A_523 = tpu.memref_slice %arg7[%add3A_505, %dma_start3A_522] : memref<80x128xi32, #tpu.memory_space<vmem>> -> memref<1x128xi32, #tpu.memory_space<vmem>>
      %dma_start3A_524 = tpu.memref_squeeze %dma_start3A_523 : memref<1x128xi32, #tpu.memory_space<vmem>> -> memref<128xi32, #tpu.memory_space<vmem>>
      %dma_start3A_525 = arith.constant 0 : i32
      %dma_start3A_526 = arith.constant 0 : i32
      %dma_start3A_527 = tpu.memref_slice %arg11[%dma_start3A_525, %dma_start3A_526] : memref<10240x64xf32, #tpu.memory_space<vmem_shared>> -> memref<10240x64xf32, #tpu.memory_space<vmem_shared>>
      tpu.enqueue_indirect_dma source(%dma_start3A_521 : memref<128x64xf32, #tpu.memory_space<vmem>>) target(%dma_start3A_527 : memref<10240x64xf32, #tpu.memory_space<vmem_shared>>) offsets(%dma_start3A_524 : memref<128xi32, #tpu.memory_space<vmem>>) semaphore(%arg16 : memref<!tpu.dma_semaphore, #tpu.memory_space<semaphore_mem>>) {add = true}
      %lt3A = arith.constant 19 : i32
      %lt3A_528 = arith.cmpi slt, %scan3A_500, %lt3A : i32
      %convert_element_type3A = arith.extui %lt3A_528 : i1 to i32
      %cond3A = arith.constant 0 : i32
      %cond3A_529 = arith.cmpi ne, %convert_element_type3A, %cond3A : i32
      scf.if %cond3A_529 {
        %dma_wait3A_624 = arith.constant 0 : i32
        %dma_wait3A_625 = arith.constant 0 : i32
        %dma_wait3A_626 = arith.constant 0 : i32
        %dma_wait3A_627 = tpu.memref_slice %arg8[%dma_wait3A_624, %dma_wait3A_625, %dma_wait3A_626] : memref<4x128x64xf32, #tpu.memory_space<vmem>> -> memref<1x128x64xf32, #tpu.memory_space<vmem>>
        %dma_wait3A_628 = tpu.memref_squeeze %dma_wait3A_627 : memref<1x128x64xf32, #tpu.memory_space<vmem>> -> memref<128x64xf32, #tpu.memory_space<vmem>>
        %dma_wait3A_629 = arith.constant 0 : i32
        %dma_wait3A_630 = tpu.memref_slice %arg7[%add3A_505, %dma_wait3A_629] : memref<80x128xi32, #tpu.memory_space<vmem>> -> memref<1x128xi32, #tpu.memory_space<vmem>>
        %dma_wait3A_631 = tpu.memref_squeeze %dma_wait3A_630 : memref<1x128xi32, #tpu.memory_space<vmem>> -> memref<128xi32, #tpu.memory_space<vmem>>
        %dma_wait3A_632 = arith.constant 0 : i32
        %dma_wait3A_633 = arith.constant 0 : i32
        %dma_wait3A_634 = tpu.memref_slice %arg11[%dma_wait3A_632, %dma_wait3A_633] : memref<10240x64xf32, #tpu.memory_space<vmem_shared>> -> memref<10240x64xf32, #tpu.memory_space<vmem_shared>>
        tpu.wait_indirect_dma semaphore(%arg16 : memref<!tpu.dma_semaphore, #tpu.memory_space<semaphore_mem>>) src(%dma_wait3A_628 : memref<128x64xf32, #tpu.memory_space<vmem>>) dst(%dma_wait3A_634 : memref<10240x64xf32, #tpu.memory_space<vmem_shared>>)
        %add3A_635 = arith.constant 4 : i32
        %add3A_636 = arith.addi %add3A_505, %add3A_635 : i32
        %dma_start3A_637 = arith.constant 0 : i32
        %dma_start3A_638 = arith.constant 0 : i32
        %dma_start3A_639 = arith.constant 0 : i32
        %dma_start3A_640 = tpu.memref_slice %arg8[%dma_start3A_637, %dma_start3A_638, %dma_start3A_639] : memref<4x128x64xf32, #tpu.memory_space<vmem>> -> memref<1x128x64xf32, #tpu.memory_space<vmem>>
        %dma_start3A_641 = tpu.memref_squeeze %dma_start3A_640 : memref<1x128x64xf32, #tpu.memory_space<vmem>> -> memref<128x64xf32, #tpu.memory_space<vmem>>
        %dma_start3A_642 = arith.constant 0 : i32
        %dma_start3A_643 = tpu.memref_slice %arg6[%add3A_636, %dma_start3A_642] : memref<80x128xi32, #tpu.memory_space<vmem>> -> memref<1x128xi32, #tpu.memory_space<vmem>>
        %dma_start3A_644 = tpu.memref_squeeze %dma_start3A_643 : memref<1x128xi32, #tpu.memory_space<vmem>> -> memref<128xi32, #tpu.memory_space<vmem>>
        %dma_start3A_645 = arith.constant 0 : i32
        %dma_start3A_646 = arith.constant 0 : i32
        %dma_start3A_647 = tpu.memref_slice %arg2[%dma_start3A_645, %dma_start3A_646] : memref<10240x64xf32, #tpu.memory_space<hbm>> -> memref<10240x64xf32, #tpu.memory_space<hbm>>
        tpu.enqueue_indirect_dma source(%dma_start3A_647 : memref<10240x64xf32, #tpu.memory_space<hbm>>) target(%dma_start3A_641 : memref<128x64xf32, #tpu.memory_space<vmem>>) offsets(%dma_start3A_644 : memref<128xi32, #tpu.memory_space<vmem>>) semaphore(%arg12 : memref<!tpu.dma_semaphore, #tpu.memory_space<semaphore_mem>>)
      } else {
      }
      %mul3A_530 = arith.constant 4 : i32
      %mul3A_531 = arith.muli %scan3A_500, %mul3A_530 : i32
      %add3A_532 = arith.constant 1 : i32
      %add3A_533 = arith.addi %mul3A_531, %add3A_532 : i32
      %dma_wait3A_534 = arith.constant 1 : i32
      %dma_wait3A_535 = arith.constant 0 : i32
      %dma_wait3A_536 = arith.constant 0 : i32
      %dma_wait3A_537 = tpu.memref_slice %arg8[%dma_wait3A_534, %dma_wait3A_535, %dma_wait3A_536] : memref<4x128x64xf32, #tpu.memory_space<vmem>> -> memref<1x128x64xf32, #tpu.memory_space<vmem>>
      %dma_wait3A_538 = tpu.memref_squeeze %dma_wait3A_537 : memref<1x128x64xf32, #tpu.memory_space<vmem>> -> memref<128x64xf32, #tpu.memory_space<vmem>>
      %dma_wait3A_539 = arith.constant 0 : i32
      %dma_wait3A_540 = tpu.memref_slice %arg6[%add3A_533, %dma_wait3A_539] : memref<80x128xi32, #tpu.memory_space<vmem>> -> memref<1x128xi32, #tpu.memory_space<vmem>>
      %dma_wait3A_541 = tpu.memref_squeeze %dma_wait3A_540 : memref<1x128xi32, #tpu.memory_space<vmem>> -> memref<128xi32, #tpu.memory_space<vmem>>
      %dma_wait3A_542 = arith.constant 0 : i32
      %dma_wait3A_543 = arith.constant 0 : i32
      %dma_wait3A_544 = tpu.memref_slice %arg2[%dma_wait3A_542, %dma_wait3A_543] : memref<10240x64xf32, #tpu.memory_space<hbm>> -> memref<10240x64xf32, #tpu.memory_space<hbm>>
      tpu.wait_indirect_dma semaphore(%arg13 : memref<!tpu.dma_semaphore, #tpu.memory_space<semaphore_mem>>) src(%dma_wait3A_544 : memref<10240x64xf32, #tpu.memory_space<hbm>>) dst(%dma_wait3A_538 : memref<128x64xf32, #tpu.memory_space<vmem>>)
      %dma_start3A_545 = arith.constant 1 : i32
      %dma_start3A_546 = arith.constant 0 : i32
      %dma_start3A_547 = arith.constant 0 : i32
      %dma_start3A_548 = tpu.memref_slice %arg8[%dma_start3A_545, %dma_start3A_546, %dma_start3A_547] : memref<4x128x64xf32, #tpu.memory_space<vmem>> -> memref<1x128x64xf32, #tpu.memory_space<vmem>>
      %dma_start3A_549 = tpu.memref_squeeze %dma_start3A_548 : memref<1x128x64xf32, #tpu.memory_space<vmem>> -> memref<128x64xf32, #tpu.memory_space<vmem>>
      %dma_start3A_550 = arith.constant 0 : i32
      %dma_start3A_551 = tpu.memref_slice %arg7[%add3A_533, %dma_start3A_550] : memref<80x128xi32, #tpu.memory_space<vmem>> -> memref<1x128xi32, #tpu.memory_space<vmem>>
      %dma_start3A_552 = tpu.memref_squeeze %dma_start3A_551 : memref<1x128xi32, #tpu.memory_space<vmem>> -> memref<128xi32, #tpu.memory_space<vmem>>
      %dma_start3A_553 = arith.constant 0 : i32
      %dma_start3A_554 = arith.constant 0 : i32
      %dma_start3A_555 = tpu.memref_slice %arg11[%dma_start3A_553, %dma_start3A_554] : memref<10240x64xf32, #tpu.memory_space<vmem_shared>> -> memref<10240x64xf32, #tpu.memory_space<vmem_shared>>
      tpu.enqueue_indirect_dma source(%dma_start3A_549 : memref<128x64xf32, #tpu.memory_space<vmem>>) target(%dma_start3A_555 : memref<10240x64xf32, #tpu.memory_space<vmem_shared>>) offsets(%dma_start3A_552 : memref<128xi32, #tpu.memory_space<vmem>>) semaphore(%arg17 : memref<!tpu.dma_semaphore, #tpu.memory_space<semaphore_mem>>) {add = true}
      %lt3A_556 = arith.constant 19 : i32
      %lt3A_557 = arith.cmpi slt, %scan3A_500, %lt3A_556 : i32
      %convert_element_type3A_558 = arith.extui %lt3A_557 : i1 to i32
      %cond3A_559 = arith.constant 0 : i32
      %cond3A_560 = arith.cmpi ne, %convert_element_type3A_558, %cond3A_559 : i32
      scf.if %cond3A_560 {
        %dma_wait3A_624 = arith.constant 1 : i32
        %dma_wait3A_625 = arith.constant 0 : i32
        %dma_wait3A_626 = arith.constant 0 : i32
        %dma_wait3A_627 = tpu.memref_slice %arg8[%dma_wait3A_624, %dma_wait3A_625, %dma_wait3A_626] : memref<4x128x64xf32, #tpu.memory_space<vmem>> -> memref<1x128x64xf32, #tpu.memory_space<vmem>>
        %dma_wait3A_628 = tpu.memref_squeeze %dma_wait3A_627 : memref<1x128x64xf32, #tpu.memory_space<vmem>> -> memref<128x64xf32, #tpu.memory_space<vmem>>
        %dma_wait3A_629 = arith.constant 0 : i32
        %dma_wait3A_630 = tpu.memref_slice %arg7[%add3A_533, %dma_wait3A_629] : memref<80x128xi32, #tpu.memory_space<vmem>> -> memref<1x128xi32, #tpu.memory_space<vmem>>
        %dma_wait3A_631 = tpu.memref_squeeze %dma_wait3A_630 : memref<1x128xi32, #tpu.memory_space<vmem>> -> memref<128xi32, #tpu.memory_space<vmem>>
        %dma_wait3A_632 = arith.constant 0 : i32
        %dma_wait3A_633 = arith.constant 0 : i32
        %dma_wait3A_634 = tpu.memref_slice %arg11[%dma_wait3A_632, %dma_wait3A_633] : memref<10240x64xf32, #tpu.memory_space<vmem_shared>> -> memref<10240x64xf32, #tpu.memory_space<vmem_shared>>
        tpu.wait_indirect_dma semaphore(%arg17 : memref<!tpu.dma_semaphore, #tpu.memory_space<semaphore_mem>>) src(%dma_wait3A_628 : memref<128x64xf32, #tpu.memory_space<vmem>>) dst(%dma_wait3A_634 : memref<10240x64xf32, #tpu.memory_space<vmem_shared>>)
        %add3A_635 = arith.constant 4 : i32
        %add3A_636 = arith.addi %add3A_533, %add3A_635 : i32
        %dma_start3A_637 = arith.constant 1 : i32
        %dma_start3A_638 = arith.constant 0 : i32
        %dma_start3A_639 = arith.constant 0 : i32
        %dma_start3A_640 = tpu.memref_slice %arg8[%dma_start3A_637, %dma_start3A_638, %dma_start3A_639] : memref<4x128x64xf32, #tpu.memory_space<vmem>> -> memref<1x128x64xf32, #tpu.memory_space<vmem>>
        %dma_start3A_641 = tpu.memref_squeeze %dma_start3A_640 : memref<1x128x64xf32, #tpu.memory_space<vmem>> -> memref<128x64xf32, #tpu.memory_space<vmem>>
        %dma_start3A_642 = arith.constant 0 : i32
        %dma_start3A_643 = tpu.memref_slice %arg6[%add3A_636, %dma_start3A_642] : memref<80x128xi32, #tpu.memory_space<vmem>> -> memref<1x128xi32, #tpu.memory_space<vmem>>
        %dma_start3A_644 = tpu.memref_squeeze %dma_start3A_643 : memref<1x128xi32, #tpu.memory_space<vmem>> -> memref<128xi32, #tpu.memory_space<vmem>>
        %dma_start3A_645 = arith.constant 0 : i32
        %dma_start3A_646 = arith.constant 0 : i32
        %dma_start3A_647 = tpu.memref_slice %arg2[%dma_start3A_645, %dma_start3A_646] : memref<10240x64xf32, #tpu.memory_space<hbm>> -> memref<10240x64xf32, #tpu.memory_space<hbm>>
        tpu.enqueue_indirect_dma source(%dma_start3A_647 : memref<10240x64xf32, #tpu.memory_space<hbm>>) target(%dma_start3A_641 : memref<128x64xf32, #tpu.memory_space<vmem>>) offsets(%dma_start3A_644 : memref<128xi32, #tpu.memory_space<vmem>>) semaphore(%arg13 : memref<!tpu.dma_semaphore, #tpu.memory_space<semaphore_mem>>)
      } else {
      }
      %mul3A_561 = arith.constant 4 : i32
      %mul3A_562 = arith.muli %scan3A_500, %mul3A_561 : i32
      %add3A_563 = arith.constant 2 : i32
      %add3A_564 = arith.addi %mul3A_562, %add3A_563 : i32
      %dma_wait3A_565 = arith.constant 2 : i32
      %dma_wait3A_566 = arith.constant 0 : i32
      %dma_wait3A_567 = arith.constant 0 : i32
      %dma_wait3A_568 = tpu.memref_slice %arg8[%dma_wait3A_565, %dma_wait3A_566, %dma_wait3A_567] : memref<4x128x64xf32, #tpu.memory_space<vmem>> -> memref<1x128x64xf32, #tpu.memory_space<vmem>>
      %dma_wait3A_569 = tpu.memref_squeeze %dma_wait3A_568 : memref<1x128x64xf32, #tpu.memory_space<vmem>> -> memref<128x64xf32, #tpu.memory_space<vmem>>
      %dma_wait3A_570 = arith.constant 0 : i32
      %dma_wait3A_571 = tpu.memref_slice %arg6[%add3A_564, %dma_wait3A_570] : memref<80x128xi32, #tpu.memory_space<vmem>> -> memref<1x128xi32, #tpu.memory_space<vmem>>
      %dma_wait3A_572 = tpu.memref_squeeze %dma_wait3A_571 : memref<1x128xi32, #tpu.memory_space<vmem>> -> memref<128xi32, #tpu.memory_space<vmem>>
      %dma_wait3A_573 = arith.constant 0 : i32
      %dma_wait3A_574 = arith.constant 0 : i32
      %dma_wait3A_575 = tpu.memref_slice %arg2[%dma_wait3A_573, %dma_wait3A_574] : memref<10240x64xf32, #tpu.memory_space<hbm>> -> memref<10240x64xf32, #tpu.memory_space<hbm>>
      tpu.wait_indirect_dma semaphore(%arg14 : memref<!tpu.dma_semaphore, #tpu.memory_space<semaphore_mem>>) src(%dma_wait3A_575 : memref<10240x64xf32, #tpu.memory_space<hbm>>) dst(%dma_wait3A_569 : memref<128x64xf32, #tpu.memory_space<vmem>>)
      %dma_start3A_576 = arith.constant 2 : i32
      %dma_start3A_577 = arith.constant 0 : i32
      %dma_start3A_578 = arith.constant 0 : i32
      %dma_start3A_579 = tpu.memref_slice %arg8[%dma_start3A_576, %dma_start3A_577, %dma_start3A_578] : memref<4x128x64xf32, #tpu.memory_space<vmem>> -> memref<1x128x64xf32, #tpu.memory_space<vmem>>
      %dma_start3A_580 = tpu.memref_squeeze %dma_start3A_579 : memref<1x128x64xf32, #tpu.memory_space<vmem>> -> memref<128x64xf32, #tpu.memory_space<vmem>>
      %dma_start3A_581 = arith.constant 0 : i32
      %dma_start3A_582 = tpu.memref_slice %arg7[%add3A_564, %dma_start3A_581] : memref<80x128xi32, #tpu.memory_space<vmem>> -> memref<1x128xi32, #tpu.memory_space<vmem>>
      %dma_start3A_583 = tpu.memref_squeeze %dma_start3A_582 : memref<1x128xi32, #tpu.memory_space<vmem>> -> memref<128xi32, #tpu.memory_space<vmem>>
      %dma_start3A_584 = arith.constant 0 : i32
      %dma_start3A_585 = arith.constant 0 : i32
      %dma_start3A_586 = tpu.memref_slice %arg11[%dma_start3A_584, %dma_start3A_585] : memref<10240x64xf32, #tpu.memory_space<vmem_shared>> -> memref<10240x64xf32, #tpu.memory_space<vmem_shared>>
      tpu.enqueue_indirect_dma source(%dma_start3A_580 : memref<128x64xf32, #tpu.memory_space<vmem>>) target(%dma_start3A_586 : memref<10240x64xf32, #tpu.memory_space<vmem_shared>>) offsets(%dma_start3A_583 : memref<128xi32, #tpu.memory_space<vmem>>) semaphore(%arg18 : memref<!tpu.dma_semaphore, #tpu.memory_space<semaphore_mem>>) {add = true}
      %lt3A_587 = arith.constant 19 : i32
      %lt3A_588 = arith.cmpi slt, %scan3A_500, %lt3A_587 : i32
      %convert_element_type3A_589 = arith.extui %lt3A_588 : i1 to i32
      %cond3A_590 = arith.constant 0 : i32
      %cond3A_591 = arith.cmpi ne, %convert_element_type3A_589, %cond3A_590 : i32
      scf.if %cond3A_591 {
        %dma_wait3A_624 = arith.constant 2 : i32
        %dma_wait3A_625 = arith.constant 0 : i32
        %dma_wait3A_626 = arith.constant 0 : i32
        %dma_wait3A_627 = tpu.memref_slice %arg8[%dma_wait3A_624, %dma_wait3A_625, %dma_wait3A_626] : memref<4x128x64xf32, #tpu.memory_space<vmem>> -> memref<1x128x64xf32, #tpu.memory_space<vmem>>
        %dma_wait3A_628 = tpu.memref_squeeze %dma_wait3A_627 : memref<1x128x64xf32, #tpu.memory_space<vmem>> -> memref<128x64xf32, #tpu.memory_space<vmem>>
        %dma_wait3A_629 = arith.constant 0 : i32
        %dma_wait3A_630 = tpu.memref_slice %arg7[%add3A_564, %dma_wait3A_629] : memref<80x128xi32, #tpu.memory_space<vmem>> -> memref<1x128xi32, #tpu.memory_space<vmem>>
        %dma_wait3A_631 = tpu.memref_squeeze %dma_wait3A_630 : memref<1x128xi32, #tpu.memory_space<vmem>> -> memref<128xi32, #tpu.memory_space<vmem>>
        %dma_wait3A_632 = arith.constant 0 : i32
        %dma_wait3A_633 = arith.constant 0 : i32
        %dma_wait3A_634 = tpu.memref_slice %arg11[%dma_wait3A_632, %dma_wait3A_633] : memref<10240x64xf32, #tpu.memory_space<vmem_shared>> -> memref<10240x64xf32, #tpu.memory_space<vmem_shared>>
        tpu.wait_indirect_dma semaphore(%arg18 : memref<!tpu.dma_semaphore, #tpu.memory_space<semaphore_mem>>) src(%dma_wait3A_628 : memref<128x64xf32, #tpu.memory_space<vmem>>) dst(%dma_wait3A_634 : memref<10240x64xf32, #tpu.memory_space<vmem_shared>>)
        %add3A_635 = arith.constant 4 : i32
        %add3A_636 = arith.addi %add3A_564, %add3A_635 : i32
        %dma_start3A_637 = arith.constant 2 : i32
        %dma_start3A_638 = arith.constant 0 : i32
        %dma_start3A_639 = arith.constant 0 : i32
        %dma_start3A_640 = tpu.memref_slice %arg8[%dma_start3A_637, %dma_start3A_638, %dma_start3A_639] : memref<4x128x64xf32, #tpu.memory_space<vmem>> -> memref<1x128x64xf32, #tpu.memory_space<vmem>>
        %dma_start3A_641 = tpu.memref_squeeze %dma_start3A_640 : memref<1x128x64xf32, #tpu.memory_space<vmem>> -> memref<128x64xf32, #tpu.memory_space<vmem>>
        %dma_start3A_642 = arith.constant 0 : i32
        %dma_start3A_643 = tpu.memref_slice %arg6[%add3A_636, %dma_start3A_642] : memref<80x128xi32, #tpu.memory_space<vmem>> -> memref<1x128xi32, #tpu.memory_space<vmem>>
        %dma_start3A_644 = tpu.memref_squeeze %dma_start3A_643 : memref<1x128xi32, #tpu.memory_space<vmem>> -> memref<128xi32, #tpu.memory_space<vmem>>
        %dma_start3A_645 = arith.constant 0 : i32
        %dma_start3A_646 = arith.constant 0 : i32
        %dma_start3A_647 = tpu.memref_slice %arg2[%dma_start3A_645, %dma_start3A_646] : memref<10240x64xf32, #tpu.memory_space<hbm>> -> memref<10240x64xf32, #tpu.memory_space<hbm>>
        tpu.enqueue_indirect_dma source(%dma_start3A_647 : memref<10240x64xf32, #tpu.memory_space<hbm>>) target(%dma_start3A_641 : memref<128x64xf32, #tpu.memory_space<vmem>>) offsets(%dma_start3A_644 : memref<128xi32, #tpu.memory_space<vmem>>) semaphore(%arg14 : memref<!tpu.dma_semaphore, #tpu.memory_space<semaphore_mem>>)
      } else {
      }
      %mul3A_592 = arith.constant 4 : i32
      %mul3A_593 = arith.muli %scan3A_500, %mul3A_592 : i32
      %add3A_594 = arith.constant 3 : i32
      %add3A_595 = arith.addi %mul3A_593, %add3A_594 : i32
      %dma_wait3A_596 = arith.constant 3 : i32
      %dma_wait3A_597 = arith.constant 0 : i32
      %dma_wait3A_598 = arith.constant 0 : i32
      %dma_wait3A_599 = tpu.memref_slice %arg8[%dma_wait3A_596, %dma_wait3A_597, %dma_wait3A_598] : memref<4x128x64xf32, #tpu.memory_space<vmem>> -> memref<1x128x64xf32, #tpu.memory_space<vmem>>
      %dma_wait3A_600 = tpu.memref_squeeze %dma_wait3A_599 : memref<1x128x64xf32, #tpu.memory_space<vmem>> -> memref<128x64xf32, #tpu.memory_space<vmem>>
      %dma_wait3A_601 = arith.constant 0 : i32
      %dma_wait3A_602 = tpu.memref_slice %arg6[%add3A_595, %dma_wait3A_601] : memref<80x128xi32, #tpu.memory_space<vmem>> -> memref<1x128xi32, #tpu.memory_space<vmem>>
      %dma_wait3A_603 = tpu.memref_squeeze %dma_wait3A_602 : memref<1x128xi32, #tpu.memory_space<vmem>> -> memref<128xi32, #tpu.memory_space<vmem>>
      %dma_wait3A_604 = arith.constant 0 : i32
      %dma_wait3A_605 = arith.constant 0 : i32
      %dma_wait3A_606 = tpu.memref_slice %arg2[%dma_wait3A_604, %dma_wait3A_605] : memref<10240x64xf32, #tpu.memory_space<hbm>> -> memref<10240x64xf32, #tpu.memory_space<hbm>>
      tpu.wait_indirect_dma semaphore(%arg15 : memref<!tpu.dma_semaphore, #tpu.memory_space<semaphore_mem>>) src(%dma_wait3A_606 : memref<10240x64xf32, #tpu.memory_space<hbm>>) dst(%dma_wait3A_600 : memref<128x64xf32, #tpu.memory_space<vmem>>)
      %dma_start3A_607 = arith.constant 3 : i32
      %dma_start3A_608 = arith.constant 0 : i32
      %dma_start3A_609 = arith.constant 0 : i32
      %dma_start3A_610 = tpu.memref_slice %arg8[%dma_start3A_607, %dma_start3A_608, %dma_start3A_609] : memref<4x128x64xf32, #tpu.memory_space<vmem>> -> memref<1x128x64xf32, #tpu.memory_space<vmem>>
      %dma_start3A_611 = tpu.memref_squeeze %dma_start3A_610 : memref<1x128x64xf32, #tpu.memory_space<vmem>> -> memref<128x64xf32, #tpu.memory_space<vmem>>
      %dma_start3A_612 = arith.constant 0 : i32
      %dma_start3A_613 = tpu.memref_slice %arg7[%add3A_595, %dma_start3A_612] : memref<80x128xi32, #tpu.memory_space<vmem>> -> memref<1x128xi32, #tpu.memory_space<vmem>>
      %dma_start3A_614 = tpu.memref_squeeze %dma_start3A_613 : memref<1x128xi32, #tpu.memory_space<vmem>> -> memref<128xi32, #tpu.memory_space<vmem>>
      %dma_start3A_615 = arith.constant 0 : i32
      %dma_start3A_616 = arith.constant 0 : i32
      %dma_start3A_617 = tpu.memref_slice %arg11[%dma_start3A_615, %dma_start3A_616] : memref<10240x64xf32, #tpu.memory_space<vmem_shared>> -> memref<10240x64xf32, #tpu.memory_space<vmem_shared>>
      tpu.enqueue_indirect_dma source(%dma_start3A_611 : memref<128x64xf32, #tpu.memory_space<vmem>>) target(%dma_start3A_617 : memref<10240x64xf32, #tpu.memory_space<vmem_shared>>) offsets(%dma_start3A_614 : memref<128xi32, #tpu.memory_space<vmem>>) semaphore(%arg19 : memref<!tpu.dma_semaphore, #tpu.memory_space<semaphore_mem>>) {add = true}
      %lt3A_618 = arith.constant 19 : i32
      %lt3A_619 = arith.cmpi slt, %scan3A_500, %lt3A_618 : i32
      %convert_element_type3A_620 = arith.extui %lt3A_619 : i1 to i32
      %cond3A_621 = arith.constant 0 : i32
      %cond3A_622 = arith.cmpi ne, %convert_element_type3A_620, %cond3A_621 : i32
      scf.if %cond3A_622 {
        %dma_wait3A_624 = arith.constant 3 : i32
        %dma_wait3A_625 = arith.constant 0 : i32
        %dma_wait3A_626 = arith.constant 0 : i32
        %dma_wait3A_627 = tpu.memref_slice %arg8[%dma_wait3A_624, %dma_wait3A_625, %dma_wait3A_626] : memref<4x128x64xf32, #tpu.memory_space<vmem>> -> memref<1x128x64xf32, #tpu.memory_space<vmem>>
        %dma_wait3A_628 = tpu.memref_squeeze %dma_wait3A_627 : memref<1x128x64xf32, #tpu.memory_space<vmem>> -> memref<128x64xf32, #tpu.memory_space<vmem>>
        %dma_wait3A_629 = arith.constant 0 : i32
        %dma_wait3A_630 = tpu.memref_slice %arg7[%add3A_595, %dma_wait3A_629] : memref<80x128xi32, #tpu.memory_space<vmem>> -> memref<1x128xi32, #tpu.memory_space<vmem>>
        %dma_wait3A_631 = tpu.memref_squeeze %dma_wait3A_630 : memref<1x128xi32, #tpu.memory_space<vmem>> -> memref<128xi32, #tpu.memory_space<vmem>>
        %dma_wait3A_632 = arith.constant 0 : i32
        %dma_wait3A_633 = arith.constant 0 : i32
        %dma_wait3A_634 = tpu.memref_slice %arg11[%dma_wait3A_632, %dma_wait3A_633] : memref<10240x64xf32, #tpu.memory_space<vmem_shared>> -> memref<10240x64xf32, #tpu.memory_space<vmem_shared>>
        tpu.wait_indirect_dma semaphore(%arg19 : memref<!tpu.dma_semaphore, #tpu.memory_space<semaphore_mem>>) src(%dma_wait3A_628 : memref<128x64xf32, #tpu.memory_space<vmem>>) dst(%dma_wait3A_634 : memref<10240x64xf32, #tpu.memory_space<vmem_shared>>)
        %add3A_635 = arith.constant 4 : i32
        %add3A_636 = arith.addi %add3A_595, %add3A_635 : i32
        %dma_start3A_637 = arith.constant 3 : i32
        %dma_start3A_638 = arith.constant 0 : i32
        %dma_start3A_639 = arith.constant 0 : i32
        %dma_start3A_640 = tpu.memref_slice %arg8[%dma_start3A_637, %dma_start3A_638, %dma_start3A_639] : memref<4x128x64xf32, #tpu.memory_space<vmem>> -> memref<1x128x64xf32, #tpu.memory_space<vmem>>
        %dma_start3A_641 = tpu.memref_squeeze %dma_start3A_640 : memref<1x128x64xf32, #tpu.memory_space<vmem>> -> memref<128x64xf32, #tpu.memory_space<vmem>>
        %dma_start3A_642 = arith.constant 0 : i32
        %dma_start3A_643 = tpu.memref_slice %arg6[%add3A_636, %dma_start3A_642] : memref<80x128xi32, #tpu.memory_space<vmem>> -> memref<1x128xi32, #tpu.memory_space<vmem>>
        %dma_start3A_644 = tpu.memref_squeeze %dma_start3A_643 : memref<1x128xi32, #tpu.memory_space<vmem>> -> memref<128xi32, #tpu.memory_space<vmem>>
        %dma_start3A_645 = arith.constant 0 : i32
        %dma_start3A_646 = arith.constant 0 : i32
        %dma_start3A_647 = tpu.memref_slice %arg2[%dma_start3A_645, %dma_start3A_646] : memref<10240x64xf32, #tpu.memory_space<hbm>> -> memref<10240x64xf32, #tpu.memory_space<hbm>>
        tpu.enqueue_indirect_dma source(%dma_start3A_647 : memref<10240x64xf32, #tpu.memory_space<hbm>>) target(%dma_start3A_641 : memref<128x64xf32, #tpu.memory_space<vmem>>) offsets(%dma_start3A_644 : memref<128xi32, #tpu.memory_space<vmem>>) semaphore(%arg15 : memref<!tpu.dma_semaphore, #tpu.memory_space<semaphore_mem>>)
      } else {
      }
      %scan3A_623 = arith.constant 0 : i32
      scf.yield %scan3A_623 : i32
    }
    %scan3A_444 = arith.constant 20 : i32
    %dma_wait3A = arith.constant 0 : i32
    %dma_wait3A_445 = arith.constant 76 : i32
    %dma_wait3A_446 = arith.constant 0 : i32
    %dma_wait3A_447 = arith.constant 0 : i32
    %dma_wait3A_448 = tpu.memref_slice %arg8[%dma_wait3A, %dma_wait3A_446, %dma_wait3A_447] : memref<4x128x64xf32, #tpu.memory_space<vmem>> -> memref<1x128x64xf32, #tpu.memory_space<vmem>>
    %dma_wait3A_449 = tpu.memref_squeeze %dma_wait3A_448 : memref<1x128x64xf32, #tpu.memory_space<vmem>> -> memref<128x64xf32, #tpu.memory_space<vmem>>
    %dma_wait3A_450 = arith.constant 0 : i32
    %dma_wait3A_451 = tpu.memref_slice %arg7[%dma_wait3A_445, %dma_wait3A_450] : memref<80x128xi32, #tpu.memory_space<vmem>> -> memref<1x128xi32, #tpu.memory_space<vmem>>
    %dma_wait3A_452 = tpu.memref_squeeze %dma_wait3A_451 : memref<1x128xi32, #tpu.memory_space<vmem>> -> memref<128xi32, #tpu.memory_space<vmem>>
    %dma_wait3A_453 = arith.constant 0 : i32
    %dma_wait3A_454 = arith.constant 0 : i32
    %dma_wait3A_455 = tpu.memref_slice %arg11[%dma_wait3A_453, %dma_wait3A_454] : memref<10240x64xf32, #tpu.memory_space<vmem_shared>> -> memref<10240x64xf32, #tpu.memory_space<vmem_shared>>
    tpu.wait_indirect_dma semaphore(%arg16 : memref<!tpu.dma_semaphore, #tpu.memory_space<semaphore_mem>>) src(%dma_wait3A_449 : memref<128x64xf32, #tpu.memory_space<vmem>>) dst(%dma_wait3A_455 : memref<10240x64xf32, #tpu.memory_space<vmem_shared>>)
    %dma_wait3A_456 = arith.constant 1 : i32
    %dma_wait3A_457 = arith.constant 77 : i32
    %dma_wait3A_458 = arith.constant 0 : i32
    %dma_wait3A_459 = arith.constant 0 : i32
    %dma_wait3A_460 = tpu.memref_slice %arg8[%dma_wait3A_456, %dma_wait3A_458, %dma_wait3A_459] : memref<4x128x64xf32, #tpu.memory_space<vmem>> -> memref<1x128x64xf32, #tpu.memory_space<vmem>>
    %dma_wait3A_461 = tpu.memref_squeeze %dma_wait3A_460 : memref<1x128x64xf32, #tpu.memory_space<vmem>> -> memref<128x64xf32, #tpu.memory_space<vmem>>
    %dma_wait3A_462 = arith.constant 0 : i32
    %dma_wait3A_463 = tpu.memref_slice %arg7[%dma_wait3A_457, %dma_wait3A_462] : memref<80x128xi32, #tpu.memory_space<vmem>> -> memref<1x128xi32, #tpu.memory_space<vmem>>
    %dma_wait3A_464 = tpu.memref_squeeze %dma_wait3A_463 : memref<1x128xi32, #tpu.memory_space<vmem>> -> memref<128xi32, #tpu.memory_space<vmem>>
    %dma_wait3A_465 = arith.constant 0 : i32
    %dma_wait3A_466 = arith.constant 0 : i32
    %dma_wait3A_467 = tpu.memref_slice %arg11[%dma_wait3A_465, %dma_wait3A_466] : memref<10240x64xf32, #tpu.memory_space<vmem_shared>> -> memref<10240x64xf32, #tpu.memory_space<vmem_shared>>
    tpu.wait_indirect_dma semaphore(%arg17 : memref<!tpu.dma_semaphore, #tpu.memory_space<semaphore_mem>>) src(%dma_wait3A_461 : memref<128x64xf32, #tpu.memory_space<vmem>>) dst(%dma_wait3A_467 : memref<10240x64xf32, #tpu.memory_space<vmem_shared>>)
    %dma_wait3A_468 = arith.constant 2 : i32
    %dma_wait3A_469 = arith.constant 78 : i32
    %dma_wait3A_470 = arith.constant 0 : i32
    %dma_wait3A_471 = arith.constant 0 : i32
    %dma_wait3A_472 = tpu.memref_slice %arg8[%dma_wait3A_468, %dma_wait3A_470, %dma_wait3A_471] : memref<4x128x64xf32, #tpu.memory_space<vmem>> -> memref<1x128x64xf32, #tpu.memory_space<vmem>>
    %dma_wait3A_473 = tpu.memref_squeeze %dma_wait3A_472 : memref<1x128x64xf32, #tpu.memory_space<vmem>> -> memref<128x64xf32, #tpu.memory_space<vmem>>
    %dma_wait3A_474 = arith.constant 0 : i32
    %dma_wait3A_475 = tpu.memref_slice %arg7[%dma_wait3A_469, %dma_wait3A_474] : memref<80x128xi32, #tpu.memory_space<vmem>> -> memref<1x128xi32, #tpu.memory_space<vmem>>
    %dma_wait3A_476 = tpu.memref_squeeze %dma_wait3A_475 : memref<1x128xi32, #tpu.memory_space<vmem>> -> memref<128xi32, #tpu.memory_space<vmem>>
    %dma_wait3A_477 = arith.constant 0 : i32
    %dma_wait3A_478 = arith.constant 0 : i32
    %dma_wait3A_479 = tpu.memref_slice %arg11[%dma_wait3A_477, %dma_wait3A_478] : memref<10240x64xf32, #tpu.memory_space<vmem_shared>> -> memref<10240x64xf32, #tpu.memory_space<vmem_shared>>
    tpu.wait_indirect_dma semaphore(%arg18 : memref<!tpu.dma_semaphore, #tpu.memory_space<semaphore_mem>>) src(%dma_wait3A_473 : memref<128x64xf32, #tpu.memory_space<vmem>>) dst(%dma_wait3A_479 : memref<10240x64xf32, #tpu.memory_space<vmem_shared>>)
    %dma_wait3A_480 = arith.constant 3 : i32
    %dma_wait3A_481 = arith.constant 79 : i32
    %dma_wait3A_482 = arith.constant 0 : i32
    %dma_wait3A_483 = arith.constant 0 : i32
    %dma_wait3A_484 = tpu.memref_slice %arg8[%dma_wait3A_480, %dma_wait3A_482, %dma_wait3A_483] : memref<4x128x64xf32, #tpu.memory_space<vmem>> -> memref<1x128x64xf32, #tpu.memory_space<vmem>>
    %dma_wait3A_485 = tpu.memref_squeeze %dma_wait3A_484 : memref<1x128x64xf32, #tpu.memory_space<vmem>> -> memref<128x64xf32, #tpu.memory_space<vmem>>
    %dma_wait3A_486 = arith.constant 0 : i32
    %dma_wait3A_487 = tpu.memref_slice %arg7[%dma_wait3A_481, %dma_wait3A_486] : memref<80x128xi32, #tpu.memory_space<vmem>> -> memref<1x128xi32, #tpu.memory_space<vmem>>
    %dma_wait3A_488 = tpu.memref_squeeze %dma_wait3A_487 : memref<1x128xi32, #tpu.memory_space<vmem>> -> memref<128xi32, #tpu.memory_space<vmem>>
    %dma_wait3A_489 = arith.constant 0 : i32
    %dma_wait3A_490 = arith.constant 0 : i32
    %dma_wait3A_491 = tpu.memref_slice %arg11[%dma_wait3A_489, %dma_wait3A_490] : memref<10240x64xf32, #tpu.memory_space<vmem_shared>> -> memref<10240x64xf32, #tpu.memory_space<vmem_shared>>
    tpu.wait_indirect_dma semaphore(%arg19 : memref<!tpu.dma_semaphore, #tpu.memory_space<semaphore_mem>>) src(%dma_wait3A_485 : memref<128x64xf32, #tpu.memory_space<vmem>>) dst(%dma_wait3A_491 : memref<10240x64xf32, #tpu.memory_space<vmem_shared>>)
    %barrier3A_492 = arith.constant 0 : index
    tpu.barrier barrier_id(%barrier3A_492)
    %scan3A_493 = arith.constant 0 : i32
    %scan3A_494 = arith.constant 0 : i32
    %scan3A_495 = arith.constant 5 : i32
    %scan3A_496 = arith.addi %scan3A_494, %scan3A_495 : i32
    %scan3A_497 = arith.constant 1 : i32
    %scan3A_498 = scf.for %scan3A_500 = %scan3A_494 to %scan3A_496 step %scan3A_497 iter_args(%scan3A_501 = %scan3A_493) -> (i32)  : i32 {
      %mul3A_502 = arith.constant 640 : i32
      %mul3A_503 = arith.muli %arg1, %mul3A_502 : i32
      %mul3A_504 = arith.constant 128 : i32
      %mul3A_505 = arith.muli %scan3A_500, %mul3A_504 : i32
      %add3A_506 = arith.addi %mul3A_503, %mul3A_505 : i32
      "tpu.region"() ({
        %run_scoped3A = tpu.sem_alloc : memref<!tpu.dma_semaphore, #tpu.memory_space<semaphore_mem>>
        %dma_start3A_513 = arith.constant 0 : i32
        %dma_start3A_514 = tpu.memref_slice %arg11[%add3A_506, %dma_start3A_513] : memref<10240x64xf32, #tpu.memory_space<vmem_shared>> -> memref<128x64xf32, #tpu.memory_space<vmem_shared>>
        %dma_start3A_515 = arith.constant 0 : i32
        %dma_start3A_516 = tpu.memref_slice %arg11[%add3A_506, %dma_start3A_515] : memref<10240x64xf32, #tpu.memory_space<vmem_shared>> -> memref<128x64xf32, #tpu.memory_space<vmem_shared>>
        tpu.enqueue_dma source(%dma_start3A_516 : memref<128x64xf32, #tpu.memory_space<vmem_shared>>) target(%arg10 : memref<128x64xf32, #tpu.memory_space<vmem>>) target_semaphore(%run_scoped3A : memref<!tpu.dma_semaphore, #tpu.memory_space<semaphore_mem>>)
        %dma_wait3A_517 = arith.constant 0 : i32
        %dma_wait3A_518 = tpu.memref_slice %arg11[%add3A_506, %dma_wait3A_517] : memref<10240x64xf32, #tpu.memory_space<vmem_shared>> -> memref<128x64xf32, #tpu.memory_space<vmem_shared>>
        %dma_wait3A_519 = arith.constant 0 : i32
        %dma_wait3A_520 = tpu.memref_slice %arg11[%add3A_506, %dma_wait3A_519] : memref<10240x64xf32, #tpu.memory_space<vmem_shared>> -> memref<128x64xf32, #tpu.memory_space<vmem_shared>>
        tpu.wait_dma2 semaphore(%run_scoped3A : memref<!tpu.dma_semaphore, #tpu.memory_space<semaphore_mem>>) src(%dma_wait3A_520 : memref<128x64xf32, #tpu.memory_space<vmem_shared>>) dst(%arg10 : memref<128x64xf32, #tpu.memory_space<vmem>>)
        tpu.yield
      }) : () -> ()
      %mul3A_507 = arith.constant 640 : i32
      %mul3A_508 = arith.muli %arg1, %mul3A_507 : i32
      %mul3A_509 = arith.constant 128 : i32
      %mul3A_510 = arith.muli %scan3A_500, %mul3A_509 : i32
      %add3A_511 = arith.addi %mul3A_508, %mul3A_510 : i32
      "tpu.region"() ({
        %run_scoped3A = tpu.sem_alloc : memref<!tpu.dma_semaphore, #tpu.memory_space<semaphore_mem>>
        %dma_start3A_513 = arith.constant 0 : i32
        %dma_start3A_514 = tpu.memref_slice %arg5[%arg0, %add3A_511, %dma_start3A_513] : memref<2x10240x64xf32, #tpu.memory_space<hbm>> -> memref<1x128x64xf32, #tpu.memory_space<hbm>>
        %dma_start3A_515 = tpu.memref_squeeze %dma_start3A_514 : memref<1x128x64xf32, #tpu.memory_space<hbm>> -> memref<128x64xf32, #tpu.memory_space<hbm>>
        %dma_start3A_516 = arith.constant 0 : i32
        %dma_start3A_517 = tpu.memref_slice %arg5[%arg0, %add3A_511, %dma_start3A_516] : memref<2x10240x64xf32, #tpu.memory_space<hbm>> -> memref<1x128x64xf32, #tpu.memory_space<hbm>>
        %dma_start3A_518 = tpu.memref_squeeze %dma_start3A_517 : memref<1x128x64xf32, #tpu.memory_space<hbm>> -> memref<128x64xf32, #tpu.memory_space<hbm>>
        tpu.enqueue_dma source(%arg10 : memref<128x64xf32, #tpu.memory_space<vmem>>) target(%dma_start3A_518 : memref<128x64xf32, #tpu.memory_space<hbm>>) target_semaphore(%run_scoped3A : memref<!tpu.dma_semaphore, #tpu.memory_space<semaphore_mem>>)
        %dma_wait3A_519 = arith.constant 0 : i32
        %dma_wait3A_520 = tpu.memref_slice %arg5[%arg0, %add3A_511, %dma_wait3A_519] : memref<2x10240x64xf32, #tpu.memory_space<hbm>> -> memref<1x128x64xf32, #tpu.memory_space<hbm>>
        %dma_wait3A_521 = tpu.memref_squeeze %dma_wait3A_520 : memref<1x128x64xf32, #tpu.memory_space<hbm>> -> memref<128x64xf32, #tpu.memory_space<hbm>>
        %dma_wait3A_522 = arith.constant 0 : i32
        %dma_wait3A_523 = tpu.memref_slice %arg5[%arg0, %add3A_511, %dma_wait3A_522] : memref<2x10240x64xf32, #tpu.memory_space<hbm>> -> memref<1x128x64xf32, #tpu.memory_space<hbm>>
        %dma_wait3A_524 = tpu.memref_squeeze %dma_wait3A_523 : memref<1x128x64xf32, #tpu.memory_space<hbm>> -> memref<128x64xf32, #tpu.memory_space<hbm>>
        tpu.wait_dma2 semaphore(%run_scoped3A : memref<!tpu.dma_semaphore, #tpu.memory_space<semaphore_mem>>) src(%arg10 : memref<128x64xf32, #tpu.memory_space<vmem>>) dst(%dma_wait3A_524 : memref<128x64xf32, #tpu.memory_space<hbm>>)
        tpu.yield
      }) : () -> ()
      %scan3A_512 = arith.constant 0 : i32
      scf.yield %scan3A_512 : i32
    }
    %scan3A_499 = arith.constant 5 : i32
    return
  }
}

#map = affine_map<(d0, d1) -> (0, 0)>
#map1 = affine_map<(d0, d1) -> (0, 0, 0)>
module attributes {stable_mosaic.version = 14 : i64} {
  func.func @_edge_kernel(%arg0: i32, %arg1: i32, %arg2: memref<10240x64xf32, #tpu.memory_space<hbm>>, %arg3: memref<32x80x128xi32, #tpu.memory_space<hbm>>, %arg4: memref<32x80x128xi32, #tpu.memory_space<hbm>>, %arg5: memref<2x10240x64xf32, #tpu.memory_space<hbm>>, %arg6: memref<80x128xi32, #tpu.memory_space<vmem>>, %arg7: memref<80x128xi32, #tpu.memory_space<vmem>>, %arg8: memref<4x128x64xf32, #tpu.memory_space<vmem>>, %arg9: memref<16x64xf32, #tpu.memory_space<vmem>>, %arg10: memref<128x64xf32, #tpu.memory_space<vmem>>, %arg11: memref<10240x64xf32, #tpu.memory_space<vmem_shared>>, %arg12: memref<!tpu.dma_semaphore, #tpu.memory_space<semaphore_mem>>, %arg13: memref<!tpu.dma_semaphore, #tpu.memory_space<semaphore_mem>>, %arg14: memref<!tpu.dma_semaphore, #tpu.memory_space<semaphore_mem>>, %arg15: memref<!tpu.dma_semaphore, #tpu.memory_space<semaphore_mem>>, %arg16: memref<!tpu.dma_semaphore, #tpu.memory_space<semaphore_mem>>, %arg17: memref<!tpu.dma_semaphore, #tpu.memory_space<semaphore_mem>>, %arg18: memref<!tpu.dma_semaphore, #tpu.memory_space<semaphore_mem>>, %arg19: memref<!tpu.dma_semaphore, #tpu.memory_space<semaphore_mem>>) attributes {dimension_semantics = [#tpu.dimension_semantics<core_parallel>, #tpu.dimension_semantics<subcore_parallel>], iteration_bounds = array<i64: 2, 16>, scalar_prefetch = 0 : i64, scratch_operands = 14 : i64, tpu.core_type = #tpu.core_type<sc_vector_subcore>, window_params = [{transform_indices = #map}, {transform_indices = #map1}, {transform_indices = #map1}, {transform_indices = #map1}]} {
    %mul3A = arith.constant 16 : i32
    %mul3A_0 = arith.muli %arg0, %mul3A : i32
    %add3A = arith.addi %mul3A_0, %arg1 : i32
    %broadcast_in_dim3A = arith.constant 0.000000e+00 : f32
    %broadcast_in_dim3A_1 = vector.broadcast %broadcast_in_dim3A : f32 to vector<16xf32>
    %swap3A = arith.constant 0 : i32
    %swap3A_2 = arith.index_cast %swap3A : i32 to index
    %swap3A_3 = arith.constant 0 : index
    %swap3A_4 = tpu.vector_load %arg9[%swap3A_2, %swap3A_3] {strides = array<i32>} : memref<16x64xf32, #tpu.memory_space<vmem>>, vector<1x16xf32>,
    %swap3A_5 = vector.shape_cast %swap3A_4 : vector<1x16xf32> to vector<16xf32>
    %swap3A_6 = vector.shape_cast %broadcast_in_dim3A_1 : vector<16xf32> to vector<1x16xf32>
    tpu.vector_store %arg9[%swap3A_2, %swap3A_3], %swap3A_6 {strides = array<i32>} : memref<16x64xf32, #tpu.memory_space<vmem>>, vector<1x16xf32>,
    %swap3A_7 = arith.constant 0 : i32
    %swap3A_8 = arith.index_cast %swap3A_7 : i32 to index
    %swap3A_9 = arith.constant 16 : index
    %swap3A_10 = tpu.vector_load %arg9[%swap3A_8, %swap3A_9] {strides = array<i32>} : memref<16x64xf32, #tpu.memory_space<vmem>>, vector<1x16xf32>,
    %swap3A_11 = vector.shape_cast %swap3A_10 : vector<1x16xf32> to vector<16xf32>
    %swap3A_12 = vector.shape_cast %broadcast_in_dim3A_1 : vector<16xf32> to vector<1x16xf32>
    tpu.vector_store %arg9[%swap3A_8, %swap3A_9], %swap3A_12 {strides = array<i32>} : memref<16x64xf32, #tpu.memory_space<vmem>>, vector<1x16xf32>,
    %swap3A_13 = arith.constant 0 : i32
    %swap3A_14 = arith.index_cast %swap3A_13 : i32 to index
    %swap3A_15 = arith.constant 32 : index
    %swap3A_16 = tpu.vector_load %arg9[%swap3A_14, %swap3A_15] {strides = array<i32>} : memref<16x64xf32, #tpu.memory_space<vmem>>, vector<1x16xf32>,
    %swap3A_17 = vector.shape_cast %swap3A_16 : vector<1x16xf32> to vector<16xf32>
    %swap3A_18 = vector.shape_cast %broadcast_in_dim3A_1 : vector<16xf32> to vector<1x16xf32>
    tpu.vector_store %arg9[%swap3A_14, %swap3A_15], %swap3A_18 {strides = array<i32>} : memref<16x64xf32, #tpu.memory_space<vmem>>, vector<1x16xf32>,
    %swap3A_19 = arith.constant 0 : i32
    %swap3A_20 = arith.index_cast %swap3A_19 : i32 to index
    %swap3A_21 = arith.constant 48 : index
    %swap3A_22 = tpu.vector_load %arg9[%swap3A_20, %swap3A_21] {strides = array<i32>} : memref<16x64xf32, #tpu.memory_space<vmem>>, vector<1x16xf32>,
    %swap3A_23 = vector.shape_cast %swap3A_22 : vector<1x16xf32> to vector<16xf32>
    %swap3A_24 = vector.shape_cast %broadcast_in_dim3A_1 : vector<16xf32> to vector<1x16xf32>
    tpu.vector_store %arg9[%swap3A_20, %swap3A_21], %swap3A_24 {strides = array<i32>} : memref<16x64xf32, #tpu.memory_space<vmem>>, vector<1x16xf32>,
    %swap3A_25 = arith.constant 1 : i32
    %swap3A_26 = arith.index_cast %swap3A_25 : i32 to index
    %swap3A_27 = arith.constant 0 : index
    %swap3A_28 = tpu.vector_load %arg9[%swap3A_26, %swap3A_27] {strides = array<i32>} : memref<16x64xf32, #tpu.memory_space<vmem>>, vector<1x16xf32>,
    %swap3A_29 = vector.shape_cast %swap3A_28 : vector<1x16xf32> to vector<16xf32>
    %swap3A_30 = vector.shape_cast %broadcast_in_dim3A_1 : vector<16xf32> to vector<1x16xf32>
    tpu.vector_store %arg9[%swap3A_26, %swap3A_27], %swap3A_30 {strides = array<i32>} : memref<16x64xf32, #tpu.memory_space<vmem>>, vector<1x16xf32>,
    %swap3A_31 = arith.constant 1 : i32
    %swap3A_32 = arith.index_cast %swap3A_31 : i32 to index
    %swap3A_33 = arith.constant 16 : index
    %swap3A_34 = tpu.vector_load %arg9[%swap3A_32, %swap3A_33] {strides = array<i32>} : memref<16x64xf32, #tpu.memory_space<vmem>>, vector<1x16xf32>,
    %swap3A_35 = vector.shape_cast %swap3A_34 : vector<1x16xf32> to vector<16xf32>
    %swap3A_36 = vector.shape_cast %broadcast_in_dim3A_1 : vector<16xf32> to vector<1x16xf32>
    tpu.vector_store %arg9[%swap3A_32, %swap3A_33], %swap3A_36 {strides = array<i32>} : memref<16x64xf32, #tpu.memory_space<vmem>>, vector<1x16xf32>,
    %swap3A_37 = arith.constant 1 : i32
    %swap3A_38 = arith.index_cast %swap3A_37 : i32 to index
    %swap3A_39 = arith.constant 32 : index
    %swap3A_40 = tpu.vector_load %arg9[%swap3A_38, %swap3A_39] {strides = array<i32>} : memref<16x64xf32, #tpu.memory_space<vmem>>, vector<1x16xf32>,
    %swap3A_41 = vector.shape_cast %swap3A_40 : vector<1x16xf32> to vector<16xf32>
    %swap3A_42 = vector.shape_cast %broadcast_in_dim3A_1 : vector<16xf32> to vector<1x16xf32>
    tpu.vector_store %arg9[%swap3A_38, %swap3A_39], %swap3A_42 {strides = array<i32>} : memref<16x64xf32, #tpu.memory_space<vmem>>, vector<1x16xf32>,
    %swap3A_43 = arith.constant 1 : i32
    %swap3A_44 = arith.index_cast %swap3A_43 : i32 to index
    %swap3A_45 = arith.constant 48 : index
    %swap3A_46 = tpu.vector_load %arg9[%swap3A_44, %swap3A_45] {strides = array<i32>} : memref<16x64xf32, #tpu.memory_space<vmem>>, vector<1x16xf32>,
    %swap3A_47 = vector.shape_cast %swap3A_46 : vector<1x16xf32> to vector<16xf32>
    %swap3A_48 = vector.shape_cast %broadcast_in_dim3A_1 : vector<16xf32> to vector<1x16xf32>
    tpu.vector_store %arg9[%swap3A_44, %swap3A_45], %swap3A_48 {strides = array<i32>} : memref<16x64xf32, #tpu.memory_space<vmem>>, vector<1x16xf32>,
    %swap3A_49 = arith.constant 2 : i32
    %swap3A_50 = arith.index_cast %swap3A_49 : i32 to index
    %swap3A_51 = arith.constant 0 : index
    %swap3A_52 = tpu.vector_load %arg9[%swap3A_50, %swap3A_51] {strides = array<i32>} : memref<16x64xf32, #tpu.memory_space<vmem>>, vector<1x16xf32>,
    %swap3A_53 = vector.shape_cast %swap3A_52 : vector<1x16xf32> to vector<16xf32>
    %swap3A_54 = vector.shape_cast %broadcast_in_dim3A_1 : vector<16xf32> to vector<1x16xf32>
    tpu.vector_store %arg9[%swap3A_50, %swap3A_51], %swap3A_54 {strides = array<i32>} : memref<16x64xf32, #tpu.memory_space<vmem>>, vector<1x16xf32>,
    %swap3A_55 = arith.constant 2 : i32
    %swap3A_56 = arith.index_cast %swap3A_55 : i32 to index
    %swap3A_57 = arith.constant 16 : index
    %swap3A_58 = tpu.vector_load %arg9[%swap3A_56, %swap3A_57] {strides = array<i32>} : memref<16x64xf32, #tpu.memory_space<vmem>>, vector<1x16xf32>,
    %swap3A_59 = vector.shape_cast %swap3A_58 : vector<1x16xf32> to vector<16xf32>
    %swap3A_60 = vector.shape_cast %broadcast_in_dim3A_1 : vector<16xf32> to vector<1x16xf32>
    tpu.vector_store %arg9[%swap3A_56, %swap3A_57], %swap3A_60 {strides = array<i32>} : memref<16x64xf32, #tpu.memory_space<vmem>>, vector<1x16xf32>,
    %swap3A_61 = arith.constant 2 : i32
    %swap3A_62 = arith.index_cast %swap3A_61 : i32 to index
    %swap3A_63 = arith.constant 32 : index
    %swap3A_64 = tpu.vector_load %arg9[%swap3A_62, %swap3A_63] {strides = array<i32>} : memref<16x64xf32, #tpu.memory_space<vmem>>, vector<1x16xf32>,
    %swap3A_65 = vector.shape_cast %swap3A_64 : vector<1x16xf32> to vector<16xf32>
    %swap3A_66 = vector.shape_cast %broadcast_in_dim3A_1 : vector<16xf32> to vector<1x16xf32>
    tpu.vector_store %arg9[%swap3A_62, %swap3A_63], %swap3A_66 {strides = array<i32>} : memref<16x64xf32, #tpu.memory_space<vmem>>, vector<1x16xf32>,
    %swap3A_67 = arith.constant 2 : i32
    %swap3A_68 = arith.index_cast %swap3A_67 : i32 to index
    %swap3A_69 = arith.constant 48 : index
    %swap3A_70 = tpu.vector_load %arg9[%swap3A_68, %swap3A_69] {strides = array<i32>} : memref<16x64xf32, #tpu.memory_space<vmem>>, vector<1x16xf32>,
    %swap3A_71 = vector.shape_cast %swap3A_70 : vector<1x16xf32> to vector<16xf32>
    %swap3A_72 = vector.shape_cast %broadcast_in_dim3A_1 : vector<16xf32> to vector<1x16xf32>
    tpu.vector_store %arg9[%swap3A_68, %swap3A_69], %swap3A_72 {strides = array<i32>} : memref<16x64xf32, #tpu.memory_space<vmem>>, vector<1x16xf32>,
    %swap3A_73 = arith.constant 3 : i32
    %swap3A_74 = arith.index_cast %swap3A_73 : i32 to index
    %swap3A_75 = arith.constant 0 : index
    %swap3A_76 = tpu.vector_load %arg9[%swap3A_74, %swap3A_75] {strides = array<i32>} : memref<16x64xf32, #tpu.memory_space<vmem>>, vector<1x16xf32>,
    %swap3A_77 = vector.shape_cast %swap3A_76 : vector<1x16xf32> to vector<16xf32>
    %swap3A_78 = vector.shape_cast %broadcast_in_dim3A_1 : vector<16xf32> to vector<1x16xf32>
    tpu.vector_store %arg9[%swap3A_74, %swap3A_75], %swap3A_78 {strides = array<i32>} : memref<16x64xf32, #tpu.memory_space<vmem>>, vector<1x16xf32>,
    %swap3A_79 = arith.constant 3 : i32
    %swap3A_80 = arith.index_cast %swap3A_79 : i32 to index
    %swap3A_81 = arith.constant 16 : index
    %swap3A_82 = tpu.vector_load %arg9[%swap3A_80, %swap3A_81] {strides = array<i32>} : memref<16x64xf32, #tpu.memory_space<vmem>>, vector<1x16xf32>,
    %swap3A_83 = vector.shape_cast %swap3A_82 : vector<1x16xf32> to vector<16xf32>
    %swap3A_84 = vector.shape_cast %broadcast_in_dim3A_1 : vector<16xf32> to vector<1x16xf32>
    tpu.vector_store %arg9[%swap3A_80, %swap3A_81], %swap3A_84 {strides = array<i32>} : memref<16x64xf32, #tpu.memory_space<vmem>>, vector<1x16xf32>,
    %swap3A_85 = arith.constant 3 : i32
    %swap3A_86 = arith.index_cast %swap3A_85 : i32 to index
    %swap3A_87 = arith.constant 32 : index
    %swap3A_88 = tpu.vector_load %arg9[%swap3A_86, %swap3A_87] {strides = array<i32>} : memref<16x64xf32, #tpu.memory_space<vmem>>, vector<1x16xf32>,
    %swap3A_89 = vector.shape_cast %swap3A_88 : vector<1x16xf32> to vector<16xf32>
    %swap3A_90 = vector.shape_cast %broadcast_in_dim3A_1 : vector<16xf32> to vector<1x16xf32>
    tpu.vector_store %arg9[%swap3A_86, %swap3A_87], %swap3A_90 {strides = array<i32>} : memref<16x64xf32, #tpu.memory_space<vmem>>, vector<1x16xf32>,
    %swap3A_91 = arith.constant 3 : i32
    %swap3A_92 = arith.index_cast %swap3A_91 : i32 to index
    %swap3A_93 = arith.constant 48 : index
    %swap3A_94 = tpu.vector_load %arg9[%swap3A_92, %swap3A_93] {strides = array<i32>} : memref<16x64xf32, #tpu.memory_space<vmem>>, vector<1x16xf32>,
    %swap3A_95 = vector.shape_cast %swap3A_94 : vector<1x16xf32> to vector<16xf32>
    %swap3A_96 = vector.shape_cast %broadcast_in_dim3A_1 : vector<16xf32> to vector<1x16xf32>
    tpu.vector_store %arg9[%swap3A_92, %swap3A_93], %swap3A_96 {strides = array<i32>} : memref<16x64xf32, #tpu.memory_space<vmem>>, vector<1x16xf32>,
    %swap3A_97 = arith.constant 4 : i32
    %swap3A_98 = arith.index_cast %swap3A_97 : i32 to index
    %swap3A_99 = arith.constant 0 : index
    %swap3A_100 = tpu.vector_load %arg9[%swap3A_98, %swap3A_99] {strides = array<i32>} : memref<16x64xf32, #tpu.memory_space<vmem>>, vector<1x16xf32>,
    %swap3A_101 = vector.shape_cast %swap3A_100 : vector<1x16xf32> to vector<16xf32>
    %swap3A_102 = vector.shape_cast %broadcast_in_dim3A_1 : vector<16xf32> to vector<1x16xf32>
    tpu.vector_store %arg9[%swap3A_98, %swap3A_99], %swap3A_102 {strides = array<i32>} : memref<16x64xf32, #tpu.memory_space<vmem>>, vector<1x16xf32>,
    %swap3A_103 = arith.constant 4 : i32
    %swap3A_104 = arith.index_cast %swap3A_103 : i32 to index
    %swap3A_105 = arith.constant 16 : index
    %swap3A_106 = tpu.vector_load %arg9[%swap3A_104, %swap3A_105] {strides = array<i32>} : memref<16x64xf32, #tpu.memory_space<vmem>>, vector<1x16xf32>,
    %swap3A_107 = vector.shape_cast %swap3A_106 : vector<1x16xf32> to vector<16xf32>
    %swap3A_108 = vector.shape_cast %broadcast_in_dim3A_1 : vector<16xf32> to vector<1x16xf32>
    tpu.vector_store %arg9[%swap3A_104, %swap3A_105], %swap3A_108 {strides = array<i32>} : memref<16x64xf32, #tpu.memory_space<vmem>>, vector<1x16xf32>,
    %swap3A_109 = arith.constant 4 : i32
    %swap3A_110 = arith.index_cast %swap3A_109 : i32 to index
    %swap3A_111 = arith.constant 32 : index
    %swap3A_112 = tpu.vector_load %arg9[%swap3A_110, %swap3A_111] {strides = array<i32>} : memref<16x64xf32, #tpu.memory_space<vmem>>, vector<1x16xf32>,
    %swap3A_113 = vector.shape_cast %swap3A_112 : vector<1x16xf32> to vector<16xf32>
    %swap3A_114 = vector.shape_cast %broadcast_in_dim3A_1 : vector<16xf32> to vector<1x16xf32>
    tpu.vector_store %arg9[%swap3A_110, %swap3A_111], %swap3A_114 {strides = array<i32>} : memref<16x64xf32, #tpu.memory_space<vmem>>, vector<1x16xf32>,
    %swap3A_115 = arith.constant 4 : i32
    %swap3A_116 = arith.index_cast %swap3A_115 : i32 to index
    %swap3A_117 = arith.constant 48 : index
    %swap3A_118 = tpu.vector_load %arg9[%swap3A_116, %swap3A_117] {strides = array<i32>} : memref<16x64xf32, #tpu.memory_space<vmem>>, vector<1x16xf32>,
    %swap3A_119 = vector.shape_cast %swap3A_118 : vector<1x16xf32> to vector<16xf32>
    %swap3A_120 = vector.shape_cast %broadcast_in_dim3A_1 : vector<16xf32> to vector<1x16xf32>
    tpu.vector_store %arg9[%swap3A_116, %swap3A_117], %swap3A_120 {strides = array<i32>} : memref<16x64xf32, #tpu.memory_space<vmem>>, vector<1x16xf32>,
    %swap3A_121 = arith.constant 5 : i32
    %swap3A_122 = arith.index_cast %swap3A_121 : i32 to index
    %swap3A_123 = arith.constant 0 : index
    %swap3A_124 = tpu.vector_load %arg9[%swap3A_122, %swap3A_123] {strides = array<i32>} : memref<16x64xf32, #tpu.memory_space<vmem>>, vector<1x16xf32>,
    %swap3A_125 = vector.shape_cast %swap3A_124 : vector<1x16xf32> to vector<16xf32>
    %swap3A_126 = vector.shape_cast %broadcast_in_dim3A_1 : vector<16xf32> to vector<1x16xf32>
    tpu.vector_store %arg9[%swap3A_122, %swap3A_123], %swap3A_126 {strides = array<i32>} : memref<16x64xf32, #tpu.memory_space<vmem>>, vector<1x16xf32>,
    %swap3A_127 = arith.constant 5 : i32
    %swap3A_128 = arith.index_cast %swap3A_127 : i32 to index
    %swap3A_129 = arith.constant 16 : index
    %swap3A_130 = tpu.vector_load %arg9[%swap3A_128, %swap3A_129] {strides = array<i32>} : memref<16x64xf32, #tpu.memory_space<vmem>>, vector<1x16xf32>,
    %swap3A_131 = vector.shape_cast %swap3A_130 : vector<1x16xf32> to vector<16xf32>
    %swap3A_132 = vector.shape_cast %broadcast_in_dim3A_1 : vector<16xf32> to vector<1x16xf32>
    tpu.vector_store %arg9[%swap3A_128, %swap3A_129], %swap3A_132 {strides = array<i32>} : memref<16x64xf32, #tpu.memory_space<vmem>>, vector<1x16xf32>,
    %swap3A_133 = arith.constant 5 : i32
    %swap3A_134 = arith.index_cast %swap3A_133 : i32 to index
    %swap3A_135 = arith.constant 32 : index
    %swap3A_136 = tpu.vector_load %arg9[%swap3A_134, %swap3A_135] {strides = array<i32>} : memref<16x64xf32, #tpu.memory_space<vmem>>, vector<1x16xf32>,
    %swap3A_137 = vector.shape_cast %swap3A_136 : vector<1x16xf32> to vector<16xf32>
    %swap3A_138 = vector.shape_cast %broadcast_in_dim3A_1 : vector<16xf32> to vector<1x16xf32>
    tpu.vector_store %arg9[%swap3A_134, %swap3A_135], %swap3A_138 {strides = array<i32>} : memref<16x64xf32, #tpu.memory_space<vmem>>, vector<1x16xf32>,
    %swap3A_139 = arith.constant 5 : i32
    %swap3A_140 = arith.index_cast %swap3A_139 : i32 to index
    %swap3A_141 = arith.constant 48 : index
    %swap3A_142 = tpu.vector_load %arg9[%swap3A_140, %swap3A_141] {strides = array<i32>} : memref<16x64xf32, #tpu.memory_space<vmem>>, vector<1x16xf32>,
    %swap3A_143 = vector.shape_cast %swap3A_142 : vector<1x16xf32> to vector<16xf32>
    %swap3A_144 = vector.shape_cast %broadcast_in_dim3A_1 : vector<16xf32> to vector<1x16xf32>
    tpu.vector_store %arg9[%swap3A_140, %swap3A_141], %swap3A_144 {strides = array<i32>} : memref<16x64xf32, #tpu.memory_space<vmem>>, vector<1x16xf32>,
    %swap3A_145 = arith.constant 6 : i32
    %swap3A_146 = arith.index_cast %swap3A_145 : i32 to index
    %swap3A_147 = arith.constant 0 : index
    %swap3A_148 = tpu.vector_load %arg9[%swap3A_146, %swap3A_147] {strides = array<i32>} : memref<16x64xf32, #tpu.memory_space<vmem>>, vector<1x16xf32>,
    %swap3A_149 = vector.shape_cast %swap3A_148 : vector<1x16xf32> to vector<16xf32>
    %swap3A_150 = vector.shape_cast %broadcast_in_dim3A_1 : vector<16xf32> to vector<1x16xf32>
    tpu.vector_store %arg9[%swap3A_146, %swap3A_147], %swap3A_150 {strides = array<i32>} : memref<16x64xf32, #tpu.memory_space<vmem>>, vector<1x16xf32>,
    %swap3A_151 = arith.constant 6 : i32
    %swap3A_152 = arith.index_cast %swap3A_151 : i32 to index
    %swap3A_153 = arith.constant 16 : index
    %swap3A_154 = tpu.vector_load %arg9[%swap3A_152, %swap3A_153] {strides = array<i32>} : memref<16x64xf32, #tpu.memory_space<vmem>>, vector<1x16xf32>,
    %swap3A_155 = vector.shape_cast %swap3A_154 : vector<1x16xf32> to vector<16xf32>
    %swap3A_156 = vector.shape_cast %broadcast_in_dim3A_1 : vector<16xf32> to vector<1x16xf32>
    tpu.vector_store %arg9[%swap3A_152, %swap3A_153], %swap3A_156 {strides = array<i32>} : memref<16x64xf32, #tpu.memory_space<vmem>>, vector<1x16xf32>,
    %swap3A_157 = arith.constant 6 : i32
    %swap3A_158 = arith.index_cast %swap3A_157 : i32 to index
    %swap3A_159 = arith.constant 32 : index
    %swap3A_160 = tpu.vector_load %arg9[%swap3A_158, %swap3A_159] {strides = array<i32>} : memref<16x64xf32, #tpu.memory_space<vmem>>, vector<1x16xf32>,
    %swap3A_161 = vector.shape_cast %swap3A_160 : vector<1x16xf32> to vector<16xf32>
    %swap3A_162 = vector.shape_cast %broadcast_in_dim3A_1 : vector<16xf32> to vector<1x16xf32>
    tpu.vector_store %arg9[%swap3A_158, %swap3A_159], %swap3A_162 {strides = array<i32>} : memref<16x64xf32, #tpu.memory_space<vmem>>, vector<1x16xf32>,
    %swap3A_163 = arith.constant 6 : i32
    %swap3A_164 = arith.index_cast %swap3A_163 : i32 to index
    %swap3A_165 = arith.constant 48 : index
    %swap3A_166 = tpu.vector_load %arg9[%swap3A_164, %swap3A_165] {strides = array<i32>} : memref<16x64xf32, #tpu.memory_space<vmem>>, vector<1x16xf32>,
    %swap3A_167 = vector.shape_cast %swap3A_166 : vector<1x16xf32> to vector<16xf32>
    %swap3A_168 = vector.shape_cast %broadcast_in_dim3A_1 : vector<16xf32> to vector<1x16xf32>
    tpu.vector_store %arg9[%swap3A_164, %swap3A_165], %swap3A_168 {strides = array<i32>} : memref<16x64xf32, #tpu.memory_space<vmem>>, vector<1x16xf32>,
    %swap3A_169 = arith.constant 7 : i32
    %swap3A_170 = arith.index_cast %swap3A_169 : i32 to index
    %swap3A_171 = arith.constant 0 : index
    %swap3A_172 = tpu.vector_load %arg9[%swap3A_170, %swap3A_171] {strides = array<i32>} : memref<16x64xf32, #tpu.memory_space<vmem>>, vector<1x16xf32>,
    %swap3A_173 = vector.shape_cast %swap3A_172 : vector<1x16xf32> to vector<16xf32>
    %swap3A_174 = vector.shape_cast %broadcast_in_dim3A_1 : vector<16xf32> to vector<1x16xf32>
    tpu.vector_store %arg9[%swap3A_170, %swap3A_171], %swap3A_174 {strides = array<i32>} : memref<16x64xf32, #tpu.memory_space<vmem>>, vector<1x16xf32>,
    %swap3A_175 = arith.constant 7 : i32
    %swap3A_176 = arith.index_cast %swap3A_175 : i32 to index
    %swap3A_177 = arith.constant 16 : index
    %swap3A_178 = tpu.vector_load %arg9[%swap3A_176, %swap3A_177] {strides = array<i32>} : memref<16x64xf32, #tpu.memory_space<vmem>>, vector<1x16xf32>,
    %swap3A_179 = vector.shape_cast %swap3A_178 : vector<1x16xf32> to vector<16xf32>
    %swap3A_180 = vector.shape_cast %broadcast_in_dim3A_1 : vector<16xf32> to vector<1x16xf32>
    tpu.vector_store %arg9[%swap3A_176, %swap3A_177], %swap3A_180 {strides = array<i32>} : memref<16x64xf32, #tpu.memory_space<vmem>>, vector<1x16xf32>,
    %swap3A_181 = arith.constant 7 : i32
    %swap3A_182 = arith.index_cast %swap3A_181 : i32 to index
    %swap3A_183 = arith.constant 32 : index
    %swap3A_184 = tpu.vector_load %arg9[%swap3A_182, %swap3A_183] {strides = array<i32>} : memref<16x64xf32, #tpu.memory_space<vmem>>, vector<1x16xf32>,
    %swap3A_185 = vector.shape_cast %swap3A_184 : vector<1x16xf32> to vector<16xf32>
    %swap3A_186 = vector.shape_cast %broadcast_in_dim3A_1 : vector<16xf32> to vector<1x16xf32>
    tpu.vector_store %arg9[%swap3A_182, %swap3A_183], %swap3A_186 {strides = array<i32>} : memref<16x64xf32, #tpu.memory_space<vmem>>, vector<1x16xf32>,
    %swap3A_187 = arith.constant 7 : i32
    %swap3A_188 = arith.index_cast %swap3A_187 : i32 to index
    %swap3A_189 = arith.constant 48 : index
    %swap3A_190 = tpu.vector_load %arg9[%swap3A_188, %swap3A_189] {strides = array<i32>} : memref<16x64xf32, #tpu.memory_space<vmem>>, vector<1x16xf32>,
    %swap3A_191 = vector.shape_cast %swap3A_190 : vector<1x16xf32> to vector<16xf32>
    %swap3A_192 = vector.shape_cast %broadcast_in_dim3A_1 : vector<16xf32> to vector<1x16xf32>
    tpu.vector_store %arg9[%swap3A_188, %swap3A_189], %swap3A_192 {strides = array<i32>} : memref<16x64xf32, #tpu.memory_space<vmem>>, vector<1x16xf32>,
    %swap3A_193 = arith.constant 8 : i32
    %swap3A_194 = arith.index_cast %swap3A_193 : i32 to index
    %swap3A_195 = arith.constant 0 : index
    %swap3A_196 = tpu.vector_load %arg9[%swap3A_194, %swap3A_195] {strides = array<i32>} : memref<16x64xf32, #tpu.memory_space<vmem>>, vector<1x16xf32>,
    %swap3A_197 = vector.shape_cast %swap3A_196 : vector<1x16xf32> to vector<16xf32>
    %swap3A_198 = vector.shape_cast %broadcast_in_dim3A_1 : vector<16xf32> to vector<1x16xf32>
    tpu.vector_store %arg9[%swap3A_194, %swap3A_195], %swap3A_198 {strides = array<i32>} : memref<16x64xf32, #tpu.memory_space<vmem>>, vector<1x16xf32>,
    %swap3A_199 = arith.constant 8 : i32
    %swap3A_200 = arith.index_cast %swap3A_199 : i32 to index
    %swap3A_201 = arith.constant 16 : index
    %swap3A_202 = tpu.vector_load %arg9[%swap3A_200, %swap3A_201] {strides = array<i32>} : memref<16x64xf32, #tpu.memory_space<vmem>>, vector<1x16xf32>,
    %swap3A_203 = vector.shape_cast %swap3A_202 : vector<1x16xf32> to vector<16xf32>
    %swap3A_204 = vector.shape_cast %broadcast_in_dim3A_1 : vector<16xf32> to vector<1x16xf32>
    tpu.vector_store %arg9[%swap3A_200, %swap3A_201], %swap3A_204 {strides = array<i32>} : memref<16x64xf32, #tpu.memory_space<vmem>>, vector<1x16xf32>,
    %swap3A_205 = arith.constant 8 : i32
    %swap3A_206 = arith.index_cast %swap3A_205 : i32 to index
    %swap3A_207 = arith.constant 32 : index
    %swap3A_208 = tpu.vector_load %arg9[%swap3A_206, %swap3A_207] {strides = array<i32>} : memref<16x64xf32, #tpu.memory_space<vmem>>, vector<1x16xf32>,
    %swap3A_209 = vector.shape_cast %swap3A_208 : vector<1x16xf32> to vector<16xf32>
    %swap3A_210 = vector.shape_cast %broadcast_in_dim3A_1 : vector<16xf32> to vector<1x16xf32>
    tpu.vector_store %arg9[%swap3A_206, %swap3A_207], %swap3A_210 {strides = array<i32>} : memref<16x64xf32, #tpu.memory_space<vmem>>, vector<1x16xf32>,
    %swap3A_211 = arith.constant 8 : i32
    %swap3A_212 = arith.index_cast %swap3A_211 : i32 to index
    %swap3A_213 = arith.constant 48 : index
    %swap3A_214 = tpu.vector_load %arg9[%swap3A_212, %swap3A_213] {strides = array<i32>} : memref<16x64xf32, #tpu.memory_space<vmem>>, vector<1x16xf32>,
    %swap3A_215 = vector.shape_cast %swap3A_214 : vector<1x16xf32> to vector<16xf32>
    %swap3A_216 = vector.shape_cast %broadcast_in_dim3A_1 : vector<16xf32> to vector<1x16xf32>
    tpu.vector_store %arg9[%swap3A_212, %swap3A_213], %swap3A_216 {strides = array<i32>} : memref<16x64xf32, #tpu.memory_space<vmem>>, vector<1x16xf32>,
    %swap3A_217 = arith.constant 9 : i32
    %swap3A_218 = arith.index_cast %swap3A_217 : i32 to index
    %swap3A_219 = arith.constant 0 : index
    %swap3A_220 = tpu.vector_load %arg9[%swap3A_218, %swap3A_219] {strides = array<i32>} : memref<16x64xf32, #tpu.memory_space<vmem>>, vector<1x16xf32>,
    %swap3A_221 = vector.shape_cast %swap3A_220 : vector<1x16xf32> to vector<16xf32>
    %swap3A_222 = vector.shape_cast %broadcast_in_dim3A_1 : vector<16xf32> to vector<1x16xf32>
    tpu.vector_store %arg9[%swap3A_218, %swap3A_219], %swap3A_222 {strides = array<i32>} : memref<16x64xf32, #tpu.memory_space<vmem>>, vector<1x16xf32>,
    %swap3A_223 = arith.constant 9 : i32
    %swap3A_224 = arith.index_cast %swap3A_223 : i32 to index
    %swap3A_225 = arith.constant 16 : index
    %swap3A_226 = tpu.vector_load %arg9[%swap3A_224, %swap3A_225] {strides = array<i32>} : memref<16x64xf32, #tpu.memory_space<vmem>>, vector<1x16xf32>,
    %swap3A_227 = vector.shape_cast %swap3A_226 : vector<1x16xf32> to vector<16xf32>
    %swap3A_228 = vector.shape_cast %broadcast_in_dim3A_1 : vector<16xf32> to vector<1x16xf32>
    tpu.vector_store %arg9[%swap3A_224, %swap3A_225], %swap3A_228 {strides = array<i32>} : memref<16x64xf32, #tpu.memory_space<vmem>>, vector<1x16xf32>,
    %swap3A_229 = arith.constant 9 : i32
    %swap3A_230 = arith.index_cast %swap3A_229 : i32 to index
    %swap3A_231 = arith.constant 32 : index
    %swap3A_232 = tpu.vector_load %arg9[%swap3A_230, %swap3A_231] {strides = array<i32>} : memref<16x64xf32, #tpu.memory_space<vmem>>, vector<1x16xf32>,
    %swap3A_233 = vector.shape_cast %swap3A_232 : vector<1x16xf32> to vector<16xf32>
    %swap3A_234 = vector.shape_cast %broadcast_in_dim3A_1 : vector<16xf32> to vector<1x16xf32>
    tpu.vector_store %arg9[%swap3A_230, %swap3A_231], %swap3A_234 {strides = array<i32>} : memref<16x64xf32, #tpu.memory_space<vmem>>, vector<1x16xf32>,
    %swap3A_235 = arith.constant 9 : i32
    %swap3A_236 = arith.index_cast %swap3A_235 : i32 to index
    %swap3A_237 = arith.constant 48 : index
    %swap3A_238 = tpu.vector_load %arg9[%swap3A_236, %swap3A_237] {strides = array<i32>} : memref<16x64xf32, #tpu.memory_space<vmem>>, vector<1x16xf32>,
    %swap3A_239 = vector.shape_cast %swap3A_238 : vector<1x16xf32> to vector<16xf32>
    %swap3A_240 = vector.shape_cast %broadcast_in_dim3A_1 : vector<16xf32> to vector<1x16xf32>
    tpu.vector_store %arg9[%swap3A_236, %swap3A_237], %swap3A_240 {strides = array<i32>} : memref<16x64xf32, #tpu.memory_space<vmem>>, vector<1x16xf32>,
    %swap3A_241 = arith.constant 10 : i32
    %swap3A_242 = arith.index_cast %swap3A_241 : i32 to index
    %swap3A_243 = arith.constant 0 : index
    %swap3A_244 = tpu.vector_load %arg9[%swap3A_242, %swap3A_243] {strides = array<i32>} : memref<16x64xf32, #tpu.memory_space<vmem>>, vector<1x16xf32>,
    %swap3A_245 = vector.shape_cast %swap3A_244 : vector<1x16xf32> to vector<16xf32>
    %swap3A_246 = vector.shape_cast %broadcast_in_dim3A_1 : vector<16xf32> to vector<1x16xf32>
    tpu.vector_store %arg9[%swap3A_242, %swap3A_243], %swap3A_246 {strides = array<i32>} : memref<16x64xf32, #tpu.memory_space<vmem>>, vector<1x16xf32>,
    %swap3A_247 = arith.constant 10 : i32
    %swap3A_248 = arith.index_cast %swap3A_247 : i32 to index
    %swap3A_249 = arith.constant 16 : index
    %swap3A_250 = tpu.vector_load %arg9[%swap3A_248, %swap3A_249] {strides = array<i32>} : memref<16x64xf32, #tpu.memory_space<vmem>>, vector<1x16xf32>,
    %swap3A_251 = vector.shape_cast %swap3A_250 : vector<1x16xf32> to vector<16xf32>
    %swap3A_252 = vector.shape_cast %broadcast_in_dim3A_1 : vector<16xf32> to vector<1x16xf32>
    tpu.vector_store %arg9[%swap3A_248, %swap3A_249], %swap3A_252 {strides = array<i32>} : memref<16x64xf32, #tpu.memory_space<vmem>>, vector<1x16xf32>,
    %swap3A_253 = arith.constant 10 : i32
    %swap3A_254 = arith.index_cast %swap3A_253 : i32 to index
    %swap3A_255 = arith.constant 32 : index
    %swap3A_256 = tpu.vector_load %arg9[%swap3A_254, %swap3A_255] {strides = array<i32>} : memref<16x64xf32, #tpu.memory_space<vmem>>, vector<1x16xf32>,
    %swap3A_257 = vector.shape_cast %swap3A_256 : vector<1x16xf32> to vector<16xf32>
    %swap3A_258 = vector.shape_cast %broadcast_in_dim3A_1 : vector<16xf32> to vector<1x16xf32>
    tpu.vector_store %arg9[%swap3A_254, %swap3A_255], %swap3A_258 {strides = array<i32>} : memref<16x64xf32, #tpu.memory_space<vmem>>, vector<1x16xf32>,
    %swap3A_259 = arith.constant 10 : i32
    %swap3A_260 = arith.index_cast %swap3A_259 : i32 to index
    %swap3A_261 = arith.constant 48 : index
    %swap3A_262 = tpu.vector_load %arg9[%swap3A_260, %swap3A_261] {strides = array<i32>} : memref<16x64xf32, #tpu.memory_space<vmem>>, vector<1x16xf32>,
    %swap3A_263 = vector.shape_cast %swap3A_262 : vector<1x16xf32> to vector<16xf32>
    %swap3A_264 = vector.shape_cast %broadcast_in_dim3A_1 : vector<16xf32> to vector<1x16xf32>
    tpu.vector_store %arg9[%swap3A_260, %swap3A_261], %swap3A_264 {strides = array<i32>} : memref<16x64xf32, #tpu.memory_space<vmem>>, vector<1x16xf32>,
    %swap3A_265 = arith.constant 11 : i32
    %swap3A_266 = arith.index_cast %swap3A_265 : i32 to index
    %swap3A_267 = arith.constant 0 : index
    %swap3A_268 = tpu.vector_load %arg9[%swap3A_266, %swap3A_267] {strides = array<i32>} : memref<16x64xf32, #tpu.memory_space<vmem>>, vector<1x16xf32>,
    %swap3A_269 = vector.shape_cast %swap3A_268 : vector<1x16xf32> to vector<16xf32>
    %swap3A_270 = vector.shape_cast %broadcast_in_dim3A_1 : vector<16xf32> to vector<1x16xf32>
    tpu.vector_store %arg9[%swap3A_266, %swap3A_267], %swap3A_270 {strides = array<i32>} : memref<16x64xf32, #tpu.memory_space<vmem>>, vector<1x16xf32>,
    %swap3A_271 = arith.constant 11 : i32
    %swap3A_272 = arith.index_cast %swap3A_271 : i32 to index
    %swap3A_273 = arith.constant 16 : index
    %swap3A_274 = tpu.vector_load %arg9[%swap3A_272, %swap3A_273] {strides = array<i32>} : memref<16x64xf32, #tpu.memory_space<vmem>>, vector<1x16xf32>,
    %swap3A_275 = vector.shape_cast %swap3A_274 : vector<1x16xf32> to vector<16xf32>
    %swap3A_276 = vector.shape_cast %broadcast_in_dim3A_1 : vector<16xf32> to vector<1x16xf32>
    tpu.vector_store %arg9[%swap3A_272, %swap3A_273], %swap3A_276 {strides = array<i32>} : memref<16x64xf32, #tpu.memory_space<vmem>>, vector<1x16xf32>,
    %swap3A_277 = arith.constant 11 : i32
    %swap3A_278 = arith.index_cast %swap3A_277 : i32 to index
    %swap3A_279 = arith.constant 32 : index
    %swap3A_280 = tpu.vector_load %arg9[%swap3A_278, %swap3A_279] {strides = array<i32>} : memref<16x64xf32, #tpu.memory_space<vmem>>, vector<1x16xf32>,
    %swap3A_281 = vector.shape_cast %swap3A_280 : vector<1x16xf32> to vector<16xf32>
    %swap3A_282 = vector.shape_cast %broadcast_in_dim3A_1 : vector<16xf32> to vector<1x16xf32>
    tpu.vector_store %arg9[%swap3A_278, %swap3A_279], %swap3A_282 {strides = array<i32>} : memref<16x64xf32, #tpu.memory_space<vmem>>, vector<1x16xf32>,
    %swap3A_283 = arith.constant 11 : i32
    %swap3A_284 = arith.index_cast %swap3A_283 : i32 to index
    %swap3A_285 = arith.constant 48 : index
    %swap3A_286 = tpu.vector_load %arg9[%swap3A_284, %swap3A_285] {strides = array<i32>} : memref<16x64xf32, #tpu.memory_space<vmem>>, vector<1x16xf32>,
    %swap3A_287 = vector.shape_cast %swap3A_286 : vector<1x16xf32> to vector<16xf32>
    %swap3A_288 = vector.shape_cast %broadcast_in_dim3A_1 : vector<16xf32> to vector<1x16xf32>
    tpu.vector_store %arg9[%swap3A_284, %swap3A_285], %swap3A_288 {strides = array<i32>} : memref<16x64xf32, #tpu.memory_space<vmem>>, vector<1x16xf32>,
    %swap3A_289 = arith.constant 12 : i32
    %swap3A_290 = arith.index_cast %swap3A_289 : i32 to index
    %swap3A_291 = arith.constant 0 : index
    %swap3A_292 = tpu.vector_load %arg9[%swap3A_290, %swap3A_291] {strides = array<i32>} : memref<16x64xf32, #tpu.memory_space<vmem>>, vector<1x16xf32>,
    %swap3A_293 = vector.shape_cast %swap3A_292 : vector<1x16xf32> to vector<16xf32>
    %swap3A_294 = vector.shape_cast %broadcast_in_dim3A_1 : vector<16xf32> to vector<1x16xf32>
    tpu.vector_store %arg9[%swap3A_290, %swap3A_291], %swap3A_294 {strides = array<i32>} : memref<16x64xf32, #tpu.memory_space<vmem>>, vector<1x16xf32>,
    %swap3A_295 = arith.constant 12 : i32
    %swap3A_296 = arith.index_cast %swap3A_295 : i32 to index
    %swap3A_297 = arith.constant 16 : index
    %swap3A_298 = tpu.vector_load %arg9[%swap3A_296, %swap3A_297] {strides = array<i32>} : memref<16x64xf32, #tpu.memory_space<vmem>>, vector<1x16xf32>,
    %swap3A_299 = vector.shape_cast %swap3A_298 : vector<1x16xf32> to vector<16xf32>
    %swap3A_300 = vector.shape_cast %broadcast_in_dim3A_1 : vector<16xf32> to vector<1x16xf32>
    tpu.vector_store %arg9[%swap3A_296, %swap3A_297], %swap3A_300 {strides = array<i32>} : memref<16x64xf32, #tpu.memory_space<vmem>>, vector<1x16xf32>,
    %swap3A_301 = arith.constant 12 : i32
    %swap3A_302 = arith.index_cast %swap3A_301 : i32 to index
    %swap3A_303 = arith.constant 32 : index
    %swap3A_304 = tpu.vector_load %arg9[%swap3A_302, %swap3A_303] {strides = array<i32>} : memref<16x64xf32, #tpu.memory_space<vmem>>, vector<1x16xf32>,
    %swap3A_305 = vector.shape_cast %swap3A_304 : vector<1x16xf32> to vector<16xf32>
    %swap3A_306 = vector.shape_cast %broadcast_in_dim3A_1 : vector<16xf32> to vector<1x16xf32>
    tpu.vector_store %arg9[%swap3A_302, %swap3A_303], %swap3A_306 {strides = array<i32>} : memref<16x64xf32, #tpu.memory_space<vmem>>, vector<1x16xf32>,
    %swap3A_307 = arith.constant 12 : i32
    %swap3A_308 = arith.index_cast %swap3A_307 : i32 to index
    %swap3A_309 = arith.constant 48 : index
    %swap3A_310 = tpu.vector_load %arg9[%swap3A_308, %swap3A_309] {strides = array<i32>} : memref<16x64xf32, #tpu.memory_space<vmem>>, vector<1x16xf32>,
    %swap3A_311 = vector.shape_cast %swap3A_310 : vector<1x16xf32> to vector<16xf32>
    %swap3A_312 = vector.shape_cast %broadcast_in_dim3A_1 : vector<16xf32> to vector<1x16xf32>
    tpu.vector_store %arg9[%swap3A_308, %swap3A_309], %swap3A_312 {strides = array<i32>} : memref<16x64xf32, #tpu.memory_space<vmem>>, vector<1x16xf32>,
    %swap3A_313 = arith.constant 13 : i32
    %swap3A_314 = arith.index_cast %swap3A_313 : i32 to index
    %swap3A_315 = arith.constant 0 : index
    %swap3A_316 = tpu.vector_load %arg9[%swap3A_314, %swap3A_315] {strides = array<i32>} : memref<16x64xf32, #tpu.memory_space<vmem>>, vector<1x16xf32>,
    %swap3A_317 = vector.shape_cast %swap3A_316 : vector<1x16xf32> to vector<16xf32>
    %swap3A_318 = vector.shape_cast %broadcast_in_dim3A_1 : vector<16xf32> to vector<1x16xf32>
    tpu.vector_store %arg9[%swap3A_314, %swap3A_315], %swap3A_318 {strides = array<i32>} : memref<16x64xf32, #tpu.memory_space<vmem>>, vector<1x16xf32>,
    %swap3A_319 = arith.constant 13 : i32
    %swap3A_320 = arith.index_cast %swap3A_319 : i32 to index
    %swap3A_321 = arith.constant 16 : index
    %swap3A_322 = tpu.vector_load %arg9[%swap3A_320, %swap3A_321] {strides = array<i32>} : memref<16x64xf32, #tpu.memory_space<vmem>>, vector<1x16xf32>,
    %swap3A_323 = vector.shape_cast %swap3A_322 : vector<1x16xf32> to vector<16xf32>
    %swap3A_324 = vector.shape_cast %broadcast_in_dim3A_1 : vector<16xf32> to vector<1x16xf32>
    tpu.vector_store %arg9[%swap3A_320, %swap3A_321], %swap3A_324 {strides = array<i32>} : memref<16x64xf32, #tpu.memory_space<vmem>>, vector<1x16xf32>,
    %swap3A_325 = arith.constant 13 : i32
    %swap3A_326 = arith.index_cast %swap3A_325 : i32 to index
    %swap3A_327 = arith.constant 32 : index
    %swap3A_328 = tpu.vector_load %arg9[%swap3A_326, %swap3A_327] {strides = array<i32>} : memref<16x64xf32, #tpu.memory_space<vmem>>, vector<1x16xf32>,
    %swap3A_329 = vector.shape_cast %swap3A_328 : vector<1x16xf32> to vector<16xf32>
    %swap3A_330 = vector.shape_cast %broadcast_in_dim3A_1 : vector<16xf32> to vector<1x16xf32>
    tpu.vector_store %arg9[%swap3A_326, %swap3A_327], %swap3A_330 {strides = array<i32>} : memref<16x64xf32, #tpu.memory_space<vmem>>, vector<1x16xf32>,
    %swap3A_331 = arith.constant 13 : i32
    %swap3A_332 = arith.index_cast %swap3A_331 : i32 to index
    %swap3A_333 = arith.constant 48 : index
    %swap3A_334 = tpu.vector_load %arg9[%swap3A_332, %swap3A_333] {strides = array<i32>} : memref<16x64xf32, #tpu.memory_space<vmem>>, vector<1x16xf32>,
    %swap3A_335 = vector.shape_cast %swap3A_334 : vector<1x16xf32> to vector<16xf32>
    %swap3A_336 = vector.shape_cast %broadcast_in_dim3A_1 : vector<16xf32> to vector<1x16xf32>
    tpu.vector_store %arg9[%swap3A_332, %swap3A_333], %swap3A_336 {strides = array<i32>} : memref<16x64xf32, #tpu.memory_space<vmem>>, vector<1x16xf32>,
    %swap3A_337 = arith.constant 14 : i32
    %swap3A_338 = arith.index_cast %swap3A_337 : i32 to index
    %swap3A_339 = arith.constant 0 : index
    %swap3A_340 = tpu.vector_load %arg9[%swap3A_338, %swap3A_339] {strides = array<i32>} : memref<16x64xf32, #tpu.memory_space<vmem>>, vector<1x16xf32>,
    %swap3A_341 = vector.shape_cast %swap3A_340 : vector<1x16xf32> to vector<16xf32>
    %swap3A_342 = vector.shape_cast %broadcast_in_dim3A_1 : vector<16xf32> to vector<1x16xf32>
    tpu.vector_store %arg9[%swap3A_338, %swap3A_339], %swap3A_342 {strides = array<i32>} : memref<16x64xf32, #tpu.memory_space<vmem>>, vector<1x16xf32>,
    %swap3A_343 = arith.constant 14 : i32
    %swap3A_344 = arith.index_cast %swap3A_343 : i32 to index
    %swap3A_345 = arith.constant 16 : index
    %swap3A_346 = tpu.vector_load %arg9[%swap3A_344, %swap3A_345] {strides = array<i32>} : memref<16x64xf32, #tpu.memory_space<vmem>>, vector<1x16xf32>,
    %swap3A_347 = vector.shape_cast %swap3A_346 : vector<1x16xf32> to vector<16xf32>
    %swap3A_348 = vector.shape_cast %broadcast_in_dim3A_1 : vector<16xf32> to vector<1x16xf32>
    tpu.vector_store %arg9[%swap3A_344, %swap3A_345], %swap3A_348 {strides = array<i32>} : memref<16x64xf32, #tpu.memory_space<vmem>>, vector<1x16xf32>,
    %swap3A_349 = arith.constant 14 : i32
    %swap3A_350 = arith.index_cast %swap3A_349 : i32 to index
    %swap3A_351 = arith.constant 32 : index
    %swap3A_352 = tpu.vector_load %arg9[%swap3A_350, %swap3A_351] {strides = array<i32>} : memref<16x64xf32, #tpu.memory_space<vmem>>, vector<1x16xf32>,
    %swap3A_353 = vector.shape_cast %swap3A_352 : vector<1x16xf32> to vector<16xf32>
    %swap3A_354 = vector.shape_cast %broadcast_in_dim3A_1 : vector<16xf32> to vector<1x16xf32>
    tpu.vector_store %arg9[%swap3A_350, %swap3A_351], %swap3A_354 {strides = array<i32>} : memref<16x64xf32, #tpu.memory_space<vmem>>, vector<1x16xf32>,
    %swap3A_355 = arith.constant 14 : i32
    %swap3A_356 = arith.index_cast %swap3A_355 : i32 to index
    %swap3A_357 = arith.constant 48 : index
    %swap3A_358 = tpu.vector_load %arg9[%swap3A_356, %swap3A_357] {strides = array<i32>} : memref<16x64xf32, #tpu.memory_space<vmem>>, vector<1x16xf32>,
    %swap3A_359 = vector.shape_cast %swap3A_358 : vector<1x16xf32> to vector<16xf32>
    %swap3A_360 = vector.shape_cast %broadcast_in_dim3A_1 : vector<16xf32> to vector<1x16xf32>
    tpu.vector_store %arg9[%swap3A_356, %swap3A_357], %swap3A_360 {strides = array<i32>} : memref<16x64xf32, #tpu.memory_space<vmem>>, vector<1x16xf32>,
    %swap3A_361 = arith.constant 15 : i32
    %swap3A_362 = arith.index_cast %swap3A_361 : i32 to index
    %swap3A_363 = arith.constant 0 : index
    %swap3A_364 = tpu.vector_load %arg9[%swap3A_362, %swap3A_363] {strides = array<i32>} : memref<16x64xf32, #tpu.memory_space<vmem>>, vector<1x16xf32>,
    %swap3A_365 = vector.shape_cast %swap3A_364 : vector<1x16xf32> to vector<16xf32>
    %swap3A_366 = vector.shape_cast %broadcast_in_dim3A_1 : vector<16xf32> to vector<1x16xf32>
    tpu.vector_store %arg9[%swap3A_362, %swap3A_363], %swap3A_366 {strides = array<i32>} : memref<16x64xf32, #tpu.memory_space<vmem>>, vector<1x16xf32>,
    %swap3A_367 = arith.constant 15 : i32
    %swap3A_368 = arith.index_cast %swap3A_367 : i32 to index
    %swap3A_369 = arith.constant 16 : index
    %swap3A_370 = tpu.vector_load %arg9[%swap3A_368, %swap3A_369] {strides = array<i32>} : memref<16x64xf32, #tpu.memory_space<vmem>>, vector<1x16xf32>,
    %swap3A_371 = vector.shape_cast %swap3A_370 : vector<1x16xf32> to vector<16xf32>
    %swap3A_372 = vector.shape_cast %broadcast_in_dim3A_1 : vector<16xf32> to vector<1x16xf32>
    tpu.vector_store %arg9[%swap3A_368, %swap3A_369], %swap3A_372 {strides = array<i32>} : memref<16x64xf32, #tpu.memory_space<vmem>>, vector<1x16xf32>,
    %swap3A_373 = arith.constant 15 : i32
    %swap3A_374 = arith.index_cast %swap3A_373 : i32 to index
    %swap3A_375 = arith.constant 32 : index
    %swap3A_376 = tpu.vector_load %arg9[%swap3A_374, %swap3A_375] {strides = array<i32>} : memref<16x64xf32, #tpu.memory_space<vmem>>, vector<1x16xf32>,
    %swap3A_377 = vector.shape_cast %swap3A_376 : vector<1x16xf32> to vector<16xf32>
    %swap3A_378 = vector.shape_cast %broadcast_in_dim3A_1 : vector<16xf32> to vector<1x16xf32>
    tpu.vector_store %arg9[%swap3A_374, %swap3A_375], %swap3A_378 {strides = array<i32>} : memref<16x64xf32, #tpu.memory_space<vmem>>, vector<1x16xf32>,
    %swap3A_379 = arith.constant 15 : i32
    %swap3A_380 = arith.index_cast %swap3A_379 : i32 to index
    %swap3A_381 = arith.constant 48 : index
    %swap3A_382 = tpu.vector_load %arg9[%swap3A_380, %swap3A_381] {strides = array<i32>} : memref<16x64xf32, #tpu.memory_space<vmem>>, vector<1x16xf32>,
    %swap3A_383 = vector.shape_cast %swap3A_382 : vector<1x16xf32> to vector<16xf32>
    %swap3A_384 = vector.shape_cast %broadcast_in_dim3A_1 : vector<16xf32> to vector<1x16xf32>
    tpu.vector_store %arg9[%swap3A_380, %swap3A_381], %swap3A_384 {strides = array<i32>} : memref<16x64xf32, #tpu.memory_space<vmem>>, vector<1x16xf32>,
    "tpu.region"() ({
      %run_scoped3A = tpu.sem_alloc : memref<!tpu.dma_semaphore, #tpu.memory_space<semaphore_mem>>
      %dma_start3A_500 = arith.constant 0 : i32
      %dma_start3A_501 = arith.constant 0 : i32
      %dma_start3A_502 = tpu.memref_slice %arg3[%add3A, %dma_start3A_500, %dma_start3A_501] : memref<32x80x128xi32, #tpu.memory_space<hbm>> -> memref<1x80x128xi32, #tpu.memory_space<hbm>>
      %dma_start3A_503 = tpu.memref_squeeze %dma_start3A_502 : memref<1x80x128xi32, #tpu.memory_space<hbm>> -> memref<80x128xi32, #tpu.memory_space<hbm>>
      %dma_start3A_504 = arith.constant 0 : i32
      %dma_start3A_505 = arith.constant 0 : i32
      %dma_start3A_506 = tpu.memref_slice %arg3[%add3A, %dma_start3A_504, %dma_start3A_505] : memref<32x80x128xi32, #tpu.memory_space<hbm>> -> memref<1x80x128xi32, #tpu.memory_space<hbm>>
      %dma_start3A_507 = tpu.memref_squeeze %dma_start3A_506 : memref<1x80x128xi32, #tpu.memory_space<hbm>> -> memref<80x128xi32, #tpu.memory_space<hbm>>
      tpu.enqueue_dma source(%dma_start3A_507 : memref<80x128xi32, #tpu.memory_space<hbm>>) target(%arg6 : memref<80x128xi32, #tpu.memory_space<vmem>>) target_semaphore(%run_scoped3A : memref<!tpu.dma_semaphore, #tpu.memory_space<semaphore_mem>>)
      %dma_wait3A_508 = arith.constant 0 : i32
      %dma_wait3A_509 = arith.constant 0 : i32
      %dma_wait3A_510 = tpu.memref_slice %arg3[%add3A, %dma_wait3A_508, %dma_wait3A_509] : memref<32x80x128xi32, #tpu.memory_space<hbm>> -> memref<1x80x128xi32, #tpu.memory_space<hbm>>
      %dma_wait3A_511 = tpu.memref_squeeze %dma_wait3A_510 : memref<1x80x128xi32, #tpu.memory_space<hbm>> -> memref<80x128xi32, #tpu.memory_space<hbm>>
      %dma_wait3A_512 = arith.constant 0 : i32
      %dma_wait3A_513 = arith.constant 0 : i32
      %dma_wait3A_514 = tpu.memref_slice %arg3[%add3A, %dma_wait3A_512, %dma_wait3A_513] : memref<32x80x128xi32, #tpu.memory_space<hbm>> -> memref<1x80x128xi32, #tpu.memory_space<hbm>>
      %dma_wait3A_515 = tpu.memref_squeeze %dma_wait3A_514 : memref<1x80x128xi32, #tpu.memory_space<hbm>> -> memref<80x128xi32, #tpu.memory_space<hbm>>
      tpu.wait_dma2 semaphore(%run_scoped3A : memref<!tpu.dma_semaphore, #tpu.memory_space<semaphore_mem>>) src(%dma_wait3A_515 : memref<80x128xi32, #tpu.memory_space<hbm>>) dst(%arg6 : memref<80x128xi32, #tpu.memory_space<vmem>>)
      tpu.yield
    }) : () -> ()
    "tpu.region"() ({
      %run_scoped3A = tpu.sem_alloc : memref<!tpu.dma_semaphore, #tpu.memory_space<semaphore_mem>>
      %dma_start3A_500 = arith.constant 0 : i32
      %dma_start3A_501 = arith.constant 0 : i32
      %dma_start3A_502 = tpu.memref_slice %arg4[%add3A, %dma_start3A_500, %dma_start3A_501] : memref<32x80x128xi32, #tpu.memory_space<hbm>> -> memref<1x80x128xi32, #tpu.memory_space<hbm>>
      %dma_start3A_503 = tpu.memref_squeeze %dma_start3A_502 : memref<1x80x128xi32, #tpu.memory_space<hbm>> -> memref<80x128xi32, #tpu.memory_space<hbm>>
      %dma_start3A_504 = arith.constant 0 : i32
      %dma_start3A_505 = arith.constant 0 : i32
      %dma_start3A_506 = tpu.memref_slice %arg4[%add3A, %dma_start3A_504, %dma_start3A_505] : memref<32x80x128xi32, #tpu.memory_space<hbm>> -> memref<1x80x128xi32, #tpu.memory_space<hbm>>
      %dma_start3A_507 = tpu.memref_squeeze %dma_start3A_506 : memref<1x80x128xi32, #tpu.memory_space<hbm>> -> memref<80x128xi32, #tpu.memory_space<hbm>>
      tpu.enqueue_dma source(%dma_start3A_507 : memref<80x128xi32, #tpu.memory_space<hbm>>) target(%arg7 : memref<80x128xi32, #tpu.memory_space<vmem>>) target_semaphore(%run_scoped3A : memref<!tpu.dma_semaphore, #tpu.memory_space<semaphore_mem>>)
      %dma_wait3A_508 = arith.constant 0 : i32
      %dma_wait3A_509 = arith.constant 0 : i32
      %dma_wait3A_510 = tpu.memref_slice %arg4[%add3A, %dma_wait3A_508, %dma_wait3A_509] : memref<32x80x128xi32, #tpu.memory_space<hbm>> -> memref<1x80x128xi32, #tpu.memory_space<hbm>>
      %dma_wait3A_511 = tpu.memref_squeeze %dma_wait3A_510 : memref<1x80x128xi32, #tpu.memory_space<hbm>> -> memref<80x128xi32, #tpu.memory_space<hbm>>
      %dma_wait3A_512 = arith.constant 0 : i32
      %dma_wait3A_513 = arith.constant 0 : i32
      %dma_wait3A_514 = tpu.memref_slice %arg4[%add3A, %dma_wait3A_512, %dma_wait3A_513] : memref<32x80x128xi32, #tpu.memory_space<hbm>> -> memref<1x80x128xi32, #tpu.memory_space<hbm>>
      %dma_wait3A_515 = tpu.memref_squeeze %dma_wait3A_514 : memref<1x80x128xi32, #tpu.memory_space<hbm>> -> memref<80x128xi32, #tpu.memory_space<hbm>>
      tpu.wait_dma2 semaphore(%run_scoped3A : memref<!tpu.dma_semaphore, #tpu.memory_space<semaphore_mem>>) src(%dma_wait3A_515 : memref<80x128xi32, #tpu.memory_space<hbm>>) dst(%arg7 : memref<80x128xi32, #tpu.memory_space<vmem>>)
      tpu.yield
    }) : () -> ()
    %scan3A = arith.constant 0 : i32
    %scan3A_385 = arith.constant 0 : i32
    %scan3A_386 = arith.constant 40 : i32
    %scan3A_387 = arith.addi %scan3A_385, %scan3A_386 : i32
    %scan3A_388 = arith.constant 1 : i32
    %scan3A_389 = scf.for %scan3A_500 = %scan3A_385 to %scan3A_387 step %scan3A_388 iter_args(%scan3A_501 = %scan3A) -> (i32)  : i32 {
      %mul3A_502 = arith.constant 640 : i32
      %mul3A_503 = arith.muli %arg1, %mul3A_502 : i32
      %mul3A_504 = arith.constant 16 : i32
      %mul3A_505 = arith.muli %scan3A_500, %mul3A_504 : i32
      %add3A_506 = arith.addi %mul3A_503, %mul3A_505 : i32
      "tpu.region"() ({
        %run_scoped3A = tpu.sem_alloc : memref<!tpu.dma_semaphore, #tpu.memory_space<semaphore_mem>>
        %dma_start3A_508 = arith.constant 0 : i32
        %dma_start3A_509 = tpu.memref_slice %arg11[%add3A_506, %dma_start3A_508] : memref<10240x64xf32, #tpu.memory_space<vmem_shared>> -> memref<16x64xf32, #tpu.memory_space<vmem_shared>>
        %dma_start3A_510 = arith.constant 0 : i32
        %dma_start3A_511 = tpu.memref_slice %arg11[%add3A_506, %dma_start3A_510] : memref<10240x64xf32, #tpu.memory_space<vmem_shared>> -> memref<16x64xf32, #tpu.memory_space<vmem_shared>>
        tpu.enqueue_dma source(%arg9 : memref<16x64xf32, #tpu.memory_space<vmem>>) target(%dma_start3A_511 : memref<16x64xf32, #tpu.memory_space<vmem_shared>>) target_semaphore(%run_scoped3A : memref<!tpu.dma_semaphore, #tpu.memory_space<semaphore_mem>>)
        %dma_wait3A_512 = arith.constant 0 : i32
        %dma_wait3A_513 = tpu.memref_slice %arg11[%add3A_506, %dma_wait3A_512] : memref<10240x64xf32, #tpu.memory_space<vmem_shared>> -> memref<16x64xf32, #tpu.memory_space<vmem_shared>>
        %dma_wait3A_514 = arith.constant 0 : i32
        %dma_wait3A_515 = tpu.memref_slice %arg11[%add3A_506, %dma_wait3A_514] : memref<10240x64xf32, #tpu.memory_space<vmem_shared>> -> memref<16x64xf32, #tpu.memory_space<vmem_shared>>
        tpu.wait_dma2 semaphore(%run_scoped3A : memref<!tpu.dma_semaphore, #tpu.memory_space<semaphore_mem>>) src(%arg9 : memref<16x64xf32, #tpu.memory_space<vmem>>) dst(%dma_wait3A_515 : memref<16x64xf32, #tpu.memory_space<vmem_shared>>)
        tpu.yield
      }) : () -> ()
      %scan3A_507 = arith.constant 0 : i32
      scf.yield %scan3A_507 : i32
    }
    %scan3A_390 = arith.constant 40 : i32
    %barrier3A = arith.constant 0 : index
    tpu.barrier barrier_id(%barrier3A)
    %dma_start3A = arith.constant 0 : i32
    %dma_start3A_391 = arith.constant 0 : i32
    %dma_start3A_392 = arith.constant 0 : i32
    %dma_start3A_393 = arith.constant 0 : i32
    %dma_start3A_394 = tpu.memref_slice %arg8[%dma_start3A_391, %dma_start3A_392, %dma_start3A_393] : memref<4x128x64xf32, #tpu.memory_space<vmem>> -> memref<1x128x64xf32, #tpu.memory_space<vmem>>
    %dma_start3A_395 = tpu.memref_squeeze %dma_start3A_394 : memref<1x128x64xf32, #tpu.memory_space<vmem>> -> memref<128x64xf32, #tpu.memory_space<vmem>>
    %dma_start3A_396 = arith.constant 0 : i32
    %dma_start3A_397 = tpu.memref_slice %arg6[%dma_start3A, %dma_start3A_396] : memref<80x128xi32, #tpu.memory_space<vmem>> -> memref<1x128xi32, #tpu.memory_space<vmem>>
    %dma_start3A_398 = tpu.memref_squeeze %dma_start3A_397 : memref<1x128xi32, #tpu.memory_space<vmem>> -> memref<128xi32, #tpu.memory_space<vmem>>
    %dma_start3A_399 = arith.constant 0 : i32
    %dma_start3A_400 = arith.constant 0 : i32
    %dma_start3A_401 = tpu.memref_slice %arg2[%dma_start3A_399, %dma_start3A_400] : memref<10240x64xf32, #tpu.memory_space<hbm>> -> memref<10240x64xf32, #tpu.memory_space<hbm>>
    tpu.enqueue_indirect_dma source(%dma_start3A_401 : memref<10240x64xf32, #tpu.memory_space<hbm>>) target(%dma_start3A_395 : memref<128x64xf32, #tpu.memory_space<vmem>>) offsets(%dma_start3A_398 : memref<128xi32, #tpu.memory_space<vmem>>) semaphore(%arg12 : memref<!tpu.dma_semaphore, #tpu.memory_space<semaphore_mem>>)
    %dma_start3A_402 = arith.constant 1 : i32
    %dma_start3A_403 = arith.constant 1 : i32
    %dma_start3A_404 = arith.constant 0 : i32
    %dma_start3A_405 = arith.constant 0 : i32
    %dma_start3A_406 = tpu.memref_slice %arg8[%dma_start3A_403, %dma_start3A_404, %dma_start3A_405] : memref<4x128x64xf32, #tpu.memory_space<vmem>> -> memref<1x128x64xf32, #tpu.memory_space<vmem>>
    %dma_start3A_407 = tpu.memref_squeeze %dma_start3A_406 : memref<1x128x64xf32, #tpu.memory_space<vmem>> -> memref<128x64xf32, #tpu.memory_space<vmem>>
    %dma_start3A_408 = arith.constant 0 : i32
    %dma_start3A_409 = tpu.memref_slice %arg6[%dma_start3A_402, %dma_start3A_408] : memref<80x128xi32, #tpu.memory_space<vmem>> -> memref<1x128xi32, #tpu.memory_space<vmem>>
    %dma_start3A_410 = tpu.memref_squeeze %dma_start3A_409 : memref<1x128xi32, #tpu.memory_space<vmem>> -> memref<128xi32, #tpu.memory_space<vmem>>
    %dma_start3A_411 = arith.constant 0 : i32
    %dma_start3A_412 = arith.constant 0 : i32
    %dma_start3A_413 = tpu.memref_slice %arg2[%dma_start3A_411, %dma_start3A_412] : memref<10240x64xf32, #tpu.memory_space<hbm>> -> memref<10240x64xf32, #tpu.memory_space<hbm>>
    tpu.enqueue_indirect_dma source(%dma_start3A_413 : memref<10240x64xf32, #tpu.memory_space<hbm>>) target(%dma_start3A_407 : memref<128x64xf32, #tpu.memory_space<vmem>>) offsets(%dma_start3A_410 : memref<128xi32, #tpu.memory_space<vmem>>) semaphore(%arg13 : memref<!tpu.dma_semaphore, #tpu.memory_space<semaphore_mem>>)
    %dma_start3A_414 = arith.constant 2 : i32
    %dma_start3A_415 = arith.constant 2 : i32
    %dma_start3A_416 = arith.constant 0 : i32
    %dma_start3A_417 = arith.constant 0 : i32
    %dma_start3A_418 = tpu.memref_slice %arg8[%dma_start3A_415, %dma_start3A_416, %dma_start3A_417] : memref<4x128x64xf32, #tpu.memory_space<vmem>> -> memref<1x128x64xf32, #tpu.memory_space<vmem>>
    %dma_start3A_419 = tpu.memref_squeeze %dma_start3A_418 : memref<1x128x64xf32, #tpu.memory_space<vmem>> -> memref<128x64xf32, #tpu.memory_space<vmem>>
    %dma_start3A_420 = arith.constant 0 : i32
    %dma_start3A_421 = tpu.memref_slice %arg6[%dma_start3A_414, %dma_start3A_420] : memref<80x128xi32, #tpu.memory_space<vmem>> -> memref<1x128xi32, #tpu.memory_space<vmem>>
    %dma_start3A_422 = tpu.memref_squeeze %dma_start3A_421 : memref<1x128xi32, #tpu.memory_space<vmem>> -> memref<128xi32, #tpu.memory_space<vmem>>
    %dma_start3A_423 = arith.constant 0 : i32
    %dma_start3A_424 = arith.constant 0 : i32
    %dma_start3A_425 = tpu.memref_slice %arg2[%dma_start3A_423, %dma_start3A_424] : memref<10240x64xf32, #tpu.memory_space<hbm>> -> memref<10240x64xf32, #tpu.memory_space<hbm>>
    tpu.enqueue_indirect_dma source(%dma_start3A_425 : memref<10240x64xf32, #tpu.memory_space<hbm>>) target(%dma_start3A_419 : memref<128x64xf32, #tpu.memory_space<vmem>>) offsets(%dma_start3A_422 : memref<128xi32, #tpu.memory_space<vmem>>) semaphore(%arg14 : memref<!tpu.dma_semaphore, #tpu.memory_space<semaphore_mem>>)
    %dma_start3A_426 = arith.constant 3 : i32
    %dma_start3A_427 = arith.constant 3 : i32
    %dma_start3A_428 = arith.constant 0 : i32
    %dma_start3A_429 = arith.constant 0 : i32
    %dma_start3A_430 = tpu.memref_slice %arg8[%dma_start3A_427, %dma_start3A_428, %dma_start3A_429] : memref<4x128x64xf32, #tpu.memory_space<vmem>> -> memref<1x128x64xf32, #tpu.memory_space<vmem>>
    %dma_start3A_431 = tpu.memref_squeeze %dma_start3A_430 : memref<1x128x64xf32, #tpu.memory_space<vmem>> -> memref<128x64xf32, #tpu.memory_space<vmem>>
    %dma_start3A_432 = arith.constant 0 : i32
    %dma_start3A_433 = tpu.memref_slice %arg6[%dma_start3A_426, %dma_start3A_432] : memref<80x128xi32, #tpu.memory_space<vmem>> -> memref<1x128xi32, #tpu.memory_space<vmem>>
    %dma_start3A_434 = tpu.memref_squeeze %dma_start3A_433 : memref<1x128xi32, #tpu.memory_space<vmem>> -> memref<128xi32, #tpu.memory_space<vmem>>
    %dma_start3A_435 = arith.constant 0 : i32
    %dma_start3A_436 = arith.constant 0 : i32
    %dma_start3A_437 = tpu.memref_slice %arg2[%dma_start3A_435, %dma_start3A_436] : memref<10240x64xf32, #tpu.memory_space<hbm>> -> memref<10240x64xf32, #tpu.memory_space<hbm>>
    tpu.enqueue_indirect_dma source(%dma_start3A_437 : memref<10240x64xf32, #tpu.memory_space<hbm>>) target(%dma_start3A_431 : memref<128x64xf32, #tpu.memory_space<vmem>>) offsets(%dma_start3A_434 : memref<128xi32, #tpu.memory_space<vmem>>) semaphore(%arg15 : memref<!tpu.dma_semaphore, #tpu.memory_space<semaphore_mem>>)
    %scan3A_438 = arith.constant 0 : i32
    %scan3A_439 = arith.constant 0 : i32
    %scan3A_440 = arith.constant 20 : i32
    %scan3A_441 = arith.addi %scan3A_439, %scan3A_440 : i32
    %scan3A_442 = arith.constant 1 : i32
    %scan3A_443 = scf.for %scan3A_500 = %scan3A_439 to %scan3A_441 step %scan3A_442 iter_args(%scan3A_501 = %scan3A_438) -> (i32)  : i32 {
      %mul3A_502 = arith.constant 4 : i32
      %mul3A_503 = arith.muli %scan3A_500, %mul3A_502 : i32
      %add3A_504 = arith.constant 0 : i32
      %add3A_505 = arith.addi %mul3A_503, %add3A_504 : i32
      %dma_wait3A_506 = arith.constant 0 : i32
      %dma_wait3A_507 = arith.constant 0 : i32
      %dma_wait3A_508 = arith.constant 0 : i32
      %dma_wait3A_509 = tpu.memref_slice %arg8[%dma_wait3A_506, %dma_wait3A_507, %dma_wait3A_508] : memref<4x128x64xf32, #tpu.memory_space<vmem>> -> memref<1x128x64xf32, #tpu.memory_space<vmem>>
      %dma_wait3A_510 = tpu.memref_squeeze %dma_wait3A_509 : memref<1x128x64xf32, #tpu.memory_space<vmem>> -> memref<128x64xf32, #tpu.memory_space<vmem>>
      %dma_wait3A_511 = arith.constant 0 : i32
      %dma_wait3A_512 = tpu.memref_slice %arg6[%add3A_505, %dma_wait3A_511] : memref<80x128xi32, #tpu.memory_space<vmem>> -> memref<1x128xi32, #tpu.memory_space<vmem>>
      %dma_wait3A_513 = tpu.memref_squeeze %dma_wait3A_512 : memref<1x128xi32, #tpu.memory_space<vmem>> -> memref<128xi32, #tpu.memory_space<vmem>>
      %dma_wait3A_514 = arith.constant 0 : i32
      %dma_wait3A_515 = arith.constant 0 : i32
      %dma_wait3A_516 = tpu.memref_slice %arg2[%dma_wait3A_514, %dma_wait3A_515] : memref<10240x64xf32, #tpu.memory_space<hbm>> -> memref<10240x64xf32, #tpu.memory_space<hbm>>
      tpu.wait_indirect_dma semaphore(%arg12 : memref<!tpu.dma_semaphore, #tpu.memory_space<semaphore_mem>>) src(%dma_wait3A_516 : memref<10240x64xf32, #tpu.memory_space<hbm>>) dst(%dma_wait3A_510 : memref<128x64xf32, #tpu.memory_space<vmem>>)
      %dma_start3A_517 = arith.constant 0 : i32
      %dma_start3A_518 = arith.constant 0 : i32
      %dma_start3A_519 = arith.constant 0 : i32
      %dma_start3A_520 = tpu.memref_slice %arg8[%dma_start3A_517, %dma_start3A_518, %dma_start3A_519] : memref<4x128x64xf32, #tpu.memory_space<vmem>> -> memref<1x128x64xf32, #tpu.memory_space<vmem>>
      %dma_start3A_521 = tpu.memref_squeeze %dma_start3A_520 : memref<1x128x64xf32, #tpu.memory_space<vmem>> -> memref<128x64xf32, #tpu.memory_space<vmem>>
      %dma_start3A_522 = arith.constant 0 : i32
      %dma_start3A_523 = tpu.memref_slice %arg7[%add3A_505, %dma_start3A_522] : memref<80x128xi32, #tpu.memory_space<vmem>> -> memref<1x128xi32, #tpu.memory_space<vmem>>
      %dma_start3A_524 = tpu.memref_squeeze %dma_start3A_523 : memref<1x128xi32, #tpu.memory_space<vmem>> -> memref<128xi32, #tpu.memory_space<vmem>>
      %dma_start3A_525 = arith.constant 0 : i32
      %dma_start3A_526 = arith.constant 0 : i32
      %dma_start3A_527 = tpu.memref_slice %arg11[%dma_start3A_525, %dma_start3A_526] : memref<10240x64xf32, #tpu.memory_space<vmem_shared>> -> memref<10240x64xf32, #tpu.memory_space<vmem_shared>>
      tpu.enqueue_indirect_dma source(%dma_start3A_521 : memref<128x64xf32, #tpu.memory_space<vmem>>) target(%dma_start3A_527 : memref<10240x64xf32, #tpu.memory_space<vmem_shared>>) offsets(%dma_start3A_524 : memref<128xi32, #tpu.memory_space<vmem>>) semaphore(%arg16 : memref<!tpu.dma_semaphore, #tpu.memory_space<semaphore_mem>>) {add = true}
      %lt3A = arith.constant 19 : i32
      %lt3A_528 = arith.cmpi slt, %scan3A_500, %lt3A : i32
      %convert_element_type3A = arith.extui %lt3A_528 : i1 to i32
      %cond3A = arith.constant 0 : i32
      %cond3A_529 = arith.cmpi ne, %convert_element_type3A, %cond3A : i32
      scf.if %cond3A_529 {
        %dma_wait3A_624 = arith.constant 0 : i32
        %dma_wait3A_625 = arith.constant 0 : i32
        %dma_wait3A_626 = arith.constant 0 : i32
        %dma_wait3A_627 = tpu.memref_slice %arg8[%dma_wait3A_624, %dma_wait3A_625, %dma_wait3A_626] : memref<4x128x64xf32, #tpu.memory_space<vmem>> -> memref<1x128x64xf32, #tpu.memory_space<vmem>>
        %dma_wait3A_628 = tpu.memref_squeeze %dma_wait3A_627 : memref<1x128x64xf32, #tpu.memory_space<vmem>> -> memref<128x64xf32, #tpu.memory_space<vmem>>
        %dma_wait3A_629 = arith.constant 0 : i32
        %dma_wait3A_630 = tpu.memref_slice %arg7[%add3A_505, %dma_wait3A_629] : memref<80x128xi32, #tpu.memory_space<vmem>> -> memref<1x128xi32, #tpu.memory_space<vmem>>
        %dma_wait3A_631 = tpu.memref_squeeze %dma_wait3A_630 : memref<1x128xi32, #tpu.memory_space<vmem>> -> memref<128xi32, #tpu.memory_space<vmem>>
        %dma_wait3A_632 = arith.constant 0 : i32
        %dma_wait3A_633 = arith.constant 0 : i32
        %dma_wait3A_634 = tpu.memref_slice %arg11[%dma_wait3A_632, %dma_wait3A_633] : memref<10240x64xf32, #tpu.memory_space<vmem_shared>> -> memref<10240x64xf32, #tpu.memory_space<vmem_shared>>
        tpu.wait_indirect_dma semaphore(%arg16 : memref<!tpu.dma_semaphore, #tpu.memory_space<semaphore_mem>>) src(%dma_wait3A_628 : memref<128x64xf32, #tpu.memory_space<vmem>>) dst(%dma_wait3A_634 : memref<10240x64xf32, #tpu.memory_space<vmem_shared>>)
        %add3A_635 = arith.constant 4 : i32
        %add3A_636 = arith.addi %add3A_505, %add3A_635 : i32
        %dma_start3A_637 = arith.constant 0 : i32
        %dma_start3A_638 = arith.constant 0 : i32
        %dma_start3A_639 = arith.constant 0 : i32
        %dma_start3A_640 = tpu.memref_slice %arg8[%dma_start3A_637, %dma_start3A_638, %dma_start3A_639] : memref<4x128x64xf32, #tpu.memory_space<vmem>> -> memref<1x128x64xf32, #tpu.memory_space<vmem>>
        %dma_start3A_641 = tpu.memref_squeeze %dma_start3A_640 : memref<1x128x64xf32, #tpu.memory_space<vmem>> -> memref<128x64xf32, #tpu.memory_space<vmem>>
        %dma_start3A_642 = arith.constant 0 : i32
        %dma_start3A_643 = tpu.memref_slice %arg6[%add3A_636, %dma_start3A_642] : memref<80x128xi32, #tpu.memory_space<vmem>> -> memref<1x128xi32, #tpu.memory_space<vmem>>
        %dma_start3A_644 = tpu.memref_squeeze %dma_start3A_643 : memref<1x128xi32, #tpu.memory_space<vmem>> -> memref<128xi32, #tpu.memory_space<vmem>>
        %dma_start3A_645 = arith.constant 0 : i32
        %dma_start3A_646 = arith.constant 0 : i32
        %dma_start3A_647 = tpu.memref_slice %arg2[%dma_start3A_645, %dma_start3A_646] : memref<10240x64xf32, #tpu.memory_space<hbm>> -> memref<10240x64xf32, #tpu.memory_space<hbm>>
        tpu.enqueue_indirect_dma source(%dma_start3A_647 : memref<10240x64xf32, #tpu.memory_space<hbm>>) target(%dma_start3A_641 : memref<128x64xf32, #tpu.memory_space<vmem>>) offsets(%dma_start3A_644 : memref<128xi32, #tpu.memory_space<vmem>>) semaphore(%arg12 : memref<!tpu.dma_semaphore, #tpu.memory_space<semaphore_mem>>)
      } else {
      }
      %mul3A_530 = arith.constant 4 : i32
      %mul3A_531 = arith.muli %scan3A_500, %mul3A_530 : i32
      %add3A_532 = arith.constant 1 : i32
      %add3A_533 = arith.addi %mul3A_531, %add3A_532 : i32
      %dma_wait3A_534 = arith.constant 1 : i32
      %dma_wait3A_535 = arith.constant 0 : i32
      %dma_wait3A_536 = arith.constant 0 : i32
      %dma_wait3A_537 = tpu.memref_slice %arg8[%dma_wait3A_534, %dma_wait3A_535, %dma_wait3A_536] : memref<4x128x64xf32, #tpu.memory_space<vmem>> -> memref<1x128x64xf32, #tpu.memory_space<vmem>>
      %dma_wait3A_538 = tpu.memref_squeeze %dma_wait3A_537 : memref<1x128x64xf32, #tpu.memory_space<vmem>> -> memref<128x64xf32, #tpu.memory_space<vmem>>
      %dma_wait3A_539 = arith.constant 0 : i32
      %dma_wait3A_540 = tpu.memref_slice %arg6[%add3A_533, %dma_wait3A_539] : memref<80x128xi32, #tpu.memory_space<vmem>> -> memref<1x128xi32, #tpu.memory_space<vmem>>
      %dma_wait3A_541 = tpu.memref_squeeze %dma_wait3A_540 : memref<1x128xi32, #tpu.memory_space<vmem>> -> memref<128xi32, #tpu.memory_space<vmem>>
      %dma_wait3A_542 = arith.constant 0 : i32
      %dma_wait3A_543 = arith.constant 0 : i32
      %dma_wait3A_544 = tpu.memref_slice %arg2[%dma_wait3A_542, %dma_wait3A_543] : memref<10240x64xf32, #tpu.memory_space<hbm>> -> memref<10240x64xf32, #tpu.memory_space<hbm>>
      tpu.wait_indirect_dma semaphore(%arg13 : memref<!tpu.dma_semaphore, #tpu.memory_space<semaphore_mem>>) src(%dma_wait3A_544 : memref<10240x64xf32, #tpu.memory_space<hbm>>) dst(%dma_wait3A_538 : memref<128x64xf32, #tpu.memory_space<vmem>>)
      %dma_start3A_545 = arith.constant 1 : i32
      %dma_start3A_546 = arith.constant 0 : i32
      %dma_start3A_547 = arith.constant 0 : i32
      %dma_start3A_548 = tpu.memref_slice %arg8[%dma_start3A_545, %dma_start3A_546, %dma_start3A_547] : memref<4x128x64xf32, #tpu.memory_space<vmem>> -> memref<1x128x64xf32, #tpu.memory_space<vmem>>
      %dma_start3A_549 = tpu.memref_squeeze %dma_start3A_548 : memref<1x128x64xf32, #tpu.memory_space<vmem>> -> memref<128x64xf32, #tpu.memory_space<vmem>>
      %dma_start3A_550 = arith.constant 0 : i32
      %dma_start3A_551 = tpu.memref_slice %arg7[%add3A_533, %dma_start3A_550] : memref<80x128xi32, #tpu.memory_space<vmem>> -> memref<1x128xi32, #tpu.memory_space<vmem>>
      %dma_start3A_552 = tpu.memref_squeeze %dma_start3A_551 : memref<1x128xi32, #tpu.memory_space<vmem>> -> memref<128xi32, #tpu.memory_space<vmem>>
      %dma_start3A_553 = arith.constant 0 : i32
      %dma_start3A_554 = arith.constant 0 : i32
      %dma_start3A_555 = tpu.memref_slice %arg11[%dma_start3A_553, %dma_start3A_554] : memref<10240x64xf32, #tpu.memory_space<vmem_shared>> -> memref<10240x64xf32, #tpu.memory_space<vmem_shared>>
      tpu.enqueue_indirect_dma source(%dma_start3A_549 : memref<128x64xf32, #tpu.memory_space<vmem>>) target(%dma_start3A_555 : memref<10240x64xf32, #tpu.memory_space<vmem_shared>>) offsets(%dma_start3A_552 : memref<128xi32, #tpu.memory_space<vmem>>) semaphore(%arg17 : memref<!tpu.dma_semaphore, #tpu.memory_space<semaphore_mem>>) {add = true}
      %lt3A_556 = arith.constant 19 : i32
      %lt3A_557 = arith.cmpi slt, %scan3A_500, %lt3A_556 : i32
      %convert_element_type3A_558 = arith.extui %lt3A_557 : i1 to i32
      %cond3A_559 = arith.constant 0 : i32
      %cond3A_560 = arith.cmpi ne, %convert_element_type3A_558, %cond3A_559 : i32
      scf.if %cond3A_560 {
        %dma_wait3A_624 = arith.constant 1 : i32
        %dma_wait3A_625 = arith.constant 0 : i32
        %dma_wait3A_626 = arith.constant 0 : i32
        %dma_wait3A_627 = tpu.memref_slice %arg8[%dma_wait3A_624, %dma_wait3A_625, %dma_wait3A_626] : memref<4x128x64xf32, #tpu.memory_space<vmem>> -> memref<1x128x64xf32, #tpu.memory_space<vmem>>
        %dma_wait3A_628 = tpu.memref_squeeze %dma_wait3A_627 : memref<1x128x64xf32, #tpu.memory_space<vmem>> -> memref<128x64xf32, #tpu.memory_space<vmem>>
        %dma_wait3A_629 = arith.constant 0 : i32
        %dma_wait3A_630 = tpu.memref_slice %arg7[%add3A_533, %dma_wait3A_629] : memref<80x128xi32, #tpu.memory_space<vmem>> -> memref<1x128xi32, #tpu.memory_space<vmem>>
        %dma_wait3A_631 = tpu.memref_squeeze %dma_wait3A_630 : memref<1x128xi32, #tpu.memory_space<vmem>> -> memref<128xi32, #tpu.memory_space<vmem>>
        %dma_wait3A_632 = arith.constant 0 : i32
        %dma_wait3A_633 = arith.constant 0 : i32
        %dma_wait3A_634 = tpu.memref_slice %arg11[%dma_wait3A_632, %dma_wait3A_633] : memref<10240x64xf32, #tpu.memory_space<vmem_shared>> -> memref<10240x64xf32, #tpu.memory_space<vmem_shared>>
        tpu.wait_indirect_dma semaphore(%arg17 : memref<!tpu.dma_semaphore, #tpu.memory_space<semaphore_mem>>) src(%dma_wait3A_628 : memref<128x64xf32, #tpu.memory_space<vmem>>) dst(%dma_wait3A_634 : memref<10240x64xf32, #tpu.memory_space<vmem_shared>>)
        %add3A_635 = arith.constant 4 : i32
        %add3A_636 = arith.addi %add3A_533, %add3A_635 : i32
        %dma_start3A_637 = arith.constant 1 : i32
        %dma_start3A_638 = arith.constant 0 : i32
        %dma_start3A_639 = arith.constant 0 : i32
        %dma_start3A_640 = tpu.memref_slice %arg8[%dma_start3A_637, %dma_start3A_638, %dma_start3A_639] : memref<4x128x64xf32, #tpu.memory_space<vmem>> -> memref<1x128x64xf32, #tpu.memory_space<vmem>>
        %dma_start3A_641 = tpu.memref_squeeze %dma_start3A_640 : memref<1x128x64xf32, #tpu.memory_space<vmem>> -> memref<128x64xf32, #tpu.memory_space<vmem>>
        %dma_start3A_642 = arith.constant 0 : i32
        %dma_start3A_643 = tpu.memref_slice %arg6[%add3A_636, %dma_start3A_642] : memref<80x128xi32, #tpu.memory_space<vmem>> -> memref<1x128xi32, #tpu.memory_space<vmem>>
        %dma_start3A_644 = tpu.memref_squeeze %dma_start3A_643 : memref<1x128xi32, #tpu.memory_space<vmem>> -> memref<128xi32, #tpu.memory_space<vmem>>
        %dma_start3A_645 = arith.constant 0 : i32
        %dma_start3A_646 = arith.constant 0 : i32
        %dma_start3A_647 = tpu.memref_slice %arg2[%dma_start3A_645, %dma_start3A_646] : memref<10240x64xf32, #tpu.memory_space<hbm>> -> memref<10240x64xf32, #tpu.memory_space<hbm>>
        tpu.enqueue_indirect_dma source(%dma_start3A_647 : memref<10240x64xf32, #tpu.memory_space<hbm>>) target(%dma_start3A_641 : memref<128x64xf32, #tpu.memory_space<vmem>>) offsets(%dma_start3A_644 : memref<128xi32, #tpu.memory_space<vmem>>) semaphore(%arg13 : memref<!tpu.dma_semaphore, #tpu.memory_space<semaphore_mem>>)
      } else {
      }
      %mul3A_561 = arith.constant 4 : i32
      %mul3A_562 = arith.muli %scan3A_500, %mul3A_561 : i32
      %add3A_563 = arith.constant 2 : i32
      %add3A_564 = arith.addi %mul3A_562, %add3A_563 : i32
      %dma_wait3A_565 = arith.constant 2 : i32
      %dma_wait3A_566 = arith.constant 0 : i32
      %dma_wait3A_567 = arith.constant 0 : i32
      %dma_wait3A_568 = tpu.memref_slice %arg8[%dma_wait3A_565, %dma_wait3A_566, %dma_wait3A_567] : memref<4x128x64xf32, #tpu.memory_space<vmem>> -> memref<1x128x64xf32, #tpu.memory_space<vmem>>
      %dma_wait3A_569 = tpu.memref_squeeze %dma_wait3A_568 : memref<1x128x64xf32, #tpu.memory_space<vmem>> -> memref<128x64xf32, #tpu.memory_space<vmem>>
      %dma_wait3A_570 = arith.constant 0 : i32
      %dma_wait3A_571 = tpu.memref_slice %arg6[%add3A_564, %dma_wait3A_570] : memref<80x128xi32, #tpu.memory_space<vmem>> -> memref<1x128xi32, #tpu.memory_space<vmem>>
      %dma_wait3A_572 = tpu.memref_squeeze %dma_wait3A_571 : memref<1x128xi32, #tpu.memory_space<vmem>> -> memref<128xi32, #tpu.memory_space<vmem>>
      %dma_wait3A_573 = arith.constant 0 : i32
      %dma_wait3A_574 = arith.constant 0 : i32
      %dma_wait3A_575 = tpu.memref_slice %arg2[%dma_wait3A_573, %dma_wait3A_574] : memref<10240x64xf32, #tpu.memory_space<hbm>> -> memref<10240x64xf32, #tpu.memory_space<hbm>>
      tpu.wait_indirect_dma semaphore(%arg14 : memref<!tpu.dma_semaphore, #tpu.memory_space<semaphore_mem>>) src(%dma_wait3A_575 : memref<10240x64xf32, #tpu.memory_space<hbm>>) dst(%dma_wait3A_569 : memref<128x64xf32, #tpu.memory_space<vmem>>)
      %dma_start3A_576 = arith.constant 2 : i32
      %dma_start3A_577 = arith.constant 0 : i32
      %dma_start3A_578 = arith.constant 0 : i32
      %dma_start3A_579 = tpu.memref_slice %arg8[%dma_start3A_576, %dma_start3A_577, %dma_start3A_578] : memref<4x128x64xf32, #tpu.memory_space<vmem>> -> memref<1x128x64xf32, #tpu.memory_space<vmem>>
      %dma_start3A_580 = tpu.memref_squeeze %dma_start3A_579 : memref<1x128x64xf32, #tpu.memory_space<vmem>> -> memref<128x64xf32, #tpu.memory_space<vmem>>
      %dma_start3A_581 = arith.constant 0 : i32
      %dma_start3A_582 = tpu.memref_slice %arg7[%add3A_564, %dma_start3A_581] : memref<80x128xi32, #tpu.memory_space<vmem>> -> memref<1x128xi32, #tpu.memory_space<vmem>>
      %dma_start3A_583 = tpu.memref_squeeze %dma_start3A_582 : memref<1x128xi32, #tpu.memory_space<vmem>> -> memref<128xi32, #tpu.memory_space<vmem>>
      %dma_start3A_584 = arith.constant 0 : i32
      %dma_start3A_585 = arith.constant 0 : i32
      %dma_start3A_586 = tpu.memref_slice %arg11[%dma_start3A_584, %dma_start3A_585] : memref<10240x64xf32, #tpu.memory_space<vmem_shared>> -> memref<10240x64xf32, #tpu.memory_space<vmem_shared>>
      tpu.enqueue_indirect_dma source(%dma_start3A_580 : memref<128x64xf32, #tpu.memory_space<vmem>>) target(%dma_start3A_586 : memref<10240x64xf32, #tpu.memory_space<vmem_shared>>) offsets(%dma_start3A_583 : memref<128xi32, #tpu.memory_space<vmem>>) semaphore(%arg18 : memref<!tpu.dma_semaphore, #tpu.memory_space<semaphore_mem>>) {add = true}
      %lt3A_587 = arith.constant 19 : i32
      %lt3A_588 = arith.cmpi slt, %scan3A_500, %lt3A_587 : i32
      %convert_element_type3A_589 = arith.extui %lt3A_588 : i1 to i32
      %cond3A_590 = arith.constant 0 : i32
      %cond3A_591 = arith.cmpi ne, %convert_element_type3A_589, %cond3A_590 : i32
      scf.if %cond3A_591 {
        %dma_wait3A_624 = arith.constant 2 : i32
        %dma_wait3A_625 = arith.constant 0 : i32
        %dma_wait3A_626 = arith.constant 0 : i32
        %dma_wait3A_627 = tpu.memref_slice %arg8[%dma_wait3A_624, %dma_wait3A_625, %dma_wait3A_626] : memref<4x128x64xf32, #tpu.memory_space<vmem>> -> memref<1x128x64xf32, #tpu.memory_space<vmem>>
        %dma_wait3A_628 = tpu.memref_squeeze %dma_wait3A_627 : memref<1x128x64xf32, #tpu.memory_space<vmem>> -> memref<128x64xf32, #tpu.memory_space<vmem>>
        %dma_wait3A_629 = arith.constant 0 : i32
        %dma_wait3A_630 = tpu.memref_slice %arg7[%add3A_564, %dma_wait3A_629] : memref<80x128xi32, #tpu.memory_space<vmem>> -> memref<1x128xi32, #tpu.memory_space<vmem>>
        %dma_wait3A_631 = tpu.memref_squeeze %dma_wait3A_630 : memref<1x128xi32, #tpu.memory_space<vmem>> -> memref<128xi32, #tpu.memory_space<vmem>>
        %dma_wait3A_632 = arith.constant 0 : i32
        %dma_wait3A_633 = arith.constant 0 : i32
        %dma_wait3A_634 = tpu.memref_slice %arg11[%dma_wait3A_632, %dma_wait3A_633] : memref<10240x64xf32, #tpu.memory_space<vmem_shared>> -> memref<10240x64xf32, #tpu.memory_space<vmem_shared>>
        tpu.wait_indirect_dma semaphore(%arg18 : memref<!tpu.dma_semaphore, #tpu.memory_space<semaphore_mem>>) src(%dma_wait3A_628 : memref<128x64xf32, #tpu.memory_space<vmem>>) dst(%dma_wait3A_634 : memref<10240x64xf32, #tpu.memory_space<vmem_shared>>)
        %add3A_635 = arith.constant 4 : i32
        %add3A_636 = arith.addi %add3A_564, %add3A_635 : i32
        %dma_start3A_637 = arith.constant 2 : i32
        %dma_start3A_638 = arith.constant 0 : i32
        %dma_start3A_639 = arith.constant 0 : i32
        %dma_start3A_640 = tpu.memref_slice %arg8[%dma_start3A_637, %dma_start3A_638, %dma_start3A_639] : memref<4x128x64xf32, #tpu.memory_space<vmem>> -> memref<1x128x64xf32, #tpu.memory_space<vmem>>
        %dma_start3A_641 = tpu.memref_squeeze %dma_start3A_640 : memref<1x128x64xf32, #tpu.memory_space<vmem>> -> memref<128x64xf32, #tpu.memory_space<vmem>>
        %dma_start3A_642 = arith.constant 0 : i32
        %dma_start3A_643 = tpu.memref_slice %arg6[%add3A_636, %dma_start3A_642] : memref<80x128xi32, #tpu.memory_space<vmem>> -> memref<1x128xi32, #tpu.memory_space<vmem>>
        %dma_start3A_644 = tpu.memref_squeeze %dma_start3A_643 : memref<1x128xi32, #tpu.memory_space<vmem>> -> memref<128xi32, #tpu.memory_space<vmem>>
        %dma_start3A_645 = arith.constant 0 : i32
        %dma_start3A_646 = arith.constant 0 : i32
        %dma_start3A_647 = tpu.memref_slice %arg2[%dma_start3A_645, %dma_start3A_646] : memref<10240x64xf32, #tpu.memory_space<hbm>> -> memref<10240x64xf32, #tpu.memory_space<hbm>>
        tpu.enqueue_indirect_dma source(%dma_start3A_647 : memref<10240x64xf32, #tpu.memory_space<hbm>>) target(%dma_start3A_641 : memref<128x64xf32, #tpu.memory_space<vmem>>) offsets(%dma_start3A_644 : memref<128xi32, #tpu.memory_space<vmem>>) semaphore(%arg14 : memref<!tpu.dma_semaphore, #tpu.memory_space<semaphore_mem>>)
      } else {
      }
      %mul3A_592 = arith.constant 4 : i32
      %mul3A_593 = arith.muli %scan3A_500, %mul3A_592 : i32
      %add3A_594 = arith.constant 3 : i32
      %add3A_595 = arith.addi %mul3A_593, %add3A_594 : i32
      %dma_wait3A_596 = arith.constant 3 : i32
      %dma_wait3A_597 = arith.constant 0 : i32
      %dma_wait3A_598 = arith.constant 0 : i32
      %dma_wait3A_599 = tpu.memref_slice %arg8[%dma_wait3A_596, %dma_wait3A_597, %dma_wait3A_598] : memref<4x128x64xf32, #tpu.memory_space<vmem>> -> memref<1x128x64xf32, #tpu.memory_space<vmem>>
      %dma_wait3A_600 = tpu.memref_squeeze %dma_wait3A_599 : memref<1x128x64xf32, #tpu.memory_space<vmem>> -> memref<128x64xf32, #tpu.memory_space<vmem>>
      %dma_wait3A_601 = arith.constant 0 : i32
      %dma_wait3A_602 = tpu.memref_slice %arg6[%add3A_595, %dma_wait3A_601] : memref<80x128xi32, #tpu.memory_space<vmem>> -> memref<1x128xi32, #tpu.memory_space<vmem>>
      %dma_wait3A_603 = tpu.memref_squeeze %dma_wait3A_602 : memref<1x128xi32, #tpu.memory_space<vmem>> -> memref<128xi32, #tpu.memory_space<vmem>>
      %dma_wait3A_604 = arith.constant 0 : i32
      %dma_wait3A_605 = arith.constant 0 : i32
      %dma_wait3A_606 = tpu.memref_slice %arg2[%dma_wait3A_604, %dma_wait3A_605] : memref<10240x64xf32, #tpu.memory_space<hbm>> -> memref<10240x64xf32, #tpu.memory_space<hbm>>
      tpu.wait_indirect_dma semaphore(%arg15 : memref<!tpu.dma_semaphore, #tpu.memory_space<semaphore_mem>>) src(%dma_wait3A_606 : memref<10240x64xf32, #tpu.memory_space<hbm>>) dst(%dma_wait3A_600 : memref<128x64xf32, #tpu.memory_space<vmem>>)
      %dma_start3A_607 = arith.constant 3 : i32
      %dma_start3A_608 = arith.constant 0 : i32
      %dma_start3A_609 = arith.constant 0 : i32
      %dma_start3A_610 = tpu.memref_slice %arg8[%dma_start3A_607, %dma_start3A_608, %dma_start3A_609] : memref<4x128x64xf32, #tpu.memory_space<vmem>> -> memref<1x128x64xf32, #tpu.memory_space<vmem>>
      %dma_start3A_611 = tpu.memref_squeeze %dma_start3A_610 : memref<1x128x64xf32, #tpu.memory_space<vmem>> -> memref<128x64xf32, #tpu.memory_space<vmem>>
      %dma_start3A_612 = arith.constant 0 : i32
      %dma_start3A_613 = tpu.memref_slice %arg7[%add3A_595, %dma_start3A_612] : memref<80x128xi32, #tpu.memory_space<vmem>> -> memref<1x128xi32, #tpu.memory_space<vmem>>
      %dma_start3A_614 = tpu.memref_squeeze %dma_start3A_613 : memref<1x128xi32, #tpu.memory_space<vmem>> -> memref<128xi32, #tpu.memory_space<vmem>>
      %dma_start3A_615 = arith.constant 0 : i32
      %dma_start3A_616 = arith.constant 0 : i32
      %dma_start3A_617 = tpu.memref_slice %arg11[%dma_start3A_615, %dma_start3A_616] : memref<10240x64xf32, #tpu.memory_space<vmem_shared>> -> memref<10240x64xf32, #tpu.memory_space<vmem_shared>>
      tpu.enqueue_indirect_dma source(%dma_start3A_611 : memref<128x64xf32, #tpu.memory_space<vmem>>) target(%dma_start3A_617 : memref<10240x64xf32, #tpu.memory_space<vmem_shared>>) offsets(%dma_start3A_614 : memref<128xi32, #tpu.memory_space<vmem>>) semaphore(%arg19 : memref<!tpu.dma_semaphore, #tpu.memory_space<semaphore_mem>>) {add = true}
      %lt3A_618 = arith.constant 19 : i32
      %lt3A_619 = arith.cmpi slt, %scan3A_500, %lt3A_618 : i32
      %convert_element_type3A_620 = arith.extui %lt3A_619 : i1 to i32
      %cond3A_621 = arith.constant 0 : i32
      %cond3A_622 = arith.cmpi ne, %convert_element_type3A_620, %cond3A_621 : i32
      scf.if %cond3A_622 {
        %dma_wait3A_624 = arith.constant 3 : i32
        %dma_wait3A_625 = arith.constant 0 : i32
        %dma_wait3A_626 = arith.constant 0 : i32
        %dma_wait3A_627 = tpu.memref_slice %arg8[%dma_wait3A_624, %dma_wait3A_625, %dma_wait3A_626] : memref<4x128x64xf32, #tpu.memory_space<vmem>> -> memref<1x128x64xf32, #tpu.memory_space<vmem>>
        %dma_wait3A_628 = tpu.memref_squeeze %dma_wait3A_627 : memref<1x128x64xf32, #tpu.memory_space<vmem>> -> memref<128x64xf32, #tpu.memory_space<vmem>>
        %dma_wait3A_629 = arith.constant 0 : i32
        %dma_wait3A_630 = tpu.memref_slice %arg7[%add3A_595, %dma_wait3A_629] : memref<80x128xi32, #tpu.memory_space<vmem>> -> memref<1x128xi32, #tpu.memory_space<vmem>>
        %dma_wait3A_631 = tpu.memref_squeeze %dma_wait3A_630 : memref<1x128xi32, #tpu.memory_space<vmem>> -> memref<128xi32, #tpu.memory_space<vmem>>
        %dma_wait3A_632 = arith.constant 0 : i32
        %dma_wait3A_633 = arith.constant 0 : i32
        %dma_wait3A_634 = tpu.memref_slice %arg11[%dma_wait3A_632, %dma_wait3A_633] : memref<10240x64xf32, #tpu.memory_space<vmem_shared>> -> memref<10240x64xf32, #tpu.memory_space<vmem_shared>>
        tpu.wait_indirect_dma semaphore(%arg19 : memref<!tpu.dma_semaphore, #tpu.memory_space<semaphore_mem>>) src(%dma_wait3A_628 : memref<128x64xf32, #tpu.memory_space<vmem>>) dst(%dma_wait3A_634 : memref<10240x64xf32, #tpu.memory_space<vmem_shared>>)
        %add3A_635 = arith.constant 4 : i32
        %add3A_636 = arith.addi %add3A_595, %add3A_635 : i32
        %dma_start3A_637 = arith.constant 3 : i32
        %dma_start3A_638 = arith.constant 0 : i32
        %dma_start3A_639 = arith.constant 0 : i32
        %dma_start3A_640 = tpu.memref_slice %arg8[%dma_start3A_637, %dma_start3A_638, %dma_start3A_639] : memref<4x128x64xf32, #tpu.memory_space<vmem>> -> memref<1x128x64xf32, #tpu.memory_space<vmem>>
        %dma_start3A_641 = tpu.memref_squeeze %dma_start3A_640 : memref<1x128x64xf32, #tpu.memory_space<vmem>> -> memref<128x64xf32, #tpu.memory_space<vmem>>
        %dma_start3A_642 = arith.constant 0 : i32
        %dma_start3A_643 = tpu.memref_slice %arg6[%add3A_636, %dma_start3A_642] : memref<80x128xi32, #tpu.memory_space<vmem>> -> memref<1x128xi32, #tpu.memory_space<vmem>>
        %dma_start3A_644 = tpu.memref_squeeze %dma_start3A_643 : memref<1x128xi32, #tpu.memory_space<vmem>> -> memref<128xi32, #tpu.memory_space<vmem>>
        %dma_start3A_645 = arith.constant 0 : i32
        %dma_start3A_646 = arith.constant 0 : i32
        %dma_start3A_647 = tpu.memref_slice %arg2[%dma_start3A_645, %dma_start3A_646] : memref<10240x64xf32, #tpu.memory_space<hbm>> -> memref<10240x64xf32, #tpu.memory_space<hbm>>
        tpu.enqueue_indirect_dma source(%dma_start3A_647 : memref<10240x64xf32, #tpu.memory_space<hbm>>) target(%dma_start3A_641 : memref<128x64xf32, #tpu.memory_space<vmem>>) offsets(%dma_start3A_644 : memref<128xi32, #tpu.memory_space<vmem>>) semaphore(%arg15 : memref<!tpu.dma_semaphore, #tpu.memory_space<semaphore_mem>>)
      } else {
      }
      %scan3A_623 = arith.constant 0 : i32
      scf.yield %scan3A_623 : i32
    }
    %scan3A_444 = arith.constant 20 : i32
    %dma_wait3A = arith.constant 0 : i32
    %dma_wait3A_445 = arith.constant 76 : i32
    %dma_wait3A_446 = arith.constant 0 : i32
    %dma_wait3A_447 = arith.constant 0 : i32
    %dma_wait3A_448 = tpu.memref_slice %arg8[%dma_wait3A, %dma_wait3A_446, %dma_wait3A_447] : memref<4x128x64xf32, #tpu.memory_space<vmem>> -> memref<1x128x64xf32, #tpu.memory_space<vmem>>
    %dma_wait3A_449 = tpu.memref_squeeze %dma_wait3A_448 : memref<1x128x64xf32, #tpu.memory_space<vmem>> -> memref<128x64xf32, #tpu.memory_space<vmem>>
    %dma_wait3A_450 = arith.constant 0 : i32
    %dma_wait3A_451 = tpu.memref_slice %arg7[%dma_wait3A_445, %dma_wait3A_450] : memref<80x128xi32, #tpu.memory_space<vmem>> -> memref<1x128xi32, #tpu.memory_space<vmem>>
    %dma_wait3A_452 = tpu.memref_squeeze %dma_wait3A_451 : memref<1x128xi32, #tpu.memory_space<vmem>> -> memref<128xi32, #tpu.memory_space<vmem>>
    %dma_wait3A_453 = arith.constant 0 : i32
    %dma_wait3A_454 = arith.constant 0 : i32
    %dma_wait3A_455 = tpu.memref_slice %arg11[%dma_wait3A_453, %dma_wait3A_454] : memref<10240x64xf32, #tpu.memory_space<vmem_shared>> -> memref<10240x64xf32, #tpu.memory_space<vmem_shared>>
    tpu.wait_indirect_dma semaphore(%arg16 : memref<!tpu.dma_semaphore, #tpu.memory_space<semaphore_mem>>) src(%dma_wait3A_449 : memref<128x64xf32, #tpu.memory_space<vmem>>) dst(%dma_wait3A_455 : memref<10240x64xf32, #tpu.memory_space<vmem_shared>>)
    %dma_wait3A_456 = arith.constant 1 : i32
    %dma_wait3A_457 = arith.constant 77 : i32
    %dma_wait3A_458 = arith.constant 0 : i32
    %dma_wait3A_459 = arith.constant 0 : i32
    %dma_wait3A_460 = tpu.memref_slice %arg8[%dma_wait3A_456, %dma_wait3A_458, %dma_wait3A_459] : memref<4x128x64xf32, #tpu.memory_space<vmem>> -> memref<1x128x64xf32, #tpu.memory_space<vmem>>
    %dma_wait3A_461 = tpu.memref_squeeze %dma_wait3A_460 : memref<1x128x64xf32, #tpu.memory_space<vmem>> -> memref<128x64xf32, #tpu.memory_space<vmem>>
    %dma_wait3A_462 = arith.constant 0 : i32
    %dma_wait3A_463 = tpu.memref_slice %arg7[%dma_wait3A_457, %dma_wait3A_462] : memref<80x128xi32, #tpu.memory_space<vmem>> -> memref<1x128xi32, #tpu.memory_space<vmem>>
    %dma_wait3A_464 = tpu.memref_squeeze %dma_wait3A_463 : memref<1x128xi32, #tpu.memory_space<vmem>> -> memref<128xi32, #tpu.memory_space<vmem>>
    %dma_wait3A_465 = arith.constant 0 : i32
    %dma_wait3A_466 = arith.constant 0 : i32
    %dma_wait3A_467 = tpu.memref_slice %arg11[%dma_wait3A_465, %dma_wait3A_466] : memref<10240x64xf32, #tpu.memory_space<vmem_shared>> -> memref<10240x64xf32, #tpu.memory_space<vmem_shared>>
    tpu.wait_indirect_dma semaphore(%arg17 : memref<!tpu.dma_semaphore, #tpu.memory_space<semaphore_mem>>) src(%dma_wait3A_461 : memref<128x64xf32, #tpu.memory_space<vmem>>) dst(%dma_wait3A_467 : memref<10240x64xf32, #tpu.memory_space<vmem_shared>>)
    %dma_wait3A_468 = arith.constant 2 : i32
    %dma_wait3A_469 = arith.constant 78 : i32
    %dma_wait3A_470 = arith.constant 0 : i32
    %dma_wait3A_471 = arith.constant 0 : i32
    %dma_wait3A_472 = tpu.memref_slice %arg8[%dma_wait3A_468, %dma_wait3A_470, %dma_wait3A_471] : memref<4x128x64xf32, #tpu.memory_space<vmem>> -> memref<1x128x64xf32, #tpu.memory_space<vmem>>
    %dma_wait3A_473 = tpu.memref_squeeze %dma_wait3A_472 : memref<1x128x64xf32, #tpu.memory_space<vmem>> -> memref<128x64xf32, #tpu.memory_space<vmem>>
    %dma_wait3A_474 = arith.constant 0 : i32
    %dma_wait3A_475 = tpu.memref_slice %arg7[%dma_wait3A_469, %dma_wait3A_474] : memref<80x128xi32, #tpu.memory_space<vmem>> -> memref<1x128xi32, #tpu.memory_space<vmem>>
    %dma_wait3A_476 = tpu.memref_squeeze %dma_wait3A_475 : memref<1x128xi32, #tpu.memory_space<vmem>> -> memref<128xi32, #tpu.memory_space<vmem>>
    %dma_wait3A_477 = arith.constant 0 : i32
    %dma_wait3A_478 = arith.constant 0 : i32
    %dma_wait3A_479 = tpu.memref_slice %arg11[%dma_wait3A_477, %dma_wait3A_478] : memref<10240x64xf32, #tpu.memory_space<vmem_shared>> -> memref<10240x64xf32, #tpu.memory_space<vmem_shared>>
    tpu.wait_indirect_dma semaphore(%arg18 : memref<!tpu.dma_semaphore, #tpu.memory_space<semaphore_mem>>) src(%dma_wait3A_473 : memref<128x64xf32, #tpu.memory_space<vmem>>) dst(%dma_wait3A_479 : memref<10240x64xf32, #tpu.memory_space<vmem_shared>>)
    %dma_wait3A_480 = arith.constant 3 : i32
    %dma_wait3A_481 = arith.constant 79 : i32
    %dma_wait3A_482 = arith.constant 0 : i32
    %dma_wait3A_483 = arith.constant 0 : i32
    %dma_wait3A_484 = tpu.memref_slice %arg8[%dma_wait3A_480, %dma_wait3A_482, %dma_wait3A_483] : memref<4x128x64xf32, #tpu.memory_space<vmem>> -> memref<1x128x64xf32, #tpu.memory_space<vmem>>
    %dma_wait3A_485 = tpu.memref_squeeze %dma_wait3A_484 : memref<1x128x64xf32, #tpu.memory_space<vmem>> -> memref<128x64xf32, #tpu.memory_space<vmem>>
    %dma_wait3A_486 = arith.constant 0 : i32
    %dma_wait3A_487 = tpu.memref_slice %arg7[%dma_wait3A_481, %dma_wait3A_486] : memref<80x128xi32, #tpu.memory_space<vmem>> -> memref<1x128xi32, #tpu.memory_space<vmem>>
    %dma_wait3A_488 = tpu.memref_squeeze %dma_wait3A_487 : memref<1x128xi32, #tpu.memory_space<vmem>> -> memref<128xi32, #tpu.memory_space<vmem>>
    %dma_wait3A_489 = arith.constant 0 : i32
    %dma_wait3A_490 = arith.constant 0 : i32
    %dma_wait3A_491 = tpu.memref_slice %arg11[%dma_wait3A_489, %dma_wait3A_490] : memref<10240x64xf32, #tpu.memory_space<vmem_shared>> -> memref<10240x64xf32, #tpu.memory_space<vmem_shared>>
    tpu.wait_indirect_dma semaphore(%arg19 : memref<!tpu.dma_semaphore, #tpu.memory_space<semaphore_mem>>) src(%dma_wait3A_485 : memref<128x64xf32, #tpu.memory_space<vmem>>) dst(%dma_wait3A_491 : memref<10240x64xf32, #tpu.memory_space<vmem_shared>>)
    %barrier3A_492 = arith.constant 0 : index
    tpu.barrier barrier_id(%barrier3A_492)
    %scan3A_493 = arith.constant 0 : i32
    %scan3A_494 = arith.constant 0 : i32
    %scan3A_495 = arith.constant 5 : i32
    %scan3A_496 = arith.addi %scan3A_494, %scan3A_495 : i32
    %scan3A_497 = arith.constant 1 : i32
    %scan3A_498 = scf.for %scan3A_500 = %scan3A_494 to %scan3A_496 step %scan3A_497 iter_args(%scan3A_501 = %scan3A_493) -> (i32)  : i32 {
      %mul3A_502 = arith.constant 640 : i32
      %mul3A_503 = arith.muli %arg1, %mul3A_502 : i32
      %mul3A_504 = arith.constant 128 : i32
      %mul3A_505 = arith.muli %scan3A_500, %mul3A_504 : i32
      %add3A_506 = arith.addi %mul3A_503, %mul3A_505 : i32
      "tpu.region"() ({
        %run_scoped3A = tpu.sem_alloc : memref<!tpu.dma_semaphore, #tpu.memory_space<semaphore_mem>>
        %dma_start3A_513 = arith.constant 0 : i32
        %dma_start3A_514 = tpu.memref_slice %arg11[%add3A_506, %dma_start3A_513] : memref<10240x64xf32, #tpu.memory_space<vmem_shared>> -> memref<128x64xf32, #tpu.memory_space<vmem_shared>>
        %dma_start3A_515 = arith.constant 0 : i32
        %dma_start3A_516 = tpu.memref_slice %arg11[%add3A_506, %dma_start3A_515] : memref<10240x64xf32, #tpu.memory_space<vmem_shared>> -> memref<128x64xf32, #tpu.memory_space<vmem_shared>>
        tpu.enqueue_dma source(%dma_start3A_516 : memref<128x64xf32, #tpu.memory_space<vmem_shared>>) target(%arg10 : memref<128x64xf32, #tpu.memory_space<vmem>>) target_semaphore(%run_scoped3A : memref<!tpu.dma_semaphore, #tpu.memory_space<semaphore_mem>>)
        %dma_wait3A_517 = arith.constant 0 : i32
        %dma_wait3A_518 = tpu.memref_slice %arg11[%add3A_506, %dma_wait3A_517] : memref<10240x64xf32, #tpu.memory_space<vmem_shared>> -> memref<128x64xf32, #tpu.memory_space<vmem_shared>>
        %dma_wait3A_519 = arith.constant 0 : i32
        %dma_wait3A_520 = tpu.memref_slice %arg11[%add3A_506, %dma_wait3A_519] : memref<10240x64xf32, #tpu.memory_space<vmem_shared>> -> memref<128x64xf32, #tpu.memory_space<vmem_shared>>
        tpu.wait_dma2 semaphore(%run_scoped3A : memref<!tpu.dma_semaphore, #tpu.memory_space<semaphore_mem>>) src(%dma_wait3A_520 : memref<128x64xf32, #tpu.memory_space<vmem_shared>>) dst(%arg10 : memref<128x64xf32, #tpu.memory_space<vmem>>)
        tpu.yield
      }) : () -> ()
      %mul3A_507 = arith.constant 640 : i32
      %mul3A_508 = arith.muli %arg1, %mul3A_507 : i32
      %mul3A_509 = arith.constant 128 : i32
      %mul3A_510 = arith.muli %scan3A_500, %mul3A_509 : i32
      %add3A_511 = arith.addi %mul3A_508, %mul3A_510 : i32
      "tpu.region"() ({
        %run_scoped3A = tpu.sem_alloc : memref<!tpu.dma_semaphore, #tpu.memory_space<semaphore_mem>>
        %dma_start3A_513 = arith.constant 0 : i32
        %dma_start3A_514 = tpu.memref_slice %arg5[%arg0, %add3A_511, %dma_start3A_513] : memref<2x10240x64xf32, #tpu.memory_space<hbm>> -> memref<1x128x64xf32, #tpu.memory_space<hbm>>
        %dma_start3A_515 = tpu.memref_squeeze %dma_start3A_514 : memref<1x128x64xf32, #tpu.memory_space<hbm>> -> memref<128x64xf32, #tpu.memory_space<hbm>>
        %dma_start3A_516 = arith.constant 0 : i32
        %dma_start3A_517 = tpu.memref_slice %arg5[%arg0, %add3A_511, %dma_start3A_516] : memref<2x10240x64xf32, #tpu.memory_space<hbm>> -> memref<1x128x64xf32, #tpu.memory_space<hbm>>
        %dma_start3A_518 = tpu.memref_squeeze %dma_start3A_517 : memref<1x128x64xf32, #tpu.memory_space<hbm>> -> memref<128x64xf32, #tpu.memory_space<hbm>>
        tpu.enqueue_dma source(%arg10 : memref<128x64xf32, #tpu.memory_space<vmem>>) target(%dma_start3A_518 : memref<128x64xf32, #tpu.memory_space<hbm>>) target_semaphore(%run_scoped3A : memref<!tpu.dma_semaphore, #tpu.memory_space<semaphore_mem>>)
        %dma_wait3A_519 = arith.constant 0 : i32
        %dma_wait3A_520 = tpu.memref_slice %arg5[%arg0, %add3A_511, %dma_wait3A_519] : memref<2x10240x64xf32, #tpu.memory_space<hbm>> -> memref<1x128x64xf32, #tpu.memory_space<hbm>>
        %dma_wait3A_521 = tpu.memref_squeeze %dma_wait3A_520 : memref<1x128x64xf32, #tpu.memory_space<hbm>> -> memref<128x64xf32, #tpu.memory_space<hbm>>
        %dma_wait3A_522 = arith.constant 0 : i32
        %dma_wait3A_523 = tpu.memref_slice %arg5[%arg0, %add3A_511, %dma_wait3A_522] : memref<2x10240x64xf32, #tpu.memory_space<hbm>> -> memref<1x128x64xf32, #tpu.memory_space<hbm>>
        %dma_wait3A_524 = tpu.memref_squeeze %dma_wait3A_523 : memref<1x128x64xf32, #tpu.memory_space<hbm>> -> memref<128x64xf32, #tpu.memory_space<hbm>>
        tpu.wait_dma2 semaphore(%run_scoped3A : memref<!tpu.dma_semaphore, #tpu.memory_space<semaphore_mem>>) src(%arg10 : memref<128x64xf32, #tpu.memory_space<vmem>>) dst(%dma_wait3A_524 : memref<128x64xf32, #tpu.memory_space<hbm>>)
        tpu.yield
      }) : () -> ()
      %scan3A_512 = arith.constant 0 : i32
      scf.yield %scan3A_512 : i32
    }
    %scan3A_499 = arith.constant 5 : i32
    return
  }
}

#map = affine_map<(d0, d1) -> (0, 0)>
#map1 = affine_map<(d0, d1) -> (0, 0, 0)>
module attributes {stable_mosaic.version = 14 : i64} {
  func.func @_edge_kernel(%arg0: i32, %arg1: i32, %arg2: memref<10240x64xf32, #tpu.memory_space<hbm>>, %arg3: memref<32x80x128xi32, #tpu.memory_space<hbm>>, %arg4: memref<32x80x128xi32, #tpu.memory_space<hbm>>, %arg5: memref<2x10240x64xf32, #tpu.memory_space<hbm>>, %arg6: memref<80x128xi32, #tpu.memory_space<vmem>>, %arg7: memref<80x128xi32, #tpu.memory_space<vmem>>, %arg8: memref<4x128x64xf32, #tpu.memory_space<vmem>>, %arg9: memref<16x64xf32, #tpu.memory_space<vmem>>, %arg10: memref<128x64xf32, #tpu.memory_space<vmem>>, %arg11: memref<10240x64xf32, #tpu.memory_space<vmem_shared>>, %arg12: memref<!tpu.dma_semaphore, #tpu.memory_space<semaphore_mem>>, %arg13: memref<!tpu.dma_semaphore, #tpu.memory_space<semaphore_mem>>, %arg14: memref<!tpu.dma_semaphore, #tpu.memory_space<semaphore_mem>>, %arg15: memref<!tpu.dma_semaphore, #tpu.memory_space<semaphore_mem>>, %arg16: memref<!tpu.dma_semaphore, #tpu.memory_space<semaphore_mem>>, %arg17: memref<!tpu.dma_semaphore, #tpu.memory_space<semaphore_mem>>, %arg18: memref<!tpu.dma_semaphore, #tpu.memory_space<semaphore_mem>>, %arg19: memref<!tpu.dma_semaphore, #tpu.memory_space<semaphore_mem>>) attributes {dimension_semantics = [#tpu.dimension_semantics<core_parallel>, #tpu.dimension_semantics<subcore_parallel>], iteration_bounds = array<i64: 2, 16>, scalar_prefetch = 0 : i64, scratch_operands = 14 : i64, tpu.core_type = #tpu.core_type<sc_vector_subcore>, window_params = [{transform_indices = #map}, {transform_indices = #map1}, {transform_indices = #map1}, {transform_indices = #map1}]} {
    %mul3A = arith.constant 16 : i32
    %mul3A_0 = arith.muli %arg0, %mul3A : i32
    %add3A = arith.addi %mul3A_0, %arg1 : i32
    %broadcast_in_dim3A = arith.constant 0.000000e+00 : f32
    %broadcast_in_dim3A_1 = vector.broadcast %broadcast_in_dim3A : f32 to vector<16xf32>
    %swap3A = arith.constant 0 : i32
    %swap3A_2 = arith.index_cast %swap3A : i32 to index
    %swap3A_3 = arith.constant 0 : index
    %swap3A_4 = tpu.vector_load %arg9[%swap3A_2, %swap3A_3] {strides = array<i32>} : memref<16x64xf32, #tpu.memory_space<vmem>>, vector<1x16xf32>,
    %swap3A_5 = vector.shape_cast %swap3A_4 : vector<1x16xf32> to vector<16xf32>
    %swap3A_6 = vector.shape_cast %broadcast_in_dim3A_1 : vector<16xf32> to vector<1x16xf32>
    tpu.vector_store %arg9[%swap3A_2, %swap3A_3], %swap3A_6 {strides = array<i32>} : memref<16x64xf32, #tpu.memory_space<vmem>>, vector<1x16xf32>,
    %swap3A_7 = arith.constant 0 : i32
    %swap3A_8 = arith.index_cast %swap3A_7 : i32 to index
    %swap3A_9 = arith.constant 16 : index
    %swap3A_10 = tpu.vector_load %arg9[%swap3A_8, %swap3A_9] {strides = array<i32>} : memref<16x64xf32, #tpu.memory_space<vmem>>, vector<1x16xf32>,
    %swap3A_11 = vector.shape_cast %swap3A_10 : vector<1x16xf32> to vector<16xf32>
    %swap3A_12 = vector.shape_cast %broadcast_in_dim3A_1 : vector<16xf32> to vector<1x16xf32>
    tpu.vector_store %arg9[%swap3A_8, %swap3A_9], %swap3A_12 {strides = array<i32>} : memref<16x64xf32, #tpu.memory_space<vmem>>, vector<1x16xf32>,
    %swap3A_13 = arith.constant 0 : i32
    %swap3A_14 = arith.index_cast %swap3A_13 : i32 to index
    %swap3A_15 = arith.constant 32 : index
    %swap3A_16 = tpu.vector_load %arg9[%swap3A_14, %swap3A_15] {strides = array<i32>} : memref<16x64xf32, #tpu.memory_space<vmem>>, vector<1x16xf32>,
    %swap3A_17 = vector.shape_cast %swap3A_16 : vector<1x16xf32> to vector<16xf32>
    %swap3A_18 = vector.shape_cast %broadcast_in_dim3A_1 : vector<16xf32> to vector<1x16xf32>
    tpu.vector_store %arg9[%swap3A_14, %swap3A_15], %swap3A_18 {strides = array<i32>} : memref<16x64xf32, #tpu.memory_space<vmem>>, vector<1x16xf32>,
    %swap3A_19 = arith.constant 0 : i32
    %swap3A_20 = arith.index_cast %swap3A_19 : i32 to index
    %swap3A_21 = arith.constant 48 : index
    %swap3A_22 = tpu.vector_load %arg9[%swap3A_20, %swap3A_21] {strides = array<i32>} : memref<16x64xf32, #tpu.memory_space<vmem>>, vector<1x16xf32>,
    %swap3A_23 = vector.shape_cast %swap3A_22 : vector<1x16xf32> to vector<16xf32>
    %swap3A_24 = vector.shape_cast %broadcast_in_dim3A_1 : vector<16xf32> to vector<1x16xf32>
    tpu.vector_store %arg9[%swap3A_20, %swap3A_21], %swap3A_24 {strides = array<i32>} : memref<16x64xf32, #tpu.memory_space<vmem>>, vector<1x16xf32>,
    %swap3A_25 = arith.constant 1 : i32
    %swap3A_26 = arith.index_cast %swap3A_25 : i32 to index
    %swap3A_27 = arith.constant 0 : index
    %swap3A_28 = tpu.vector_load %arg9[%swap3A_26, %swap3A_27] {strides = array<i32>} : memref<16x64xf32, #tpu.memory_space<vmem>>, vector<1x16xf32>,
    %swap3A_29 = vector.shape_cast %swap3A_28 : vector<1x16xf32> to vector<16xf32>
    %swap3A_30 = vector.shape_cast %broadcast_in_dim3A_1 : vector<16xf32> to vector<1x16xf32>
    tpu.vector_store %arg9[%swap3A_26, %swap3A_27], %swap3A_30 {strides = array<i32>} : memref<16x64xf32, #tpu.memory_space<vmem>>, vector<1x16xf32>,
    %swap3A_31 = arith.constant 1 : i32
    %swap3A_32 = arith.index_cast %swap3A_31 : i32 to index
    %swap3A_33 = arith.constant 16 : index
    %swap3A_34 = tpu.vector_load %arg9[%swap3A_32, %swap3A_33] {strides = array<i32>} : memref<16x64xf32, #tpu.memory_space<vmem>>, vector<1x16xf32>,
    %swap3A_35 = vector.shape_cast %swap3A_34 : vector<1x16xf32> to vector<16xf32>
    %swap3A_36 = vector.shape_cast %broadcast_in_dim3A_1 : vector<16xf32> to vector<1x16xf32>
    tpu.vector_store %arg9[%swap3A_32, %swap3A_33], %swap3A_36 {strides = array<i32>} : memref<16x64xf32, #tpu.memory_space<vmem>>, vector<1x16xf32>,
    %swap3A_37 = arith.constant 1 : i32
    %swap3A_38 = arith.index_cast %swap3A_37 : i32 to index
    %swap3A_39 = arith.constant 32 : index
    %swap3A_40 = tpu.vector_load %arg9[%swap3A_38, %swap3A_39] {strides = array<i32>} : memref<16x64xf32, #tpu.memory_space<vmem>>, vector<1x16xf32>,
    %swap3A_41 = vector.shape_cast %swap3A_40 : vector<1x16xf32> to vector<16xf32>
    %swap3A_42 = vector.shape_cast %broadcast_in_dim3A_1 : vector<16xf32> to vector<1x16xf32>
    tpu.vector_store %arg9[%swap3A_38, %swap3A_39], %swap3A_42 {strides = array<i32>} : memref<16x64xf32, #tpu.memory_space<vmem>>, vector<1x16xf32>,
    %swap3A_43 = arith.constant 1 : i32
    %swap3A_44 = arith.index_cast %swap3A_43 : i32 to index
    %swap3A_45 = arith.constant 48 : index
    %swap3A_46 = tpu.vector_load %arg9[%swap3A_44, %swap3A_45] {strides = array<i32>} : memref<16x64xf32, #tpu.memory_space<vmem>>, vector<1x16xf32>,
    %swap3A_47 = vector.shape_cast %swap3A_46 : vector<1x16xf32> to vector<16xf32>
    %swap3A_48 = vector.shape_cast %broadcast_in_dim3A_1 : vector<16xf32> to vector<1x16xf32>
    tpu.vector_store %arg9[%swap3A_44, %swap3A_45], %swap3A_48 {strides = array<i32>} : memref<16x64xf32, #tpu.memory_space<vmem>>, vector<1x16xf32>,
    %swap3A_49 = arith.constant 2 : i32
    %swap3A_50 = arith.index_cast %swap3A_49 : i32 to index
    %swap3A_51 = arith.constant 0 : index
    %swap3A_52 = tpu.vector_load %arg9[%swap3A_50, %swap3A_51] {strides = array<i32>} : memref<16x64xf32, #tpu.memory_space<vmem>>, vector<1x16xf32>,
    %swap3A_53 = vector.shape_cast %swap3A_52 : vector<1x16xf32> to vector<16xf32>
    %swap3A_54 = vector.shape_cast %broadcast_in_dim3A_1 : vector<16xf32> to vector<1x16xf32>
    tpu.vector_store %arg9[%swap3A_50, %swap3A_51], %swap3A_54 {strides = array<i32>} : memref<16x64xf32, #tpu.memory_space<vmem>>, vector<1x16xf32>,
    %swap3A_55 = arith.constant 2 : i32
    %swap3A_56 = arith.index_cast %swap3A_55 : i32 to index
    %swap3A_57 = arith.constant 16 : index
    %swap3A_58 = tpu.vector_load %arg9[%swap3A_56, %swap3A_57] {strides = array<i32>} : memref<16x64xf32, #tpu.memory_space<vmem>>, vector<1x16xf32>,
    %swap3A_59 = vector.shape_cast %swap3A_58 : vector<1x16xf32> to vector<16xf32>
    %swap3A_60 = vector.shape_cast %broadcast_in_dim3A_1 : vector<16xf32> to vector<1x16xf32>
    tpu.vector_store %arg9[%swap3A_56, %swap3A_57], %swap3A_60 {strides = array<i32>} : memref<16x64xf32, #tpu.memory_space<vmem>>, vector<1x16xf32>,
    %swap3A_61 = arith.constant 2 : i32
    %swap3A_62 = arith.index_cast %swap3A_61 : i32 to index
    %swap3A_63 = arith.constant 32 : index
    %swap3A_64 = tpu.vector_load %arg9[%swap3A_62, %swap3A_63] {strides = array<i32>} : memref<16x64xf32, #tpu.memory_space<vmem>>, vector<1x16xf32>,
    %swap3A_65 = vector.shape_cast %swap3A_64 : vector<1x16xf32> to vector<16xf32>
    %swap3A_66 = vector.shape_cast %broadcast_in_dim3A_1 : vector<16xf32> to vector<1x16xf32>
    tpu.vector_store %arg9[%swap3A_62, %swap3A_63], %swap3A_66 {strides = array<i32>} : memref<16x64xf32, #tpu.memory_space<vmem>>, vector<1x16xf32>,
    %swap3A_67 = arith.constant 2 : i32
    %swap3A_68 = arith.index_cast %swap3A_67 : i32 to index
    %swap3A_69 = arith.constant 48 : index
    %swap3A_70 = tpu.vector_load %arg9[%swap3A_68, %swap3A_69] {strides = array<i32>} : memref<16x64xf32, #tpu.memory_space<vmem>>, vector<1x16xf32>,
    %swap3A_71 = vector.shape_cast %swap3A_70 : vector<1x16xf32> to vector<16xf32>
    %swap3A_72 = vector.shape_cast %broadcast_in_dim3A_1 : vector<16xf32> to vector<1x16xf32>
    tpu.vector_store %arg9[%swap3A_68, %swap3A_69], %swap3A_72 {strides = array<i32>} : memref<16x64xf32, #tpu.memory_space<vmem>>, vector<1x16xf32>,
    %swap3A_73 = arith.constant 3 : i32
    %swap3A_74 = arith.index_cast %swap3A_73 : i32 to index
    %swap3A_75 = arith.constant 0 : index
    %swap3A_76 = tpu.vector_load %arg9[%swap3A_74, %swap3A_75] {strides = array<i32>} : memref<16x64xf32, #tpu.memory_space<vmem>>, vector<1x16xf32>,
    %swap3A_77 = vector.shape_cast %swap3A_76 : vector<1x16xf32> to vector<16xf32>
    %swap3A_78 = vector.shape_cast %broadcast_in_dim3A_1 : vector<16xf32> to vector<1x16xf32>
    tpu.vector_store %arg9[%swap3A_74, %swap3A_75], %swap3A_78 {strides = array<i32>} : memref<16x64xf32, #tpu.memory_space<vmem>>, vector<1x16xf32>,
    %swap3A_79 = arith.constant 3 : i32
    %swap3A_80 = arith.index_cast %swap3A_79 : i32 to index
    %swap3A_81 = arith.constant 16 : index
    %swap3A_82 = tpu.vector_load %arg9[%swap3A_80, %swap3A_81] {strides = array<i32>} : memref<16x64xf32, #tpu.memory_space<vmem>>, vector<1x16xf32>,
    %swap3A_83 = vector.shape_cast %swap3A_82 : vector<1x16xf32> to vector<16xf32>
    %swap3A_84 = vector.shape_cast %broadcast_in_dim3A_1 : vector<16xf32> to vector<1x16xf32>
    tpu.vector_store %arg9[%swap3A_80, %swap3A_81], %swap3A_84 {strides = array<i32>} : memref<16x64xf32, #tpu.memory_space<vmem>>, vector<1x16xf32>,
    %swap3A_85 = arith.constant 3 : i32
    %swap3A_86 = arith.index_cast %swap3A_85 : i32 to index
    %swap3A_87 = arith.constant 32 : index
    %swap3A_88 = tpu.vector_load %arg9[%swap3A_86, %swap3A_87] {strides = array<i32>} : memref<16x64xf32, #tpu.memory_space<vmem>>, vector<1x16xf32>,
    %swap3A_89 = vector.shape_cast %swap3A_88 : vector<1x16xf32> to vector<16xf32>
    %swap3A_90 = vector.shape_cast %broadcast_in_dim3A_1 : vector<16xf32> to vector<1x16xf32>
    tpu.vector_store %arg9[%swap3A_86, %swap3A_87], %swap3A_90 {strides = array<i32>} : memref<16x64xf32, #tpu.memory_space<vmem>>, vector<1x16xf32>,
    %swap3A_91 = arith.constant 3 : i32
    %swap3A_92 = arith.index_cast %swap3A_91 : i32 to index
    %swap3A_93 = arith.constant 48 : index
    %swap3A_94 = tpu.vector_load %arg9[%swap3A_92, %swap3A_93] {strides = array<i32>} : memref<16x64xf32, #tpu.memory_space<vmem>>, vector<1x16xf32>,
    %swap3A_95 = vector.shape_cast %swap3A_94 : vector<1x16xf32> to vector<16xf32>
    %swap3A_96 = vector.shape_cast %broadcast_in_dim3A_1 : vector<16xf32> to vector<1x16xf32>
    tpu.vector_store %arg9[%swap3A_92, %swap3A_93], %swap3A_96 {strides = array<i32>} : memref<16x64xf32, #tpu.memory_space<vmem>>, vector<1x16xf32>,
    %swap3A_97 = arith.constant 4 : i32
    %swap3A_98 = arith.index_cast %swap3A_97 : i32 to index
    %swap3A_99 = arith.constant 0 : index
    %swap3A_100 = tpu.vector_load %arg9[%swap3A_98, %swap3A_99] {strides = array<i32>} : memref<16x64xf32, #tpu.memory_space<vmem>>, vector<1x16xf32>,
    %swap3A_101 = vector.shape_cast %swap3A_100 : vector<1x16xf32> to vector<16xf32>
    %swap3A_102 = vector.shape_cast %broadcast_in_dim3A_1 : vector<16xf32> to vector<1x16xf32>
    tpu.vector_store %arg9[%swap3A_98, %swap3A_99], %swap3A_102 {strides = array<i32>} : memref<16x64xf32, #tpu.memory_space<vmem>>, vector<1x16xf32>,
    %swap3A_103 = arith.constant 4 : i32
    %swap3A_104 = arith.index_cast %swap3A_103 : i32 to index
    %swap3A_105 = arith.constant 16 : index
    %swap3A_106 = tpu.vector_load %arg9[%swap3A_104, %swap3A_105] {strides = array<i32>} : memref<16x64xf32, #tpu.memory_space<vmem>>, vector<1x16xf32>,
    %swap3A_107 = vector.shape_cast %swap3A_106 : vector<1x16xf32> to vector<16xf32>
    %swap3A_108 = vector.shape_cast %broadcast_in_dim3A_1 : vector<16xf32> to vector<1x16xf32>
    tpu.vector_store %arg9[%swap3A_104, %swap3A_105], %swap3A_108 {strides = array<i32>} : memref<16x64xf32, #tpu.memory_space<vmem>>, vector<1x16xf32>,
    %swap3A_109 = arith.constant 4 : i32
    %swap3A_110 = arith.index_cast %swap3A_109 : i32 to index
    %swap3A_111 = arith.constant 32 : index
    %swap3A_112 = tpu.vector_load %arg9[%swap3A_110, %swap3A_111] {strides = array<i32>} : memref<16x64xf32, #tpu.memory_space<vmem>>, vector<1x16xf32>,
    %swap3A_113 = vector.shape_cast %swap3A_112 : vector<1x16xf32> to vector<16xf32>
    %swap3A_114 = vector.shape_cast %broadcast_in_dim3A_1 : vector<16xf32> to vector<1x16xf32>
    tpu.vector_store %arg9[%swap3A_110, %swap3A_111], %swap3A_114 {strides = array<i32>} : memref<16x64xf32, #tpu.memory_space<vmem>>, vector<1x16xf32>,
    %swap3A_115 = arith.constant 4 : i32
    %swap3A_116 = arith.index_cast %swap3A_115 : i32 to index
    %swap3A_117 = arith.constant 48 : index
    %swap3A_118 = tpu.vector_load %arg9[%swap3A_116, %swap3A_117] {strides = array<i32>} : memref<16x64xf32, #tpu.memory_space<vmem>>, vector<1x16xf32>,
    %swap3A_119 = vector.shape_cast %swap3A_118 : vector<1x16xf32> to vector<16xf32>
    %swap3A_120 = vector.shape_cast %broadcast_in_dim3A_1 : vector<16xf32> to vector<1x16xf32>
    tpu.vector_store %arg9[%swap3A_116, %swap3A_117], %swap3A_120 {strides = array<i32>} : memref<16x64xf32, #tpu.memory_space<vmem>>, vector<1x16xf32>,
    %swap3A_121 = arith.constant 5 : i32
    %swap3A_122 = arith.index_cast %swap3A_121 : i32 to index
    %swap3A_123 = arith.constant 0 : index
    %swap3A_124 = tpu.vector_load %arg9[%swap3A_122, %swap3A_123] {strides = array<i32>} : memref<16x64xf32, #tpu.memory_space<vmem>>, vector<1x16xf32>,
    %swap3A_125 = vector.shape_cast %swap3A_124 : vector<1x16xf32> to vector<16xf32>
    %swap3A_126 = vector.shape_cast %broadcast_in_dim3A_1 : vector<16xf32> to vector<1x16xf32>
    tpu.vector_store %arg9[%swap3A_122, %swap3A_123], %swap3A_126 {strides = array<i32>} : memref<16x64xf32, #tpu.memory_space<vmem>>, vector<1x16xf32>,
    %swap3A_127 = arith.constant 5 : i32
    %swap3A_128 = arith.index_cast %swap3A_127 : i32 to index
    %swap3A_129 = arith.constant 16 : index
    %swap3A_130 = tpu.vector_load %arg9[%swap3A_128, %swap3A_129] {strides = array<i32>} : memref<16x64xf32, #tpu.memory_space<vmem>>, vector<1x16xf32>,
    %swap3A_131 = vector.shape_cast %swap3A_130 : vector<1x16xf32> to vector<16xf32>
    %swap3A_132 = vector.shape_cast %broadcast_in_dim3A_1 : vector<16xf32> to vector<1x16xf32>
    tpu.vector_store %arg9[%swap3A_128, %swap3A_129], %swap3A_132 {strides = array<i32>} : memref<16x64xf32, #tpu.memory_space<vmem>>, vector<1x16xf32>,
    %swap3A_133 = arith.constant 5 : i32
    %swap3A_134 = arith.index_cast %swap3A_133 : i32 to index
    %swap3A_135 = arith.constant 32 : index
    %swap3A_136 = tpu.vector_load %arg9[%swap3A_134, %swap3A_135] {strides = array<i32>} : memref<16x64xf32, #tpu.memory_space<vmem>>, vector<1x16xf32>,
    %swap3A_137 = vector.shape_cast %swap3A_136 : vector<1x16xf32> to vector<16xf32>
    %swap3A_138 = vector.shape_cast %broadcast_in_dim3A_1 : vector<16xf32> to vector<1x16xf32>
    tpu.vector_store %arg9[%swap3A_134, %swap3A_135], %swap3A_138 {strides = array<i32>} : memref<16x64xf32, #tpu.memory_space<vmem>>, vector<1x16xf32>,
    %swap3A_139 = arith.constant 5 : i32
    %swap3A_140 = arith.index_cast %swap3A_139 : i32 to index
    %swap3A_141 = arith.constant 48 : index
    %swap3A_142 = tpu.vector_load %arg9[%swap3A_140, %swap3A_141] {strides = array<i32>} : memref<16x64xf32, #tpu.memory_space<vmem>>, vector<1x16xf32>,
    %swap3A_143 = vector.shape_cast %swap3A_142 : vector<1x16xf32> to vector<16xf32>
    %swap3A_144 = vector.shape_cast %broadcast_in_dim3A_1 : vector<16xf32> to vector<1x16xf32>
    tpu.vector_store %arg9[%swap3A_140, %swap3A_141], %swap3A_144 {strides = array<i32>} : memref<16x64xf32, #tpu.memory_space<vmem>>, vector<1x16xf32>,
    %swap3A_145 = arith.constant 6 : i32
    %swap3A_146 = arith.index_cast %swap3A_145 : i32 to index
    %swap3A_147 = arith.constant 0 : index
    %swap3A_148 = tpu.vector_load %arg9[%swap3A_146, %swap3A_147] {strides = array<i32>} : memref<16x64xf32, #tpu.memory_space<vmem>>, vector<1x16xf32>,
    %swap3A_149 = vector.shape_cast %swap3A_148 : vector<1x16xf32> to vector<16xf32>
    %swap3A_150 = vector.shape_cast %broadcast_in_dim3A_1 : vector<16xf32> to vector<1x16xf32>
    tpu.vector_store %arg9[%swap3A_146, %swap3A_147], %swap3A_150 {strides = array<i32>} : memref<16x64xf32, #tpu.memory_space<vmem>>, vector<1x16xf32>,
    %swap3A_151 = arith.constant 6 : i32
    %swap3A_152 = arith.index_cast %swap3A_151 : i32 to index
    %swap3A_153 = arith.constant 16 : index
    %swap3A_154 = tpu.vector_load %arg9[%swap3A_152, %swap3A_153] {strides = array<i32>} : memref<16x64xf32, #tpu.memory_space<vmem>>, vector<1x16xf32>,
    %swap3A_155 = vector.shape_cast %swap3A_154 : vector<1x16xf32> to vector<16xf32>
    %swap3A_156 = vector.shape_cast %broadcast_in_dim3A_1 : vector<16xf32> to vector<1x16xf32>
    tpu.vector_store %arg9[%swap3A_152, %swap3A_153], %swap3A_156 {strides = array<i32>} : memref<16x64xf32, #tpu.memory_space<vmem>>, vector<1x16xf32>,
    %swap3A_157 = arith.constant 6 : i32
    %swap3A_158 = arith.index_cast %swap3A_157 : i32 to index
    %swap3A_159 = arith.constant 32 : index
    %swap3A_160 = tpu.vector_load %arg9[%swap3A_158, %swap3A_159] {strides = array<i32>} : memref<16x64xf32, #tpu.memory_space<vmem>>, vector<1x16xf32>,
    %swap3A_161 = vector.shape_cast %swap3A_160 : vector<1x16xf32> to vector<16xf32>
    %swap3A_162 = vector.shape_cast %broadcast_in_dim3A_1 : vector<16xf32> to vector<1x16xf32>
    tpu.vector_store %arg9[%swap3A_158, %swap3A_159], %swap3A_162 {strides = array<i32>} : memref<16x64xf32, #tpu.memory_space<vmem>>, vector<1x16xf32>,
    %swap3A_163 = arith.constant 6 : i32
    %swap3A_164 = arith.index_cast %swap3A_163 : i32 to index
    %swap3A_165 = arith.constant 48 : index
    %swap3A_166 = tpu.vector_load %arg9[%swap3A_164, %swap3A_165] {strides = array<i32>} : memref<16x64xf32, #tpu.memory_space<vmem>>, vector<1x16xf32>,
    %swap3A_167 = vector.shape_cast %swap3A_166 : vector<1x16xf32> to vector<16xf32>
    %swap3A_168 = vector.shape_cast %broadcast_in_dim3A_1 : vector<16xf32> to vector<1x16xf32>
    tpu.vector_store %arg9[%swap3A_164, %swap3A_165], %swap3A_168 {strides = array<i32>} : memref<16x64xf32, #tpu.memory_space<vmem>>, vector<1x16xf32>,
    %swap3A_169 = arith.constant 7 : i32
    %swap3A_170 = arith.index_cast %swap3A_169 : i32 to index
    %swap3A_171 = arith.constant 0 : index
    %swap3A_172 = tpu.vector_load %arg9[%swap3A_170, %swap3A_171] {strides = array<i32>} : memref<16x64xf32, #tpu.memory_space<vmem>>, vector<1x16xf32>,
    %swap3A_173 = vector.shape_cast %swap3A_172 : vector<1x16xf32> to vector<16xf32>
    %swap3A_174 = vector.shape_cast %broadcast_in_dim3A_1 : vector<16xf32> to vector<1x16xf32>
    tpu.vector_store %arg9[%swap3A_170, %swap3A_171], %swap3A_174 {strides = array<i32>} : memref<16x64xf32, #tpu.memory_space<vmem>>, vector<1x16xf32>,
    %swap3A_175 = arith.constant 7 : i32
    %swap3A_176 = arith.index_cast %swap3A_175 : i32 to index
    %swap3A_177 = arith.constant 16 : index
    %swap3A_178 = tpu.vector_load %arg9[%swap3A_176, %swap3A_177] {strides = array<i32>} : memref<16x64xf32, #tpu.memory_space<vmem>>, vector<1x16xf32>,
    %swap3A_179 = vector.shape_cast %swap3A_178 : vector<1x16xf32> to vector<16xf32>
    %swap3A_180 = vector.shape_cast %broadcast_in_dim3A_1 : vector<16xf32> to vector<1x16xf32>
    tpu.vector_store %arg9[%swap3A_176, %swap3A_177], %swap3A_180 {strides = array<i32>} : memref<16x64xf32, #tpu.memory_space<vmem>>, vector<1x16xf32>,
    %swap3A_181 = arith.constant 7 : i32
    %swap3A_182 = arith.index_cast %swap3A_181 : i32 to index
    %swap3A_183 = arith.constant 32 : index
    %swap3A_184 = tpu.vector_load %arg9[%swap3A_182, %swap3A_183] {strides = array<i32>} : memref<16x64xf32, #tpu.memory_space<vmem>>, vector<1x16xf32>,
    %swap3A_185 = vector.shape_cast %swap3A_184 : vector<1x16xf32> to vector<16xf32>
    %swap3A_186 = vector.shape_cast %broadcast_in_dim3A_1 : vector<16xf32> to vector<1x16xf32>
    tpu.vector_store %arg9[%swap3A_182, %swap3A_183], %swap3A_186 {strides = array<i32>} : memref<16x64xf32, #tpu.memory_space<vmem>>, vector<1x16xf32>,
    %swap3A_187 = arith.constant 7 : i32
    %swap3A_188 = arith.index_cast %swap3A_187 : i32 to index
    %swap3A_189 = arith.constant 48 : index
    %swap3A_190 = tpu.vector_load %arg9[%swap3A_188, %swap3A_189] {strides = array<i32>} : memref<16x64xf32, #tpu.memory_space<vmem>>, vector<1x16xf32>,
    %swap3A_191 = vector.shape_cast %swap3A_190 : vector<1x16xf32> to vector<16xf32>
    %swap3A_192 = vector.shape_cast %broadcast_in_dim3A_1 : vector<16xf32> to vector<1x16xf32>
    tpu.vector_store %arg9[%swap3A_188, %swap3A_189], %swap3A_192 {strides = array<i32>} : memref<16x64xf32, #tpu.memory_space<vmem>>, vector<1x16xf32>,
    %swap3A_193 = arith.constant 8 : i32
    %swap3A_194 = arith.index_cast %swap3A_193 : i32 to index
    %swap3A_195 = arith.constant 0 : index
    %swap3A_196 = tpu.vector_load %arg9[%swap3A_194, %swap3A_195] {strides = array<i32>} : memref<16x64xf32, #tpu.memory_space<vmem>>, vector<1x16xf32>,
    %swap3A_197 = vector.shape_cast %swap3A_196 : vector<1x16xf32> to vector<16xf32>
    %swap3A_198 = vector.shape_cast %broadcast_in_dim3A_1 : vector<16xf32> to vector<1x16xf32>
    tpu.vector_store %arg9[%swap3A_194, %swap3A_195], %swap3A_198 {strides = array<i32>} : memref<16x64xf32, #tpu.memory_space<vmem>>, vector<1x16xf32>,
    %swap3A_199 = arith.constant 8 : i32
    %swap3A_200 = arith.index_cast %swap3A_199 : i32 to index
    %swap3A_201 = arith.constant 16 : index
    %swap3A_202 = tpu.vector_load %arg9[%swap3A_200, %swap3A_201] {strides = array<i32>} : memref<16x64xf32, #tpu.memory_space<vmem>>, vector<1x16xf32>,
    %swap3A_203 = vector.shape_cast %swap3A_202 : vector<1x16xf32> to vector<16xf32>
    %swap3A_204 = vector.shape_cast %broadcast_in_dim3A_1 : vector<16xf32> to vector<1x16xf32>
    tpu.vector_store %arg9[%swap3A_200, %swap3A_201], %swap3A_204 {strides = array<i32>} : memref<16x64xf32, #tpu.memory_space<vmem>>, vector<1x16xf32>,
    %swap3A_205 = arith.constant 8 : i32
    %swap3A_206 = arith.index_cast %swap3A_205 : i32 to index
    %swap3A_207 = arith.constant 32 : index
    %swap3A_208 = tpu.vector_load %arg9[%swap3A_206, %swap3A_207] {strides = array<i32>} : memref<16x64xf32, #tpu.memory_space<vmem>>, vector<1x16xf32>,
    %swap3A_209 = vector.shape_cast %swap3A_208 : vector<1x16xf32> to vector<16xf32>
    %swap3A_210 = vector.shape_cast %broadcast_in_dim3A_1 : vector<16xf32> to vector<1x16xf32>
    tpu.vector_store %arg9[%swap3A_206, %swap3A_207], %swap3A_210 {strides = array<i32>} : memref<16x64xf32, #tpu.memory_space<vmem>>, vector<1x16xf32>,
    %swap3A_211 = arith.constant 8 : i32
    %swap3A_212 = arith.index_cast %swap3A_211 : i32 to index
    %swap3A_213 = arith.constant 48 : index
    %swap3A_214 = tpu.vector_load %arg9[%swap3A_212, %swap3A_213] {strides = array<i32>} : memref<16x64xf32, #tpu.memory_space<vmem>>, vector<1x16xf32>,
    %swap3A_215 = vector.shape_cast %swap3A_214 : vector<1x16xf32> to vector<16xf32>
    %swap3A_216 = vector.shape_cast %broadcast_in_dim3A_1 : vector<16xf32> to vector<1x16xf32>
    tpu.vector_store %arg9[%swap3A_212, %swap3A_213], %swap3A_216 {strides = array<i32>} : memref<16x64xf32, #tpu.memory_space<vmem>>, vector<1x16xf32>,
    %swap3A_217 = arith.constant 9 : i32
    %swap3A_218 = arith.index_cast %swap3A_217 : i32 to index
    %swap3A_219 = arith.constant 0 : index
    %swap3A_220 = tpu.vector_load %arg9[%swap3A_218, %swap3A_219] {strides = array<i32>} : memref<16x64xf32, #tpu.memory_space<vmem>>, vector<1x16xf32>,
    %swap3A_221 = vector.shape_cast %swap3A_220 : vector<1x16xf32> to vector<16xf32>
    %swap3A_222 = vector.shape_cast %broadcast_in_dim3A_1 : vector<16xf32> to vector<1x16xf32>
    tpu.vector_store %arg9[%swap3A_218, %swap3A_219], %swap3A_222 {strides = array<i32>} : memref<16x64xf32, #tpu.memory_space<vmem>>, vector<1x16xf32>,
    %swap3A_223 = arith.constant 9 : i32
    %swap3A_224 = arith.index_cast %swap3A_223 : i32 to index
    %swap3A_225 = arith.constant 16 : index
    %swap3A_226 = tpu.vector_load %arg9[%swap3A_224, %swap3A_225] {strides = array<i32>} : memref<16x64xf32, #tpu.memory_space<vmem>>, vector<1x16xf32>,
    %swap3A_227 = vector.shape_cast %swap3A_226 : vector<1x16xf32> to vector<16xf32>
    %swap3A_228 = vector.shape_cast %broadcast_in_dim3A_1 : vector<16xf32> to vector<1x16xf32>
    tpu.vector_store %arg9[%swap3A_224, %swap3A_225], %swap3A_228 {strides = array<i32>} : memref<16x64xf32, #tpu.memory_space<vmem>>, vector<1x16xf32>,
    %swap3A_229 = arith.constant 9 : i32
    %swap3A_230 = arith.index_cast %swap3A_229 : i32 to index
    %swap3A_231 = arith.constant 32 : index
    %swap3A_232 = tpu.vector_load %arg9[%swap3A_230, %swap3A_231] {strides = array<i32>} : memref<16x64xf32, #tpu.memory_space<vmem>>, vector<1x16xf32>,
    %swap3A_233 = vector.shape_cast %swap3A_232 : vector<1x16xf32> to vector<16xf32>
    %swap3A_234 = vector.shape_cast %broadcast_in_dim3A_1 : vector<16xf32> to vector<1x16xf32>
    tpu.vector_store %arg9[%swap3A_230, %swap3A_231], %swap3A_234 {strides = array<i32>} : memref<16x64xf32, #tpu.memory_space<vmem>>, vector<1x16xf32>,
    %swap3A_235 = arith.constant 9 : i32
    %swap3A_236 = arith.index_cast %swap3A_235 : i32 to index
    %swap3A_237 = arith.constant 48 : index
    %swap3A_238 = tpu.vector_load %arg9[%swap3A_236, %swap3A_237] {strides = array<i32>} : memref<16x64xf32, #tpu.memory_space<vmem>>, vector<1x16xf32>,
    %swap3A_239 = vector.shape_cast %swap3A_238 : vector<1x16xf32> to vector<16xf32>
    %swap3A_240 = vector.shape_cast %broadcast_in_dim3A_1 : vector<16xf32> to vector<1x16xf32>
    tpu.vector_store %arg9[%swap3A_236, %swap3A_237], %swap3A_240 {strides = array<i32>} : memref<16x64xf32, #tpu.memory_space<vmem>>, vector<1x16xf32>,
    %swap3A_241 = arith.constant 10 : i32
    %swap3A_242 = arith.index_cast %swap3A_241 : i32 to index
    %swap3A_243 = arith.constant 0 : index
    %swap3A_244 = tpu.vector_load %arg9[%swap3A_242, %swap3A_243] {strides = array<i32>} : memref<16x64xf32, #tpu.memory_space<vmem>>, vector<1x16xf32>,
    %swap3A_245 = vector.shape_cast %swap3A_244 : vector<1x16xf32> to vector<16xf32>
    %swap3A_246 = vector.shape_cast %broadcast_in_dim3A_1 : vector<16xf32> to vector<1x16xf32>
    tpu.vector_store %arg9[%swap3A_242, %swap3A_243], %swap3A_246 {strides = array<i32>} : memref<16x64xf32, #tpu.memory_space<vmem>>, vector<1x16xf32>,
    %swap3A_247 = arith.constant 10 : i32
    %swap3A_248 = arith.index_cast %swap3A_247 : i32 to index
    %swap3A_249 = arith.constant 16 : index
    %swap3A_250 = tpu.vector_load %arg9[%swap3A_248, %swap3A_249] {strides = array<i32>} : memref<16x64xf32, #tpu.memory_space<vmem>>, vector<1x16xf32>,
    %swap3A_251 = vector.shape_cast %swap3A_250 : vector<1x16xf32> to vector<16xf32>
    %swap3A_252 = vector.shape_cast %broadcast_in_dim3A_1 : vector<16xf32> to vector<1x16xf32>
    tpu.vector_store %arg9[%swap3A_248, %swap3A_249], %swap3A_252 {strides = array<i32>} : memref<16x64xf32, #tpu.memory_space<vmem>>, vector<1x16xf32>,
    %swap3A_253 = arith.constant 10 : i32
    %swap3A_254 = arith.index_cast %swap3A_253 : i32 to index
    %swap3A_255 = arith.constant 32 : index
    %swap3A_256 = tpu.vector_load %arg9[%swap3A_254, %swap3A_255] {strides = array<i32>} : memref<16x64xf32, #tpu.memory_space<vmem>>, vector<1x16xf32>,
    %swap3A_257 = vector.shape_cast %swap3A_256 : vector<1x16xf32> to vector<16xf32>
    %swap3A_258 = vector.shape_cast %broadcast_in_dim3A_1 : vector<16xf32> to vector<1x16xf32>
    tpu.vector_store %arg9[%swap3A_254, %swap3A_255], %swap3A_258 {strides = array<i32>} : memref<16x64xf32, #tpu.memory_space<vmem>>, vector<1x16xf32>,
    %swap3A_259 = arith.constant 10 : i32
    %swap3A_260 = arith.index_cast %swap3A_259 : i32 to index
    %swap3A_261 = arith.constant 48 : index
    %swap3A_262 = tpu.vector_load %arg9[%swap3A_260, %swap3A_261] {strides = array<i32>} : memref<16x64xf32, #tpu.memory_space<vmem>>, vector<1x16xf32>,
    %swap3A_263 = vector.shape_cast %swap3A_262 : vector<1x16xf32> to vector<16xf32>
    %swap3A_264 = vector.shape_cast %broadcast_in_dim3A_1 : vector<16xf32> to vector<1x16xf32>
    tpu.vector_store %arg9[%swap3A_260, %swap3A_261], %swap3A_264 {strides = array<i32>} : memref<16x64xf32, #tpu.memory_space<vmem>>, vector<1x16xf32>,
    %swap3A_265 = arith.constant 11 : i32
    %swap3A_266 = arith.index_cast %swap3A_265 : i32 to index
    %swap3A_267 = arith.constant 0 : index
    %swap3A_268 = tpu.vector_load %arg9[%swap3A_266, %swap3A_267] {strides = array<i32>} : memref<16x64xf32, #tpu.memory_space<vmem>>, vector<1x16xf32>,
    %swap3A_269 = vector.shape_cast %swap3A_268 : vector<1x16xf32> to vector<16xf32>
    %swap3A_270 = vector.shape_cast %broadcast_in_dim3A_1 : vector<16xf32> to vector<1x16xf32>
    tpu.vector_store %arg9[%swap3A_266, %swap3A_267], %swap3A_270 {strides = array<i32>} : memref<16x64xf32, #tpu.memory_space<vmem>>, vector<1x16xf32>,
    %swap3A_271 = arith.constant 11 : i32
    %swap3A_272 = arith.index_cast %swap3A_271 : i32 to index
    %swap3A_273 = arith.constant 16 : index
    %swap3A_274 = tpu.vector_load %arg9[%swap3A_272, %swap3A_273] {strides = array<i32>} : memref<16x64xf32, #tpu.memory_space<vmem>>, vector<1x16xf32>,
    %swap3A_275 = vector.shape_cast %swap3A_274 : vector<1x16xf32> to vector<16xf32>
    %swap3A_276 = vector.shape_cast %broadcast_in_dim3A_1 : vector<16xf32> to vector<1x16xf32>
    tpu.vector_store %arg9[%swap3A_272, %swap3A_273], %swap3A_276 {strides = array<i32>} : memref<16x64xf32, #tpu.memory_space<vmem>>, vector<1x16xf32>,
    %swap3A_277 = arith.constant 11 : i32
    %swap3A_278 = arith.index_cast %swap3A_277 : i32 to index
    %swap3A_279 = arith.constant 32 : index
    %swap3A_280 = tpu.vector_load %arg9[%swap3A_278, %swap3A_279] {strides = array<i32>} : memref<16x64xf32, #tpu.memory_space<vmem>>, vector<1x16xf32>,
    %swap3A_281 = vector.shape_cast %swap3A_280 : vector<1x16xf32> to vector<16xf32>
    %swap3A_282 = vector.shape_cast %broadcast_in_dim3A_1 : vector<16xf32> to vector<1x16xf32>
    tpu.vector_store %arg9[%swap3A_278, %swap3A_279], %swap3A_282 {strides = array<i32>} : memref<16x64xf32, #tpu.memory_space<vmem>>, vector<1x16xf32>,
    %swap3A_283 = arith.constant 11 : i32
    %swap3A_284 = arith.index_cast %swap3A_283 : i32 to index
    %swap3A_285 = arith.constant 48 : index
    %swap3A_286 = tpu.vector_load %arg9[%swap3A_284, %swap3A_285] {strides = array<i32>} : memref<16x64xf32, #tpu.memory_space<vmem>>, vector<1x16xf32>,
    %swap3A_287 = vector.shape_cast %swap3A_286 : vector<1x16xf32> to vector<16xf32>
    %swap3A_288 = vector.shape_cast %broadcast_in_dim3A_1 : vector<16xf32> to vector<1x16xf32>
    tpu.vector_store %arg9[%swap3A_284, %swap3A_285], %swap3A_288 {strides = array<i32>} : memref<16x64xf32, #tpu.memory_space<vmem>>, vector<1x16xf32>,
    %swap3A_289 = arith.constant 12 : i32
    %swap3A_290 = arith.index_cast %swap3A_289 : i32 to index
    %swap3A_291 = arith.constant 0 : index
    %swap3A_292 = tpu.vector_load %arg9[%swap3A_290, %swap3A_291] {strides = array<i32>} : memref<16x64xf32, #tpu.memory_space<vmem>>, vector<1x16xf32>,
    %swap3A_293 = vector.shape_cast %swap3A_292 : vector<1x16xf32> to vector<16xf32>
    %swap3A_294 = vector.shape_cast %broadcast_in_dim3A_1 : vector<16xf32> to vector<1x16xf32>
    tpu.vector_store %arg9[%swap3A_290, %swap3A_291], %swap3A_294 {strides = array<i32>} : memref<16x64xf32, #tpu.memory_space<vmem>>, vector<1x16xf32>,
    %swap3A_295 = arith.constant 12 : i32
    %swap3A_296 = arith.index_cast %swap3A_295 : i32 to index
    %swap3A_297 = arith.constant 16 : index
    %swap3A_298 = tpu.vector_load %arg9[%swap3A_296, %swap3A_297] {strides = array<i32>} : memref<16x64xf32, #tpu.memory_space<vmem>>, vector<1x16xf32>,
    %swap3A_299 = vector.shape_cast %swap3A_298 : vector<1x16xf32> to vector<16xf32>
    %swap3A_300 = vector.shape_cast %broadcast_in_dim3A_1 : vector<16xf32> to vector<1x16xf32>
    tpu.vector_store %arg9[%swap3A_296, %swap3A_297], %swap3A_300 {strides = array<i32>} : memref<16x64xf32, #tpu.memory_space<vmem>>, vector<1x16xf32>,
    %swap3A_301 = arith.constant 12 : i32
    %swap3A_302 = arith.index_cast %swap3A_301 : i32 to index
    %swap3A_303 = arith.constant 32 : index
    %swap3A_304 = tpu.vector_load %arg9[%swap3A_302, %swap3A_303] {strides = array<i32>} : memref<16x64xf32, #tpu.memory_space<vmem>>, vector<1x16xf32>,
    %swap3A_305 = vector.shape_cast %swap3A_304 : vector<1x16xf32> to vector<16xf32>
    %swap3A_306 = vector.shape_cast %broadcast_in_dim3A_1 : vector<16xf32> to vector<1x16xf32>
    tpu.vector_store %arg9[%swap3A_302, %swap3A_303], %swap3A_306 {strides = array<i32>} : memref<16x64xf32, #tpu.memory_space<vmem>>, vector<1x16xf32>,
    %swap3A_307 = arith.constant 12 : i32
    %swap3A_308 = arith.index_cast %swap3A_307 : i32 to index
    %swap3A_309 = arith.constant 48 : index
    %swap3A_310 = tpu.vector_load %arg9[%swap3A_308, %swap3A_309] {strides = array<i32>} : memref<16x64xf32, #tpu.memory_space<vmem>>, vector<1x16xf32>,
    %swap3A_311 = vector.shape_cast %swap3A_310 : vector<1x16xf32> to vector<16xf32>
    %swap3A_312 = vector.shape_cast %broadcast_in_dim3A_1 : vector<16xf32> to vector<1x16xf32>
    tpu.vector_store %arg9[%swap3A_308, %swap3A_309], %swap3A_312 {strides = array<i32>} : memref<16x64xf32, #tpu.memory_space<vmem>>, vector<1x16xf32>,
    %swap3A_313 = arith.constant 13 : i32
    %swap3A_314 = arith.index_cast %swap3A_313 : i32 to index
    %swap3A_315 = arith.constant 0 : index
    %swap3A_316 = tpu.vector_load %arg9[%swap3A_314, %swap3A_315] {strides = array<i32>} : memref<16x64xf32, #tpu.memory_space<vmem>>, vector<1x16xf32>,
    %swap3A_317 = vector.shape_cast %swap3A_316 : vector<1x16xf32> to vector<16xf32>
    %swap3A_318 = vector.shape_cast %broadcast_in_dim3A_1 : vector<16xf32> to vector<1x16xf32>
    tpu.vector_store %arg9[%swap3A_314, %swap3A_315], %swap3A_318 {strides = array<i32>} : memref<16x64xf32, #tpu.memory_space<vmem>>, vector<1x16xf32>,
    %swap3A_319 = arith.constant 13 : i32
    %swap3A_320 = arith.index_cast %swap3A_319 : i32 to index
    %swap3A_321 = arith.constant 16 : index
    %swap3A_322 = tpu.vector_load %arg9[%swap3A_320, %swap3A_321] {strides = array<i32>} : memref<16x64xf32, #tpu.memory_space<vmem>>, vector<1x16xf32>,
    %swap3A_323 = vector.shape_cast %swap3A_322 : vector<1x16xf32> to vector<16xf32>
    %swap3A_324 = vector.shape_cast %broadcast_in_dim3A_1 : vector<16xf32> to vector<1x16xf32>
    tpu.vector_store %arg9[%swap3A_320, %swap3A_321], %swap3A_324 {strides = array<i32>} : memref<16x64xf32, #tpu.memory_space<vmem>>, vector<1x16xf32>,
    %swap3A_325 = arith.constant 13 : i32
    %swap3A_326 = arith.index_cast %swap3A_325 : i32 to index
    %swap3A_327 = arith.constant 32 : index
    %swap3A_328 = tpu.vector_load %arg9[%swap3A_326, %swap3A_327] {strides = array<i32>} : memref<16x64xf32, #tpu.memory_space<vmem>>, vector<1x16xf32>,
    %swap3A_329 = vector.shape_cast %swap3A_328 : vector<1x16xf32> to vector<16xf32>
    %swap3A_330 = vector.shape_cast %broadcast_in_dim3A_1 : vector<16xf32> to vector<1x16xf32>
    tpu.vector_store %arg9[%swap3A_326, %swap3A_327], %swap3A_330 {strides = array<i32>} : memref<16x64xf32, #tpu.memory_space<vmem>>, vector<1x16xf32>,
    %swap3A_331 = arith.constant 13 : i32
    %swap3A_332 = arith.index_cast %swap3A_331 : i32 to index
    %swap3A_333 = arith.constant 48 : index
    %swap3A_334 = tpu.vector_load %arg9[%swap3A_332, %swap3A_333] {strides = array<i32>} : memref<16x64xf32, #tpu.memory_space<vmem>>, vector<1x16xf32>,
    %swap3A_335 = vector.shape_cast %swap3A_334 : vector<1x16xf32> to vector<16xf32>
    %swap3A_336 = vector.shape_cast %broadcast_in_dim3A_1 : vector<16xf32> to vector<1x16xf32>
    tpu.vector_store %arg9[%swap3A_332, %swap3A_333], %swap3A_336 {strides = array<i32>} : memref<16x64xf32, #tpu.memory_space<vmem>>, vector<1x16xf32>,
    %swap3A_337 = arith.constant 14 : i32
    %swap3A_338 = arith.index_cast %swap3A_337 : i32 to index
    %swap3A_339 = arith.constant 0 : index
    %swap3A_340 = tpu.vector_load %arg9[%swap3A_338, %swap3A_339] {strides = array<i32>} : memref<16x64xf32, #tpu.memory_space<vmem>>, vector<1x16xf32>,
    %swap3A_341 = vector.shape_cast %swap3A_340 : vector<1x16xf32> to vector<16xf32>
    %swap3A_342 = vector.shape_cast %broadcast_in_dim3A_1 : vector<16xf32> to vector<1x16xf32>
    tpu.vector_store %arg9[%swap3A_338, %swap3A_339], %swap3A_342 {strides = array<i32>} : memref<16x64xf32, #tpu.memory_space<vmem>>, vector<1x16xf32>,
    %swap3A_343 = arith.constant 14 : i32
    %swap3A_344 = arith.index_cast %swap3A_343 : i32 to index
    %swap3A_345 = arith.constant 16 : index
    %swap3A_346 = tpu.vector_load %arg9[%swap3A_344, %swap3A_345] {strides = array<i32>} : memref<16x64xf32, #tpu.memory_space<vmem>>, vector<1x16xf32>,
    %swap3A_347 = vector.shape_cast %swap3A_346 : vector<1x16xf32> to vector<16xf32>
    %swap3A_348 = vector.shape_cast %broadcast_in_dim3A_1 : vector<16xf32> to vector<1x16xf32>
    tpu.vector_store %arg9[%swap3A_344, %swap3A_345], %swap3A_348 {strides = array<i32>} : memref<16x64xf32, #tpu.memory_space<vmem>>, vector<1x16xf32>,
    %swap3A_349 = arith.constant 14 : i32
    %swap3A_350 = arith.index_cast %swap3A_349 : i32 to index
    %swap3A_351 = arith.constant 32 : index
    %swap3A_352 = tpu.vector_load %arg9[%swap3A_350, %swap3A_351] {strides = array<i32>} : memref<16x64xf32, #tpu.memory_space<vmem>>, vector<1x16xf32>,
    %swap3A_353 = vector.shape_cast %swap3A_352 : vector<1x16xf32> to vector<16xf32>
    %swap3A_354 = vector.shape_cast %broadcast_in_dim3A_1 : vector<16xf32> to vector<1x16xf32>
    tpu.vector_store %arg9[%swap3A_350, %swap3A_351], %swap3A_354 {strides = array<i32>} : memref<16x64xf32, #tpu.memory_space<vmem>>, vector<1x16xf32>,
    %swap3A_355 = arith.constant 14 : i32
    %swap3A_356 = arith.index_cast %swap3A_355 : i32 to index
    %swap3A_357 = arith.constant 48 : index
    %swap3A_358 = tpu.vector_load %arg9[%swap3A_356, %swap3A_357] {strides = array<i32>} : memref<16x64xf32, #tpu.memory_space<vmem>>, vector<1x16xf32>,
    %swap3A_359 = vector.shape_cast %swap3A_358 : vector<1x16xf32> to vector<16xf32>
    %swap3A_360 = vector.shape_cast %broadcast_in_dim3A_1 : vector<16xf32> to vector<1x16xf32>
    tpu.vector_store %arg9[%swap3A_356, %swap3A_357], %swap3A_360 {strides = array<i32>} : memref<16x64xf32, #tpu.memory_space<vmem>>, vector<1x16xf32>,
    %swap3A_361 = arith.constant 15 : i32
    %swap3A_362 = arith.index_cast %swap3A_361 : i32 to index
    %swap3A_363 = arith.constant 0 : index
    %swap3A_364 = tpu.vector_load %arg9[%swap3A_362, %swap3A_363] {strides = array<i32>} : memref<16x64xf32, #tpu.memory_space<vmem>>, vector<1x16xf32>,
    %swap3A_365 = vector.shape_cast %swap3A_364 : vector<1x16xf32> to vector<16xf32>
    %swap3A_366 = vector.shape_cast %broadcast_in_dim3A_1 : vector<16xf32> to vector<1x16xf32>
    tpu.vector_store %arg9[%swap3A_362, %swap3A_363], %swap3A_366 {strides = array<i32>} : memref<16x64xf32, #tpu.memory_space<vmem>>, vector<1x16xf32>,
    %swap3A_367 = arith.constant 15 : i32
    %swap3A_368 = arith.index_cast %swap3A_367 : i32 to index
    %swap3A_369 = arith.constant 16 : index
    %swap3A_370 = tpu.vector_load %arg9[%swap3A_368, %swap3A_369] {strides = array<i32>} : memref<16x64xf32, #tpu.memory_space<vmem>>, vector<1x16xf32>,
    %swap3A_371 = vector.shape_cast %swap3A_370 : vector<1x16xf32> to vector<16xf32>
    %swap3A_372 = vector.shape_cast %broadcast_in_dim3A_1 : vector<16xf32> to vector<1x16xf32>
    tpu.vector_store %arg9[%swap3A_368, %swap3A_369], %swap3A_372 {strides = array<i32>} : memref<16x64xf32, #tpu.memory_space<vmem>>, vector<1x16xf32>,
    %swap3A_373 = arith.constant 15 : i32
    %swap3A_374 = arith.index_cast %swap3A_373 : i32 to index
    %swap3A_375 = arith.constant 32 : index
    %swap3A_376 = tpu.vector_load %arg9[%swap3A_374, %swap3A_375] {strides = array<i32>} : memref<16x64xf32, #tpu.memory_space<vmem>>, vector<1x16xf32>,
    %swap3A_377 = vector.shape_cast %swap3A_376 : vector<1x16xf32> to vector<16xf32>
    %swap3A_378 = vector.shape_cast %broadcast_in_dim3A_1 : vector<16xf32> to vector<1x16xf32>
    tpu.vector_store %arg9[%swap3A_374, %swap3A_375], %swap3A_378 {strides = array<i32>} : memref<16x64xf32, #tpu.memory_space<vmem>>, vector<1x16xf32>,
    %swap3A_379 = arith.constant 15 : i32
    %swap3A_380 = arith.index_cast %swap3A_379 : i32 to index
    %swap3A_381 = arith.constant 48 : index
    %swap3A_382 = tpu.vector_load %arg9[%swap3A_380, %swap3A_381] {strides = array<i32>} : memref<16x64xf32, #tpu.memory_space<vmem>>, vector<1x16xf32>,
    %swap3A_383 = vector.shape_cast %swap3A_382 : vector<1x16xf32> to vector<16xf32>
    %swap3A_384 = vector.shape_cast %broadcast_in_dim3A_1 : vector<16xf32> to vector<1x16xf32>
    tpu.vector_store %arg9[%swap3A_380, %swap3A_381], %swap3A_384 {strides = array<i32>} : memref<16x64xf32, #tpu.memory_space<vmem>>, vector<1x16xf32>,
    "tpu.region"() ({
      %run_scoped3A = tpu.sem_alloc : memref<!tpu.dma_semaphore, #tpu.memory_space<semaphore_mem>>
      %dma_start3A_500 = arith.constant 0 : i32
      %dma_start3A_501 = arith.constant 0 : i32
      %dma_start3A_502 = tpu.memref_slice %arg3[%add3A, %dma_start3A_500, %dma_start3A_501] : memref<32x80x128xi32, #tpu.memory_space<hbm>> -> memref<1x80x128xi32, #tpu.memory_space<hbm>>
      %dma_start3A_503 = tpu.memref_squeeze %dma_start3A_502 : memref<1x80x128xi32, #tpu.memory_space<hbm>> -> memref<80x128xi32, #tpu.memory_space<hbm>>
      %dma_start3A_504 = arith.constant 0 : i32
      %dma_start3A_505 = arith.constant 0 : i32
      %dma_start3A_506 = tpu.memref_slice %arg3[%add3A, %dma_start3A_504, %dma_start3A_505] : memref<32x80x128xi32, #tpu.memory_space<hbm>> -> memref<1x80x128xi32, #tpu.memory_space<hbm>>
      %dma_start3A_507 = tpu.memref_squeeze %dma_start3A_506 : memref<1x80x128xi32, #tpu.memory_space<hbm>> -> memref<80x128xi32, #tpu.memory_space<hbm>>
      tpu.enqueue_dma source(%dma_start3A_507 : memref<80x128xi32, #tpu.memory_space<hbm>>) target(%arg6 : memref<80x128xi32, #tpu.memory_space<vmem>>) target_semaphore(%run_scoped3A : memref<!tpu.dma_semaphore, #tpu.memory_space<semaphore_mem>>)
      %dma_wait3A_508 = arith.constant 0 : i32
      %dma_wait3A_509 = arith.constant 0 : i32
      %dma_wait3A_510 = tpu.memref_slice %arg3[%add3A, %dma_wait3A_508, %dma_wait3A_509] : memref<32x80x128xi32, #tpu.memory_space<hbm>> -> memref<1x80x128xi32, #tpu.memory_space<hbm>>
      %dma_wait3A_511 = tpu.memref_squeeze %dma_wait3A_510 : memref<1x80x128xi32, #tpu.memory_space<hbm>> -> memref<80x128xi32, #tpu.memory_space<hbm>>
      %dma_wait3A_512 = arith.constant 0 : i32
      %dma_wait3A_513 = arith.constant 0 : i32
      %dma_wait3A_514 = tpu.memref_slice %arg3[%add3A, %dma_wait3A_512, %dma_wait3A_513] : memref<32x80x128xi32, #tpu.memory_space<hbm>> -> memref<1x80x128xi32, #tpu.memory_space<hbm>>
      %dma_wait3A_515 = tpu.memref_squeeze %dma_wait3A_514 : memref<1x80x128xi32, #tpu.memory_space<hbm>> -> memref<80x128xi32, #tpu.memory_space<hbm>>
      tpu.wait_dma2 semaphore(%run_scoped3A : memref<!tpu.dma_semaphore, #tpu.memory_space<semaphore_mem>>) src(%dma_wait3A_515 : memref<80x128xi32, #tpu.memory_space<hbm>>) dst(%arg6 : memref<80x128xi32, #tpu.memory_space<vmem>>)
      tpu.yield
    }) : () -> ()
    "tpu.region"() ({
      %run_scoped3A = tpu.sem_alloc : memref<!tpu.dma_semaphore, #tpu.memory_space<semaphore_mem>>
      %dma_start3A_500 = arith.constant 0 : i32
      %dma_start3A_501 = arith.constant 0 : i32
      %dma_start3A_502 = tpu.memref_slice %arg4[%add3A, %dma_start3A_500, %dma_start3A_501] : memref<32x80x128xi32, #tpu.memory_space<hbm>> -> memref<1x80x128xi32, #tpu.memory_space<hbm>>
      %dma_start3A_503 = tpu.memref_squeeze %dma_start3A_502 : memref<1x80x128xi32, #tpu.memory_space<hbm>> -> memref<80x128xi32, #tpu.memory_space<hbm>>
      %dma_start3A_504 = arith.constant 0 : i32
      %dma_start3A_505 = arith.constant 0 : i32
      %dma_start3A_506 = tpu.memref_slice %arg4[%add3A, %dma_start3A_504, %dma_start3A_505] : memref<32x80x128xi32, #tpu.memory_space<hbm>> -> memref<1x80x128xi32, #tpu.memory_space<hbm>>
      %dma_start3A_507 = tpu.memref_squeeze %dma_start3A_506 : memref<1x80x128xi32, #tpu.memory_space<hbm>> -> memref<80x128xi32, #tpu.memory_space<hbm>>
      tpu.enqueue_dma source(%dma_start3A_507 : memref<80x128xi32, #tpu.memory_space<hbm>>) target(%arg7 : memref<80x128xi32, #tpu.memory_space<vmem>>) target_semaphore(%run_scoped3A : memref<!tpu.dma_semaphore, #tpu.memory_space<semaphore_mem>>)
      %dma_wait3A_508 = arith.constant 0 : i32
      %dma_wait3A_509 = arith.constant 0 : i32
      %dma_wait3A_510 = tpu.memref_slice %arg4[%add3A, %dma_wait3A_508, %dma_wait3A_509] : memref<32x80x128xi32, #tpu.memory_space<hbm>> -> memref<1x80x128xi32, #tpu.memory_space<hbm>>
      %dma_wait3A_511 = tpu.memref_squeeze %dma_wait3A_510 : memref<1x80x128xi32, #tpu.memory_space<hbm>> -> memref<80x128xi32, #tpu.memory_space<hbm>>
      %dma_wait3A_512 = arith.constant 0 : i32
      %dma_wait3A_513 = arith.constant 0 : i32
      %dma_wait3A_514 = tpu.memref_slice %arg4[%add3A, %dma_wait3A_512, %dma_wait3A_513] : memref<32x80x128xi32, #tpu.memory_space<hbm>> -> memref<1x80x128xi32, #tpu.memory_space<hbm>>
      %dma_wait3A_515 = tpu.memref_squeeze %dma_wait3A_514 : memref<1x80x128xi32, #tpu.memory_space<hbm>> -> memref<80x128xi32, #tpu.memory_space<hbm>>
      tpu.wait_dma2 semaphore(%run_scoped3A : memref<!tpu.dma_semaphore, #tpu.memory_space<semaphore_mem>>) src(%dma_wait3A_515 : memref<80x128xi32, #tpu.memory_space<hbm>>) dst(%arg7 : memref<80x128xi32, #tpu.memory_space<vmem>>)
      tpu.yield
    }) : () -> ()
    %scan3A = arith.constant 0 : i32
    %scan3A_385 = arith.constant 0 : i32
    %scan3A_386 = arith.constant 40 : i32
    %scan3A_387 = arith.addi %scan3A_385, %scan3A_386 : i32
    %scan3A_388 = arith.constant 1 : i32
    %scan3A_389 = scf.for %scan3A_500 = %scan3A_385 to %scan3A_387 step %scan3A_388 iter_args(%scan3A_501 = %scan3A) -> (i32)  : i32 {
      %mul3A_502 = arith.constant 640 : i32
      %mul3A_503 = arith.muli %arg1, %mul3A_502 : i32
      %mul3A_504 = arith.constant 16 : i32
      %mul3A_505 = arith.muli %scan3A_500, %mul3A_504 : i32
      %add3A_506 = arith.addi %mul3A_503, %mul3A_505 : i32
      "tpu.region"() ({
        %run_scoped3A = tpu.sem_alloc : memref<!tpu.dma_semaphore, #tpu.memory_space<semaphore_mem>>
        %dma_start3A_508 = arith.constant 0 : i32
        %dma_start3A_509 = tpu.memref_slice %arg11[%add3A_506, %dma_start3A_508] : memref<10240x64xf32, #tpu.memory_space<vmem_shared>> -> memref<16x64xf32, #tpu.memory_space<vmem_shared>>
        %dma_start3A_510 = arith.constant 0 : i32
        %dma_start3A_511 = tpu.memref_slice %arg11[%add3A_506, %dma_start3A_510] : memref<10240x64xf32, #tpu.memory_space<vmem_shared>> -> memref<16x64xf32, #tpu.memory_space<vmem_shared>>
        tpu.enqueue_dma source(%arg9 : memref<16x64xf32, #tpu.memory_space<vmem>>) target(%dma_start3A_511 : memref<16x64xf32, #tpu.memory_space<vmem_shared>>) target_semaphore(%run_scoped3A : memref<!tpu.dma_semaphore, #tpu.memory_space<semaphore_mem>>)
        %dma_wait3A_512 = arith.constant 0 : i32
        %dma_wait3A_513 = tpu.memref_slice %arg11[%add3A_506, %dma_wait3A_512] : memref<10240x64xf32, #tpu.memory_space<vmem_shared>> -> memref<16x64xf32, #tpu.memory_space<vmem_shared>>
        %dma_wait3A_514 = arith.constant 0 : i32
        %dma_wait3A_515 = tpu.memref_slice %arg11[%add3A_506, %dma_wait3A_514] : memref<10240x64xf32, #tpu.memory_space<vmem_shared>> -> memref<16x64xf32, #tpu.memory_space<vmem_shared>>
        tpu.wait_dma2 semaphore(%run_scoped3A : memref<!tpu.dma_semaphore, #tpu.memory_space<semaphore_mem>>) src(%arg9 : memref<16x64xf32, #tpu.memory_space<vmem>>) dst(%dma_wait3A_515 : memref<16x64xf32, #tpu.memory_space<vmem_shared>>)
        tpu.yield
      }) : () -> ()
      %scan3A_507 = arith.constant 0 : i32
      scf.yield %scan3A_507 : i32
    }
    %scan3A_390 = arith.constant 40 : i32
    %barrier3A = arith.constant 0 : index
    tpu.barrier barrier_id(%barrier3A)
    %dma_start3A = arith.constant 0 : i32
    %dma_start3A_391 = arith.constant 0 : i32
    %dma_start3A_392 = arith.constant 0 : i32
    %dma_start3A_393 = arith.constant 0 : i32
    %dma_start3A_394 = tpu.memref_slice %arg8[%dma_start3A_391, %dma_start3A_392, %dma_start3A_393] : memref<4x128x64xf32, #tpu.memory_space<vmem>> -> memref<1x128x64xf32, #tpu.memory_space<vmem>>
    %dma_start3A_395 = tpu.memref_squeeze %dma_start3A_394 : memref<1x128x64xf32, #tpu.memory_space<vmem>> -> memref<128x64xf32, #tpu.memory_space<vmem>>
    %dma_start3A_396 = arith.constant 0 : i32
    %dma_start3A_397 = tpu.memref_slice %arg6[%dma_start3A, %dma_start3A_396] : memref<80x128xi32, #tpu.memory_space<vmem>> -> memref<1x128xi32, #tpu.memory_space<vmem>>
    %dma_start3A_398 = tpu.memref_squeeze %dma_start3A_397 : memref<1x128xi32, #tpu.memory_space<vmem>> -> memref<128xi32, #tpu.memory_space<vmem>>
    %dma_start3A_399 = arith.constant 0 : i32
    %dma_start3A_400 = arith.constant 0 : i32
    %dma_start3A_401 = tpu.memref_slice %arg2[%dma_start3A_399, %dma_start3A_400] : memref<10240x64xf32, #tpu.memory_space<hbm>> -> memref<10240x64xf32, #tpu.memory_space<hbm>>
    tpu.enqueue_indirect_dma source(%dma_start3A_401 : memref<10240x64xf32, #tpu.memory_space<hbm>>) target(%dma_start3A_395 : memref<128x64xf32, #tpu.memory_space<vmem>>) offsets(%dma_start3A_398 : memref<128xi32, #tpu.memory_space<vmem>>) semaphore(%arg12 : memref<!tpu.dma_semaphore, #tpu.memory_space<semaphore_mem>>)
    %dma_start3A_402 = arith.constant 1 : i32
    %dma_start3A_403 = arith.constant 1 : i32
    %dma_start3A_404 = arith.constant 0 : i32
    %dma_start3A_405 = arith.constant 0 : i32
    %dma_start3A_406 = tpu.memref_slice %arg8[%dma_start3A_403, %dma_start3A_404, %dma_start3A_405] : memref<4x128x64xf32, #tpu.memory_space<vmem>> -> memref<1x128x64xf32, #tpu.memory_space<vmem>>
    %dma_start3A_407 = tpu.memref_squeeze %dma_start3A_406 : memref<1x128x64xf32, #tpu.memory_space<vmem>> -> memref<128x64xf32, #tpu.memory_space<vmem>>
    %dma_start3A_408 = arith.constant 0 : i32
    %dma_start3A_409 = tpu.memref_slice %arg6[%dma_start3A_402, %dma_start3A_408] : memref<80x128xi32, #tpu.memory_space<vmem>> -> memref<1x128xi32, #tpu.memory_space<vmem>>
    %dma_start3A_410 = tpu.memref_squeeze %dma_start3A_409 : memref<1x128xi32, #tpu.memory_space<vmem>> -> memref<128xi32, #tpu.memory_space<vmem>>
    %dma_start3A_411 = arith.constant 0 : i32
    %dma_start3A_412 = arith.constant 0 : i32
    %dma_start3A_413 = tpu.memref_slice %arg2[%dma_start3A_411, %dma_start3A_412] : memref<10240x64xf32, #tpu.memory_space<hbm>> -> memref<10240x64xf32, #tpu.memory_space<hbm>>
    tpu.enqueue_indirect_dma source(%dma_start3A_413 : memref<10240x64xf32, #tpu.memory_space<hbm>>) target(%dma_start3A_407 : memref<128x64xf32, #tpu.memory_space<vmem>>) offsets(%dma_start3A_410 : memref<128xi32, #tpu.memory_space<vmem>>) semaphore(%arg13 : memref<!tpu.dma_semaphore, #tpu.memory_space<semaphore_mem>>)
    %dma_start3A_414 = arith.constant 2 : i32
    %dma_start3A_415 = arith.constant 2 : i32
    %dma_start3A_416 = arith.constant 0 : i32
    %dma_start3A_417 = arith.constant 0 : i32
    %dma_start3A_418 = tpu.memref_slice %arg8[%dma_start3A_415, %dma_start3A_416, %dma_start3A_417] : memref<4x128x64xf32, #tpu.memory_space<vmem>> -> memref<1x128x64xf32, #tpu.memory_space<vmem>>
    %dma_start3A_419 = tpu.memref_squeeze %dma_start3A_418 : memref<1x128x64xf32, #tpu.memory_space<vmem>> -> memref<128x64xf32, #tpu.memory_space<vmem>>
    %dma_start3A_420 = arith.constant 0 : i32
    %dma_start3A_421 = tpu.memref_slice %arg6[%dma_start3A_414, %dma_start3A_420] : memref<80x128xi32, #tpu.memory_space<vmem>> -> memref<1x128xi32, #tpu.memory_space<vmem>>
    %dma_start3A_422 = tpu.memref_squeeze %dma_start3A_421 : memref<1x128xi32, #tpu.memory_space<vmem>> -> memref<128xi32, #tpu.memory_space<vmem>>
    %dma_start3A_423 = arith.constant 0 : i32
    %dma_start3A_424 = arith.constant 0 : i32
    %dma_start3A_425 = tpu.memref_slice %arg2[%dma_start3A_423, %dma_start3A_424] : memref<10240x64xf32, #tpu.memory_space<hbm>> -> memref<10240x64xf32, #tpu.memory_space<hbm>>
    tpu.enqueue_indirect_dma source(%dma_start3A_425 : memref<10240x64xf32, #tpu.memory_space<hbm>>) target(%dma_start3A_419 : memref<128x64xf32, #tpu.memory_space<vmem>>) offsets(%dma_start3A_422 : memref<128xi32, #tpu.memory_space<vmem>>) semaphore(%arg14 : memref<!tpu.dma_semaphore, #tpu.memory_space<semaphore_mem>>)
    %dma_start3A_426 = arith.constant 3 : i32
    %dma_start3A_427 = arith.constant 3 : i32
    %dma_start3A_428 = arith.constant 0 : i32
    %dma_start3A_429 = arith.constant 0 : i32
    %dma_start3A_430 = tpu.memref_slice %arg8[%dma_start3A_427, %dma_start3A_428, %dma_start3A_429] : memref<4x128x64xf32, #tpu.memory_space<vmem>> -> memref<1x128x64xf32, #tpu.memory_space<vmem>>
    %dma_start3A_431 = tpu.memref_squeeze %dma_start3A_430 : memref<1x128x64xf32, #tpu.memory_space<vmem>> -> memref<128x64xf32, #tpu.memory_space<vmem>>
    %dma_start3A_432 = arith.constant 0 : i32
    %dma_start3A_433 = tpu.memref_slice %arg6[%dma_start3A_426, %dma_start3A_432] : memref<80x128xi32, #tpu.memory_space<vmem>> -> memref<1x128xi32, #tpu.memory_space<vmem>>
    %dma_start3A_434 = tpu.memref_squeeze %dma_start3A_433 : memref<1x128xi32, #tpu.memory_space<vmem>> -> memref<128xi32, #tpu.memory_space<vmem>>
    %dma_start3A_435 = arith.constant 0 : i32
    %dma_start3A_436 = arith.constant 0 : i32
    %dma_start3A_437 = tpu.memref_slice %arg2[%dma_start3A_435, %dma_start3A_436] : memref<10240x64xf32, #tpu.memory_space<hbm>> -> memref<10240x64xf32, #tpu.memory_space<hbm>>
    tpu.enqueue_indirect_dma source(%dma_start3A_437 : memref<10240x64xf32, #tpu.memory_space<hbm>>) target(%dma_start3A_431 : memref<128x64xf32, #tpu.memory_space<vmem>>) offsets(%dma_start3A_434 : memref<128xi32, #tpu.memory_space<vmem>>) semaphore(%arg15 : memref<!tpu.dma_semaphore, #tpu.memory_space<semaphore_mem>>)
    %scan3A_438 = arith.constant 0 : i32
    %scan3A_439 = arith.constant 0 : i32
    %scan3A_440 = arith.constant 20 : i32
    %scan3A_441 = arith.addi %scan3A_439, %scan3A_440 : i32
    %scan3A_442 = arith.constant 1 : i32
    %scan3A_443 = scf.for %scan3A_500 = %scan3A_439 to %scan3A_441 step %scan3A_442 iter_args(%scan3A_501 = %scan3A_438) -> (i32)  : i32 {
      %mul3A_502 = arith.constant 4 : i32
      %mul3A_503 = arith.muli %scan3A_500, %mul3A_502 : i32
      %add3A_504 = arith.constant 0 : i32
      %add3A_505 = arith.addi %mul3A_503, %add3A_504 : i32
      %dma_wait3A_506 = arith.constant 0 : i32
      %dma_wait3A_507 = arith.constant 0 : i32
      %dma_wait3A_508 = arith.constant 0 : i32
      %dma_wait3A_509 = tpu.memref_slice %arg8[%dma_wait3A_506, %dma_wait3A_507, %dma_wait3A_508] : memref<4x128x64xf32, #tpu.memory_space<vmem>> -> memref<1x128x64xf32, #tpu.memory_space<vmem>>
      %dma_wait3A_510 = tpu.memref_squeeze %dma_wait3A_509 : memref<1x128x64xf32, #tpu.memory_space<vmem>> -> memref<128x64xf32, #tpu.memory_space<vmem>>
      %dma_wait3A_511 = arith.constant 0 : i32
      %dma_wait3A_512 = tpu.memref_slice %arg6[%add3A_505, %dma_wait3A_511] : memref<80x128xi32, #tpu.memory_space<vmem>> -> memref<1x128xi32, #tpu.memory_space<vmem>>
      %dma_wait3A_513 = tpu.memref_squeeze %dma_wait3A_512 : memref<1x128xi32, #tpu.memory_space<vmem>> -> memref<128xi32, #tpu.memory_space<vmem>>
      %dma_wait3A_514 = arith.constant 0 : i32
      %dma_wait3A_515 = arith.constant 0 : i32
      %dma_wait3A_516 = tpu.memref_slice %arg2[%dma_wait3A_514, %dma_wait3A_515] : memref<10240x64xf32, #tpu.memory_space<hbm>> -> memref<10240x64xf32, #tpu.memory_space<hbm>>
      tpu.wait_indirect_dma semaphore(%arg12 : memref<!tpu.dma_semaphore, #tpu.memory_space<semaphore_mem>>) src(%dma_wait3A_516 : memref<10240x64xf32, #tpu.memory_space<hbm>>) dst(%dma_wait3A_510 : memref<128x64xf32, #tpu.memory_space<vmem>>)
      %dma_start3A_517 = arith.constant 0 : i32
      %dma_start3A_518 = arith.constant 0 : i32
      %dma_start3A_519 = arith.constant 0 : i32
      %dma_start3A_520 = tpu.memref_slice %arg8[%dma_start3A_517, %dma_start3A_518, %dma_start3A_519] : memref<4x128x64xf32, #tpu.memory_space<vmem>> -> memref<1x128x64xf32, #tpu.memory_space<vmem>>
      %dma_start3A_521 = tpu.memref_squeeze %dma_start3A_520 : memref<1x128x64xf32, #tpu.memory_space<vmem>> -> memref<128x64xf32, #tpu.memory_space<vmem>>
      %dma_start3A_522 = arith.constant 0 : i32
      %dma_start3A_523 = tpu.memref_slice %arg7[%add3A_505, %dma_start3A_522] : memref<80x128xi32, #tpu.memory_space<vmem>> -> memref<1x128xi32, #tpu.memory_space<vmem>>
      %dma_start3A_524 = tpu.memref_squeeze %dma_start3A_523 : memref<1x128xi32, #tpu.memory_space<vmem>> -> memref<128xi32, #tpu.memory_space<vmem>>
      %dma_start3A_525 = arith.constant 0 : i32
      %dma_start3A_526 = arith.constant 0 : i32
      %dma_start3A_527 = tpu.memref_slice %arg11[%dma_start3A_525, %dma_start3A_526] : memref<10240x64xf32, #tpu.memory_space<vmem_shared>> -> memref<10240x64xf32, #tpu.memory_space<vmem_shared>>
      tpu.enqueue_indirect_dma source(%dma_start3A_521 : memref<128x64xf32, #tpu.memory_space<vmem>>) target(%dma_start3A_527 : memref<10240x64xf32, #tpu.memory_space<vmem_shared>>) offsets(%dma_start3A_524 : memref<128xi32, #tpu.memory_space<vmem>>) semaphore(%arg16 : memref<!tpu.dma_semaphore, #tpu.memory_space<semaphore_mem>>) {add = true}
      %lt3A = arith.constant 19 : i32
      %lt3A_528 = arith.cmpi slt, %scan3A_500, %lt3A : i32
      %convert_element_type3A = arith.extui %lt3A_528 : i1 to i32
      %cond3A = arith.constant 0 : i32
      %cond3A_529 = arith.cmpi ne, %convert_element_type3A, %cond3A : i32
      scf.if %cond3A_529 {
        %dma_wait3A_624 = arith.constant 0 : i32
        %dma_wait3A_625 = arith.constant 0 : i32
        %dma_wait3A_626 = arith.constant 0 : i32
        %dma_wait3A_627 = tpu.memref_slice %arg8[%dma_wait3A_624, %dma_wait3A_625, %dma_wait3A_626] : memref<4x128x64xf32, #tpu.memory_space<vmem>> -> memref<1x128x64xf32, #tpu.memory_space<vmem>>
        %dma_wait3A_628 = tpu.memref_squeeze %dma_wait3A_627 : memref<1x128x64xf32, #tpu.memory_space<vmem>> -> memref<128x64xf32, #tpu.memory_space<vmem>>
        %dma_wait3A_629 = arith.constant 0 : i32
        %dma_wait3A_630 = tpu.memref_slice %arg7[%add3A_505, %dma_wait3A_629] : memref<80x128xi32, #tpu.memory_space<vmem>> -> memref<1x128xi32, #tpu.memory_space<vmem>>
        %dma_wait3A_631 = tpu.memref_squeeze %dma_wait3A_630 : memref<1x128xi32, #tpu.memory_space<vmem>> -> memref<128xi32, #tpu.memory_space<vmem>>
        %dma_wait3A_632 = arith.constant 0 : i32
        %dma_wait3A_633 = arith.constant 0 : i32
        %dma_wait3A_634 = tpu.memref_slice %arg11[%dma_wait3A_632, %dma_wait3A_633] : memref<10240x64xf32, #tpu.memory_space<vmem_shared>> -> memref<10240x64xf32, #tpu.memory_space<vmem_shared>>
        tpu.wait_indirect_dma semaphore(%arg16 : memref<!tpu.dma_semaphore, #tpu.memory_space<semaphore_mem>>) src(%dma_wait3A_628 : memref<128x64xf32, #tpu.memory_space<vmem>>) dst(%dma_wait3A_634 : memref<10240x64xf32, #tpu.memory_space<vmem_shared>>)
        %add3A_635 = arith.constant 4 : i32
        %add3A_636 = arith.addi %add3A_505, %add3A_635 : i32
        %dma_start3A_637 = arith.constant 0 : i32
        %dma_start3A_638 = arith.constant 0 : i32
        %dma_start3A_639 = arith.constant 0 : i32
        %dma_start3A_640 = tpu.memref_slice %arg8[%dma_start3A_637, %dma_start3A_638, %dma_start3A_639] : memref<4x128x64xf32, #tpu.memory_space<vmem>> -> memref<1x128x64xf32, #tpu.memory_space<vmem>>
        %dma_start3A_641 = tpu.memref_squeeze %dma_start3A_640 : memref<1x128x64xf32, #tpu.memory_space<vmem>> -> memref<128x64xf32, #tpu.memory_space<vmem>>
        %dma_start3A_642 = arith.constant 0 : i32
        %dma_start3A_643 = tpu.memref_slice %arg6[%add3A_636, %dma_start3A_642] : memref<80x128xi32, #tpu.memory_space<vmem>> -> memref<1x128xi32, #tpu.memory_space<vmem>>
        %dma_start3A_644 = tpu.memref_squeeze %dma_start3A_643 : memref<1x128xi32, #tpu.memory_space<vmem>> -> memref<128xi32, #tpu.memory_space<vmem>>
        %dma_start3A_645 = arith.constant 0 : i32
        %dma_start3A_646 = arith.constant 0 : i32
        %dma_start3A_647 = tpu.memref_slice %arg2[%dma_start3A_645, %dma_start3A_646] : memref<10240x64xf32, #tpu.memory_space<hbm>> -> memref<10240x64xf32, #tpu.memory_space<hbm>>
        tpu.enqueue_indirect_dma source(%dma_start3A_647 : memref<10240x64xf32, #tpu.memory_space<hbm>>) target(%dma_start3A_641 : memref<128x64xf32, #tpu.memory_space<vmem>>) offsets(%dma_start3A_644 : memref<128xi32, #tpu.memory_space<vmem>>) semaphore(%arg12 : memref<!tpu.dma_semaphore, #tpu.memory_space<semaphore_mem>>)
      } else {
      }
      %mul3A_530 = arith.constant 4 : i32
      %mul3A_531 = arith.muli %scan3A_500, %mul3A_530 : i32
      %add3A_532 = arith.constant 1 : i32
      %add3A_533 = arith.addi %mul3A_531, %add3A_532 : i32
      %dma_wait3A_534 = arith.constant 1 : i32
      %dma_wait3A_535 = arith.constant 0 : i32
      %dma_wait3A_536 = arith.constant 0 : i32
      %dma_wait3A_537 = tpu.memref_slice %arg8[%dma_wait3A_534, %dma_wait3A_535, %dma_wait3A_536] : memref<4x128x64xf32, #tpu.memory_space<vmem>> -> memref<1x128x64xf32, #tpu.memory_space<vmem>>
      %dma_wait3A_538 = tpu.memref_squeeze %dma_wait3A_537 : memref<1x128x64xf32, #tpu.memory_space<vmem>> -> memref<128x64xf32, #tpu.memory_space<vmem>>
      %dma_wait3A_539 = arith.constant 0 : i32
      %dma_wait3A_540 = tpu.memref_slice %arg6[%add3A_533, %dma_wait3A_539] : memref<80x128xi32, #tpu.memory_space<vmem>> -> memref<1x128xi32, #tpu.memory_space<vmem>>
      %dma_wait3A_541 = tpu.memref_squeeze %dma_wait3A_540 : memref<1x128xi32, #tpu.memory_space<vmem>> -> memref<128xi32, #tpu.memory_space<vmem>>
      %dma_wait3A_542 = arith.constant 0 : i32
      %dma_wait3A_543 = arith.constant 0 : i32
      %dma_wait3A_544 = tpu.memref_slice %arg2[%dma_wait3A_542, %dma_wait3A_543] : memref<10240x64xf32, #tpu.memory_space<hbm>> -> memref<10240x64xf32, #tpu.memory_space<hbm>>
      tpu.wait_indirect_dma semaphore(%arg13 : memref<!tpu.dma_semaphore, #tpu.memory_space<semaphore_mem>>) src(%dma_wait3A_544 : memref<10240x64xf32, #tpu.memory_space<hbm>>) dst(%dma_wait3A_538 : memref<128x64xf32, #tpu.memory_space<vmem>>)
      %dma_start3A_545 = arith.constant 1 : i32
      %dma_start3A_546 = arith.constant 0 : i32
      %dma_start3A_547 = arith.constant 0 : i32
      %dma_start3A_548 = tpu.memref_slice %arg8[%dma_start3A_545, %dma_start3A_546, %dma_start3A_547] : memref<4x128x64xf32, #tpu.memory_space<vmem>> -> memref<1x128x64xf32, #tpu.memory_space<vmem>>
      %dma_start3A_549 = tpu.memref_squeeze %dma_start3A_548 : memref<1x128x64xf32, #tpu.memory_space<vmem>> -> memref<128x64xf32, #tpu.memory_space<vmem>>
      %dma_start3A_550 = arith.constant 0 : i32
      %dma_start3A_551 = tpu.memref_slice %arg7[%add3A_533, %dma_start3A_550] : memref<80x128xi32, #tpu.memory_space<vmem>> -> memref<1x128xi32, #tpu.memory_space<vmem>>
      %dma_start3A_552 = tpu.memref_squeeze %dma_start3A_551 : memref<1x128xi32, #tpu.memory_space<vmem>> -> memref<128xi32, #tpu.memory_space<vmem>>
      %dma_start3A_553 = arith.constant 0 : i32
      %dma_start3A_554 = arith.constant 0 : i32
      %dma_start3A_555 = tpu.memref_slice %arg11[%dma_start3A_553, %dma_start3A_554] : memref<10240x64xf32, #tpu.memory_space<vmem_shared>> -> memref<10240x64xf32, #tpu.memory_space<vmem_shared>>
      tpu.enqueue_indirect_dma source(%dma_start3A_549 : memref<128x64xf32, #tpu.memory_space<vmem>>) target(%dma_start3A_555 : memref<10240x64xf32, #tpu.memory_space<vmem_shared>>) offsets(%dma_start3A_552 : memref<128xi32, #tpu.memory_space<vmem>>) semaphore(%arg17 : memref<!tpu.dma_semaphore, #tpu.memory_space<semaphore_mem>>) {add = true}
      %lt3A_556 = arith.constant 19 : i32
      %lt3A_557 = arith.cmpi slt, %scan3A_500, %lt3A_556 : i32
      %convert_element_type3A_558 = arith.extui %lt3A_557 : i1 to i32
      %cond3A_559 = arith.constant 0 : i32
      %cond3A_560 = arith.cmpi ne, %convert_element_type3A_558, %cond3A_559 : i32
      scf.if %cond3A_560 {
        %dma_wait3A_624 = arith.constant 1 : i32
        %dma_wait3A_625 = arith.constant 0 : i32
        %dma_wait3A_626 = arith.constant 0 : i32
        %dma_wait3A_627 = tpu.memref_slice %arg8[%dma_wait3A_624, %dma_wait3A_625, %dma_wait3A_626] : memref<4x128x64xf32, #tpu.memory_space<vmem>> -> memref<1x128x64xf32, #tpu.memory_space<vmem>>
        %dma_wait3A_628 = tpu.memref_squeeze %dma_wait3A_627 : memref<1x128x64xf32, #tpu.memory_space<vmem>> -> memref<128x64xf32, #tpu.memory_space<vmem>>
        %dma_wait3A_629 = arith.constant 0 : i32
        %dma_wait3A_630 = tpu.memref_slice %arg7[%add3A_533, %dma_wait3A_629] : memref<80x128xi32, #tpu.memory_space<vmem>> -> memref<1x128xi32, #tpu.memory_space<vmem>>
        %dma_wait3A_631 = tpu.memref_squeeze %dma_wait3A_630 : memref<1x128xi32, #tpu.memory_space<vmem>> -> memref<128xi32, #tpu.memory_space<vmem>>
        %dma_wait3A_632 = arith.constant 0 : i32
        %dma_wait3A_633 = arith.constant 0 : i32
        %dma_wait3A_634 = tpu.memref_slice %arg11[%dma_wait3A_632, %dma_wait3A_633] : memref<10240x64xf32, #tpu.memory_space<vmem_shared>> -> memref<10240x64xf32, #tpu.memory_space<vmem_shared>>
        tpu.wait_indirect_dma semaphore(%arg17 : memref<!tpu.dma_semaphore, #tpu.memory_space<semaphore_mem>>) src(%dma_wait3A_628 : memref<128x64xf32, #tpu.memory_space<vmem>>) dst(%dma_wait3A_634 : memref<10240x64xf32, #tpu.memory_space<vmem_shared>>)
        %add3A_635 = arith.constant 4 : i32
        %add3A_636 = arith.addi %add3A_533, %add3A_635 : i32
        %dma_start3A_637 = arith.constant 1 : i32
        %dma_start3A_638 = arith.constant 0 : i32
        %dma_start3A_639 = arith.constant 0 : i32
        %dma_start3A_640 = tpu.memref_slice %arg8[%dma_start3A_637, %dma_start3A_638, %dma_start3A_639] : memref<4x128x64xf32, #tpu.memory_space<vmem>> -> memref<1x128x64xf32, #tpu.memory_space<vmem>>
        %dma_start3A_641 = tpu.memref_squeeze %dma_start3A_640 : memref<1x128x64xf32, #tpu.memory_space<vmem>> -> memref<128x64xf32, #tpu.memory_space<vmem>>
        %dma_start3A_642 = arith.constant 0 : i32
        %dma_start3A_643 = tpu.memref_slice %arg6[%add3A_636, %dma_start3A_642] : memref<80x128xi32, #tpu.memory_space<vmem>> -> memref<1x128xi32, #tpu.memory_space<vmem>>
        %dma_start3A_644 = tpu.memref_squeeze %dma_start3A_643 : memref<1x128xi32, #tpu.memory_space<vmem>> -> memref<128xi32, #tpu.memory_space<vmem>>
        %dma_start3A_645 = arith.constant 0 : i32
        %dma_start3A_646 = arith.constant 0 : i32
        %dma_start3A_647 = tpu.memref_slice %arg2[%dma_start3A_645, %dma_start3A_646] : memref<10240x64xf32, #tpu.memory_space<hbm>> -> memref<10240x64xf32, #tpu.memory_space<hbm>>
        tpu.enqueue_indirect_dma source(%dma_start3A_647 : memref<10240x64xf32, #tpu.memory_space<hbm>>) target(%dma_start3A_641 : memref<128x64xf32, #tpu.memory_space<vmem>>) offsets(%dma_start3A_644 : memref<128xi32, #tpu.memory_space<vmem>>) semaphore(%arg13 : memref<!tpu.dma_semaphore, #tpu.memory_space<semaphore_mem>>)
      } else {
      }
      %mul3A_561 = arith.constant 4 : i32
      %mul3A_562 = arith.muli %scan3A_500, %mul3A_561 : i32
      %add3A_563 = arith.constant 2 : i32
      %add3A_564 = arith.addi %mul3A_562, %add3A_563 : i32
      %dma_wait3A_565 = arith.constant 2 : i32
      %dma_wait3A_566 = arith.constant 0 : i32
      %dma_wait3A_567 = arith.constant 0 : i32
      %dma_wait3A_568 = tpu.memref_slice %arg8[%dma_wait3A_565, %dma_wait3A_566, %dma_wait3A_567] : memref<4x128x64xf32, #tpu.memory_space<vmem>> -> memref<1x128x64xf32, #tpu.memory_space<vmem>>
      %dma_wait3A_569 = tpu.memref_squeeze %dma_wait3A_568 : memref<1x128x64xf32, #tpu.memory_space<vmem>> -> memref<128x64xf32, #tpu.memory_space<vmem>>
      %dma_wait3A_570 = arith.constant 0 : i32
      %dma_wait3A_571 = tpu.memref_slice %arg6[%add3A_564, %dma_wait3A_570] : memref<80x128xi32, #tpu.memory_space<vmem>> -> memref<1x128xi32, #tpu.memory_space<vmem>>
      %dma_wait3A_572 = tpu.memref_squeeze %dma_wait3A_571 : memref<1x128xi32, #tpu.memory_space<vmem>> -> memref<128xi32, #tpu.memory_space<vmem>>
      %dma_wait3A_573 = arith.constant 0 : i32
      %dma_wait3A_574 = arith.constant 0 : i32
      %dma_wait3A_575 = tpu.memref_slice %arg2[%dma_wait3A_573, %dma_wait3A_574] : memref<10240x64xf32, #tpu.memory_space<hbm>> -> memref<10240x64xf32, #tpu.memory_space<hbm>>
      tpu.wait_indirect_dma semaphore(%arg14 : memref<!tpu.dma_semaphore, #tpu.memory_space<semaphore_mem>>) src(%dma_wait3A_575 : memref<10240x64xf32, #tpu.memory_space<hbm>>) dst(%dma_wait3A_569 : memref<128x64xf32, #tpu.memory_space<vmem>>)
      %dma_start3A_576 = arith.constant 2 : i32
      %dma_start3A_577 = arith.constant 0 : i32
      %dma_start3A_578 = arith.constant 0 : i32
      %dma_start3A_579 = tpu.memref_slice %arg8[%dma_start3A_576, %dma_start3A_577, %dma_start3A_578] : memref<4x128x64xf32, #tpu.memory_space<vmem>> -> memref<1x128x64xf32, #tpu.memory_space<vmem>>
      %dma_start3A_580 = tpu.memref_squeeze %dma_start3A_579 : memref<1x128x64xf32, #tpu.memory_space<vmem>> -> memref<128x64xf32, #tpu.memory_space<vmem>>
      %dma_start3A_581 = arith.constant 0 : i32
      %dma_start3A_582 = tpu.memref_slice %arg7[%add3A_564, %dma_start3A_581] : memref<80x128xi32, #tpu.memory_space<vmem>> -> memref<1x128xi32, #tpu.memory_space<vmem>>
      %dma_start3A_583 = tpu.memref_squeeze %dma_start3A_582 : memref<1x128xi32, #tpu.memory_space<vmem>> -> memref<128xi32, #tpu.memory_space<vmem>>
      %dma_start3A_584 = arith.constant 0 : i32
      %dma_start3A_585 = arith.constant 0 : i32
      %dma_start3A_586 = tpu.memref_slice %arg11[%dma_start3A_584, %dma_start3A_585] : memref<10240x64xf32, #tpu.memory_space<vmem_shared>> -> memref<10240x64xf32, #tpu.memory_space<vmem_shared>>
      tpu.enqueue_indirect_dma source(%dma_start3A_580 : memref<128x64xf32, #tpu.memory_space<vmem>>) target(%dma_start3A_586 : memref<10240x64xf32, #tpu.memory_space<vmem_shared>>) offsets(%dma_start3A_583 : memref<128xi32, #tpu.memory_space<vmem>>) semaphore(%arg18 : memref<!tpu.dma_semaphore, #tpu.memory_space<semaphore_mem>>) {add = true}
      %lt3A_587 = arith.constant 19 : i32
      %lt3A_588 = arith.cmpi slt, %scan3A_500, %lt3A_587 : i32
      %convert_element_type3A_589 = arith.extui %lt3A_588 : i1 to i32
      %cond3A_590 = arith.constant 0 : i32
      %cond3A_591 = arith.cmpi ne, %convert_element_type3A_589, %cond3A_590 : i32
      scf.if %cond3A_591 {
        %dma_wait3A_624 = arith.constant 2 : i32
        %dma_wait3A_625 = arith.constant 0 : i32
        %dma_wait3A_626 = arith.constant 0 : i32
        %dma_wait3A_627 = tpu.memref_slice %arg8[%dma_wait3A_624, %dma_wait3A_625, %dma_wait3A_626] : memref<4x128x64xf32, #tpu.memory_space<vmem>> -> memref<1x128x64xf32, #tpu.memory_space<vmem>>
        %dma_wait3A_628 = tpu.memref_squeeze %dma_wait3A_627 : memref<1x128x64xf32, #tpu.memory_space<vmem>> -> memref<128x64xf32, #tpu.memory_space<vmem>>
        %dma_wait3A_629 = arith.constant 0 : i32
        %dma_wait3A_630 = tpu.memref_slice %arg7[%add3A_564, %dma_wait3A_629] : memref<80x128xi32, #tpu.memory_space<vmem>> -> memref<1x128xi32, #tpu.memory_space<vmem>>
        %dma_wait3A_631 = tpu.memref_squeeze %dma_wait3A_630 : memref<1x128xi32, #tpu.memory_space<vmem>> -> memref<128xi32, #tpu.memory_space<vmem>>
        %dma_wait3A_632 = arith.constant 0 : i32
        %dma_wait3A_633 = arith.constant 0 : i32
        %dma_wait3A_634 = tpu.memref_slice %arg11[%dma_wait3A_632, %dma_wait3A_633] : memref<10240x64xf32, #tpu.memory_space<vmem_shared>> -> memref<10240x64xf32, #tpu.memory_space<vmem_shared>>
        tpu.wait_indirect_dma semaphore(%arg18 : memref<!tpu.dma_semaphore, #tpu.memory_space<semaphore_mem>>) src(%dma_wait3A_628 : memref<128x64xf32, #tpu.memory_space<vmem>>) dst(%dma_wait3A_634 : memref<10240x64xf32, #tpu.memory_space<vmem_shared>>)
        %add3A_635 = arith.constant 4 : i32
        %add3A_636 = arith.addi %add3A_564, %add3A_635 : i32
        %dma_start3A_637 = arith.constant 2 : i32
        %dma_start3A_638 = arith.constant 0 : i32
        %dma_start3A_639 = arith.constant 0 : i32
        %dma_start3A_640 = tpu.memref_slice %arg8[%dma_start3A_637, %dma_start3A_638, %dma_start3A_639] : memref<4x128x64xf32, #tpu.memory_space<vmem>> -> memref<1x128x64xf32, #tpu.memory_space<vmem>>
        %dma_start3A_641 = tpu.memref_squeeze %dma_start3A_640 : memref<1x128x64xf32, #tpu.memory_space<vmem>> -> memref<128x64xf32, #tpu.memory_space<vmem>>
        %dma_start3A_642 = arith.constant 0 : i32
        %dma_start3A_643 = tpu.memref_slice %arg6[%add3A_636, %dma_start3A_642] : memref<80x128xi32, #tpu.memory_space<vmem>> -> memref<1x128xi32, #tpu.memory_space<vmem>>
        %dma_start3A_644 = tpu.memref_squeeze %dma_start3A_643 : memref<1x128xi32, #tpu.memory_space<vmem>> -> memref<128xi32, #tpu.memory_space<vmem>>
        %dma_start3A_645 = arith.constant 0 : i32
        %dma_start3A_646 = arith.constant 0 : i32
        %dma_start3A_647 = tpu.memref_slice %arg2[%dma_start3A_645, %dma_start3A_646] : memref<10240x64xf32, #tpu.memory_space<hbm>> -> memref<10240x64xf32, #tpu.memory_space<hbm>>
        tpu.enqueue_indirect_dma source(%dma_start3A_647 : memref<10240x64xf32, #tpu.memory_space<hbm>>) target(%dma_start3A_641 : memref<128x64xf32, #tpu.memory_space<vmem>>) offsets(%dma_start3A_644 : memref<128xi32, #tpu.memory_space<vmem>>) semaphore(%arg14 : memref<!tpu.dma_semaphore, #tpu.memory_space<semaphore_mem>>)
      } else {
      }
      %mul3A_592 = arith.constant 4 : i32
      %mul3A_593 = arith.muli %scan3A_500, %mul3A_592 : i32
      %add3A_594 = arith.constant 3 : i32
      %add3A_595 = arith.addi %mul3A_593, %add3A_594 : i32
      %dma_wait3A_596 = arith.constant 3 : i32
      %dma_wait3A_597 = arith.constant 0 : i32
      %dma_wait3A_598 = arith.constant 0 : i32
      %dma_wait3A_599 = tpu.memref_slice %arg8[%dma_wait3A_596, %dma_wait3A_597, %dma_wait3A_598] : memref<4x128x64xf32, #tpu.memory_space<vmem>> -> memref<1x128x64xf32, #tpu.memory_space<vmem>>
      %dma_wait3A_600 = tpu.memref_squeeze %dma_wait3A_599 : memref<1x128x64xf32, #tpu.memory_space<vmem>> -> memref<128x64xf32, #tpu.memory_space<vmem>>
      %dma_wait3A_601 = arith.constant 0 : i32
      %dma_wait3A_602 = tpu.memref_slice %arg6[%add3A_595, %dma_wait3A_601] : memref<80x128xi32, #tpu.memory_space<vmem>> -> memref<1x128xi32, #tpu.memory_space<vmem>>
      %dma_wait3A_603 = tpu.memref_squeeze %dma_wait3A_602 : memref<1x128xi32, #tpu.memory_space<vmem>> -> memref<128xi32, #tpu.memory_space<vmem>>
      %dma_wait3A_604 = arith.constant 0 : i32
      %dma_wait3A_605 = arith.constant 0 : i32
      %dma_wait3A_606 = tpu.memref_slice %arg2[%dma_wait3A_604, %dma_wait3A_605] : memref<10240x64xf32, #tpu.memory_space<hbm>> -> memref<10240x64xf32, #tpu.memory_space<hbm>>
      tpu.wait_indirect_dma semaphore(%arg15 : memref<!tpu.dma_semaphore, #tpu.memory_space<semaphore_mem>>) src(%dma_wait3A_606 : memref<10240x64xf32, #tpu.memory_space<hbm>>) dst(%dma_wait3A_600 : memref<128x64xf32, #tpu.memory_space<vmem>>)
      %dma_start3A_607 = arith.constant 3 : i32
      %dma_start3A_608 = arith.constant 0 : i32
      %dma_start3A_609 = arith.constant 0 : i32
      %dma_start3A_610 = tpu.memref_slice %arg8[%dma_start3A_607, %dma_start3A_608, %dma_start3A_609] : memref<4x128x64xf32, #tpu.memory_space<vmem>> -> memref<1x128x64xf32, #tpu.memory_space<vmem>>
      %dma_start3A_611 = tpu.memref_squeeze %dma_start3A_610 : memref<1x128x64xf32, #tpu.memory_space<vmem>> -> memref<128x64xf32, #tpu.memory_space<vmem>>
      %dma_start3A_612 = arith.constant 0 : i32
      %dma_start3A_613 = tpu.memref_slice %arg7[%add3A_595, %dma_start3A_612] : memref<80x128xi32, #tpu.memory_space<vmem>> -> memref<1x128xi32, #tpu.memory_space<vmem>>
      %dma_start3A_614 = tpu.memref_squeeze %dma_start3A_613 : memref<1x128xi32, #tpu.memory_space<vmem>> -> memref<128xi32, #tpu.memory_space<vmem>>
      %dma_start3A_615 = arith.constant 0 : i32
      %dma_start3A_616 = arith.constant 0 : i32
      %dma_start3A_617 = tpu.memref_slice %arg11[%dma_start3A_615, %dma_start3A_616] : memref<10240x64xf32, #tpu.memory_space<vmem_shared>> -> memref<10240x64xf32, #tpu.memory_space<vmem_shared>>
      tpu.enqueue_indirect_dma source(%dma_start3A_611 : memref<128x64xf32, #tpu.memory_space<vmem>>) target(%dma_start3A_617 : memref<10240x64xf32, #tpu.memory_space<vmem_shared>>) offsets(%dma_start3A_614 : memref<128xi32, #tpu.memory_space<vmem>>) semaphore(%arg19 : memref<!tpu.dma_semaphore, #tpu.memory_space<semaphore_mem>>) {add = true}
      %lt3A_618 = arith.constant 19 : i32
      %lt3A_619 = arith.cmpi slt, %scan3A_500, %lt3A_618 : i32
      %convert_element_type3A_620 = arith.extui %lt3A_619 : i1 to i32
      %cond3A_621 = arith.constant 0 : i32
      %cond3A_622 = arith.cmpi ne, %convert_element_type3A_620, %cond3A_621 : i32
      scf.if %cond3A_622 {
        %dma_wait3A_624 = arith.constant 3 : i32
        %dma_wait3A_625 = arith.constant 0 : i32
        %dma_wait3A_626 = arith.constant 0 : i32
        %dma_wait3A_627 = tpu.memref_slice %arg8[%dma_wait3A_624, %dma_wait3A_625, %dma_wait3A_626] : memref<4x128x64xf32, #tpu.memory_space<vmem>> -> memref<1x128x64xf32, #tpu.memory_space<vmem>>
        %dma_wait3A_628 = tpu.memref_squeeze %dma_wait3A_627 : memref<1x128x64xf32, #tpu.memory_space<vmem>> -> memref<128x64xf32, #tpu.memory_space<vmem>>
        %dma_wait3A_629 = arith.constant 0 : i32
        %dma_wait3A_630 = tpu.memref_slice %arg7[%add3A_595, %dma_wait3A_629] : memref<80x128xi32, #tpu.memory_space<vmem>> -> memref<1x128xi32, #tpu.memory_space<vmem>>
        %dma_wait3A_631 = tpu.memref_squeeze %dma_wait3A_630 : memref<1x128xi32, #tpu.memory_space<vmem>> -> memref<128xi32, #tpu.memory_space<vmem>>
        %dma_wait3A_632 = arith.constant 0 : i32
        %dma_wait3A_633 = arith.constant 0 : i32
        %dma_wait3A_634 = tpu.memref_slice %arg11[%dma_wait3A_632, %dma_wait3A_633] : memref<10240x64xf32, #tpu.memory_space<vmem_shared>> -> memref<10240x64xf32, #tpu.memory_space<vmem_shared>>
        tpu.wait_indirect_dma semaphore(%arg19 : memref<!tpu.dma_semaphore, #tpu.memory_space<semaphore_mem>>) src(%dma_wait3A_628 : memref<128x64xf32, #tpu.memory_space<vmem>>) dst(%dma_wait3A_634 : memref<10240x64xf32, #tpu.memory_space<vmem_shared>>)
        %add3A_635 = arith.constant 4 : i32
        %add3A_636 = arith.addi %add3A_595, %add3A_635 : i32
        %dma_start3A_637 = arith.constant 3 : i32
        %dma_start3A_638 = arith.constant 0 : i32
        %dma_start3A_639 = arith.constant 0 : i32
        %dma_start3A_640 = tpu.memref_slice %arg8[%dma_start3A_637, %dma_start3A_638, %dma_start3A_639] : memref<4x128x64xf32, #tpu.memory_space<vmem>> -> memref<1x128x64xf32, #tpu.memory_space<vmem>>
        %dma_start3A_641 = tpu.memref_squeeze %dma_start3A_640 : memref<1x128x64xf32, #tpu.memory_space<vmem>> -> memref<128x64xf32, #tpu.memory_space<vmem>>
        %dma_start3A_642 = arith.constant 0 : i32
        %dma_start3A_643 = tpu.memref_slice %arg6[%add3A_636, %dma_start3A_642] : memref<80x128xi32, #tpu.memory_space<vmem>> -> memref<1x128xi32, #tpu.memory_space<vmem>>
        %dma_start3A_644 = tpu.memref_squeeze %dma_start3A_643 : memref<1x128xi32, #tpu.memory_space<vmem>> -> memref<128xi32, #tpu.memory_space<vmem>>
        %dma_start3A_645 = arith.constant 0 : i32
        %dma_start3A_646 = arith.constant 0 : i32
        %dma_start3A_647 = tpu.memref_slice %arg2[%dma_start3A_645, %dma_start3A_646] : memref<10240x64xf32, #tpu.memory_space<hbm>> -> memref<10240x64xf32, #tpu.memory_space<hbm>>
        tpu.enqueue_indirect_dma source(%dma_start3A_647 : memref<10240x64xf32, #tpu.memory_space<hbm>>) target(%dma_start3A_641 : memref<128x64xf32, #tpu.memory_space<vmem>>) offsets(%dma_start3A_644 : memref<128xi32, #tpu.memory_space<vmem>>) semaphore(%arg15 : memref<!tpu.dma_semaphore, #tpu.memory_space<semaphore_mem>>)
      } else {
      }
      %scan3A_623 = arith.constant 0 : i32
      scf.yield %scan3A_623 : i32
    }
    %scan3A_444 = arith.constant 20 : i32
    %dma_wait3A = arith.constant 0 : i32
    %dma_wait3A_445 = arith.constant 76 : i32
    %dma_wait3A_446 = arith.constant 0 : i32
    %dma_wait3A_447 = arith.constant 0 : i32
    %dma_wait3A_448 = tpu.memref_slice %arg8[%dma_wait3A, %dma_wait3A_446, %dma_wait3A_447] : memref<4x128x64xf32, #tpu.memory_space<vmem>> -> memref<1x128x64xf32, #tpu.memory_space<vmem>>
    %dma_wait3A_449 = tpu.memref_squeeze %dma_wait3A_448 : memref<1x128x64xf32, #tpu.memory_space<vmem>> -> memref<128x64xf32, #tpu.memory_space<vmem>>
    %dma_wait3A_450 = arith.constant 0 : i32
    %dma_wait3A_451 = tpu.memref_slice %arg7[%dma_wait3A_445, %dma_wait3A_450] : memref<80x128xi32, #tpu.memory_space<vmem>> -> memref<1x128xi32, #tpu.memory_space<vmem>>
    %dma_wait3A_452 = tpu.memref_squeeze %dma_wait3A_451 : memref<1x128xi32, #tpu.memory_space<vmem>> -> memref<128xi32, #tpu.memory_space<vmem>>
    %dma_wait3A_453 = arith.constant 0 : i32
    %dma_wait3A_454 = arith.constant 0 : i32
    %dma_wait3A_455 = tpu.memref_slice %arg11[%dma_wait3A_453, %dma_wait3A_454] : memref<10240x64xf32, #tpu.memory_space<vmem_shared>> -> memref<10240x64xf32, #tpu.memory_space<vmem_shared>>
    tpu.wait_indirect_dma semaphore(%arg16 : memref<!tpu.dma_semaphore, #tpu.memory_space<semaphore_mem>>) src(%dma_wait3A_449 : memref<128x64xf32, #tpu.memory_space<vmem>>) dst(%dma_wait3A_455 : memref<10240x64xf32, #tpu.memory_space<vmem_shared>>)
    %dma_wait3A_456 = arith.constant 1 : i32
    %dma_wait3A_457 = arith.constant 77 : i32
    %dma_wait3A_458 = arith.constant 0 : i32
    %dma_wait3A_459 = arith.constant 0 : i32
    %dma_wait3A_460 = tpu.memref_slice %arg8[%dma_wait3A_456, %dma_wait3A_458, %dma_wait3A_459] : memref<4x128x64xf32, #tpu.memory_space<vmem>> -> memref<1x128x64xf32, #tpu.memory_space<vmem>>
    %dma_wait3A_461 = tpu.memref_squeeze %dma_wait3A_460 : memref<1x128x64xf32, #tpu.memory_space<vmem>> -> memref<128x64xf32, #tpu.memory_space<vmem>>
    %dma_wait3A_462 = arith.constant 0 : i32
    %dma_wait3A_463 = tpu.memref_slice %arg7[%dma_wait3A_457, %dma_wait3A_462] : memref<80x128xi32, #tpu.memory_space<vmem>> -> memref<1x128xi32, #tpu.memory_space<vmem>>
    %dma_wait3A_464 = tpu.memref_squeeze %dma_wait3A_463 : memref<1x128xi32, #tpu.memory_space<vmem>> -> memref<128xi32, #tpu.memory_space<vmem>>
    %dma_wait3A_465 = arith.constant 0 : i32
    %dma_wait3A_466 = arith.constant 0 : i32
    %dma_wait3A_467 = tpu.memref_slice %arg11[%dma_wait3A_465, %dma_wait3A_466] : memref<10240x64xf32, #tpu.memory_space<vmem_shared>> -> memref<10240x64xf32, #tpu.memory_space<vmem_shared>>
    tpu.wait_indirect_dma semaphore(%arg17 : memref<!tpu.dma_semaphore, #tpu.memory_space<semaphore_mem>>) src(%dma_wait3A_461 : memref<128x64xf32, #tpu.memory_space<vmem>>) dst(%dma_wait3A_467 : memref<10240x64xf32, #tpu.memory_space<vmem_shared>>)
    %dma_wait3A_468 = arith.constant 2 : i32
    %dma_wait3A_469 = arith.constant 78 : i32
    %dma_wait3A_470 = arith.constant 0 : i32
    %dma_wait3A_471 = arith.constant 0 : i32
    %dma_wait3A_472 = tpu.memref_slice %arg8[%dma_wait3A_468, %dma_wait3A_470, %dma_wait3A_471] : memref<4x128x64xf32, #tpu.memory_space<vmem>> -> memref<1x128x64xf32, #tpu.memory_space<vmem>>
    %dma_wait3A_473 = tpu.memref_squeeze %dma_wait3A_472 : memref<1x128x64xf32, #tpu.memory_space<vmem>> -> memref<128x64xf32, #tpu.memory_space<vmem>>
    %dma_wait3A_474 = arith.constant 0 : i32
    %dma_wait3A_475 = tpu.memref_slice %arg7[%dma_wait3A_469, %dma_wait3A_474] : memref<80x128xi32, #tpu.memory_space<vmem>> -> memref<1x128xi32, #tpu.memory_space<vmem>>
    %dma_wait3A_476 = tpu.memref_squeeze %dma_wait3A_475 : memref<1x128xi32, #tpu.memory_space<vmem>> -> memref<128xi32, #tpu.memory_space<vmem>>
    %dma_wait3A_477 = arith.constant 0 : i32
    %dma_wait3A_478 = arith.constant 0 : i32
    %dma_wait3A_479 = tpu.memref_slice %arg11[%dma_wait3A_477, %dma_wait3A_478] : memref<10240x64xf32, #tpu.memory_space<vmem_shared>> -> memref<10240x64xf32, #tpu.memory_space<vmem_shared>>
    tpu.wait_indirect_dma semaphore(%arg18 : memref<!tpu.dma_semaphore, #tpu.memory_space<semaphore_mem>>) src(%dma_wait3A_473 : memref<128x64xf32, #tpu.memory_space<vmem>>) dst(%dma_wait3A_479 : memref<10240x64xf32, #tpu.memory_space<vmem_shared>>)
    %dma_wait3A_480 = arith.constant 3 : i32
    %dma_wait3A_481 = arith.constant 79 : i32
    %dma_wait3A_482 = arith.constant 0 : i32
    %dma_wait3A_483 = arith.constant 0 : i32
    %dma_wait3A_484 = tpu.memref_slice %arg8[%dma_wait3A_480, %dma_wait3A_482, %dma_wait3A_483] : memref<4x128x64xf32, #tpu.memory_space<vmem>> -> memref<1x128x64xf32, #tpu.memory_space<vmem>>
    %dma_wait3A_485 = tpu.memref_squeeze %dma_wait3A_484 : memref<1x128x64xf32, #tpu.memory_space<vmem>> -> memref<128x64xf32, #tpu.memory_space<vmem>>
    %dma_wait3A_486 = arith.constant 0 : i32
    %dma_wait3A_487 = tpu.memref_slice %arg7[%dma_wait3A_481, %dma_wait3A_486] : memref<80x128xi32, #tpu.memory_space<vmem>> -> memref<1x128xi32, #tpu.memory_space<vmem>>
    %dma_wait3A_488 = tpu.memref_squeeze %dma_wait3A_487 : memref<1x128xi32, #tpu.memory_space<vmem>> -> memref<128xi32, #tpu.memory_space<vmem>>
    %dma_wait3A_489 = arith.constant 0 : i32
    %dma_wait3A_490 = arith.constant 0 : i32
    %dma_wait3A_491 = tpu.memref_slice %arg11[%dma_wait3A_489, %dma_wait3A_490] : memref<10240x64xf32, #tpu.memory_space<vmem_shared>> -> memref<10240x64xf32, #tpu.memory_space<vmem_shared>>
    tpu.wait_indirect_dma semaphore(%arg19 : memref<!tpu.dma_semaphore, #tpu.memory_space<semaphore_mem>>) src(%dma_wait3A_485 : memref<128x64xf32, #tpu.memory_space<vmem>>) dst(%dma_wait3A_491 : memref<10240x64xf32, #tpu.memory_space<vmem_shared>>)
    %barrier3A_492 = arith.constant 0 : index
    tpu.barrier barrier_id(%barrier3A_492)
    %scan3A_493 = arith.constant 0 : i32
    %scan3A_494 = arith.constant 0 : i32
    %scan3A_495 = arith.constant 5 : i32
    %scan3A_496 = arith.addi %scan3A_494, %scan3A_495 : i32
    %scan3A_497 = arith.constant 1 : i32
    %scan3A_498 = scf.for %scan3A_500 = %scan3A_494 to %scan3A_496 step %scan3A_497 iter_args(%scan3A_501 = %scan3A_493) -> (i32)  : i32 {
      %mul3A_502 = arith.constant 640 : i32
      %mul3A_503 = arith.muli %arg1, %mul3A_502 : i32
      %mul3A_504 = arith.constant 128 : i32
      %mul3A_505 = arith.muli %scan3A_500, %mul3A_504 : i32
      %add3A_506 = arith.addi %mul3A_503, %mul3A_505 : i32
      "tpu.region"() ({
        %run_scoped3A = tpu.sem_alloc : memref<!tpu.dma_semaphore, #tpu.memory_space<semaphore_mem>>
        %dma_start3A_513 = arith.constant 0 : i32
        %dma_start3A_514 = tpu.memref_slice %arg11[%add3A_506, %dma_start3A_513] : memref<10240x64xf32, #tpu.memory_space<vmem_shared>> -> memref<128x64xf32, #tpu.memory_space<vmem_shared>>
        %dma_start3A_515 = arith.constant 0 : i32
        %dma_start3A_516 = tpu.memref_slice %arg11[%add3A_506, %dma_start3A_515] : memref<10240x64xf32, #tpu.memory_space<vmem_shared>> -> memref<128x64xf32, #tpu.memory_space<vmem_shared>>
        tpu.enqueue_dma source(%dma_start3A_516 : memref<128x64xf32, #tpu.memory_space<vmem_shared>>) target(%arg10 : memref<128x64xf32, #tpu.memory_space<vmem>>) target_semaphore(%run_scoped3A : memref<!tpu.dma_semaphore, #tpu.memory_space<semaphore_mem>>)
        %dma_wait3A_517 = arith.constant 0 : i32
        %dma_wait3A_518 = tpu.memref_slice %arg11[%add3A_506, %dma_wait3A_517] : memref<10240x64xf32, #tpu.memory_space<vmem_shared>> -> memref<128x64xf32, #tpu.memory_space<vmem_shared>>
        %dma_wait3A_519 = arith.constant 0 : i32
        %dma_wait3A_520 = tpu.memref_slice %arg11[%add3A_506, %dma_wait3A_519] : memref<10240x64xf32, #tpu.memory_space<vmem_shared>> -> memref<128x64xf32, #tpu.memory_space<vmem_shared>>
        tpu.wait_dma2 semaphore(%run_scoped3A : memref<!tpu.dma_semaphore, #tpu.memory_space<semaphore_mem>>) src(%dma_wait3A_520 : memref<128x64xf32, #tpu.memory_space<vmem_shared>>) dst(%arg10 : memref<128x64xf32, #tpu.memory_space<vmem>>)
        tpu.yield
      }) : () -> ()
      %mul3A_507 = arith.constant 640 : i32
      %mul3A_508 = arith.muli %arg1, %mul3A_507 : i32
      %mul3A_509 = arith.constant 128 : i32
      %mul3A_510 = arith.muli %scan3A_500, %mul3A_509 : i32
      %add3A_511 = arith.addi %mul3A_508, %mul3A_510 : i32
      "tpu.region"() ({
        %run_scoped3A = tpu.sem_alloc : memref<!tpu.dma_semaphore, #tpu.memory_space<semaphore_mem>>
        %dma_start3A_513 = arith.constant 0 : i32
        %dma_start3A_514 = tpu.memref_slice %arg5[%arg0, %add3A_511, %dma_start3A_513] : memref<2x10240x64xf32, #tpu.memory_space<hbm>> -> memref<1x128x64xf32, #tpu.memory_space<hbm>>
        %dma_start3A_515 = tpu.memref_squeeze %dma_start3A_514 : memref<1x128x64xf32, #tpu.memory_space<hbm>> -> memref<128x64xf32, #tpu.memory_space<hbm>>
        %dma_start3A_516 = arith.constant 0 : i32
        %dma_start3A_517 = tpu.memref_slice %arg5[%arg0, %add3A_511, %dma_start3A_516] : memref<2x10240x64xf32, #tpu.memory_space<hbm>> -> memref<1x128x64xf32, #tpu.memory_space<hbm>>
        %dma_start3A_518 = tpu.memref_squeeze %dma_start3A_517 : memref<1x128x64xf32, #tpu.memory_space<hbm>> -> memref<128x64xf32, #tpu.memory_space<hbm>>
        tpu.enqueue_dma source(%arg10 : memref<128x64xf32, #tpu.memory_space<vmem>>) target(%dma_start3A_518 : memref<128x64xf32, #tpu.memory_space<hbm>>) target_semaphore(%run_scoped3A : memref<!tpu.dma_semaphore, #tpu.memory_space<semaphore_mem>>)
        %dma_wait3A_519 = arith.constant 0 : i32
        %dma_wait3A_520 = tpu.memref_slice %arg5[%arg0, %add3A_511, %dma_wait3A_519] : memref<2x10240x64xf32, #tpu.memory_space<hbm>> -> memref<1x128x64xf32, #tpu.memory_space<hbm>>
        %dma_wait3A_521 = tpu.memref_squeeze %dma_wait3A_520 : memref<1x128x64xf32, #tpu.memory_space<hbm>> -> memref<128x64xf32, #tpu.memory_space<hbm>>
        %dma_wait3A_522 = arith.constant 0 : i32
        %dma_wait3A_523 = tpu.memref_slice %arg5[%arg0, %add3A_511, %dma_wait3A_522] : memref<2x10240x64xf32, #tpu.memory_space<hbm>> -> memref<1x128x64xf32, #tpu.memory_space<hbm>>
        %dma_wait3A_524 = tpu.memref_squeeze %dma_wait3A_523 : memref<1x128x64xf32, #tpu.memory_space<hbm>> -> memref<128x64xf32, #tpu.memory_space<hbm>>
        tpu.wait_dma2 semaphore(%run_scoped3A : memref<!tpu.dma_semaphore, #tpu.memory_space<semaphore_mem>>) src(%arg10 : memref<128x64xf32, #tpu.memory_space<vmem>>) dst(%dma_wait3A_524 : memref<128x64xf32, #tpu.memory_space<hbm>>)
        tpu.yield
      }) : () -> ()
      %scan3A_512 = arith.constant 0 : i32
      scf.yield %scan3A_512 : i32
    }
    %scan3A_499 = arith.constant 5 : i32
    return
  }
}

module attributes {stable_mosaic.version = 14 : i64} {
  func.func @_t1_body(%arg0: i32, %arg1: memref<2x1024x16xf32, #tpu.memory_space<vmem>>, %arg2: memref<1024x128xf32, #tpu.memory_space<vmem>>, %arg3: memref<128x64xf32, #tpu.memory_space<vmem>>, %arg4: memref<1024x64xf32, #tpu.memory_space<vmem>>, %arg5: memref<1024x64xf32, #tpu.memory_space<vmem>>) attributes {dimension_semantics = [#tpu.dimension_semantics<arbitrary>], iteration_bounds = array<i64: 10>, scalar_prefetch = 0 : i64, scratch_operands = 0 : i64, tpu.core_type = #tpu.core_type<tc>, window_params = [{transform_indices = @transform_0, window_bounds = array<i64: 2, 1024, 16>}, {transform_indices = @transform_1, window_bounds = array<i64: 1024, 128>}, {pipeline_mode = #tpu.pipeline_mode<synchronous>, transform_indices = @transform_2, window_bounds = array<i64: 128, 64>}, {transform_indices = @transform_3, window_bounds = array<i64: 1024, 64>}, {transform_indices = @transform_4, window_bounds = array<i64: 1024, 64>}]} {
    %get3A = arith.constant 0 : index
    %get3A_0 = arith.constant 0 : index
    %get3A_1 = arith.constant 0 : index
    %get3A_2 = vector.load %arg1[%get3A, %get3A_0, %get3A_1] : memref<2x1024x16xf32, #tpu.memory_space<vmem>>, vector<1x1024x16xf32>
    %get3A_3 = vector.shape_cast %get3A_2 : vector<1x1024x16xf32> to vector<1024x16xf32>
    %slice3A = vector.extract_strided_slice %get3A_3 {offsets = [0, 0], sizes = [1024, 1], strides = [1, 1]} : vector<1024x16xf32> to vector<1024x1xf32>
    %get3A_4 = arith.constant 1 : index
    %get3A_5 = arith.constant 0 : index
    %get3A_6 = arith.constant 0 : index
    %get3A_7 = vector.load %arg1[%get3A_4, %get3A_5, %get3A_6] : memref<2x1024x16xf32, #tpu.memory_space<vmem>>, vector<1x1024x16xf32>
    %get3A_8 = vector.shape_cast %get3A_7 : vector<1x1024x16xf32> to vector<1024x16xf32>
    %slice3A_9 = vector.extract_strided_slice %get3A_8 {offsets = [0, 0], sizes = [1024, 1], strides = [1, 1]} : vector<1024x16xf32> to vector<1024x1xf32>
    %add3A = arith.addf %slice3A, %slice3A_9 : vector<1024x1xf32>
    %add3A_10 = arith.constant 1.000000e+00 : f32
    %add3A_11 = vector.broadcast %add3A_10 : f32 to vector<1024x1xf32>
    %add3A_12 = arith.addf %add3A, %add3A_11 : vector<1024x1xf32>
    %sqrt3A = math.sqrt %add3A_12 : vector<1024x1xf32>
    %div3A = arith.constant 1.000000e+00 : f32
    %div3A_13 = vector.broadcast %div3A : f32 to vector<1024x1xf32>
    %div3A_14 = arith.divf %div3A_13, %sqrt3A : vector<1024x1xf32>
    %get3A_15 = arith.constant 0 : index
    %get3A_16 = arith.constant 0 : index
    %get3A_17 = vector.load %arg2[%get3A_15, %get3A_16] : memref<1024x128xf32, #tpu.memory_space<vmem>>, vector<1024x128xf32>
    %get3A_18 = arith.constant 0 : index
    %get3A_19 = arith.constant 0 : index
    %get3A_20 = vector.load %arg3[%get3A_18, %get3A_19] : memref<128x64xf32, #tpu.memory_space<vmem>>, vector<128x64xf32>
    %dot_general3A = arith.constant dense<0.000000e+00> : vector<1024x64xf32>
    %dot_general3A_21 = tpu.matmul %get3A_17, %get3A_20, %dot_general3A {dimension_numbers = #tpu.dot_dimension_numbers<[1], [0], [0], [1], [0, 0, 1, 1], [], []>, transpose_lhs_hint = false} : vector<1024x128xf32>, vector<128x64xf32>, vector<1024x64xf32> -> vector<1024x64xf32>
    %mul3A = vector.broadcast %div3A_14 : vector<1024x1xf32> to vector<1024x64xf32>
    %mul3A_22 = arith.mulf %mul3A, %dot_general3A_21 : vector<1024x64xf32>
    %broadcast_in_dim3A = vector.shape_cast %div3A_14 : vector<1024x1xf32> to vector<1024x1xf32>
    %broadcast_in_dim3A_23 = vector.broadcast %broadcast_in_dim3A : vector<1024x1xf32> to vector<1024x64xf32>
    %swap3A = arith.constant 0 : index
    %swap3A_24 = arith.constant 0 : index
    %swap3A_25 = vector.load %arg4[%swap3A, %swap3A_24] : memref<1024x64xf32, #tpu.memory_space<vmem>>, vector<1024x64xf32>
    tpu.vector_store %arg4[%swap3A, %swap3A_24], %broadcast_in_dim3A_23 {strides = array<i32>} : memref<1024x64xf32, #tpu.memory_space<vmem>>, vector<1024x64xf32>,
    %swap3A_26 = arith.constant 0 : index
    %swap3A_27 = arith.constant 0 : index
    %swap3A_28 = vector.load %arg5[%swap3A_26, %swap3A_27] : memref<1024x64xf32, #tpu.memory_space<vmem>>, vector<1024x64xf32>
    tpu.vector_store %arg5[%swap3A_26, %swap3A_27], %mul3A_22 {strides = array<i32>} : memref<1024x64xf32, #tpu.memory_space<vmem>>, vector<1024x64xf32>,
    return
  }
  func.func @transform_0(%arg0: i32) -> (i32, i32, i32) {
    %c0_i32 = arith.constant 0 : i32
    %c0_i32_0 = arith.constant 0 : i32
    %c0_i32_1 = arith.constant 0 : i32
    return %c0_i32, %arg0, %c0_i32_0 : i32, i32, i32
  }
  func.func @transform_1(%arg0: i32) -> (i32, i32) {
    %c0_i32 = arith.constant 0 : i32
    %c0_i32_0 = arith.constant 0 : i32
    return %arg0, %c0_i32 : i32, i32
  }
  func.func @transform_2(%arg0: i32) -> (i32, i32) {
    %c0_i32 = arith.constant 0 : i32
    %c0_i32_0 = arith.constant 0 : i32
    %c0_i32_1 = arith.constant 0 : i32
    return %c0_i32, %c0_i32_0 : i32, i32
  }
  func.func @transform_3(%arg0: i32) -> (i32, i32) {
    %c0_i32 = arith.constant 0 : i32
    %c0_i32_0 = arith.constant 0 : i32
    return %arg0, %c0_i32 : i32, i32
  }
  func.func @transform_4(%arg0: i32) -> (i32, i32) {
    %c0_i32 = arith.constant 0 : i32
    %c0_i32_0 = arith.constant 0 : i32
    return %arg0, %c0_i32 : i32, i32
  }
}

module attributes {stable_mosaic.version = 14 : i64} {
  func.func @_t2_body(%arg0: i32, %arg1: memref<2x1024x64xf32, #tpu.memory_space<vmem>>, %arg2: memref<1024x64xf32, #tpu.memory_space<vmem>>, %arg3: memref<1024x64xf32, #tpu.memory_space<vmem>>, %arg4: memref<1x64xf32, #tpu.memory_space<vmem>>, %arg5: memref<64x64xf32, #tpu.memory_space<vmem>>, %arg6: memref<1024x64xf32, #tpu.memory_space<vmem>>) attributes {dimension_semantics = [#tpu.dimension_semantics<arbitrary>], iteration_bounds = array<i64: 10>, scalar_prefetch = 0 : i64, scratch_operands = 0 : i64, tpu.core_type = #tpu.core_type<tc>, window_params = [{transform_indices = @transform_0, window_bounds = array<i64: 2, 1024, 64>}, {transform_indices = @transform_1, window_bounds = array<i64: 1024, 64>}, {transform_indices = @transform_2, window_bounds = array<i64: 1024, 64>}, {pipeline_mode = #tpu.pipeline_mode<synchronous>, transform_indices = @transform_3, window_bounds = array<i64: 1, 64>}, {pipeline_mode = #tpu.pipeline_mode<synchronous>, transform_indices = @transform_4, window_bounds = array<i64: 64, 64>}, {transform_indices = @transform_5, window_bounds = array<i64: 1024, 64>}]} {
    %get3A = arith.constant 0 : index
    %get3A_0 = arith.constant 0 : index
    %get3A_1 = vector.load %arg3[%get3A, %get3A_0] : memref<1024x64xf32, #tpu.memory_space<vmem>>, vector<1024x64xf32>
    %get3A_2 = arith.constant 0 : index
    %get3A_3 = arith.constant 0 : index
    %get3A_4 = arith.constant 0 : index
    %get3A_5 = vector.load %arg1[%get3A_2, %get3A_3, %get3A_4] : memref<2x1024x64xf32, #tpu.memory_space<vmem>>, vector<1x1024x64xf32>
    %get3A_6 = vector.shape_cast %get3A_5 : vector<1x1024x64xf32> to vector<1024x64xf32>
    %get3A_7 = arith.constant 1 : index
    %get3A_8 = arith.constant 0 : index
    %get3A_9 = arith.constant 0 : index
    %get3A_10 = vector.load %arg1[%get3A_7, %get3A_8, %get3A_9] : memref<2x1024x64xf32, #tpu.memory_space<vmem>>, vector<1x1024x64xf32>
    %get3A_11 = vector.shape_cast %get3A_10 : vector<1x1024x64xf32> to vector<1024x64xf32>
    %add3A = arith.addf %get3A_6, %get3A_11 : vector<1024x64xf32>
    %get3A_12 = arith.constant 0 : index
    %get3A_13 = arith.constant 0 : index
    %get3A_14 = vector.load %arg2[%get3A_12, %get3A_13] : memref<1024x64xf32, #tpu.memory_space<vmem>>, vector<1024x64xf32>
    %add3A_15 = arith.addf %add3A, %get3A_14 : vector<1024x64xf32>
    %mul3A = arith.mulf %get3A_1, %add3A_15 : vector<1024x64xf32>
    %get3A_16 = arith.constant 0 : index
    %get3A_17 = arith.constant 0 : index
    %get3A_18 = vector.load %arg4[%get3A_16, %get3A_17] : memref<1x64xf32, #tpu.memory_space<vmem>>, vector<1x64xf32>
    %add3A_19 = vector.broadcast %get3A_18 : vector<1x64xf32> to vector<1024x64xf32>
    %add3A_20 = arith.addf %mul3A, %add3A_19 : vector<1024x64xf32>
    %max3A = arith.constant 0.000000e+00 : f32
    %max3A_21 = vector.broadcast %max3A : f32 to vector<1024x64xf32>
    %max3A_22 = arith.maximumf %add3A_20, %max3A_21 : vector<1024x64xf32>
    %get3A_23 = arith.constant 0 : index
    %get3A_24 = arith.constant 0 : index
    %get3A_25 = vector.load %arg5[%get3A_23, %get3A_24] : memref<64x64xf32, #tpu.memory_space<vmem>>, vector<64x64xf32>
    %dot_general3A = arith.constant dense<0.000000e+00> : vector<1024x64xf32>
    %dot_general3A_26 = tpu.matmul %max3A_22, %get3A_25, %dot_general3A {dimension_numbers = #tpu.dot_dimension_numbers<[1], [0], [0], [1], [0, 0, 1, 1], [], []>, transpose_lhs_hint = false} : vector<1024x64xf32>, vector<64x64xf32>, vector<1024x64xf32> -> vector<1024x64xf32>
    %mul3A_27 = arith.mulf %get3A_1, %dot_general3A_26 : vector<1024x64xf32>
    %swap3A = arith.constant 0 : index
    %swap3A_28 = arith.constant 0 : index
    %swap3A_29 = vector.load %arg6[%swap3A, %swap3A_28] : memref<1024x64xf32, #tpu.memory_space<vmem>>, vector<1024x64xf32>
    tpu.vector_store %arg6[%swap3A, %swap3A_28], %mul3A_27 {strides = array<i32>} : memref<1024x64xf32, #tpu.memory_space<vmem>>, vector<1024x64xf32>,
    return
  }
  func.func @transform_0(%arg0: i32) -> (i32, i32, i32) {
    %c0_i32 = arith.constant 0 : i32
    %c0_i32_0 = arith.constant 0 : i32
    %c0_i32_1 = arith.constant 0 : i32
    return %c0_i32, %arg0, %c0_i32_0 : i32, i32, i32
  }
  func.func @transform_1(%arg0: i32) -> (i32, i32) {
    %c0_i32 = arith.constant 0 : i32
    %c0_i32_0 = arith.constant 0 : i32
    return %arg0, %c0_i32 : i32, i32
  }
  func.func @transform_2(%arg0: i32) -> (i32, i32) {
    %c0_i32 = arith.constant 0 : i32
    %c0_i32_0 = arith.constant 0 : i32
    return %arg0, %c0_i32 : i32, i32
  }
  func.func @transform_3(%arg0: i32) -> (i32, i32) {
    %c0_i32 = arith.constant 0 : i32
    %c0_i32_0 = arith.constant 0 : i32
    %c0_i32_1 = arith.constant 0 : i32
    return %c0_i32, %c0_i32_0 : i32, i32
  }
  func.func @transform_4(%arg0: i32) -> (i32, i32) {
    %c0_i32 = arith.constant 0 : i32
    %c0_i32_0 = arith.constant 0 : i32
    %c0_i32_1 = arith.constant 0 : i32
    return %c0_i32, %c0_i32_0 : i32, i32
  }
  func.func @transform_5(%arg0: i32) -> (i32, i32) {
    %c0_i32 = arith.constant 0 : i32
    %c0_i32_0 = arith.constant 0 : i32
    return %arg0, %c0_i32 : i32, i32
  }
}

module attributes {stable_mosaic.version = 14 : i64} {
  func.func @_t3_body(%arg0: i32, %arg1: memref<2x1024x64xf32, #tpu.memory_space<vmem>>, %arg2: memref<1024x64xf32, #tpu.memory_space<vmem>>, %arg3: memref<1024x64xf32, #tpu.memory_space<vmem>>, %arg4: memref<1x64xf32, #tpu.memory_space<vmem>>, %arg5: memref<64x64xf32, #tpu.memory_space<vmem>>, %arg6: memref<1x64xf32, #tpu.memory_space<vmem>>, %arg7: memref<64x128xf32, #tpu.memory_space<vmem>>, %arg8: memref<1x128xf32, #tpu.memory_space<vmem>>, %arg9: memref<1024x128xf32, #tpu.memory_space<vmem>>) attributes {dimension_semantics = [#tpu.dimension_semantics<arbitrary>], iteration_bounds = array<i64: 10>, scalar_prefetch = 0 : i64, scratch_operands = 0 : i64, tpu.core_type = #tpu.core_type<tc>, window_params = [{transform_indices = @transform_0, window_bounds = array<i64: 2, 1024, 64>}, {transform_indices = @transform_1, window_bounds = array<i64: 1024, 64>}, {transform_indices = @transform_2, window_bounds = array<i64: 1024, 64>}, {pipeline_mode = #tpu.pipeline_mode<synchronous>, transform_indices = @transform_3, window_bounds = array<i64: 1, 64>}, {pipeline_mode = #tpu.pipeline_mode<synchronous>, transform_indices = @transform_4, window_bounds = array<i64: 64, 64>}, {pipeline_mode = #tpu.pipeline_mode<synchronous>, transform_indices = @transform_5, window_bounds = array<i64: 1, 64>}, {pipeline_mode = #tpu.pipeline_mode<synchronous>, transform_indices = @transform_6, window_bounds = array<i64: 64, 128>}, {pipeline_mode = #tpu.pipeline_mode<synchronous>, transform_indices = @transform_7, window_bounds = array<i64: 1, 128>}, {transform_indices = @transform_8, window_bounds = array<i64: 1024, 128>}]} {
    %get3A = arith.constant 0 : index
    %get3A_0 = arith.constant 0 : index
    %get3A_1 = vector.load %arg3[%get3A, %get3A_0] : memref<1024x64xf32, #tpu.memory_space<vmem>>, vector<1024x64xf32>
    %get3A_2 = arith.constant 0 : index
    %get3A_3 = arith.constant 0 : index
    %get3A_4 = arith.constant 0 : index
    %get3A_5 = vector.load %arg1[%get3A_2, %get3A_3, %get3A_4] : memref<2x1024x64xf32, #tpu.memory_space<vmem>>, vector<1x1024x64xf32>
    %get3A_6 = vector.shape_cast %get3A_5 : vector<1x1024x64xf32> to vector<1024x64xf32>
    %get3A_7 = arith.constant 1 : index
    %get3A_8 = arith.constant 0 : index
    %get3A_9 = arith.constant 0 : index
    %get3A_10 = vector.load %arg1[%get3A_7, %get3A_8, %get3A_9] : memref<2x1024x64xf32, #tpu.memory_space<vmem>>, vector<1x1024x64xf32>
    %get3A_11 = vector.shape_cast %get3A_10 : vector<1x1024x64xf32> to vector<1024x64xf32>
    %add3A = arith.addf %get3A_6, %get3A_11 : vector<1024x64xf32>
    %get3A_12 = arith.constant 0 : index
    %get3A_13 = arith.constant 0 : index
    %get3A_14 = vector.load %arg2[%get3A_12, %get3A_13] : memref<1024x64xf32, #tpu.memory_space<vmem>>, vector<1024x64xf32>
    %add3A_15 = arith.addf %add3A, %get3A_14 : vector<1024x64xf32>
    %mul3A = arith.mulf %get3A_1, %add3A_15 : vector<1024x64xf32>
    %get3A_16 = arith.constant 0 : index
    %get3A_17 = arith.constant 0 : index
    %get3A_18 = vector.load %arg4[%get3A_16, %get3A_17] : memref<1x64xf32, #tpu.memory_space<vmem>>, vector<1x64xf32>
    %add3A_19 = vector.broadcast %get3A_18 : vector<1x64xf32> to vector<1024x64xf32>
    %add3A_20 = arith.addf %mul3A, %add3A_19 : vector<1024x64xf32>
    %max3A = arith.constant 0.000000e+00 : f32
    %max3A_21 = vector.broadcast %max3A : f32 to vector<1024x64xf32>
    %max3A_22 = arith.maximumf %add3A_20, %max3A_21 : vector<1024x64xf32>
    %get3A_23 = arith.constant 0 : index
    %get3A_24 = arith.constant 0 : index
    %get3A_25 = vector.load %arg5[%get3A_23, %get3A_24] : memref<64x64xf32, #tpu.memory_space<vmem>>, vector<64x64xf32>
    %dot_general3A = arith.constant dense<0.000000e+00> : vector<1024x64xf32>
    %dot_general3A_26 = tpu.matmul %max3A_22, %get3A_25, %dot_general3A {dimension_numbers = #tpu.dot_dimension_numbers<[1], [0], [0], [1], [0, 0, 1, 1], [], []>, transpose_lhs_hint = false} : vector<1024x64xf32>, vector<64x64xf32>, vector<1024x64xf32> -> vector<1024x64xf32>
    %get3A_27 = arith.constant 0 : index
    %get3A_28 = arith.constant 0 : index
    %get3A_29 = vector.load %arg6[%get3A_27, %get3A_28] : memref<1x64xf32, #tpu.memory_space<vmem>>, vector<1x64xf32>
    %add3A_30 = vector.broadcast %get3A_29 : vector<1x64xf32> to vector<1024x64xf32>
    %add3A_31 = arith.addf %dot_general3A_26, %add3A_30 : vector<1024x64xf32>
    %max3A_32 = arith.constant 0.000000e+00 : f32
    %max3A_33 = vector.broadcast %max3A_32 : f32 to vector<1024x64xf32>
    %max3A_34 = arith.maximumf %add3A_31, %max3A_33 : vector<1024x64xf32>
    %get3A_35 = arith.constant 0 : index
    %get3A_36 = arith.constant 0 : index
    %get3A_37 = vector.load %arg7[%get3A_35, %get3A_36] : memref<64x128xf32, #tpu.memory_space<vmem>>, vector<64x128xf32>
    %dot_general3A_38 = arith.constant dense<0.000000e+00> : vector<1024x128xf32>
    %dot_general3A_39 = tpu.matmul %max3A_34, %get3A_37, %dot_general3A_38 {dimension_numbers = #tpu.dot_dimension_numbers<[1], [0], [0], [1], [0, 0, 1, 1], [], []>, transpose_lhs_hint = false} : vector<1024x64xf32>, vector<64x128xf32>, vector<1024x128xf32> -> vector<1024x128xf32>
    %get3A_40 = arith.constant 0 : index
    %get3A_41 = arith.constant 0 : index
    %get3A_42 = vector.load %arg8[%get3A_40, %get3A_41] : memref<1x128xf32, #tpu.memory_space<vmem>>, vector<1x128xf32>
    %add3A_43 = vector.broadcast %get3A_42 : vector<1x128xf32> to vector<1024x128xf32>
    %add3A_44 = arith.addf %dot_general3A_39, %add3A_43 : vector<1024x128xf32>
    %reduce_max3A = arith.constant dense<0xFF800000> : vector<1024xf32>
    %reduce_max3A_45 = vector.multi_reduction <maximumf>, %add3A_44, %reduce_max3A [1] : vector<1024x128xf32> to vector<1024xf32>
    %broadcast_in_dim3A = vector.shape_cast %reduce_max3A_45 : vector<1024xf32> to vector<1024x1xf32>
    %sub3A = vector.broadcast %broadcast_in_dim3A : vector<1024x1xf32> to vector<1024x128xf32>
    %sub3A_46 = arith.subf %add3A_44, %sub3A : vector<1024x128xf32>
    %exp3A = math.exp %sub3A_46 : vector<1024x128xf32>
    %reduce_sum3A = arith.constant dense<0.000000e+00> : vector<1024xf32>
    %reduce_sum3A_47 = vector.multi_reduction <add>, %exp3A, %reduce_sum3A [1] : vector<1024x128xf32> to vector<1024xf32>
    %broadcast_in_dim3A_48 = vector.shape_cast %reduce_sum3A_47 : vector<1024xf32> to vector<1024x1xf32>
    %div3A = vector.broadcast %broadcast_in_dim3A_48 : vector<1024x1xf32> to vector<1024x128xf32>
    %div3A_49 = arith.divf %exp3A, %div3A : vector<1024x128xf32>
    %swap3A = arith.constant 0 : index
    %swap3A_50 = arith.constant 0 : index
    %swap3A_51 = vector.load %arg9[%swap3A, %swap3A_50] : memref<1024x128xf32, #tpu.memory_space<vmem>>, vector<1024x128xf32>
    tpu.vector_store %arg9[%swap3A, %swap3A_50], %div3A_49 {strides = array<i32>} : memref<1024x128xf32, #tpu.memory_space<vmem>>, vector<1024x128xf32>,
    return
  }
  func.func @transform_0(%arg0: i32) -> (i32, i32, i32) {
    %c0_i32 = arith.constant 0 : i32
    %c0_i32_0 = arith.constant 0 : i32
    %c0_i32_1 = arith.constant 0 : i32
    return %c0_i32, %arg0, %c0_i32_0 : i32, i32, i32
  }
  func.func @transform_1(%arg0: i32) -> (i32, i32) {
    %c0_i32 = arith.constant 0 : i32
    %c0_i32_0 = arith.constant 0 : i32
    return %arg0, %c0_i32 : i32, i32
  }
  func.func @transform_2(%arg0: i32) -> (i32, i32) {
    %c0_i32 = arith.constant 0 : i32
    %c0_i32_0 = arith.constant 0 : i32
    return %arg0, %c0_i32 : i32, i32
  }
  func.func @transform_3(%arg0: i32) -> (i32, i32) {
    %c0_i32 = arith.constant 0 : i32
    %c0_i32_0 = arith.constant 0 : i32
    %c0_i32_1 = arith.constant 0 : i32
    return %c0_i32, %c0_i32_0 : i32, i32
  }
  func.func @transform_4(%arg0: i32) -> (i32, i32) {
    %c0_i32 = arith.constant 0 : i32
    %c0_i32_0 = arith.constant 0 : i32
    %c0_i32_1 = arith.constant 0 : i32
    return %c0_i32, %c0_i32_0 : i32, i32
  }
  func.func @transform_5(%arg0: i32) -> (i32, i32) {
    %c0_i32 = arith.constant 0 : i32
    %c0_i32_0 = arith.constant 0 : i32
    %c0_i32_1 = arith.constant 0 : i32
    return %c0_i32, %c0_i32_0 : i32, i32
  }
  func.func @transform_6(%arg0: i32) -> (i32, i32) {
    %c0_i32 = arith.constant 0 : i32
    %c0_i32_0 = arith.constant 0 : i32
    %c0_i32_1 = arith.constant 0 : i32
    return %c0_i32, %c0_i32_0 : i32, i32
  }
  func.func @transform_7(%arg0: i32) -> (i32, i32) {
    %c0_i32 = arith.constant 0 : i32
    %c0_i32_0 = arith.constant 0 : i32
    %c0_i32_1 = arith.constant 0 : i32
    return %c0_i32, %c0_i32_0 : i32, i32
  }
  func.func @transform_8(%arg0: i32) -> (i32, i32) {
    %c0_i32 = arith.constant 0 : i32
    %c0_i32_0 = arith.constant 0 : i32
    return %arg0, %c0_i32 : i32, i32
  }
}

</mosaic_0001>

<sc_bundles>
// kernel: kernel.10.cloned.1.call-start
scs
__scs_entry_jumppad:
0x0: {  	(pc) =	sbr.rel $0x88, $3  }
0x1: {  	(tag) =	ssettag $0x0;
	lr =	simm.s32 $0x1  }
0x2: {  	[smem:$0x3F95] =	sst lr;
	_ =	strace $0xD0000000  }
0x3: {  	_ = 	snop  }
0x4: {  	_ = 	snop  }
0x5: {  	_ = 	snop  }
0x6: {  	_ = 	snop  }
0x7: {  	_ = 	snop  }
__scs_overlays_trampoline_lowered:
0x8: {  	[smem:$0x3FA4] =	sst s0  }
0x9: {  	[smem:$0x3FA5] =	sst s1  }
0xa: {  	[smem:$0x3FA6] =	sst s2  }
0xb: {  	[smem:$0x3FA7] =	sst s3  }
0xc: {  	[smem:$0x3FA8] =	sst s4  }
0xd: {  	[smem:$0x3FA9] =	sst s5  }
0xe: {  	[smem:$0x3FAA] =	sst s6  }
0xf: {  	[smem:$0x3FAB] =	sst s7  }
0x10: {  	[smem:$0x3FAC] =	sst s8  }
0x11: {  	[smem:$0x3FAD] =	sst s9;
	s0 =	simm.s32 @!p0 $0x0  }
0x12: {  	s1 =	sld [smem:$0x3F93];
	s0 =	simm.s32 @p0 $0x1  }
0x13: {  	[smem:$0x3FAE] =	sst s0;
	s0 =	simm.s32 @!p1 $0x0  }
0x14: {  	s2 =	sld [smem:$0x3F92];
	s0 =	simm.s32 @p1 $0x1  }
0x15: {  	[smem:$0x3FAF] =	sst s0;
	s0 =	simm.s32 @!p2 $0x0  }
0x16: {  	s3 =	sld [smem:$0x3FDB];
	s0 =	simm.s32 @p2 $0x1  }
0x17: {  	s4 =	simm.s32 $0x1BF5;
	[smem:$0x3FB1] =	sst s0  }
0x18: {  	s0 =	sld [smem:$0x3F94];
	_ =	swait.ge [sflag:s4], $0x0  }
0x19: {  	s7 =	sld [smem:$0x3F95]  }
0x1a: {  	s8 =	sadd.s32 $0xFFFFE003, lr  }
0x1b: {  	s9 =	sadd.s32 $0xFFFFFEF7, lr;
	s5 =	simm.s32 $0xFFFFFFFF;
	p2 =	slt.u32 s8, $0xFFFFF086  }
0x1c: {  	p1 =	slt.u32 s9, $0xF7A;
	s5 =	simm.s32 @!p2 $0x0  }
0x1d: {  	s5 =	simm.s32 @p1 $0x1;
	p0 =	seq.s32 s7, s2  }
0x1e: {  	s7 =	smul.u32 @!p0 $0xF7A, s2;
	p2 =	seq.s32 @!p0 s5, $0x0  }
0x1f: {  	s9 =	smul.u32 $0xF7A, s1;
	s8 =	simm.s32 @!p0 $0x1BF5;
	p2 =	por !p2, p0  }
0x20: {  	[sflag:s8] =	ssyncset.s32 @!p0 $0xFFFFF086;
	s6 =	sadd.s32 @!p0 s3, s7;
	s7 =	simm.s32 @!p0 $0x108  }
0x21: {  	s3 =	sadd.s32 s3, s9;
	s6 =	sadd.s32 @!p0 $0x88, s6;
	s7 =	simm.s32 @p2 $0x1082  }
0x22: {  	[simem:s7], [sflag:s8] =	dma.local @!p0 [hbm:s6], $0xF7A  }
0x23: {  	s9 =	sor.u32 $0xD0000000, s2;
	s6 =	simm.s32 $0x108;
	_ =	swait.ge @!p0 [sflag:s8], $0x0  }
0x24: {  	s3 =	sadd.s32 $0x88, s3;
	s6 =	simm.s32 @!p1 $0x1082;
	[sflag:s4] =	ssyncset.s32 $0xFFFFF086  }
0x25: {  	[simem:s6], [sflag:s4] =	dma.local [hbm:s3], $0xF7A  }
0x26: {  	[smem:$0x3F95] =	sst s1;
	(tag) =	ssettag s2;
	_ =	strace s9  }
0x27: {  	s1 =	sld [smem:$0x3FA5]  }
0x28: {  	s2 =	sld [smem:$0x3FA6]  }
0x29: {  	s4 =	sld [smem:$0x3FA8]  }
0x2a: {  	p0 =	seq.s32 s5, $0x0;
	s5 =	sld [smem:$0x3FA9]  }
0x2b: {  	s6 =	sld [smem:$0x3FAA]  }
0x2c: {  	s7 =	sld [smem:$0x3FAB]  }
0x2d: {  	s3 =	simm.s32 $0x108;
	s8 =	sld [smem:$0x3FAC]  }
0x2e: {  	s3 =	simm.s32 @!p0 $0x1082;
	s9 =	sld [smem:$0x3FAD]  }
0x2f: {  	lr =	sadd.s32 s0, s3;
	s0 =	sld [smem:$0x3FA4]  }
0x30: {  	s3 =	sld [smem:$0x3FA7]  }
0x31: {  	[smem:$0x3FB0] =	sst s10  }
0x32: {  	s10 =	sld [smem:$0x3FAE];
	_ =	sdelay $0x3  }
0x33: {  	p0 =	seq.s32 s10, $0x1;
	s10 =	sld [smem:$0x3FB0];
	_ =	sdelay $0x3  }
0x34: {  	[smem:$0x3FB0] =	sst s10  }
0x35: {  	s10 =	sld [smem:$0x3FAF];
	_ =	sdelay $0x3  }
0x36: {  	p1 =	seq.s32 s10, $0x1;
	s10 =	sld [smem:$0x3FB0];
	_ =	sdelay $0x3  }
0x37: {  	[smem:$0x3FB0] =	sst s10  }
0x38: {  	s10 =	sld [smem:$0x3FB1]  }
0x39: {  	_ = 	snop;
	(pc) =	sbr.ind lr, $3  }
0x3a: {  	_ = 	snop  }
0x3b: {  	_ = 	snop  }
0x3c: {  	p2 =	seq.s32 s10, $0x1;
	s10 =	sld [smem:$0x3FB0]  }
0x3d: {  	_ =	shalt  }
0x3e: {  	_ =	shalt  }
0x3f: {  	_ =	shalt  }
0x40: {  	_ =	shalt  }
0x41: {  	_ =	shalt  }
0x42: {  	_ =	shalt  }
0x43: {  	_ =	shalt  }
0x44: {  	_ =	shalt  }
0x45: {  	_ =	shalt  }
0x46: {  	_ =	shalt  }
0x47: {  	_ =	shalt  }
0x48: {  	_ =	shalt  }
0x49: {  	_ =	shalt  }
0x4a: {  	_ =	shalt  }
0x4b: {  	_ =	shalt  }
0x4c: {  	_ =	shalt  }
0x4d: {  	_ =	shalt  }
0x4e: {  	_ =	shalt  }
0x4f: {  	_ =	shalt  }
0x50: {  	_ =	shalt  }
0x51: {  	_ =	shalt  }
0x52: {  	_ =	shalt  }
0x53: {  	_ =	shalt  }
0x54: {  	_ =	shalt  }
0x55: {  	_ =	shalt  }
0x56: {  	_ =	shalt  }
0x57: {  	_ =	shalt  }
0x58: {  	_ =	shalt  }
0x59: {  	_ =	shalt  }
0x5a: {  	_ =	shalt  }
0x5b: {  	_ =	shalt  }
0x5c: {  	_ =	shalt  }
0x5d: {  	_ =	shalt  }
0x5e: {  	_ =	shalt  }
0x5f: {  	_ =	shalt  }
0x60: {  	_ =	shalt  }
0x61: {  	_ =	shalt  }
0x62: {  	_ =	shalt  }
0x63: {  	_ =	shalt  }
0x64: {  	_ =	shalt  }
0x65: {  	_ =	shalt  }
0x66: {  	_ =	shalt  }
0x67: {  	_ =	shalt  }
0x68: {  	_ =	shalt  }
0x69: {  	_ =	shalt  }
0x6a: {  	_ =	shalt  }
0x6b: {  	_ =	shalt  }
0x6c: {  	_ =	shalt  }
0x6d: {  	_ =	shalt  }
0x6e: {  	_ =	shalt  }
0x6f: {  	_ =	shalt  }
0x70: {  	_ =	shalt  }
0x71: {  	_ =	shalt  }
0x72: {  	_ =	shalt  }
0x73: {  	_ =	shalt  }
0x74: {  	_ =	shalt  }
0x75: {  	_ =	shalt  }
0x76: {  	_ =	shalt  }
0x77: {  	_ =	shalt  }
0x78: {  	_ =	shalt  }
0x79: {  	_ =	shalt  }
0x7a: {  	_ =	shalt  }
0x7b: {  	_ =	shalt  }
0x7c: {  	_ =	shalt  }
0x7d: {  	_ =	shalt  }
0x7e: {  	_ =	shalt  }
0x7f: {  	_ =	shalt  }
0x80: {  	_ =	shalt  }
0x81: {  	_ =	shalt  }
0x82: {  	_ =	shalt  }
0x83: {  	_ =	shalt  }
0x84: {  	_ =	shalt  }
0x85: {  	_ =	shalt  }
0x86: {  	_ =	shalt  }
0x87: {  	_ =	shalt  }
.Lfunc_end0:
.L_simem_size_0:
called_computation_lowered:
.L_overlay_start_0:
0x88: {  	s2 =	sld [smem:$0x3FD9]  }
0x89: {  	s3 =	sld [smem:$0x3FFE];
	_ =	sdelay $0x1  }
0x8a: {  	s1 =	srdreg.scid  }
0x8b: {  	s0 =	sand.u32 $0x1, s1  }
0x8c: {  	s16 =	sshll.u32 s0, $0xA;
	s2 =	sadd.s32 s3, s2  }
0x8d: {  	s2 =	sadd.s32 s2, s16  }
0x8e: {  	[smem:$0x3FBC] =	sst s2  }
0x8f: {  	_ = 	snop  }
0x90: {  	(tm) =	ssettm $0x1  }
0x91: {  	s17 =	sld [smem:$0x3FFB];
	_ =	sdelay $0x3  }
0x92: {  	_ =	strace s17  }
0x93: {  	s2 =	sld [smem:$0x3FFC];
	_ =	sdelay $0x3  }
0x94: {  	_ =	strace s2  }
0x95: {  	s2 =	sld [smem:$0x3FFD];
	_ =	sdelay $0x3  }
0x96: {  	_ =	strace s2  }
0x97: {  	_ =	strace $0x8FFFFFFF  }
0x98: {  	s18 =	sld [smem:$0x3FDB];
	_ =	sdelay $0x1  }
0x99: {  	s19 =	simm.s32 $_scs_section_size  }
0x9a: {  	s4 =	simm.s32 $_size__tile_overlayer_lowered;
	s5 =	simm.s32 $_tile_overlayer_lowered  }
0x9b: {  	s22 =	simm.s32 $0x1BFF;
	s21 =	sshll.u32 s5, $0x1;
	s2 =	sadd.s32 s19, s18  }
0x9c: {  	s6 =	simm.s32 $0x0;
	s20 =	sshll.u32 s4, $0x1;
	s4 =	sadd.s32 s21, s2  }
0x9d: {  	[timem:s6], [sflag:s22] =	dma.local [hbm:s4], s20  }
0x9e: {  	_ =	swait.ge [sflag:s22], s20  }
0x9f: {  	s3 =	ssub.s32 $0x0, s20;
	[sflag:s22] =	ssyncset.done $0x0  }
0xa0: {  	[sflag:s22] =	ssyncadd.s32 s3;
	_ =	sdelay $0x1  }
0xa1: {  	s23 =	simm.s32 $0x1B8B  }
0xa2: {  	_ =	swait.ge [sflag:s23], $0x1  }
0xa3: {  	[sflag:s23] =	ssyncset.done $0x0  }
0xa4: {  	s25 =	simm.s32 $0x1B8E;
	s24 =	sld [smem:$0x3FFE];
	[sflag:s23] =	ssyncadd.s32 $0xFFFFFFFF  }
0xa5: {  	s26 =	simm.s32 $execute0_lowered;
	[smem:$0x3FD2] =	sst s25  }
0xa6: {  	s4 =	sshll.u32 s26, $0x1;
	_ =	strace $0x80000046;
	[dreg:$0x1] =	wrdreg $0xFFFFFFFF  }
0xa7: {  	s28 =	simm.s32 $_size_execute0_lowered;
	s2 =	sadd.s32 s2, s4;
	[dreg:$0x0] =	wrdreg $0x0  }
0xa8: {  	s4 =	sshll.u32 s28, $0x1;
	[dreg:$0x2] =	wrdreg s2  }
0xa9: {  	[dreg:$0x3] =	wrdreg s4  }
0xaa: {  	[dreg:$0x4] =	wrdreg $0xC0  }
0xab: {  	_ =	task [dreg:s6], $0x5FFFF  }
0xac: {  	[dreg:$0x1] =	wrdreg $0xFFFFFFFF  }
0xad: {  	[dreg:$0x0] =	wrdreg $0x60  }
0xae: {  	[dreg:$0x2] =	wrdreg s24  }
0xaf: {  	[dreg:$0x3] =	wrdreg $0x39000  }
0xb0: {  	[dreg:$0x4] =	wrdreg $0x9  }
0xb1: {  	_ =	task.clear_ibuf [dreg:s6], $0x5FFFF;
	_ =	strace $0x90000046  }
0xb2: {  	s29 =	simm.s32 $0x9;
	_ =	strace $0x80000048  }
0xb3: {  	_ =	swait.ge [sflag:s29], $0x1  }
0xb4: {  	[sflag:s29] =	ssyncadd.s32 $0xFFFFFFFF  }
0xb5: {  	_ =	strace $0x90000048  }
0xb6: {  	_ =	sfence  }
0xb7: {  	s30 =	sld [smem:$0x0];
	_ =	sdelay $0x2  }
0xb8: {  	s31 =	sshll.u32 s1, $0xD;
	s1 =	sshrl.u32 s1, $0x2  }
0xb9: {  	s3 =	sand.u32 $0x4000, s31;
	s1 =	sadd.s32 s1, s30  }
0xba: {  	s0 =	sor.u32 s3, s0;
	s1 =	sshll.u32 s1, $0x11  }
0xbb: {  	s0 =	sor.u32 s1, s0  }
0xbc: {  	s0 =	sadd.s32 $0x8F2B, s0  }
0xbd: {  	[sflag:s0] =	ssyncadd.remote.s32 $0x1  }
0xbe: {  	_ =	sfence.sel $0xFFFF  }
0xbf: {  	[dreg:$0x0] =	wrdreg $0xFFFFFFFF;
	(pc) =	sbr.abs _section_cstart, $3  }
0xc0: {  	[dreg:$0x1] =	wrdreg $0xFFFFFFFF  }
0xc1: {  	_ =	task.clear_ibuf [dreg:s6], $0x2FFFF;
	_ =	strace $0x9FFFFFFF  }
0xc2: {  	(tm) =	ssettm $0x7FFFFFFF  }
0xc3: {  	_ =	shalt  }
tec
execute0_lowered:
.L_overlay_start_1:
0x0: {  	(tag) =	ssettag $0x1  }
0x1: {  	s5 =	rddreg [dreg:$0x0]  }
0x2: {  	s0 =	srdreg.scid;
	s2 =	rddreg [dreg:$0x1]  }
0x3: {  	s3 =	simm.s32 $0x0;
	s19 =	simm.s32 $0x80;
	s20 =	simm.s32 $0x2800  }
0x4: {  	s21 =	simm.s32 $0x3100;
	s4 =	sand.u32 $0x1, s0;
	s0 =	stileid.u32  }
0x5: {  	s22 =	simm.s32 $0x0;
	[smem:$0x7FF] =	sst s3;
	s7 =	smul.u32 $0xA000, s0  }
0x6: {  	s16 =	sadd.s32 $0xC000, s5;
	s1 =	sshll.u32 s4, $0x4;
	s12 =	smul.u32 $0x2800, s0  }
0x7: {  	s8 =	ssub.s32 $0x2, s4;
	s13 =	smul.u32 $0x28000, s4;
	s6 =	sor.u32 s0, s1  }
0x8: {  	s1 =	rddreg [dreg:$0x2];
	_ =	strace $0x80000047;
	s9 =	sshrl.u32 s8, $0x1  }
0x9: {  	s6 =	smul.u32 $0x500, s6;
	s8 =	ssub.s32 s8, s9;
	s26 =	sshrl.u32 s7, $0x2  }
0xa: {  	s28 =	sadd.s32 s13, s12;
	s10 =	sadd.s32 $0x800, s12;
	s14 =	sadd.s32 $0x1000, s12  }
0xb: {  	s15 =	sadd.s32 $0x1800, s12;
	s17 =	sadd.s32 $0x2000, s12;
	s29 =	sshrl.u32 s28, $0x3  }
0xc: {  	s7 =	smax.u32 s8, $0x1;
	s11 =	sadd.s32 s13, s10;
	s9 =	sadd.s32 s10, s2  }
0xd: {  	s31 =	sadd.s32 s13, s15;
	s18 =	sadd.s32 s13, s17;
	s6 =	sadd.s32 s6, s5  }
0xe: {  	s5 =	sadd.s32 s26, s2;
	s8 =	sadd.s32 s16, s29;
	s30 =	sshrl.u32 s11, $0x3  }
0xf: {  	s11 =	sadd.s32 s14, s2;
	s14 =	sadd.s32 s13, s14;
	s13 =	sadd.s32 s15, s2  }
0x10: {  	s18 =	sshrl.u32 s18, $0x3;
	s15 =	sadd.s32 s17, s2;
	s17 =	simm.s32 $0x1  }
0x11: {  	s4 =	sadd.s32 $0x2000, s6;
	s6 =	sadd.s32 s12, s2;
	s14 =	sshrl.u32 s14, $0x3  }
0x12: {  	vm0 =	vcmask $0x300;
	v0 =	vimm.f32 $0.0e+00;
	s10 =	sadd.s32 s16, s30;
	s12 =	sadd.s32 s16, s14;
	s14 =	sshrl.u32 s31, $0x3  }
0x13: {  	v1 =	vsel vm0, $0x3F800000, v0;
	s14 =	sadd.s32 s16, s14;
	s16 =	sadd.s32 s16, s18;
	s18 =	simm.s32 $0x3000  }
.LBB2_1:
0x14: {  	[tilespmem:$0x2800] =	vst v1  }
0x15: {  	[tilespmem:$0x2810] =	vst v1  }
0x16: {  	[tilespmem:$0x2820] =	vst v1  }
0x17: {  	[tilespmem:$0x2830] =	vst v1  }
0x18: {  	[tilespmem:$0x2840] =	vst v1  }
0x19: {  	[tilespmem:$0x2850] =	vst v1  }
0x1a: {  	[tilespmem:$0x2860] =	vst v1  }
0x1b: {  	[tilespmem:$0x2870] =	vst v1  }
0x1c: {  	[tilespmem:$0x2880] =	vst v1  }
0x1d: {  	[tilespmem:$0x2890] =	vst v1  }
0x1e: {  	[tilespmem:$0x28A0] =	vst v1  }
0x1f: {  	[tilespmem:$0x28B0] =	vst v1  }
0x20: {  	[tilespmem:$0x28C0] =	vst v1  }
0x21: {  	[tilespmem:$0x28D0] =	vst v1  }
0x22: {  	[tilespmem:$0x28E0] =	vst v1  }
0x23: {  	[tilespmem:$0x28F0] =	vst v1  }
0x24: {  	[tilespmem:$0x2900] =	vst v1  }
0x25: {  	[tilespmem:$0x2910] =	vst v1  }
0x26: {  	[tilespmem:$0x2920] =	vst v1  }
0x27: {  	[tilespmem:$0x2930] =	vst v1  }
0x28: {  	[tilespmem:$0x2940] =	vst v1  }
0x29: {  	[tilespmem:$0x2950] =	vst v1  }
0x2a: {  	[tilespmem:$0x2960] =	vst v1  }
0x2b: {  	[tilespmem:$0x2970] =	vst v1  }
0x2c: {  	[tilespmem:$0x2980] =	vst v1  }
0x2d: {  	[tilespmem:$0x2990] =	vst v1  }
0x2e: {  	[tilespmem:$0x29A0] =	vst v1  }
0x2f: {  	[tilespmem:$0x29B0] =	vst v1  }
0x30: {  	[tilespmem:$0x29C0] =	vst v1  }
0x31: {  	[tilespmem:$0x29D0] =	vst v1  }
0x32: {  	[tilespmem:$0x29E0] =	vst v1  }
0x33: {  	[tilespmem:$0x29F0] =	vst v1  }
0x34: {  	[tilespmem:$0x2A00] =	vst v1  }
0x35: {  	[tilespmem:$0x2A10] =	vst v1  }
0x36: {  	[tilespmem:$0x2A20] =	vst v1  }
0x37: {  	[tilespmem:$0x2A30] =	vst v1  }
0x38: {  	[tilespmem:$0x2A40] =	vst v1  }
0x39: {  	[tilespmem:$0x2A50] =	vst v1  }
0x3a: {  	[tilespmem:$0x2A60] =	vst v1  }
0x3b: {  	[tilespmem:$0x2A70] =	vst v1  }
0x3c: {  	[tilespmem:$0x2A80] =	vst v1  }
0x3d: {  	[tilespmem:$0x2A90] =	vst v1  }
0x3e: {  	[tilespmem:$0x2AA0] =	vst v1  }
0x3f: {  	[tilespmem:$0x2AB0] =	vst v1  }
0x40: {  	[tilespmem:$0x2AC0] =	vst v1  }
0x41: {  	[tilespmem:$0x2AD0] =	vst v1  }
0x42: {  	[tilespmem:$0x2AE0] =	vst v1  }
0x43: {  	[tilespmem:$0x2AF0] =	vst v1  }
0x44: {  	[tilespmem:$0x2B00] =	vst v1  }
0x45: {  	[tilespmem:$0x2B10] =	vst v1  }
0x46: {  	[tilespmem:$0x2B20] =	vst v1  }
0x47: {  	[tilespmem:$0x2B30] =	vst v1  }
0x48: {  	[tilespmem:$0x2B40] =	vst v1  }
0x49: {  	[tilespmem:$0x2B50] =	vst v1  }
0x4a: {  	[tilespmem:$0x2B60] =	vst v1  }
0x4b: {  	[tilespmem:$0x2B70] =	vst v1  }
0x4c: {  	[tilespmem:$0x2B80] =	vst v1  }
0x4d: {  	[tilespmem:$0x2B90] =	vst v1  }
0x4e: {  	[tilespmem:$0x2BA0] =	vst v1  }
0x4f: {  	[tilespmem:$0x2BB0] =	vst v1  }
0x50: {  	[tilespmem:$0x2BC0] =	vst v1  }
0x51: {  	[tilespmem:$0x2BD0] =	vst v1  }
0x52: {  	[tilespmem:$0x2BE0] =	vst v1  }
0x53: {  	[tilespmem:$0x2BF0] =	vst v1  }
0x54: {  	[tilespmem:$0x2C00] =	vst v1  }
0x55: {  	[tilespmem:$0x2C10] =	vst v1  }
0x56: {  	[tilespmem:$0x2C20] =	vst v1  }
0x57: {  	[tilespmem:$0x2C30] =	vst v1  }
0x58: {  	[tilespmem:$0x2C40] =	vst v1  }
0x59: {  	[tilespmem:$0x2C50] =	vst v1  }
0x5a: {  	[tilespmem:$0x2C60] =	vst v1  }
0x5b: {  	[tilespmem:$0x2C70] =	vst v1  }
0x5c: {  	[tilespmem:$0x2C80] =	vst v1  }
0x5d: {  	[tilespmem:$0x2C90] =	vst v1  }
0x5e: {  	[tilespmem:$0x2CA0] =	vst v1  }
0x5f: {  	[tilespmem:$0x2CB0] =	vst v1  }
0x60: {  	[tilespmem:$0x2CC0] =	vst v1  }
0x61: {  	[tilespmem:$0x2CD0] =	vst v1  }
0x62: {  	[tilespmem:$0x2CE0] =	vst v1  }
0x63: {  	[tilespmem:$0x2CF0] =	vst v1  }
0x64: {  	[tilespmem:$0x2D00] =	vst v1  }
0x65: {  	[tilespmem:$0x2D10] =	vst v1  }
0x66: {  	[tilespmem:$0x2D20] =	vst v1  }
0x67: {  	[tilespmem:$0x2D30] =	vst v1  }
0x68: {  	[tilespmem:$0x2D40] =	vst v1  }
0x69: {  	[tilespmem:$0x2D50] =	vst v1  }
0x6a: {  	[tilespmem:$0x2D60] =	vst v1  }
0x6b: {  	[tilespmem:$0x2D70] =	vst v1  }
0x6c: {  	[tilespmem:$0x2D80] =	vst v1  }
0x6d: {  	[tilespmem:$0x2D90] =	vst v1  }
0x6e: {  	[tilespmem:$0x2DA0] =	vst v1  }
0x6f: {  	[tilespmem:$0x2DB0] =	vst v1  }
0x70: {  	[tilespmem:$0x2DC0] =	vst v1  }
0x71: {  	[tilespmem:$0x2DD0] =	vst v1  }
0x72: {  	[tilespmem:$0x2DE0] =	vst v1  }
0x73: {  	[tilespmem:$0x2DF0] =	vst v1  }
0x74: {  	[tilespmem:$0x2E00] =	vst v1  }
0x75: {  	[tilespmem:$0x2E10] =	vst v1  }
0x76: {  	[tilespmem:$0x2E20] =	vst v1  }
0x77: {  	[tilespmem:$0x2E30] =	vst v1  }
0x78: {  	[tilespmem:$0x2E40] =	vst v1  }
0x79: {  	[tilespmem:$0x2E50] =	vst v1  }
0x7a: {  	[tilespmem:$0x2E60] =	vst v1  }
0x7b: {  	[tilespmem:$0x2E70] =	vst v1  }
0x7c: {  	[tilespmem:$0x2E80] =	vst v1  }
0x7d: {  	[tilespmem:$0x2E90] =	vst v1  }
0x7e: {  	[tilespmem:$0x2EA0] =	vst v1  }
0x7f: {  	[tilespmem:$0x2EB0] =	vst v1  }
0x80: {  	[tilespmem:$0x2EC0] =	vst v1  }
0x81: {  	[tilespmem:$0x2ED0] =	vst v1  }
0x82: {  	[tilespmem:$0x2EE0] =	vst v1  }
0x83: {  	[tilespmem:$0x2EF0] =	vst v1  }
0x84: {  	[tilespmem:$0x2F00] =	vst v1  }
0x85: {  	[tilespmem:$0x2F10] =	vst v1  }
0x86: {  	[tilespmem:$0x2F20] =	vst v1  }
0x87: {  	[tilespmem:$0x2F30] =	vst v1  }
0x88: {  	[tilespmem:$0x2F40] =	vst v1  }
0x89: {  	[tilespmem:$0x2F50] =	vst v1  }
0x8a: {  	[tilespmem:$0x2F60] =	vst v1  }
0x8b: {  	[tilespmem:$0x2F70] =	vst v1  }
0x8c: {  	[tilespmem:$0x2F80] =	vst v1  }
0x8d: {  	[tilespmem:$0x2F90] =	vst v1  }
0x8e: {  	[tilespmem:$0x2FA0] =	vst v1  }
0x8f: {  	[tilespmem:$0x2FB0] =	vst v1  }
0x90: {  	[tilespmem:$0x2FC0] =	vst v1  }
0x91: {  	[tilespmem:$0x2FD0] =	vst v1  }
0x92: {  	[tilespmem:$0x2FE0] =	vst v1  }
0x93: {  	[tilespmem:$0x2FF0] =	vst v1  }
0x94: {  	[tilespmem:$0x3000] =	vst v0  }
0x95: {  	[tilespmem:$0x3010] =	vst v0  }
0x96: {  	[tilespmem:$0x3020] =	vst v0  }
0x97: {  	[tilespmem:$0x3030] =	vst v0  }
0x98: {  	[tilespmem:$0x3040] =	vst v0  }
0x99: {  	[tilespmem:$0x3050] =	vst v0  }
0x9a: {  	[tilespmem:$0x3060] =	vst v0  }
0x9b: {  	[tilespmem:$0x3070] =	vst v0  }
0x9c: {  	[tilespmem:$0x3080] =	vst v0  }
0x9d: {  	[tilespmem:$0x3090] =	vst v0  }
0x9e: {  	[tilespmem:$0x30A0] =	vst v0  }
0x9f: {  	[tilespmem:$0x30B0] =	vst v0  }
0xa0: {  	[tilespmem:$0x30C0] =	vst v0  }
0xa1: {  	[tilespmem:$0x30D0] =	vst v0  }
0xa2: {  	[tilespmem:$0x30E0] =	vst v0  }
0xa3: {  	[tilespmem:$0x30F0] =	vst v0  }
0xa4: {  	[tilespmem:s3], [sflag:$0x1] =	stream.linear.gather [hbm4b:s4+s3], $0x2800, $0x38;
	[tilespmem:$0x6100] =	vst v63  }
0xa5: {  	_ =	swait.ge [sflag:s17], $0x2800  }
0xa6: {  	[sflag:s17] =	ssyncset.done $0x0  }
0xa7: {  	s23 =	sadd.s32 $0x0, s5;
	[sflag:s17] =	ssyncadd.s32 $0xFFFFD800  }
0xa8: {  	[spmem:s23] =	stream.linear.scatter [tilespmem:s18], [sflag:$0x1], $0x100, $0x38;
	[tilespmem:$0x6100] =	vst v63  }
0xa9: {  	s23 =	simm.s32 $0x400;
	_ =	swait.ge [sflag:s17], $0x100  }
.LBB2_2:
0xaa: {  	s24 =	sshra.s32 s23, $0x2;
	[sflag:s17] =	ssyncset.done $0x0;
	p0 =	sne.s32 s23, $0x9C00  }
.Ltmp0:
0xab: {  	s24 =	sadd.s32 s24, s5;
	[sflag:s17] =	ssyncadd.s32 $0xFFFFFF00;
	(pc) =	sbr.rel @p0 .LBB2_2-.Ltmp0, $3  }
0xac: {  	[spmem:s24] =	stream.linear.scatter [tilespmem:s18], [sflag:$0x1], $0x100, $0x38;
	[tilespmem:$0x6100] =	vst v63  }
0xad: {  	s23 =	sadd.s32 $0x400, s23;
	_ =	sdelay $0x1  }
0xae: {  	_ =	swait.ge [sflag:s17], $0x100  }
0xaf: {  	[sflag:s17] =	ssyncset.done $0x0  }
0xb0: {  	[sflag:s17] =	ssyncadd.s32 $0xFFFFFF00  }
0xb1: {  	s23 =	simm.s32 $0x0;
	[bflag:$0x0] =	sbarrier.arrive $0xFFFF  }
0xb2: {  	[spmem:s2] =	stream.indirect.scatter.add.f32 [tilespmem:s20], [sflag:$0x1], $0x10, s23, s19, $0xb8;
	[tilespmem:$0x6100] =	vst v63  }
0xb3: {  	_ =	swait.ge [sflag:s17], $0x800  }
0xb4: {  	s23 =	simm.s32 $0x200;
	[sflag:s17] =	ssyncset.done $0x0  }
.LBB2_4:
0xb5: {  	s24 =	sshra.s32 s23, $0x2;
	[sflag:s17] =	ssyncadd.s32 $0xFFFFF800;
	p0 =	sne.s32 s23, $0x9E00  }
0xb6: {  	[spmem:s2] =	stream.indirect.scatter.add.f32 [tilespmem:s20], [sflag:$0x1], $0x10, s24, s19, $0xb8;
	[tilespmem:$0x6100] =	vst v63  }
.Ltmp1:
0xb7: {  	_ = 	snop;
	(pc) =	sbr.rel @p0 .LBB2_4-.Ltmp1, $4  }
0xb8: {  	_ = 	snop  }
0xb9: {  	s23 =	sadd.s32 $0x200, s23  }
0xba: {  	_ =	swait.ge [sflag:s17], $0x800  }
0xbb: {  	[sflag:s17] =	ssyncset.done $0x0  }
0xbc: {  	[sflag:s17] =	ssyncadd.s32 $0xFFFFF800  }
0xbd: {  	[bflag:$0x0] =	sbarrier.arrive $0xFFFF  }
0xbe: {  	[tilespmem:s21], [sflag:$0x1] =	stream.linear.gather [spmem:s6], $0x800, $0x38;
	[tilespmem:$0x6100] =	vst v63  }
0xbf: {  	_ =	swait.ge [sflag:s17], $0x800  }
0xc0: {  	[sflag:s17] =	ssyncset.done $0x0  }
0xc1: {  	[sflag:s17] =	ssyncadd.s32 $0xFFFFF800  }
0xc2: {  	[hbm4b:s8+s3] =	stream.linear.scatter [tilespmem:s21], [sflag:$0x1], $0x800, $0x38;
	[tilespmem:$0x6100] =	vst v63  }
0xc3: {  	_ =	swait.ge [sflag:s17], $0x800  }
0xc4: {  	[sflag:s17] =	ssyncset.done $0x0  }
0xc5: {  	[sflag:s17] =	ssyncadd.s32 $0xFFFFF800  }
0xc6: {  	[tilespmem:s21], [sflag:$0x1] =	stream.linear.gather [spmem:s9], $0x800, $0x38;
	[tilespmem:$0x6100] =	vst v63  }
0xc7: {  	_ =	swait.ge [sflag:s17], $0x800  }
0xc8: {  	[sflag:s17] =	ssyncset.done $0x0  }
0xc9: {  	[sflag:s17] =	ssyncadd.s32 $0xFFFFF800  }
0xca: {  	[hbm4b:s10+s3] =	stream.linear.scatter [tilespmem:s21], [sflag:$0x1], $0x800, $0x38;
	[tilespmem:$0x6100] =	vst v63  }
0xcb: {  	_ =	swait.ge [sflag:s17], $0x800  }
0xcc: {  	[sflag:s17] =	ssyncset.done $0x0  }
0xcd: {  	[sflag:s17] =	ssyncadd.s32 $0xFFFFF800  }
0xce: {  	[tilespmem:s21], [sflag:$0x1] =	stream.linear.gather [spmem:s11], $0x800, $0x38;
	[tilespmem:$0x6100] =	vst v63  }
0xcf: {  	_ =	swait.ge [sflag:s17], $0x800  }
0xd0: {  	[sflag:s17] =	ssyncset.done $0x0  }
0xd1: {  	[sflag:s17] =	ssyncadd.s32 $0xFFFFF800  }
0xd2: {  	[hbm4b:s12+s3] =	stream.linear.scatter [tilespmem:s21], [sflag:$0x1], $0x800, $0x38;
	[tilespmem:$0x6100] =	vst v63  }
0xd3: {  	_ =	swait.ge [sflag:s17], $0x800  }
0xd4: {  	[sflag:s17] =	ssyncset.done $0x0  }
0xd5: {  	[sflag:s17] =	ssyncadd.s32 $0xFFFFF800  }
0xd6: {  	[tilespmem:s21], [sflag:$0x1] =	stream.linear.gather [spmem:s13], $0x800, $0x38;
	[tilespmem:$0x6100] =	vst v63  }
0xd7: {  	_ =	swait.ge [sflag:s17], $0x800  }
0xd8: {  	[sflag:s17] =	ssyncset.done $0x0  }
0xd9: {  	[sflag:s17] =	ssyncadd.s32 $0xFFFFF800  }
0xda: {  	[hbm4b:s14+s3] =	stream.linear.scatter [tilespmem:s21], [sflag:$0x1], $0x800, $0x38;
	[tilespmem:$0x6100] =	vst v63  }
0xdb: {  	_ =	swait.ge [sflag:s17], $0x800  }
0xdc: {  	[sflag:s17] =	ssyncset.done $0x0  }
0xdd: {  	[sflag:s17] =	ssyncadd.s32 $0xFFFFF800  }
0xde: {  	[tilespmem:s21], [sflag:$0x1] =	stream.linear.gather [spmem:s15], $0x800, $0x38;
	[tilespmem:$0x6100] =	vst v63  }
0xdf: {  	s22 =	sadd.s32 $0x1, s22;
	_ =	swait.ge [sflag:s17], $0x800  }
0xe0: {  	p0 =	sne.s32 s22, s7;
	[sflag:s17] =	ssyncset.done $0x0  }
.Ltmp2:
0xe1: {  	[sflag:s17] =	ssyncadd.s32 $0xFFFFF800;
	(pc) =	sbr.rel @p0 .LBB2_1-.Ltmp2, $4  }
0xe2: {  	[hbm4b:s16+s3] =	stream.linear.scatter [tilespmem:s21], [sflag:$0x1], $0x800, $0x38;
	[tilespmem:$0x6100] =	vst v63  }
0xe3: {  	_ =	swait.ge [sflag:s17], $0x800  }
0xe4: {  	[sflag:s17] =	ssyncset.done $0x0  }
0xe5: {  	[sflag:s17] =	ssyncadd.s32 $0xFFFFF800  }
0xe6: {  	_ =	sfence.sel $0x180000  }
0xe7: {  	[bflag:$0x0] =	sbarrier.arrive $0xFFFF  }
0xe8: {  	p0 =	sne.s32 s0, $0x0;
	_ =	strace $0x90000047  }
0xe9: {  	s0 =	sadd.s32 @!p0 $0x100000, s1;
	[bflag:$0x2] =	sbarrier.arrive $0xFFFF  }
0xea: {  	[sflag:s0] =	ssyncadd.tile.s32 @!p0 $0x1;
	_ =	shalt  }
.Lfunc_end2:
_tile_overlayer_lowered:
.L_overlay_start_2:
0xeb: {  	(tag) =	ssettag $0x2  }
0xec: {  	s0 =	rddreg [dreg:$0x0];
	s2 =	stileid.u32  }
0xed: {  	s1 =	rddreg [dreg:$0x1];
	p0 =	sne.s32 s2, $0x0  }
0xee: {  	s3 =	rddreg [dreg:$0x2];
	[bflag:$0x3] =	sbarrier.arrive $0xFFFF;
	s2 =	simm.s32 @!p0 $0x1C01  }
0xef: {  	[timem:s3], [sflag:s2] =	dma.local @!p0 [hbm:s0], s1  }
0xf0: {  	s0 =	simm.s32 @!p0 $0x1  }
0xf1: {  	_ =	swait.ge @!p0 [sflag:s0], s1  }
0xf2: {  	s1 =	ssub.s32 @!p0 $0x0, s1;
	[sflag:s0] =	ssyncset.done @!p0 $0x0  }
0xf3: {  	[sflag:s0] =	ssyncadd.s32 @!p0 s1  }
0xf4: {  	[bflag:$0x3] =	sbarrier.arrive $0xFFFF  }
0xf5: {  	_ =	shalt  }

// kernel: kernel.13.cloned.1.call-start
scs
__scs_entry_jumppad:
0x0: {  	(pc) =	sbr.rel $0x88, $3  }
0x1: {  	(tag) =	ssettag $0x0;
	lr =	simm.s32 $0x1  }
0x2: {  	[smem:$0x3F95] =	sst lr;
	_ =	strace $0xD0000000  }
0x3: {  	_ = 	snop  }
0x4: {  	_ = 	snop  }
0x5: {  	_ = 	snop  }
0x6: {  	_ = 	snop  }
0x7: {  	_ = 	snop  }
__scs_overlays_trampoline_lowered:
0x8: {  	[smem:$0x3FA4] =	sst s0  }
0x9: {  	[smem:$0x3FA5] =	sst s1  }
0xa: {  	[smem:$0x3FA6] =	sst s2  }
0xb: {  	[smem:$0x3FA7] =	sst s3  }
0xc: {  	[smem:$0x3FA8] =	sst s4  }
0xd: {  	[smem:$0x3FA9] =	sst s5  }
0xe: {  	[smem:$0x3FAA] =	sst s6  }
0xf: {  	[smem:$0x3FAB] =	sst s7  }
0x10: {  	[smem:$0x3FAC] =	sst s8  }
0x11: {  	[smem:$0x3FAD] =	sst s9;
	s0 =	simm.s32 @!p0 $0x0  }
0x12: {  	s1 =	sld [smem:$0x3F93];
	s0 =	simm.s32 @p0 $0x1  }
0x13: {  	[smem:$0x3FAE] =	sst s0;
	s0 =	simm.s32 @!p1 $0x0  }
0x14: {  	s2 =	sld [smem:$0x3F92];
	s0 =	simm.s32 @p1 $0x1  }
0x15: {  	[smem:$0x3FAF] =	sst s0;
	s0 =	simm.s32 @!p2 $0x0  }
0x16: {  	s3 =	sld [smem:$0x3FDB];
	s0 =	simm.s32 @p2 $0x1  }
0x17: {  	s4 =	simm.s32 $0x1BF5;
	[smem:$0x3FB1] =	sst s0  }
0x18: {  	s0 =	sld [smem:$0x3F94];
	_ =	swait.ge [sflag:s4], $0x0  }
0x19: {  	s7 =	sld [smem:$0x3F95]  }
0x1a: {  	s8 =	sadd.s32 $0xFFFFE003, lr  }
0x1b: {  	s9 =	sadd.s32 $0xFFFFFEF7, lr;
	s5 =	simm.s32 $0xFFFFFFFF;
	p2 =	slt.u32 s8, $0xFFFFF086  }
0x1c: {  	p1 =	slt.u32 s9, $0xF7A;
	s5 =	simm.s32 @!p2 $0x0  }
0x1d: {  	s5 =	simm.s32 @p1 $0x1;
	p0 =	seq.s32 s7, s2  }
0x1e: {  	s7 =	smul.u32 @!p0 $0xF7A, s2;
	p2 =	seq.s32 @!p0 s5, $0x0  }
0x1f: {  	s9 =	smul.u32 $0xF7A, s1;
	s8 =	simm.s32 @!p0 $0x1BF5;
	p2 =	por !p2, p0  }
0x20: {  	[sflag:s8] =	ssyncset.s32 @!p0 $0xFFFFF086;
	s6 =	sadd.s32 @!p0 s3, s7;
	s7 =	simm.s32 @!p0 $0x108  }
0x21: {  	s3 =	sadd.s32 s3, s9;
	s6 =	sadd.s32 @!p0 $0x88, s6;
	s7 =	simm.s32 @p2 $0x1082  }
0x22: {  	[simem:s7], [sflag:s8] =	dma.local @!p0 [hbm:s6], $0xF7A  }
0x23: {  	s9 =	sor.u32 $0xD0000000, s2;
	s6 =	simm.s32 $0x108;
	_ =	swait.ge @!p0 [sflag:s8], $0x0  }
0x24: {  	s3 =	sadd.s32 $0x88, s3;
	s6 =	simm.s32 @!p1 $0x1082;
	[sflag:s4] =	ssyncset.s32 $0xFFFFF086  }
0x25: {  	[simem:s6], [sflag:s4] =	dma.local [hbm:s3], $0xF7A  }
0x26: {  	[smem:$0x3F95] =	sst s1;
	(tag) =	ssettag s2;
	_ =	strace s9  }
0x27: {  	s1 =	sld [smem:$0x3FA5]  }
0x28: {  	s2 =	sld [smem:$0x3FA6]  }
0x29: {  	s4 =	sld [smem:$0x3FA8]  }
0x2a: {  	p0 =	seq.s32 s5, $0x0;
	s5 =	sld [smem:$0x3FA9]  }
0x2b: {  	s6 =	sld [smem:$0x3FAA]  }
0x2c: {  	s7 =	sld [smem:$0x3FAB]  }
0x2d: {  	s3 =	simm.s32 $0x108;
	s8 =	sld [smem:$0x3FAC]  }
0x2e: {  	s3 =	simm.s32 @!p0 $0x1082;
	s9 =	sld [smem:$0x3FAD]  }
0x2f: {  	lr =	sadd.s32 s0, s3;
	s0 =	sld [smem:$0x3FA4]  }
0x30: {  	s3 =	sld [smem:$0x3FA7]  }
0x31: {  	[smem:$0x3FB0] =	sst s10  }
0x32: {  	s10 =	sld [smem:$0x3FAE];
	_ =	sdelay $0x3  }
0x33: {  	p0 =	seq.s32 s10, $0x1;
	s10 =	sld [smem:$0x3FB0];
	_ =	sdelay $0x3  }
0x34: {  	[smem:$0x3FB0] =	sst s10  }
0x35: {  	s10 =	sld [smem:$0x3FAF];
	_ =	sdelay $0x3  }
0x36: {  	p1 =	seq.s32 s10, $0x1;
	s10 =	sld [smem:$0x3FB0];
	_ =	sdelay $0x3  }
0x37: {  	[smem:$0x3FB0] =	sst s10  }
0x38: {  	s10 =	sld [smem:$0x3FB1]  }
0x39: {  	_ = 	snop;
	(pc) =	sbr.ind lr, $3  }
0x3a: {  	_ = 	snop  }
0x3b: {  	_ = 	snop  }
0x3c: {  	p2 =	seq.s32 s10, $0x1;
	s10 =	sld [smem:$0x3FB0]  }
0x3d: {  	_ =	shalt  }
0x3e: {  	_ =	shalt  }
0x3f: {  	_ =	shalt  }
0x40: {  	_ =	shalt  }
0x41: {  	_ =	shalt  }
0x42: {  	_ =	shalt  }
0x43: {  	_ =	shalt  }
0x44: {  	_ =	shalt  }
0x45: {  	_ =	shalt  }
0x46: {  	_ =	shalt  }
0x47: {  	_ =	shalt  }
0x48: {  	_ =	shalt  }
0x49: {  	_ =	shalt  }
0x4a: {  	_ =	shalt  }
0x4b: {  	_ =	shalt  }
0x4c: {  	_ =	shalt  }
0x4d: {  	_ =	shalt  }
0x4e: {  	_ =	shalt  }
0x4f: {  	_ =	shalt  }
0x50: {  	_ =	shalt  }
0x51: {  	_ =	shalt  }
0x52: {  	_ =	shalt  }
0x53: {  	_ =	shalt  }
0x54: {  	_ =	shalt  }
0x55: {  	_ =	shalt  }
0x56: {  	_ =	shalt  }
0x57: {  	_ =	shalt  }
0x58: {  	_ =	shalt  }
0x59: {  	_ =	shalt  }
0x5a: {  	_ =	shalt  }
0x5b: {  	_ =	shalt  }
0x5c: {  	_ =	shalt  }
0x5d: {  	_ =	shalt  }
0x5e: {  	_ =	shalt  }
0x5f: {  	_ =	shalt  }
0x60: {  	_ =	shalt  }
0x61: {  	_ =	shalt  }
0x62: {  	_ =	shalt  }
0x63: {  	_ =	shalt  }
0x64: {  	_ =	shalt  }
0x65: {  	_ =	shalt  }
0x66: {  	_ =	shalt  }
0x67: {  	_ =	shalt  }
0x68: {  	_ =	shalt  }
0x69: {  	_ =	shalt  }
0x6a: {  	_ =	shalt  }
0x6b: {  	_ =	shalt  }
0x6c: {  	_ =	shalt  }
0x6d: {  	_ =	shalt  }
0x6e: {  	_ =	shalt  }
0x6f: {  	_ =	shalt  }
0x70: {  	_ =	shalt  }
0x71: {  	_ =	shalt  }
0x72: {  	_ =	shalt  }
0x73: {  	_ =	shalt  }
0x74: {  	_ =	shalt  }
0x75: {  	_ =	shalt  }
0x76: {  	_ =	shalt  }
0x77: {  	_ =	shalt  }
0x78: {  	_ =	shalt  }
0x79: {  	_ =	shalt  }
0x7a: {  	_ =	shalt  }
0x7b: {  	_ =	shalt  }
0x7c: {  	_ =	shalt  }
0x7d: {  	_ =	shalt  }
0x7e: {  	_ =	shalt  }
0x7f: {  	_ =	shalt  }
0x80: {  	_ =	shalt  }
0x81: {  	_ =	shalt  }
0x82: {  	_ =	shalt  }
0x83: {  	_ =	shalt  }
0x84: {  	_ =	shalt  }
0x85: {  	_ =	shalt  }
0x86: {  	_ =	shalt  }
0x87: {  	_ =	shalt  }
.Lfunc_end0:
.L_simem_size_0:
called_computation.1_lowered:
.L_overlay_start_0:
0x88: {  	s2 =	sld [smem:$0x3FD9]  }
0x89: {  	s3 =	sld [smem:$0x3FFE];
	_ =	sdelay $0x1  }
0x8a: {  	s1 =	srdreg.scid  }
0x8b: {  	s0 =	sand.u32 $0x1, s1  }
0x8c: {  	s16 =	sshll.u32 s0, $0xA;
	s2 =	sadd.s32 s3, s2  }
0x8d: {  	s2 =	sadd.s32 s2, s16  }
0x8e: {  	[smem:$0x3FBC] =	sst s2  }
0x8f: {  	_ = 	snop  }
0x90: {  	(tm) =	ssettm $0x1  }
0x91: {  	s17 =	sld [smem:$0x3FFB];
	_ =	sdelay $0x3  }
0x92: {  	_ =	strace s17  }
0x93: {  	s2 =	sld [smem:$0x3FFC];
	_ =	sdelay $0x3  }
0x94: {  	_ =	strace s2  }
0x95: {  	s2 =	sld [smem:$0x3FFD];
	_ =	sdelay $0x3  }
0x96: {  	_ =	strace s2  }
0x97: {  	_ =	strace $0x8FFFFFFF  }
0x98: {  	s18 =	sld [smem:$0x3FDB];
	_ =	sdelay $0x1  }
0x99: {  	s19 =	simm.s32 $_scs_section_size  }
0x9a: {  	s4 =	simm.s32 $_size__tile_overlayer_lowered;
	s5 =	simm.s32 $_tile_overlayer_lowered  }
0x9b: {  	s22 =	simm.s32 $0x1BFF;
	s21 =	sshll.u32 s5, $0x1;
	s2 =	sadd.s32 s19, s18  }
0x9c: {  	s6 =	simm.s32 $0x0;
	s20 =	sshll.u32 s4, $0x1;
	s4 =	sadd.s32 s21, s2  }
0x9d: {  	[timem:s6], [sflag:s22] =	dma.local [hbm:s4], s20  }
0x9e: {  	_ =	swait.ge [sflag:s22], s20  }
0x9f: {  	s3 =	ssub.s32 $0x0, s20;
	[sflag:s22] =	ssyncset.done $0x0  }
0xa0: {  	[sflag:s22] =	ssyncadd.s32 s3;
	_ =	sdelay $0x1  }
0xa1: {  	s23 =	simm.s32 $0x1B8B  }
0xa2: {  	_ =	swait.ge [sflag:s23], $0x1  }
0xa3: {  	[sflag:s23] =	ssyncset.done $0x0  }
0xa4: {  	s25 =	simm.s32 $0x1B8E;
	s24 =	sld [smem:$0x3FFE];
	[sflag:s23] =	ssyncadd.s32 $0xFFFFFFFF  }
0xa5: {  	s26 =	simm.s32 $execute0_lowered;
	[smem:$0x3FD2] =	sst s25  }
0xa6: {  	s4 =	sshll.u32 s26, $0x1;
	_ =	strace $0x80000049;
	[dreg:$0x1] =	wrdreg $0xFFFFFFFF  }
0xa7: {  	s28 =	simm.s32 $_size_execute0_lowered;
	s2 =	sadd.s32 s2, s4;
	[dreg:$0x0] =	wrdreg $0x0  }
0xa8: {  	s4 =	sshll.u32 s28, $0x1;
	[dreg:$0x2] =	wrdreg s2  }
0xa9: {  	[dreg:$0x3] =	wrdreg s4  }
0xaa: {  	[dreg:$0x4] =	wrdreg $0xC0  }
0xab: {  	_ =	task [dreg:s6], $0x5FFFF  }
0xac: {  	[dreg:$0x1] =	wrdreg $0xFFFFFFFF  }
0xad: {  	[dreg:$0x0] =	wrdreg $0x60  }
0xae: {  	[dreg:$0x2] =	wrdreg s24  }
0xaf: {  	[dreg:$0x3] =	wrdreg $0xF4000  }
0xb0: {  	[dreg:$0x4] =	wrdreg $0x9  }
0xb1: {  	_ =	task.clear_ibuf [dreg:s6], $0x5FFFF;
	_ =	strace $0x90000049  }
0xb2: {  	s29 =	simm.s32 $0x9;
	_ =	strace $0x8000004B  }
0xb3: {  	_ =	swait.ge [sflag:s29], $0x1  }
0xb4: {  	[sflag:s29] =	ssyncadd.s32 $0xFFFFFFFF  }
0xb5: {  	_ =	strace $0x9000004B  }
0xb6: {  	_ =	sfence  }
0xb7: {  	s30 =	sld [smem:$0x0];
	_ =	sdelay $0x2  }
0xb8: {  	s31 =	sshll.u32 s1, $0xD;
	s1 =	sshrl.u32 s1, $0x2  }
0xb9: {  	s3 =	sand.u32 $0x4000, s31;
	s1 =	sadd.s32 s1, s30  }
0xba: {  	s0 =	sor.u32 s3, s0;
	s1 =	sshll.u32 s1, $0x11  }
0xbb: {  	s0 =	sor.u32 s1, s0  }
0xbc: {  	s0 =	sadd.s32 $0x8F2B, s0  }
0xbd: {  	[sflag:s0] =	ssyncadd.remote.s32 $0x1  }
0xbe: {  	_ =	sfence.sel $0xFFFF  }
0xbf: {  	[dreg:$0x0] =	wrdreg $0xFFFFFFFF;
	(pc) =	sbr.abs _section_cstart, $3  }
0xc0: {  	[dreg:$0x1] =	wrdreg $0xFFFFFFFF  }
0xc1: {  	_ =	task.clear_ibuf [dreg:s6], $0x2FFFF;
	_ =	strace $0x9FFFFFFF  }
0xc2: {  	(tm) =	ssettm $0x7FFFFFFF  }
0xc3: {  	_ =	shalt  }
tec
execute0_lowered:
.L_overlay_start_1:
0x0: {  	(tag) =	ssettag $0x1  }
0x1: {  	s1 =	rddreg [dreg:$0x0]  }
0x2: {  	s0 =	srdreg.scid;
	s2 =	rddreg [dreg:$0x1]  }
0x3: {  	s8 =	stileid.u32;
	s3 =	simm.s32 $0x0;
	s29 =	simm.s32 $0xB000  }
0x4: {  	s30 =	simm.s32 $0x1;
	s31 =	simm.s32 $0x5;
	s28 =	simm.s32 $0x4  }
0x5: {  	s0 =	sand.u32 $0x1, s0;
	[smem:$0x7FF] =	sst s3;
	s6 =	smul.u32 $0x28000, s8  }
0x6: {  	s4 =	sshll.u32 s0, $0x4;
	s7 =	ssub.s32 $0x2, s0;
	s0 =	smul.u32 $0xA0000, s0  }
0x7: {  	_ =	strace $0x8000004A;
	s4 =	sor.u32 s8, s4;
	s8 =	smul.u32 $0xA000, s8  }
0x8: {  	s9 =	sshrl.u32 s7, $0x1;
	s6 =	sshrl.u32 s6, $0x2;
	s5 =	smul.u32 $0x500, s4  }
0x9: {  	s4 =	sadd.s32 $0x20000, s1;
	s9 =	ssub.s32 s7, s9;
	s7 =	sadd.s32 s6, s2  }
0xa: {  	s19 =	sadd.s32 s0, s8;
	s20 =	sadd.s32 s8, s2;
	s21 =	sadd.s32 $0x2000, s8  }
0xb: {  	s9 =	smax.u32 s9, $0x1;
	s23 =	sadd.s32 $0x4000, s8;
	s25 =	sadd.s32 $0x6000, s8  }
0xc: {  	s8 =	sadd.s32 $0x8000, s8;
	s5 =	sadd.s32 s5, s1;
	[dreg:$0x5] =	wrdreg s20  }
0xd: {  	s1 =	sadd.s32 $0x34000, s1;
	[dreg:$0x6] =	wrdreg s9;
	s22 =	sadd.s32 s0, s21  }
0xe: {  	s6 =	sadd.s32 s21, s2;
	s13 =	sadd.s32 s23, s2;
	s24 =	sadd.s32 s0, s23  }
0xf: {  	s26 =	sadd.s32 s0, s25;
	s0 =	sadd.s32 s0, s8;
	s15 =	sadd.s32 s25, s2  }
0x10: {  	s17 =	sadd.s32 s8, s2;
	s21 =	simm.s32 $0xD000;
	s23 =	simm.s32 $0x5000  }
0x11: {  	s20 =	simm.s32 $0x3;
	s25 =	simm.s32 $0x7;
	s8 =	simm.s32 $0x0  }
0x12: {  	s18 =	sadd.s32 $0x16000, s5;
	s5 =	sadd.s32 $0x2000, s5;
	[dreg:$0x8] =	wrdreg s6  }
0x13: {  	s0 =	sshrl.u32 s0, $0x3;
	s6 =	simm.s32 $0xD400;
	[dreg:$0x3] =	wrdreg s18  }
0x14: {  	[dreg:$0x4] =	wrdreg s5;
	s5 =	sshrl.u32 s19, $0x3;
	s18 =	sadd.s32 s1, s0  }
0x15: {  	s19 =	simm.s32 $0x9;
	s0 =	simm.s32 $0x2;
	s5 =	sadd.s32 s1, s5  }
0x16: {  	[dreg:$0x7] =	wrdreg s5;
	s5 =	sshrl.u32 s22, $0x3;
	s22 =	simm.s32 $0x80  }
0x17: {  	s12 =	sadd.s32 s1, s5;
	s5 =	sshrl.u32 s24, $0x3;
	s24 =	simm.s32 $0x7000  }
0x18: {  	s14 =	sadd.s32 s1, s5;
	s5 =	sshrl.u32 s26, $0x3;
	s26 =	simm.s32 $0x9000  }
0x19: {  	v0 =	vimm.f32 $0.0e+00;
	s16 =	sadd.s32 s1, s5;
	s1 =	simm.s32 $0x6;
	s5 =	simm.s32 $0x8  }
.LBB2_1:
0x1a: {  	[tilespmem:$0xD000] =	vst v0  }
0x1b: {  	[tilespmem:$0xD010] =	vst v0  }
0x1c: {  	[tilespmem:$0xD020] =	vst v0  }
0x1d: {  	[tilespmem:$0xD030] =	vst v0  }
0x1e: {  	[tilespmem:$0xD040] =	vst v0  }
0x1f: {  	[tilespmem:$0xD050] =	vst v0  }
0x20: {  	[tilespmem:$0xD060] =	vst v0  }
0x21: {  	[tilespmem:$0xD070] =	vst v0  }
0x22: {  	[tilespmem:$0xD080] =	vst v0  }
0x23: {  	[tilespmem:$0xD090] =	vst v0  }
0x24: {  	[tilespmem:$0xD0A0] =	vst v0  }
0x25: {  	[tilespmem:$0xD0B0] =	vst v0  }
0x26: {  	[tilespmem:$0xD0C0] =	vst v0  }
0x27: {  	[tilespmem:$0xD0D0] =	vst v0  }
0x28: {  	[tilespmem:$0xD0E0] =	vst v0  }
0x29: {  	[tilespmem:$0xD0F0] =	vst v0  }
0x2a: {  	[tilespmem:$0xD100] =	vst v0  }
0x2b: {  	[tilespmem:$0xD110] =	vst v0  }
0x2c: {  	[tilespmem:$0xD120] =	vst v0  }
0x2d: {  	[tilespmem:$0xD130] =	vst v0  }
0x2e: {  	[tilespmem:$0xD140] =	vst v0  }
0x2f: {  	[tilespmem:$0xD150] =	vst v0  }
0x30: {  	[tilespmem:$0xD160] =	vst v0  }
0x31: {  	[tilespmem:$0xD170] =	vst v0  }
0x32: {  	[tilespmem:$0xD180] =	vst v0  }
0x33: {  	[tilespmem:$0xD190] =	vst v0  }
0x34: {  	[tilespmem:$0xD1A0] =	vst v0  }
0x35: {  	[tilespmem:$0xD1B0] =	vst v0  }
0x36: {  	[tilespmem:$0xD1C0] =	vst v0  }
0x37: {  	[tilespmem:$0xD1D0] =	vst v0  }
0x38: {  	[tilespmem:$0xD1E0] =	vst v0  }
0x39: {  	[tilespmem:$0xD1F0] =	vst v0  }
0x3a: {  	[tilespmem:$0xD200] =	vst v0  }
0x3b: {  	[tilespmem:$0xD210] =	vst v0  }
0x3c: {  	[tilespmem:$0xD220] =	vst v0  }
0x3d: {  	[tilespmem:$0xD230] =	vst v0  }
0x3e: {  	[tilespmem:$0xD240] =	vst v0  }
0x3f: {  	[tilespmem:$0xD250] =	vst v0  }
0x40: {  	[tilespmem:$0xD260] =	vst v0  }
0x41: {  	[tilespmem:$0xD270] =	vst v0  }
0x42: {  	[tilespmem:$0xD280] =	vst v0  }
0x43: {  	[tilespmem:$0xD290] =	vst v0  }
0x44: {  	[tilespmem:$0xD2A0] =	vst v0  }
0x45: {  	[tilespmem:$0xD2B0] =	vst v0  }
0x46: {  	[tilespmem:$0xD2C0] =	vst v0  }
0x47: {  	[tilespmem:$0xD2D0] =	vst v0  }
0x48: {  	[tilespmem:$0xD2E0] =	vst v0  }
0x49: {  	[tilespmem:$0xD2F0] =	vst v0  }
0x4a: {  	[tilespmem:$0xD300] =	vst v0  }
0x4b: {  	[tilespmem:$0xD310] =	vst v0  }
0x4c: {  	[tilespmem:$0xD320] =	vst v0  }
0x4d: {  	[tilespmem:$0xD330] =	vst v0  }
0x4e: {  	[tilespmem:$0xD340] =	vst v0  }
0x4f: {  	[tilespmem:$0xD350] =	vst v0  }
0x50: {  	[tilespmem:$0xD360] =	vst v0  }
0x51: {  	[tilespmem:$0xD370] =	vst v0  }
0x52: {  	[tilespmem:$0xD380] =	vst v0  }
0x53: {  	[tilespmem:$0xD390] =	vst v0  }
0x54: {  	[tilespmem:$0xD3A0] =	vst v0  }
0x55: {  	[tilespmem:$0xD3B0] =	vst v0  }
0x56: {  	[tilespmem:$0xD3C0] =	vst v0  }
0x57: {  	[tilespmem:$0xD3D0] =	vst v0  }
0x58: {  	[tilespmem:$0xD3E0] =	vst v0  }
0x59: {  	[tilespmem:$0xD3F0] =	vst v0;
	s9 =	rddreg [dreg:$0x3]  }
0x5a: {  	[tilespmem:s3], [sflag:$0x9] =	stream.linear.gather [hbm4b:s9+s3], $0x2800, $0x38;
	[tilespmem:$0x19400] =	vst v63  }
0x5b: {  	_ =	swait.ge [sflag:s19], $0x2800  }
0x5c: {  	[sflag:s19] =	ssyncset.done $0x0  }
0x5d: {  	s10 =	simm.s32 $0x2800;
	s11 =	rddreg [dreg:$0x4];
	[sflag:s19] =	ssyncadd.s32 $0xFFFFD800  }
0x5e: {  	[tilespmem:s10], [sflag:$0x9] =	stream.linear.gather [hbm4b:s11+s3], $0x2800, $0x38;
	[tilespmem:$0x19400] =	vst v63  }
0x5f: {  	_ =	swait.ge [sflag:s19], $0x2800  }
0x60: {  	[sflag:s19] =	ssyncset.done $0x0  }
0x61: {  	s11 =	sadd.s32 $0x0, s7;
	[sflag:s19] =	ssyncadd.s32 $0xFFFFD800  }
0x62: {  	[spmem:s11] =	stream.linear.scatter [tilespmem:s21], [sflag:$0x9], $0x400, $0x38;
	[tilespmem:$0x19400] =	vst v63  }
0x63: {  	s9 =	simm.s32 $0x1000;
	_ =	swait.ge [sflag:s19], $0x400  }
.LBB2_2:
0x64: {  	s10 =	sshra.s32 s9, $0x2;
	[sflag:s19] =	ssyncset.done $0x0;
	p0 =	sne.s32 s9, $0x27000  }
.Ltmp0:
0x65: {  	s10 =	sadd.s32 s10, s7;
	[sflag:s19] =	ssyncadd.s32 $0xFFFFFC00;
	(pc) =	sbr.rel @p0 .LBB2_2-.Ltmp0, $3  }
0x66: {  	[spmem:s10] =	stream.linear.scatter [tilespmem:s21], [sflag:$0x9], $0x400, $0x38;
	[tilespmem:$0x19400] =	vst v63  }
0x67: {  	s9 =	sadd.s32 $0x1000, s9;
	_ =	sdelay $0x1  }
0x68: {  	_ =	swait.ge [sflag:s19], $0x400  }
0x69: {  	[sflag:s19] =	ssyncset.done $0x0  }
0x6a: {  	[sflag:s19] =	ssyncadd.s32 $0xFFFFFC00  }
0x6b: {  	s9 =	simm.s32 $0x0;
	[bflag:$0x0] =	sbarrier.arrive $0xFFFF  }
0x6c: {  	[tilespmem:s23], [sflag:$0x1] =	stream.indirect.gather [hbm4b:s4+s22], $0x40, s9, s22, $0xb8;
	[tilespmem:$0x19400] =	vst v63  }
0x6d: {  	_ = 	snop  }
0x6e: {  	[tilespmem:s24], [sflag:$0x2] =	stream.indirect.gather [hbm4b:s4+s22], $0x40, s22, s22, $0xb8;
	[tilespmem:$0x19400] =	vst v63  }
0x6f: {  	s11 =	simm.s32 $0x100  }
0x70: {  	[tilespmem:s26], [sflag:$0x3] =	stream.indirect.gather [hbm4b:s4+s22], $0x40, s11, s22, $0xb8;
	[tilespmem:$0x19400] =	vst v63  }
0x71: {  	s10 =	simm.s32 $0x180  }
0x72: {  	[tilespmem:s29], [sflag:$0x4] =	stream.indirect.gather [hbm4b:s4+s22], $0x40, s10, s22, $0xb8;
	[tilespmem:$0x19400] =	vst v63  }
0x73: {  	_ =	swait.ge [sflag:s30], $0x2000  }
0x74: {  	[sflag:s30] =	ssyncset.done $0x0  }
0x75: {  	s11 =	simm.s32 $0x2800;
	[sflag:s30] =	ssyncadd.s32 $0xFFFFE000  }
0x76: {  	[spmem:s2] =	stream.indirect.scatter.add.f32 [tilespmem:s23], [sflag:$0x5], $0x40, s11, s22, $0xb8;
	[tilespmem:$0x19400] =	vst v63  }
0x77: {  	_ =	swait.ge [sflag:s31], $0x2000  }
0x78: {  	[sflag:s31] =	ssyncset.done $0x0  }
0x79: {  	s10 =	simm.s32 $0x200;
	[sflag:s31] =	ssyncadd.s32 $0xFFFFE000  }
0x7a: {  	[tilespmem:s23], [sflag:$0x1] =	stream.indirect.gather [hbm4b:s4+s22], $0x40, s10, s22, $0xb8;
	[tilespmem:$0x19400] =	vst v63  }
0x7b: {  	_ =	swait.ge [sflag:s0], $0x2000  }
0x7c: {  	[sflag:s0] =	ssyncset.done $0x0  }
0x7d: {  	s11 =	simm.s32 $0x2880;
	[sflag:s0] =	ssyncadd.s32 $0xFFFFE000  }
0x7e: {  	[spmem:s2] =	stream.indirect.scatter.add.f32 [tilespmem:s24], [sflag:$0x6], $0x40, s11, s22, $0xb8;
	[tilespmem:$0x19400] =	vst v63  }
0x7f: {  	_ =	swait.ge [sflag:s1], $0x2000  }
0x80: {  	[sflag:s1] =	ssyncset.done $0x0  }
0x81: {  	s10 =	simm.s32 $0x280;
	[sflag:s1] =	ssyncadd.s32 $0xFFFFE000  }
0x82: {  	[tilespmem:s24], [sflag:$0x2] =	stream.indirect.gather [hbm4b:s4+s22], $0x40, s10, s22, $0xb8;
	[tilespmem:$0x19400] =	vst v63  }
0x83: {  	_ =	swait.ge [sflag:s20], $0x2000  }
0x84: {  	[sflag:s20] =	ssyncset.done $0x0  }
0x85: {  	s11 =	simm.s32 $0x2900;
	[sflag:s20] =	ssyncadd.s32 $0xFFFFE000  }
0x86: {  	[spmem:s2] =	stream.indirect.scatter.add.f32 [tilespmem:s26], [sflag:$0x7], $0x40, s11, s22, $0xb8;
	[tilespmem:$0x19400] =	vst v63  }
0x87: {  	_ =	swait.ge [sflag:s25], $0x2000  }
0x88: {  	[sflag:s25] =	ssyncset.done $0x0  }
0x89: {  	s10 =	simm.s32 $0x300;
	[sflag:s25] =	ssyncadd.s32 $0xFFFFE000  }
0x8a: {  	[tilespmem:s26], [sflag:$0x3] =	stream.indirect.gather [hbm4b:s4+s22], $0x40, s10, s22, $0xb8;
	[tilespmem:$0x19400] =	vst v63  }
0x8b: {  	_ =	swait.ge [sflag:s28], $0x2000  }
0x8c: {  	[sflag:s28] =	ssyncset.done $0x0  }
0x8d: {  	s11 =	simm.s32 $0x2980;
	[sflag:s28] =	ssyncadd.s32 $0xFFFFE000  }
0x8e: {  	[spmem:s2] =	stream.indirect.scatter.add.f32 [tilespmem:s29], [sflag:$0x8], $0x40, s11, s22, $0xb8;
	[tilespmem:$0x19400] =	vst v63  }
0x8f: {  	_ =	swait.ge [sflag:s5], $0x2000  }
0x90: {  	[sflag:s5] =	ssyncset.done $0x0  }
0x91: {  	s9 =	simm.s32 $0x800;
	s10 =	simm.s32 $0x380;
	[sflag:s5] =	ssyncadd.s32 $0xFFFFE000  }
.LBB2_4:
0x92: {  	[tilespmem:s29], [sflag:$0x4] =	stream.indirect.gather [hbm4b:s4+s22], $0x40, s10, s22, $0xb8;
	[tilespmem:$0x19400] =	vst v63  }
0x93: {  	s10 =	smov.u32 s9  }
0x94: {  	p0 =	sne.s32 s9, $0x9000;
	s9 =	sadd.s32 $0x800, s9;
	_ =	swait.ge [sflag:s30], $0x2000  }
0x95: {  	s10 =	sshra.s32 s10, $0x2;
	[sflag:s30] =	ssyncset.done $0x0  }
0x96: {  	s11 =	sadd.s32 $0x2800, s10;
	[sflag:s30] =	ssyncadd.s32 $0xFFFFE000  }
0x97: {  	[spmem:s2] =	stream.indirect.scatter.add.f32 [tilespmem:s23], [sflag:$0x5], $0x40, s11, s22, $0xb8;
	[tilespmem:$0x19400] =	vst v63  }
0x98: {  	_ =	swait.ge [sflag:s31], $0x2000  }
0x99: {  	[sflag:s31] =	ssyncset.done $0x0  }
0x9a: {  	s11 =	sadd.s32 $0x200, s10;
	[sflag:s31] =	ssyncadd.s32 $0xFFFFE000  }
0x9b: {  	[tilespmem:s23], [sflag:$0x1] =	stream.indirect.gather [hbm4b:s4+s22], $0x40, s11, s22, $0xb8;
	[tilespmem:$0x19400] =	vst v63  }
0x9c: {  	_ =	swait.ge [sflag:s0], $0x2000  }
0x9d: {  	[sflag:s0] =	ssyncset.done $0x0  }
0x9e: {  	s11 =	sadd.s32 $0x2880, s10;
	[sflag:s0] =	ssyncadd.s32 $0xFFFFE000  }
0x9f: {  	[spmem:s2] =	stream.indirect.scatter.add.f32 [tilespmem:s24], [sflag:$0x6], $0x40, s11, s22, $0xb8;
	[tilespmem:$0x19400] =	vst v63  }
0xa0: {  	_ =	swait.ge [sflag:s1], $0x2000  }
0xa1: {  	[sflag:s1] =	ssyncset.done $0x0  }
0xa2: {  	s11 =	sadd.s32 $0x280, s10;
	[sflag:s1] =	ssyncadd.s32 $0xFFFFE000  }
0xa3: {  	[tilespmem:s24], [sflag:$0x2] =	stream.indirect.gather [hbm4b:s4+s22], $0x40, s11, s22, $0xb8;
	[tilespmem:$0x19400] =	vst v63  }
0xa4: {  	_ =	swait.ge [sflag:s20], $0x2000  }
0xa5: {  	[sflag:s20] =	ssyncset.done $0x0  }
0xa6: {  	s11 =	sadd.s32 $0x2900, s10;
	[sflag:s20] =	ssyncadd.s32 $0xFFFFE000  }
0xa7: {  	[spmem:s2] =	stream.indirect.scatter.add.f32 [tilespmem:s26], [sflag:$0x7], $0x40, s11, s22, $0xb8;
	[tilespmem:$0x19400] =	vst v63  }
0xa8: {  	_ =	swait.ge [sflag:s25], $0x2000  }
0xa9: {  	[sflag:s25] =	ssyncset.done $0x0  }
0xaa: {  	s11 =	sadd.s32 $0x300, s10;
	[sflag:s25] =	ssyncadd.s32 $0xFFFFE000  }
0xab: {  	[tilespmem:s26], [sflag:$0x3] =	stream.indirect.gather [hbm4b:s4+s22], $0x40, s11, s22, $0xb8;
	[tilespmem:$0x19400] =	vst v63  }
0xac: {  	_ =	swait.ge [sflag:s28], $0x2000  }
0xad: {  	[sflag:s28] =	ssyncset.done $0x0  }
.Ltmp1:
0xae: {  	s11 =	sadd.s32 $0x2980, s10;
	[sflag:s28] =	ssyncadd.s32 $0xFFFFE000;
	(pc) =	sbr.rel @p0 .LBB2_4-.Ltmp1, $4  }
0xaf: {  	[spmem:s2] =	stream.indirect.scatter.add.f32 [tilespmem:s29], [sflag:$0x8], $0x40, s11, s22, $0xb8;
	[tilespmem:$0x19400] =	vst v63  }
0xb0: {  	_ =	swait.ge [sflag:s5], $0x2000  }
0xb1: {  	[sflag:s5] =	ssyncset.done $0x0  }
0xb2: {  	s10 =	sadd.s32 $0x380, s10;
	[sflag:s5] =	ssyncadd.s32 $0xFFFFE000  }
0xb3: {  	[tilespmem:s29], [sflag:$0x4] =	stream.indirect.gather [hbm4b:s4+s22], $0x40, s10, s22, $0xb8;
	[tilespmem:$0x19400] =	vst v63  }
0xb4: {  	_ =	swait.ge [sflag:s30], $0x2000  }
0xb5: {  	[sflag:s30] =	ssyncset.done $0x0  }
0xb6: {  	s9 =	simm.s32 $0x4E00;
	[sflag:s30] =	ssyncadd.s32 $0xFFFFE000  }
0xb7: {  	[spmem:s2] =	stream.indirect.scatter.add.f32 [tilespmem:s23], [sflag:$0x5], $0x40, s9, s22, $0xb8;
	[tilespmem:$0x19400] =	vst v63  }
0xb8: {  	_ =	swait.ge [sflag:s0], $0x2000  }
0xb9: {  	[sflag:s0] =	ssyncset.done $0x0  }
0xba: {  	s11 =	simm.s32 $0x4E80;
	[sflag:s0] =	ssyncadd.s32 $0xFFFFE000  }
0xbb: {  	[spmem:s2] =	stream.indirect.scatter.add.f32 [tilespmem:s24], [sflag:$0x6], $0x40, s11, s22, $0xb8;
	[tilespmem:$0x19400] =	vst v63  }
0xbc: {  	_ =	swait.ge [sflag:s20], $0x2000  }
0xbd: {  	[sflag:s20] =	ssyncset.done $0x0  }
0xbe: {  	s10 =	simm.s32 $0x4F00;
	[sflag:s20] =	ssyncadd.s32 $0xFFFFE000  }
0xbf: {  	[spmem:s2] =	stream.indirect.scatter.add.f32 [tilespmem:s26], [sflag:$0x7], $0x40, s10, s22, $0xb8;
	[tilespmem:$0x19400] =	vst v63  }
0xc0: {  	_ =	swait.ge [sflag:s28], $0x2000  }
0xc1: {  	[sflag:s28] =	ssyncset.done $0x0  }
0xc2: {  	s11 =	simm.s32 $0x4F80;
	[sflag:s28] =	ssyncadd.s32 $0xFFFFE000  }
0xc3: {  	[spmem:s2] =	stream.indirect.scatter.add.f32 [tilespmem:s29], [sflag:$0x8], $0x40, s11, s22, $0xb8;
	[tilespmem:$0x19400] =	vst v63  }
0xc4: {  	_ =	swait.ge [sflag:s31], $0x2000  }
0xc5: {  	[sflag:s31] =	ssyncset.done $0x0  }
0xc6: {  	[sflag:s31] =	ssyncadd.s32 $0xFFFFE000  }
0xc7: {  	_ =	swait.ge [sflag:s1], $0x2000  }
0xc8: {  	[sflag:s1] =	ssyncset.done $0x0  }
0xc9: {  	[sflag:s1] =	ssyncadd.s32 $0xFFFFE000  }
0xca: {  	_ =	swait.ge [sflag:s25], $0x2000  }
0xcb: {  	[sflag:s25] =	ssyncset.done $0x0  }
0xcc: {  	[sflag:s25] =	ssyncadd.s32 $0xFFFFE000  }
0xcd: {  	_ =	swait.ge [sflag:s5], $0x2000  }
0xce: {  	[sflag:s5] =	ssyncset.done $0x0  }
0xcf: {  	[sflag:s5] =	ssyncadd.s32 $0xFFFFE000  }
0xd0: {  	[bflag:$0x0] =	sbarrier.arrive $0xFFFF  }
0xd1: {  	s10 =	rddreg [dreg:$0x5]  }
0xd2: {  	[tilespmem:s6], [sflag:$0x9] =	stream.linear.gather [spmem:s10], $0x2000, $0x38;
	[tilespmem:$0x19400] =	vst v63  }
0xd3: {  	_ =	swait.ge [sflag:s19], $0x2000  }
0xd4: {  	[sflag:s19] =	ssyncset.done $0x0  }
0xd5: {  	s11 =	rddreg [dreg:$0x7];
	[sflag:s19] =	ssyncadd.s32 $0xFFFFE000  }
0xd6: {  	[hbm4b:s11+s3] =	stream.linear.scatter [tilespmem:s6], [sflag:$0x9], $0x2000, $0x38;
	[tilespmem:$0x19400] =	vst v63  }
0xd7: {  	_ =	swait.ge [sflag:s19], $0x2000  }
0xd8: {  	[sflag:s19] =	ssyncset.done $0x0  }
0xd9: {  	s10 =	rddreg [dreg:$0x8];
	[sflag:s19] =	ssyncadd.s32 $0xFFFFE000  }
0xda: {  	[tilespmem:s6], [sflag:$0x9] =	stream.linear.gather [spmem:s10], $0x2000, $0x38;
	[tilespmem:$0x19400] =	vst v63  }
0xdb: {  	_ =	swait.ge [sflag:s19], $0x2000  }
0xdc: {  	[sflag:s19] =	ssyncset.done $0x0  }
0xdd: {  	[sflag:s19] =	ssyncadd.s32 $0xFFFFE000  }
0xde: {  	[hbm4b:s12+s3] =	stream.linear.scatter [tilespmem:s6], [sflag:$0x9], $0x2000, $0x38;
	[tilespmem:$0x19400] =	vst v63  }
0xdf: {  	_ =	swait.ge [sflag:s19], $0x2000  }
0xe0: {  	[sflag:s19] =	ssyncset.done $0x0  }
0xe1: {  	[sflag:s19] =	ssyncadd.s32 $0xFFFFE000  }
0xe2: {  	[tilespmem:s6], [sflag:$0x9] =	stream.linear.gather [spmem:s13], $0x2000, $0x38;
	[tilespmem:$0x19400] =	vst v63  }
0xe3: {  	_ =	swait.ge [sflag:s19], $0x2000  }
0xe4: {  	[sflag:s19] =	ssyncset.done $0x0  }
0xe5: {  	[sflag:s19] =	ssyncadd.s32 $0xFFFFE000  }
0xe6: {  	[hbm4b:s14+s3] =	stream.linear.scatter [tilespmem:s6], [sflag:$0x9], $0x2000, $0x38;
	[tilespmem:$0x19400] =	vst v63  }
0xe7: {  	_ =	swait.ge [sflag:s19], $0x2000  }
0xe8: {  	[sflag:s19] =	ssyncset.done $0x0  }
0xe9: {  	[sflag:s19] =	ssyncadd.s32 $0xFFFFE000  }
0xea: {  	[tilespmem:s6], [sflag:$0x9] =	stream.linear.gather [spmem:s15], $0x2000, $0x38;
	[tilespmem:$0x19400] =	vst v63  }
0xeb: {  	_ =	swait.ge [sflag:s19], $0x2000  }
0xec: {  	[sflag:s19] =	ssyncset.done $0x0  }
0xed: {  	[sflag:s19] =	ssyncadd.s32 $0xFFFFE000  }
0xee: {  	[hbm4b:s16+s3] =	stream.linear.scatter [tilespmem:s6], [sflag:$0x9], $0x2000, $0x38;
	[tilespmem:$0x19400] =	vst v63  }
0xef: {  	_ =	swait.ge [sflag:s19], $0x2000  }
0xf0: {  	[sflag:s19] =	ssyncset.done $0x0  }
0xf1: {  	[sflag:s19] =	ssyncadd.s32 $0xFFFFE000  }
0xf2: {  	[tilespmem:s6], [sflag:$0x9] =	stream.linear.gather [spmem:s17], $0x2000, $0x38;
	[tilespmem:$0x19400] =	vst v63  }
0xf3: {  	_ =	swait.ge [sflag:s19], $0x2000  }
0xf4: {  	[sflag:s19] =	ssyncset.done $0x0  }
0xf5: {  	[sflag:s19] =	ssyncadd.s32 $0xFFFFE000  }
0xf6: {  	[hbm4b:s18+s3] =	stream.linear.scatter [tilespmem:s6], [sflag:$0x9], $0x2000, $0x38;
	[tilespmem:$0x19400] =	vst v63  }
0xf7: {  	_ =	swait.ge [sflag:s19], $0x2000  }
0xf8: {  	s8 =	sadd.s32 $0x1, s8;
	s11 =	rddreg [dreg:$0x6]  }
0xf9: {  	p0 =	sne.s32 s8, s11  }
.Ltmp2:
0xfa: {  	_ = 	snop;
	(pc) =	sbr.rel @p0 .LBB2_1-.Ltmp2, $3  }
0xfb: {  	_ =	sdelay $0x1  }
0xfc: {  	[sflag:s19] =	ssyncset.done $0x0  }
0xfd: {  	[sflag:s19] =	ssyncadd.s32 $0xFFFFE000  }
0xfe: {  	_ =	sfence.sel $0x180000  }
0xff: {  	[bflag:$0x0] =	sbarrier.arrive $0xFFFF  }
0x100: {  	_ =	strace $0x9000004A  }
0x101: {  	s0 =	stileid.u32;
	[bflag:$0x2] =	sbarrier.arrive $0xFFFF  }
0x102: {  	p0 =	sne.s32 s0, $0x0;
	s0 =	rddreg [dreg:$0x2]  }
0x103: {  	s0 =	sadd.s32 @!p0 $0x100000, s0  }
0x104: {  	[sflag:s0] =	ssyncadd.tile.s32 @!p0 $0x1;
	_ =	shalt  }
.Lfunc_end2:
_tile_overlayer_lowered:
.L_overlay_start_2:
0x105: {  	(tag) =	ssettag $0x2  }
0x106: {  	s0 =	rddreg [dreg:$0x0];
	s2 =	stileid.u32  }
0x107: {  	s1 =	rddreg [dreg:$0x1];
	p0 =	sne.s32 s2, $0x0  }
0x108: {  	s3 =	rddreg [dreg:$0x2];
	[bflag:$0x3] =	sbarrier.arrive $0xFFFF;
	s2 =	simm.s32 @!p0 $0x1C09  }
0x109: {  	[timem:s3], [sflag:s2] =	dma.local @!p0 [hbm:s0], s1  }
0x10a: {  	s0 =	simm.s32 @!p0 $0x9  }
0x10b: {  	_ =	swait.ge @!p0 [sflag:s0], s1  }
0x10c: {  	s1 =	ssub.s32 @!p0 $0x0, s1;
	[sflag:s0] =	ssyncset.done @!p0 $0x0  }
0x10d: {  	[sflag:s0] =	ssyncadd.s32 @!p0 s1  }
0x10e: {  	[bflag:$0x3] =	sbarrier.arrive $0xFFFF  }
0x10f: {  	_ =	shalt  }

// kernel: kernel.16.cloned.1.call-start
scs
__scs_entry_jumppad:
0x0: {  	(pc) =	sbr.rel $0x88, $3  }
0x1: {  	(tag) =	ssettag $0x0;
	lr =	simm.s32 $0x1  }
0x2: {  	[smem:$0x3F95] =	sst lr;
	_ =	strace $0xD0000000  }
0x3: {  	_ = 	snop  }
0x4: {  	_ = 	snop  }
0x5: {  	_ = 	snop  }
0x6: {  	_ = 	snop  }
0x7: {  	_ = 	snop  }
__scs_overlays_trampoline_lowered:
0x8: {  	[smem:$0x3FA4] =	sst s0  }
0x9: {  	[smem:$0x3FA5] =	sst s1  }
0xa: {  	[smem:$0x3FA6] =	sst s2  }
0xb: {  	[smem:$0x3FA7] =	sst s3  }
0xc: {  	[smem:$0x3FA8] =	sst s4  }
0xd: {  	[smem:$0x3FA9] =	sst s5  }
0xe: {  	[smem:$0x3FAA] =	sst s6  }
0xf: {  	[smem:$0x3FAB] =	sst s7  }
0x10: {  	[smem:$0x3FAC] =	sst s8  }
0x11: {  	[smem:$0x3FAD] =	sst s9;
	s0 =	simm.s32 @!p0 $0x0  }
0x12: {  	s1 =	sld [smem:$0x3F93];
	s0 =	simm.s32 @p0 $0x1  }
0x13: {  	[smem:$0x3FAE] =	sst s0;
	s0 =	simm.s32 @!p1 $0x0  }
0x14: {  	s2 =	sld [smem:$0x3F92];
	s0 =	simm.s32 @p1 $0x1  }
0x15: {  	[smem:$0x3FAF] =	sst s0;
	s0 =	simm.s32 @!p2 $0x0  }
0x16: {  	s3 =	sld [smem:$0x3FDB];
	s0 =	simm.s32 @p2 $0x1  }
0x17: {  	s4 =	simm.s32 $0x1BF5;
	[smem:$0x3FB1] =	sst s0  }
0x18: {  	s0 =	sld [smem:$0x3F94];
	_ =	swait.ge [sflag:s4], $0x0  }
0x19: {  	s7 =	sld [smem:$0x3F95]  }
0x1a: {  	s8 =	sadd.s32 $0xFFFFE003, lr  }
0x1b: {  	s9 =	sadd.s32 $0xFFFFFEF7, lr;
	s5 =	simm.s32 $0xFFFFFFFF;
	p2 =	slt.u32 s8, $0xFFFFF086  }
0x1c: {  	p1 =	slt.u32 s9, $0xF7A;
	s5 =	simm.s32 @!p2 $0x0  }
0x1d: {  	s5 =	simm.s32 @p1 $0x1;
	p0 =	seq.s32 s7, s2  }
0x1e: {  	s7 =	smul.u32 @!p0 $0xF7A, s2;
	p2 =	seq.s32 @!p0 s5, $0x0  }
0x1f: {  	s9 =	smul.u32 $0xF7A, s1;
	s8 =	simm.s32 @!p0 $0x1BF5;
	p2 =	por !p2, p0  }
0x20: {  	[sflag:s8] =	ssyncset.s32 @!p0 $0xFFFFF086;
	s6 =	sadd.s32 @!p0 s3, s7;
	s7 =	simm.s32 @!p0 $0x108  }
0x21: {  	s3 =	sadd.s32 s3, s9;
	s6 =	sadd.s32 @!p0 $0x88, s6;
	s7 =	simm.s32 @p2 $0x1082  }
0x22: {  	[simem:s7], [sflag:s8] =	dma.local @!p0 [hbm:s6], $0xF7A  }
0x23: {  	s9 =	sor.u32 $0xD0000000, s2;
	s6 =	simm.s32 $0x108;
	_ =	swait.ge @!p0 [sflag:s8], $0x0  }
0x24: {  	s3 =	sadd.s32 $0x88, s3;
	s6 =	simm.s32 @!p1 $0x1082;
	[sflag:s4] =	ssyncset.s32 $0xFFFFF086  }
0x25: {  	[simem:s6], [sflag:s4] =	dma.local [hbm:s3], $0xF7A  }
0x26: {  	[smem:$0x3F95] =	sst s1;
	(tag) =	ssettag s2;
	_ =	strace s9  }
0x27: {  	s1 =	sld [smem:$0x3FA5]  }
0x28: {  	s2 =	sld [smem:$0x3FA6]  }
0x29: {  	s4 =	sld [smem:$0x3FA8]  }
0x2a: {  	p0 =	seq.s32 s5, $0x0;
	s5 =	sld [smem:$0x3FA9]  }
0x2b: {  	s6 =	sld [smem:$0x3FAA]  }
0x2c: {  	s7 =	sld [smem:$0x3FAB]  }
0x2d: {  	s3 =	simm.s32 $0x108;
	s8 =	sld [smem:$0x3FAC]  }
0x2e: {  	s3 =	simm.s32 @!p0 $0x1082;
	s9 =	sld [smem:$0x3FAD]  }
0x2f: {  	lr =	sadd.s32 s0, s3;
	s0 =	sld [smem:$0x3FA4]  }
0x30: {  	s3 =	sld [smem:$0x3FA7]  }
0x31: {  	[smem:$0x3FB0] =	sst s10  }
0x32: {  	s10 =	sld [smem:$0x3FAE];
	_ =	sdelay $0x3  }
0x33: {  	p0 =	seq.s32 s10, $0x1;
	s10 =	sld [smem:$0x3FB0];
	_ =	sdelay $0x3  }
0x34: {  	[smem:$0x3FB0] =	sst s10  }
0x35: {  	s10 =	sld [smem:$0x3FAF];
	_ =	sdelay $0x3  }
0x36: {  	p1 =	seq.s32 s10, $0x1;
	s10 =	sld [smem:$0x3FB0];
	_ =	sdelay $0x3  }
0x37: {  	[smem:$0x3FB0] =	sst s10  }
0x38: {  	s10 =	sld [smem:$0x3FB1]  }
0x39: {  	_ = 	snop;
	(pc) =	sbr.ind lr, $3  }
0x3a: {  	_ = 	snop  }
0x3b: {  	_ = 	snop  }
0x3c: {  	p2 =	seq.s32 s10, $0x1;
	s10 =	sld [smem:$0x3FB0]  }
0x3d: {  	_ =	shalt  }
0x3e: {  	_ =	shalt  }
0x3f: {  	_ =	shalt  }
0x40: {  	_ =	shalt  }
0x41: {  	_ =	shalt  }
0x42: {  	_ =	shalt  }
0x43: {  	_ =	shalt  }
0x44: {  	_ =	shalt  }
0x45: {  	_ =	shalt  }
0x46: {  	_ =	shalt  }
0x47: {  	_ =	shalt  }
0x48: {  	_ =	shalt  }
0x49: {  	_ =	shalt  }
0x4a: {  	_ =	shalt  }
0x4b: {  	_ =	shalt  }
0x4c: {  	_ =	shalt  }
0x4d: {  	_ =	shalt  }
0x4e: {  	_ =	shalt  }
0x4f: {  	_ =	shalt  }
0x50: {  	_ =	shalt  }
0x51: {  	_ =	shalt  }
0x52: {  	_ =	shalt  }
0x53: {  	_ =	shalt  }
0x54: {  	_ =	shalt  }
0x55: {  	_ =	shalt  }
0x56: {  	_ =	shalt  }
0x57: {  	_ =	shalt  }
0x58: {  	_ =	shalt  }
0x59: {  	_ =	shalt  }
0x5a: {  	_ =	shalt  }
0x5b: {  	_ =	shalt  }
0x5c: {  	_ =	shalt  }
0x5d: {  	_ =	shalt  }
0x5e: {  	_ =	shalt  }
0x5f: {  	_ =	shalt  }
0x60: {  	_ =	shalt  }
0x61: {  	_ =	shalt  }
0x62: {  	_ =	shalt  }
0x63: {  	_ =	shalt  }
0x64: {  	_ =	shalt  }
0x65: {  	_ =	shalt  }
0x66: {  	_ =	shalt  }
0x67: {  	_ =	shalt  }
0x68: {  	_ =	shalt  }
0x69: {  	_ =	shalt  }
0x6a: {  	_ =	shalt  }
0x6b: {  	_ =	shalt  }
0x6c: {  	_ =	shalt  }
0x6d: {  	_ =	shalt  }
0x6e: {  	_ =	shalt  }
0x6f: {  	_ =	shalt  }
0x70: {  	_ =	shalt  }
0x71: {  	_ =	shalt  }
0x72: {  	_ =	shalt  }
0x73: {  	_ =	shalt  }
0x74: {  	_ =	shalt  }
0x75: {  	_ =	shalt  }
0x76: {  	_ =	shalt  }
0x77: {  	_ =	shalt  }
0x78: {  	_ =	shalt  }
0x79: {  	_ =	shalt  }
0x7a: {  	_ =	shalt  }
0x7b: {  	_ =	shalt  }
0x7c: {  	_ =	shalt  }
0x7d: {  	_ =	shalt  }
0x7e: {  	_ =	shalt  }
0x7f: {  	_ =	shalt  }
0x80: {  	_ =	shalt  }
0x81: {  	_ =	shalt  }
0x82: {  	_ =	shalt  }
0x83: {  	_ =	shalt  }
0x84: {  	_ =	shalt  }
0x85: {  	_ =	shalt  }
0x86: {  	_ =	shalt  }
0x87: {  	_ =	shalt  }
.Lfunc_end0:
.L_simem_size_0:
called_computation.2_lowered:
.L_overlay_start_0:
0x88: {  	s2 =	sld [smem:$0x3FD9]  }
0x89: {  	s3 =	sld [smem:$0x3FFE];
	_ =	sdelay $0x1  }
0x8a: {  	s1 =	srdreg.scid  }
0x8b: {  	s0 =	sand.u32 $0x1, s1  }
0x8c: {  	s16 =	sshll.u32 s0, $0xA;
	s2 =	sadd.s32 s3, s2  }
0x8d: {  	s2 =	sadd.s32 s2, s16  }
0x8e: {  	[smem:$0x3FBC] =	sst s2  }
0x8f: {  	_ = 	snop  }
0x90: {  	(tm) =	ssettm $0x1  }
0x91: {  	s17 =	sld [smem:$0x3FFB];
	_ =	sdelay $0x3  }
0x92: {  	_ =	strace s17  }
0x93: {  	s2 =	sld [smem:$0x3FFC];
	_ =	sdelay $0x3  }
0x94: {  	_ =	strace s2  }
0x95: {  	s2 =	sld [smem:$0x3FFD];
	_ =	sdelay $0x3  }
0x96: {  	_ =	strace s2  }
0x97: {  	_ =	strace $0x8FFFFFFF  }
0x98: {  	s18 =	sld [smem:$0x3FDB];
	_ =	sdelay $0x1  }
0x99: {  	s19 =	simm.s32 $_scs_section_size  }
0x9a: {  	s4 =	simm.s32 $_size__tile_overlayer_lowered;
	s5 =	simm.s32 $_tile_overlayer_lowered  }
0x9b: {  	s22 =	simm.s32 $0x1BFF;
	s21 =	sshll.u32 s5, $0x1;
	s2 =	sadd.s32 s19, s18  }
0x9c: {  	s6 =	simm.s32 $0x0;
	s20 =	sshll.u32 s4, $0x1;
	s4 =	sadd.s32 s21, s2  }
0x9d: {  	[timem:s6], [sflag:s22] =	dma.local [hbm:s4], s20  }
0x9e: {  	_ =	swait.ge [sflag:s22], s20  }
0x9f: {  	s3 =	ssub.s32 $0x0, s20;
	[sflag:s22] =	ssyncset.done $0x0  }
0xa0: {  	[sflag:s22] =	ssyncadd.s32 s3;
	_ =	sdelay $0x1  }
0xa1: {  	s23 =	simm.s32 $0x1B8B  }
0xa2: {  	_ =	swait.ge [sflag:s23], $0x1  }
0xa3: {  	[sflag:s23] =	ssyncset.done $0x0  }
0xa4: {  	s25 =	simm.s32 $0x1B8E;
	s24 =	sld [smem:$0x3FFE];
	[sflag:s23] =	ssyncadd.s32 $0xFFFFFFFF  }
0xa5: {  	s26 =	simm.s32 $execute0_lowered;
	[smem:$0x3FD2] =	sst s25  }
0xa6: {  	s4 =	sshll.u32 s26, $0x1;
	_ =	strace $0x8000004C;
	[dreg:$0x1] =	wrdreg $0xFFFFFFFF  }
0xa7: {  	s28 =	simm.s32 $_size_execute0_lowered;
	s2 =	sadd.s32 s2, s4;
	[dreg:$0x0] =	wrdreg $0x0  }
0xa8: {  	s4 =	sshll.u32 s28, $0x1;
	[dreg:$0x2] =	wrdreg s2  }
0xa9: {  	[dreg:$0x3] =	wrdreg s4  }
0xaa: {  	[dreg:$0x4] =	wrdreg $0xC0  }
0xab: {  	_ =	task [dreg:s6], $0x5FFFF  }
0xac: {  	[dreg:$0x1] =	wrdreg $0xFFFFFFFF  }
0xad: {  	[dreg:$0x0] =	wrdreg $0x60  }
0xae: {  	[dreg:$0x2] =	wrdreg s24  }
0xaf: {  	[dreg:$0x3] =	wrdreg $0xF4000  }
0xb0: {  	[dreg:$0x4] =	wrdreg $0x9  }
0xb1: {  	_ =	task.clear_ibuf [dreg:s6], $0x5FFFF;
	_ =	strace $0x9000004C  }
0xb2: {  	s29 =	simm.s32 $0x9;
	_ =	strace $0x8000004E  }
0xb3: {  	_ =	swait.ge [sflag:s29], $0x1  }
0xb4: {  	[sflag:s29] =	ssyncadd.s32 $0xFFFFFFFF  }
0xb5: {  	_ =	strace $0x9000004E  }
0xb6: {  	_ =	sfence  }
0xb7: {  	s30 =	sld [smem:$0x0];
	_ =	sdelay $0x2  }
0xb8: {  	s31 =	sshll.u32 s1, $0xD;
	s1 =	sshrl.u32 s1, $0x2  }
0xb9: {  	s3 =	sand.u32 $0x4000, s31;
	s1 =	sadd.s32 s1, s30  }
0xba: {  	s0 =	sor.u32 s3, s0;
	s1 =	sshll.u32 s1, $0x11  }
0xbb: {  	s0 =	sor.u32 s1, s0  }
0xbc: {  	s0 =	sadd.s32 $0x8F2B, s0  }
0xbd: {  	[sflag:s0] =	ssyncadd.remote.s32 $0x1  }
0xbe: {  	_ =	sfence.sel $0xFFFF  }
0xbf: {  	[dreg:$0x0] =	wrdreg $0xFFFFFFFF;
	(pc) =	sbr.abs _section_cstart, $3  }
0xc0: {  	[dreg:$0x1] =	wrdreg $0xFFFFFFFF  }
0xc1: {  	_ =	task.clear_ibuf [dreg:s6], $0x2FFFF;
	_ =	strace $0x9FFFFFFF  }
0xc2: {  	(tm) =	ssettm $0x7FFFFFFF  }
0xc3: {  	_ =	shalt  }
tec
execute0_lowered:
.L_overlay_start_1:
0x0: {  	(tag) =	ssettag $0x1  }
0x1: {  	s1 =	rddreg [dreg:$0x0]  }
0x2: {  	s0 =	srdreg.scid;
	s2 =	rddreg [dreg:$0x1]  }
0x3: {  	s8 =	stileid.u32;
	s3 =	simm.s32 $0x0;
	s29 =	simm.s32 $0xB000  }
0x4: {  	s30 =	simm.s32 $0x1;
	s31 =	simm.s32 $0x5;
	s28 =	simm.s32 $0x4  }
0x5: {  	s0 =	sand.u32 $0x1, s0;
	[smem:$0x7FF] =	sst s3;
	s6 =	smul.u32 $0x28000, s8  }
0x6: {  	s4 =	sshll.u32 s0, $0x4;
	s7 =	ssub.s32 $0x2, s0;
	s0 =	smul.u32 $0xA0000, s0  }
0x7: {  	_ =	strace $0x8000004D;
	s4 =	sor.u32 s8, s4;
	s8 =	smul.u32 $0xA000, s8  }
0x8: {  	s9 =	sshrl.u32 s7, $0x1;
	s6 =	sshrl.u32 s6, $0x2;
	s5 =	smul.u32 $0x500, s4  }
0x9: {  	s4 =	sadd.s32 $0x20000, s1;
	s9 =	ssub.s32 s7, s9;
	s7 =	sadd.s32 s6, s2  }
0xa: {  	s19 =	sadd.s32 s0, s8;
	s20 =	sadd.s32 s8, s2;
	s21 =	sadd.s32 $0x2000, s8  }
0xb: {  	s9 =	smax.u32 s9, $0x1;
	s23 =	sadd.s32 $0x4000, s8;
	s25 =	sadd.s32 $0x6000, s8  }
0xc: {  	s8 =	sadd.s32 $0x8000, s8;
	s5 =	sadd.s32 s5, s1;
	[dreg:$0x5] =	wrdreg s20  }
0xd: {  	s1 =	sadd.s32 $0x34000, s1;
	[dreg:$0x6] =	wrdreg s9;
	s22 =	sadd.s32 s0, s21  }
0xe: {  	s6 =	sadd.s32 s21, s2;
	s13 =	sadd.s32 s23, s2;
	s24 =	sadd.s32 s0, s23  }
0xf: {  	s26 =	sadd.s32 s0, s25;
	s0 =	sadd.s32 s0, s8;
	s15 =	sadd.s32 s25, s2  }
0x10: {  	s17 =	sadd.s32 s8, s2;
	s21 =	simm.s32 $0xD000;
	s23 =	simm.s32 $0x5000  }
0x11: {  	s20 =	simm.s32 $0x3;
	s25 =	simm.s32 $0x7;
	s8 =	simm.s32 $0x0  }
0x12: {  	s18 =	sadd.s32 $0x16000, s5;
	s5 =	sadd.s32 $0x2000, s5;
	[dreg:$0x8] =	wrdreg s6  }
0x13: {  	s0 =	sshrl.u32 s0, $0x3;
	s6 =	simm.s32 $0xD400;
	[dreg:$0x3] =	wrdreg s18  }
0x14: {  	[dreg:$0x4] =	wrdreg s5;
	s5 =	sshrl.u32 s19, $0x3;
	s18 =	sadd.s32 s1, s0  }
0x15: {  	s19 =	simm.s32 $0x9;
	s0 =	simm.s32 $0x2;
	s5 =	sadd.s32 s1, s5  }
0x16: {  	[dreg:$0x7] =	wrdreg s5;
	s5 =	sshrl.u32 s22, $0x3;
	s22 =	simm.s32 $0x80  }
0x17: {  	s12 =	sadd.s32 s1, s5;
	s5 =	sshrl.u32 s24, $0x3;
	s24 =	simm.s32 $0x7000  }
0x18: {  	s14 =	sadd.s32 s1, s5;
	s5 =	sshrl.u32 s26, $0x3;
	s26 =	simm.s32 $0x9000  }
0x19: {  	v0 =	vimm.f32 $0.0e+00;
	s16 =	sadd.s32 s1, s5;
	s1 =	simm.s32 $0x6;
	s5 =	simm.s32 $0x8  }
.LBB2_1:
0x1a: {  	[tilespmem:$0xD000] =	vst v0  }
0x1b: {  	[tilespmem:$0xD010] =	vst v0  }
0x1c: {  	[tilespmem:$0xD020] =	vst v0  }
0x1d: {  	[tilespmem:$0xD030] =	vst v0  }
0x1e: {  	[tilespmem:$0xD040] =	vst v0  }
0x1f: {  	[tilespmem:$0xD050] =	vst v0  }
0x20: {  	[tilespmem:$0xD060] =	vst v0  }
0x21: {  	[tilespmem:$0xD070] =	vst v0  }
0x22: {  	[tilespmem:$0xD080] =	vst v0  }
0x23: {  	[tilespmem:$0xD090] =	vst v0  }
0x24: {  	[tilespmem:$0xD0A0] =	vst v0  }
0x25: {  	[tilespmem:$0xD0B0] =	vst v0  }
0x26: {  	[tilespmem:$0xD0C0] =	vst v0  }
0x27: {  	[tilespmem:$0xD0D0] =	vst v0  }
0x28: {  	[tilespmem:$0xD0E0] =	vst v0  }
0x29: {  	[tilespmem:$0xD0F0] =	vst v0  }
0x2a: {  	[tilespmem:$0xD100] =	vst v0  }
0x2b: {  	[tilespmem:$0xD110] =	vst v0  }
0x2c: {  	[tilespmem:$0xD120] =	vst v0  }
0x2d: {  	[tilespmem:$0xD130] =	vst v0  }
0x2e: {  	[tilespmem:$0xD140] =	vst v0  }
0x2f: {  	[tilespmem:$0xD150] =	vst v0  }
0x30: {  	[tilespmem:$0xD160] =	vst v0  }
0x31: {  	[tilespmem:$0xD170] =	vst v0  }
0x32: {  	[tilespmem:$0xD180] =	vst v0  }
0x33: {  	[tilespmem:$0xD190] =	vst v0  }
0x34: {  	[tilespmem:$0xD1A0] =	vst v0  }
0x35: {  	[tilespmem:$0xD1B0] =	vst v0  }
0x36: {  	[tilespmem:$0xD1C0] =	vst v0  }
0x37: {  	[tilespmem:$0xD1D0] =	vst v0  }
0x38: {  	[tilespmem:$0xD1E0] =	vst v0  }
0x39: {  	[tilespmem:$0xD1F0] =	vst v0  }
0x3a: {  	[tilespmem:$0xD200] =	vst v0  }
0x3b: {  	[tilespmem:$0xD210] =	vst v0  }
0x3c: {  	[tilespmem:$0xD220] =	vst v0  }
0x3d: {  	[tilespmem:$0xD230] =	vst v0  }
0x3e: {  	[tilespmem:$0xD240] =	vst v0  }
0x3f: {  	[tilespmem:$0xD250] =	vst v0  }
0x40: {  	[tilespmem:$0xD260] =	vst v0  }
0x41: {  	[tilespmem:$0xD270] =	vst v0  }
0x42: {  	[tilespmem:$0xD280] =	vst v0  }
0x43: {  	[tilespmem:$0xD290] =	vst v0  }
0x44: {  	[tilespmem:$0xD2A0] =	vst v0  }
0x45: {  	[tilespmem:$0xD2B0] =	vst v0  }
0x46: {  	[tilespmem:$0xD2C0] =	vst v0  }
0x47: {  	[tilespmem:$0xD2D0] =	vst v0  }
0x48: {  	[tilespmem:$0xD2E0] =	vst v0  }
0x49: {  	[tilespmem:$0xD2F0] =	vst v0  }
0x4a: {  	[tilespmem:$0xD300] =	vst v0  }
0x4b: {  	[tilespmem:$0xD310] =	vst v0  }
0x4c: {  	[tilespmem:$0xD320] =	vst v0  }
0x4d: {  	[tilespmem:$0xD330] =	vst v0  }
0x4e: {  	[tilespmem:$0xD340] =	vst v0  }
0x4f: {  	[tilespmem:$0xD350] =	vst v0  }
0x50: {  	[tilespmem:$0xD360] =	vst v0  }
0x51: {  	[tilespmem:$0xD370] =	vst v0  }
0x52: {  	[tilespmem:$0xD380] =	vst v0  }
0x53: {  	[tilespmem:$0xD390] =	vst v0  }
0x54: {  	[tilespmem:$0xD3A0] =	vst v0  }
0x55: {  	[tilespmem:$0xD3B0] =	vst v0  }
0x56: {  	[tilespmem:$0xD3C0] =	vst v0  }
0x57: {  	[tilespmem:$0xD3D0] =	vst v0  }
0x58: {  	[tilespmem:$0xD3E0] =	vst v0  }
0x59: {  	[tilespmem:$0xD3F0] =	vst v0;
	s9 =	rddreg [dreg:$0x3]  }
0x5a: {  	[tilespmem:s3], [sflag:$0x9] =	stream.linear.gather [hbm4b:s9+s3], $0x2800, $0x38;
	[tilespmem:$0x19400] =	vst v63  }
0x5b: {  	_ =	swait.ge [sflag:s19], $0x2800  }
0x5c: {  	[sflag:s19] =	ssyncset.done $0x0  }
0x5d: {  	s10 =	simm.s32 $0x2800;
	s11 =	rddreg [dreg:$0x4];
	[sflag:s19] =	ssyncadd.s32 $0xFFFFD800  }
0x5e: {  	[tilespmem:s10], [sflag:$0x9] =	stream.linear.gather [hbm4b:s11+s3], $0x2800, $0x38;
	[tilespmem:$0x19400] =	vst v63  }
0x5f: {  	_ =	swait.ge [sflag:s19], $0x2800  }
0x60: {  	[sflag:s19] =	ssyncset.done $0x0  }
0x61: {  	s11 =	sadd.s32 $0x0, s7;
	[sflag:s19] =	ssyncadd.s32 $0xFFFFD800  }
0x62: {  	[spmem:s11] =	stream.linear.scatter [tilespmem:s21], [sflag:$0x9], $0x400, $0x38;
	[tilespmem:$0x19400] =	vst v63  }
0x63: {  	s9 =	simm.s32 $0x1000;
	_ =	swait.ge [sflag:s19], $0x400  }
.LBB2_2:
0x64: {  	s10 =	sshra.s32 s9, $0x2;
	[sflag:s19] =	ssyncset.done $0x0;
	p0 =	sne.s32 s9, $0x27000  }
.Ltmp0:
0x65: {  	s10 =	sadd.s32 s10, s7;
	[sflag:s19] =	ssyncadd.s32 $0xFFFFFC00;
	(pc) =	sbr.rel @p0 .LBB2_2-.Ltmp0, $3  }
0x66: {  	[spmem:s10] =	stream.linear.scatter [tilespmem:s21], [sflag:$0x9], $0x400, $0x38;
	[tilespmem:$0x19400] =	vst v63  }
0x67: {  	s9 =	sadd.s32 $0x1000, s9;
	_ =	sdelay $0x1  }
0x68: {  	_ =	swait.ge [sflag:s19], $0x400  }
0x69: {  	[sflag:s19] =	ssyncset.done $0x0  }
0x6a: {  	[sflag:s19] =	ssyncadd.s32 $0xFFFFFC00  }
0x6b: {  	s9 =	simm.s32 $0x0;
	[bflag:$0x0] =	sbarrier.arrive $0xFFFF  }
0x6c: {  	[tilespmem:s23], [sflag:$0x1] =	stream.indirect.gather [hbm4b:s4+s22], $0x40, s9, s22, $0xb8;
	[tilespmem:$0x19400] =	vst v63  }
0x6d: {  	_ = 	snop  }
0x6e: {  	[tilespmem:s24], [sflag:$0x2] =	stream.indirect.gather [hbm4b:s4+s22], $0x40, s22, s22, $0xb8;
	[tilespmem:$0x19400] =	vst v63  }
0x6f: {  	s11 =	simm.s32 $0x100  }
0x70: {  	[tilespmem:s26], [sflag:$0x3] =	stream.indirect.gather [hbm4b:s4+s22], $0x40, s11, s22, $0xb8;
	[tilespmem:$0x19400] =	vst v63  }
0x71: {  	s10 =	simm.s32 $0x180  }
0x72: {  	[tilespmem:s29], [sflag:$0x4] =	stream.indirect.gather [hbm4b:s4+s22], $0x40, s10, s22, $0xb8;
	[tilespmem:$0x19400] =	vst v63  }
0x73: {  	_ =	swait.ge [sflag:s30], $0x2000  }
0x74: {  	[sflag:s30] =	ssyncset.done $0x0  }
0x75: {  	s11 =	simm.s32 $0x2800;
	[sflag:s30] =	ssyncadd.s32 $0xFFFFE000  }
0x76: {  	[spmem:s2] =	stream.indirect.scatter.add.f32 [tilespmem:s23], [sflag:$0x5], $0x40, s11, s22, $0xb8;
	[tilespmem:$0x19400] =	vst v63  }
0x77: {  	_ =	swait.ge [sflag:s31], $0x2000  }
0x78: {  	[sflag:s31] =	ssyncset.done $0x0  }
0x79: {  	s10 =	simm.s32 $0x200;
	[sflag:s31] =	ssyncadd.s32 $0xFFFFE000  }
0x7a: {  	[tilespmem:s23], [sflag:$0x1] =	stream.indirect.gather [hbm4b:s4+s22], $0x40, s10, s22, $0xb8;
	[tilespmem:$0x19400] =	vst v63  }
0x7b: {  	_ =	swait.ge [sflag:s0], $0x2000  }
0x7c: {  	[sflag:s0] =	ssyncset.done $0x0  }
0x7d: {  	s11 =	simm.s32 $0x2880;
	[sflag:s0] =	ssyncadd.s32 $0xFFFFE000  }
0x7e: {  	[spmem:s2] =	stream.indirect.scatter.add.f32 [tilespmem:s24], [sflag:$0x6], $0x40, s11, s22, $0xb8;
	[tilespmem:$0x19400] =	vst v63  }
0x7f: {  	_ =	swait.ge [sflag:s1], $0x2000  }
0x80: {  	[sflag:s1] =	ssyncset.done $0x0  }
0x81: {  	s10 =	simm.s32 $0x280;
	[sflag:s1] =	ssyncadd.s32 $0xFFFFE000  }
0x82: {  	[tilespmem:s24], [sflag:$0x2] =	stream.indirect.gather [hbm4b:s4+s22], $0x40, s10, s22, $0xb8;
	[tilespmem:$0x19400] =	vst v63  }
0x83: {  	_ =	swait.ge [sflag:s20], $0x2000  }
0x84: {  	[sflag:s20] =	ssyncset.done $0x0  }
0x85: {  	s11 =	simm.s32 $0x2900;
	[sflag:s20] =	ssyncadd.s32 $0xFFFFE000  }
0x86: {  	[spmem:s2] =	stream.indirect.scatter.add.f32 [tilespmem:s26], [sflag:$0x7], $0x40, s11, s22, $0xb8;
	[tilespmem:$0x19400] =	vst v63  }
0x87: {  	_ =	swait.ge [sflag:s25], $0x2000  }
0x88: {  	[sflag:s25] =	ssyncset.done $0x0  }
0x89: {  	s10 =	simm.s32 $0x300;
	[sflag:s25] =	ssyncadd.s32 $0xFFFFE000  }
0x8a: {  	[tilespmem:s26], [sflag:$0x3] =	stream.indirect.gather [hbm4b:s4+s22], $0x40, s10, s22, $0xb8;
	[tilespmem:$0x19400] =	vst v63  }
0x8b: {  	_ =	swait.ge [sflag:s28], $0x2000  }
0x8c: {  	[sflag:s28] =	ssyncset.done $0x0  }
0x8d: {  	s11 =	simm.s32 $0x2980;
	[sflag:s28] =	ssyncadd.s32 $0xFFFFE000  }
0x8e: {  	[spmem:s2] =	stream.indirect.scatter.add.f32 [tilespmem:s29], [sflag:$0x8], $0x40, s11, s22, $0xb8;
	[tilespmem:$0x19400] =	vst v63  }
0x8f: {  	_ =	swait.ge [sflag:s5], $0x2000  }
0x90: {  	[sflag:s5] =	ssyncset.done $0x0  }
0x91: {  	s9 =	simm.s32 $0x800;
	s10 =	simm.s32 $0x380;
	[sflag:s5] =	ssyncadd.s32 $0xFFFFE000  }
.LBB2_4:
0x92: {  	[tilespmem:s29], [sflag:$0x4] =	stream.indirect.gather [hbm4b:s4+s22], $0x40, s10, s22, $0xb8;
	[tilespmem:$0x19400] =	vst v63  }
0x93: {  	s10 =	smov.u32 s9  }
0x94: {  	p0 =	sne.s32 s9, $0x9000;
	s9 =	sadd.s32 $0x800, s9;
	_ =	swait.ge [sflag:s30], $0x2000  }
0x95: {  	s10 =	sshra.s32 s10, $0x2;
	[sflag:s30] =	ssyncset.done $0x0  }
0x96: {  	s11 =	sadd.s32 $0x2800, s10;
	[sflag:s30] =	ssyncadd.s32 $0xFFFFE000  }
0x97: {  	[spmem:s2] =	stream.indirect.scatter.add.f32 [tilespmem:s23], [sflag:$0x5], $0x40, s11, s22, $0xb8;
	[tilespmem:$0x19400] =	vst v63  }
0x98: {  	_ =	swait.ge [sflag:s31], $0x2000  }
0x99: {  	[sflag:s31] =	ssyncset.done $0x0  }
0x9a: {  	s11 =	sadd.s32 $0x200, s10;
	[sflag:s31] =	ssyncadd.s32 $0xFFFFE000  }
0x9b: {  	[tilespmem:s23], [sflag:$0x1] =	stream.indirect.gather [hbm4b:s4+s22], $0x40, s11, s22, $0xb8;
	[tilespmem:$0x19400] =	vst v63  }
0x9c: {  	_ =	swait.ge [sflag:s0], $0x2000  }
0x9d: {  	[sflag:s0] =	ssyncset.done $0x0  }
0x9e: {  	s11 =	sadd.s32 $0x2880, s10;
	[sflag:s0] =	ssyncadd.s32 $0xFFFFE000  }
0x9f: {  	[spmem:s2] =	stream.indirect.scatter.add.f32 [tilespmem:s24], [sflag:$0x6], $0x40, s11, s22, $0xb8;
	[tilespmem:$0x19400] =	vst v63  }
0xa0: {  	_ =	swait.ge [sflag:s1], $0x2000  }
0xa1: {  	[sflag:s1] =	ssyncset.done $0x0  }
0xa2: {  	s11 =	sadd.s32 $0x280, s10;
	[sflag:s1] =	ssyncadd.s32 $0xFFFFE000  }
0xa3: {  	[tilespmem:s24], [sflag:$0x2] =	stream.indirect.gather [hbm4b:s4+s22], $0x40, s11, s22, $0xb8;
	[tilespmem:$0x19400] =	vst v63  }
0xa4: {  	_ =	swait.ge [sflag:s20], $0x2000  }
0xa5: {  	[sflag:s20] =	ssyncset.done $0x0  }
0xa6: {  	s11 =	sadd.s32 $0x2900, s10;
	[sflag:s20] =	ssyncadd.s32 $0xFFFFE000  }
0xa7: {  	[spmem:s2] =	stream.indirect.scatter.add.f32 [tilespmem:s26], [sflag:$0x7], $0x40, s11, s22, $0xb8;
	[tilespmem:$0x19400] =	vst v63  }
0xa8: {  	_ =	swait.ge [sflag:s25], $0x2000  }
0xa9: {  	[sflag:s25] =	ssyncset.done $0x0  }
0xaa: {  	s11 =	sadd.s32 $0x300, s10;
	[sflag:s25] =	ssyncadd.s32 $0xFFFFE000  }
0xab: {  	[tilespmem:s26], [sflag:$0x3] =	stream.indirect.gather [hbm4b:s4+s22], $0x40, s11, s22, $0xb8;
	[tilespmem:$0x19400] =	vst v63  }
0xac: {  	_ =	swait.ge [sflag:s28], $0x2000  }
0xad: {  	[sflag:s28] =	ssyncset.done $0x0  }
.Ltmp1:
0xae: {  	s11 =	sadd.s32 $0x2980, s10;
	[sflag:s28] =	ssyncadd.s32 $0xFFFFE000;
	(pc) =	sbr.rel @p0 .LBB2_4-.Ltmp1, $4  }
0xaf: {  	[spmem:s2] =	stream.indirect.scatter.add.f32 [tilespmem:s29], [sflag:$0x8], $0x40, s11, s22, $0xb8;
	[tilespmem:$0x19400] =	vst v63  }
0xb0: {  	_ =	swait.ge [sflag:s5], $0x2000  }
0xb1: {  	[sflag:s5] =	ssyncset.done $0x0  }
0xb2: {  	s10 =	sadd.s32 $0x380, s10;
	[sflag:s5] =	ssyncadd.s32 $0xFFFFE000  }
0xb3: {  	[tilespmem:s29], [sflag:$0x4] =	stream.indirect.gather [hbm4b:s4+s22], $0x40, s10, s22, $0xb8;
	[tilespmem:$0x19400] =	vst v63  }
0xb4: {  	_ =	swait.ge [sflag:s30], $0x2000  }
0xb5: {  	[sflag:s30] =	ssyncset.done $0x0  }
0xb6: {  	s9 =	simm.s32 $0x4E00;
	[sflag:s30] =	ssyncadd.s32 $0xFFFFE000  }
0xb7: {  	[spmem:s2] =	stream.indirect.scatter.add.f32 [tilespmem:s23], [sflag:$0x5], $0x40, s9, s22, $0xb8;
	[tilespmem:$0x19400] =	vst v63  }
0xb8: {  	_ =	swait.ge [sflag:s0], $0x2000  }
0xb9: {  	[sflag:s0] =	ssyncset.done $0x0  }
0xba: {  	s11 =	simm.s32 $0x4E80;
	[sflag:s0] =	ssyncadd.s32 $0xFFFFE000  }
0xbb: {  	[spmem:s2] =	stream.indirect.scatter.add.f32 [tilespmem:s24], [sflag:$0x6], $0x40, s11, s22, $0xb8;
	[tilespmem:$0x19400] =	vst v63  }
0xbc: {  	_ =	swait.ge [sflag:s20], $0x2000  }
0xbd: {  	[sflag:s20] =	ssyncset.done $0x0  }
0xbe: {  	s10 =	simm.s32 $0x4F00;
	[sflag:s20] =	ssyncadd.s32 $0xFFFFE000  }
0xbf: {  	[spmem:s2] =	stream.indirect.scatter.add.f32 [tilespmem:s26], [sflag:$0x7], $0x40, s10, s22, $0xb8;
	[tilespmem:$0x19400] =	vst v63  }
0xc0: {  	_ =	swait.ge [sflag:s28], $0x2000  }
0xc1: {  	[sflag:s28] =	ssyncset.done $0x0  }
0xc2: {  	s11 =	simm.s32 $0x4F80;
	[sflag:s28] =	ssyncadd.s32 $0xFFFFE000  }
0xc3: {  	[spmem:s2] =	stream.indirect.scatter.add.f32 [tilespmem:s29], [sflag:$0x8], $0x40, s11, s22, $0xb8;
	[tilespmem:$0x19400] =	vst v63  }
0xc4: {  	_ =	swait.ge [sflag:s31], $0x2000  }
0xc5: {  	[sflag:s31] =	ssyncset.done $0x0  }
0xc6: {  	[sflag:s31] =	ssyncadd.s32 $0xFFFFE000  }
0xc7: {  	_ =	swait.ge [sflag:s1], $0x2000  }
0xc8: {  	[sflag:s1] =	ssyncset.done $0x0  }
0xc9: {  	[sflag:s1] =	ssyncadd.s32 $0xFFFFE000  }
0xca: {  	_ =	swait.ge [sflag:s25], $0x2000  }
0xcb: {  	[sflag:s25] =	ssyncset.done $0x0  }
0xcc: {  	[sflag:s25] =	ssyncadd.s32 $0xFFFFE000  }
0xcd: {  	_ =	swait.ge [sflag:s5], $0x2000  }
0xce: {  	[sflag:s5] =	ssyncset.done $0x0  }
0xcf: {  	[sflag:s5] =	ssyncadd.s32 $0xFFFFE000  }
0xd0: {  	[bflag:$0x0] =	sbarrier.arrive $0xFFFF  }
0xd1: {  	s10 =	rddreg [dreg:$0x5]  }
0xd2: {  	[tilespmem:s6], [sflag:$0x9] =	stream.linear.gather [spmem:s10], $0x2000, $0x38;
	[tilespmem:$0x19400] =	vst v63  }
0xd3: {  	_ =	swait.ge [sflag:s19], $0x2000  }
0xd4: {  	[sflag:s19] =	ssyncset.done $0x0  }
0xd5: {  	s11 =	rddreg [dreg:$0x7];
	[sflag:s19] =	ssyncadd.s32 $0xFFFFE000  }
0xd6: {  	[hbm4b:s11+s3] =	stream.linear.scatter [tilespmem:s6], [sflag:$0x9], $0x2000, $0x38;
	[tilespmem:$0x19400] =	vst v63  }
0xd7: {  	_ =	swait.ge [sflag:s19], $0x2000  }
0xd8: {  	[sflag:s19] =	ssyncset.done $0x0  }
0xd9: {  	s10 =	rddreg [dreg:$0x8];
	[sflag:s19] =	ssyncadd.s32 $0xFFFFE000  }
0xda: {  	[tilespmem:s6], [sflag:$0x9] =	stream.linear.gather [spmem:s10], $0x2000, $0x38;
	[tilespmem:$0x19400] =	vst v63  }
0xdb: {  	_ =	swait.ge [sflag:s19], $0x2000  }
0xdc: {  	[sflag:s19] =	ssyncset.done $0x0  }
0xdd: {  	[sflag:s19] =	ssyncadd.s32 $0xFFFFE000  }
0xde: {  	[hbm4b:s12+s3] =	stream.linear.scatter [tilespmem:s6], [sflag:$0x9], $0x2000, $0x38;
	[tilespmem:$0x19400] =	vst v63  }
0xdf: {  	_ =	swait.ge [sflag:s19], $0x2000  }
0xe0: {  	[sflag:s19] =	ssyncset.done $0x0  }
0xe1: {  	[sflag:s19] =	ssyncadd.s32 $0xFFFFE000  }
0xe2: {  	[tilespmem:s6], [sflag:$0x9] =	stream.linear.gather [spmem:s13], $0x2000, $0x38;
	[tilespmem:$0x19400] =	vst v63  }
0xe3: {  	_ =	swait.ge [sflag:s19], $0x2000  }
0xe4: {  	[sflag:s19] =	ssyncset.done $0x0  }
0xe5: {  	[sflag:s19] =	ssyncadd.s32 $0xFFFFE000  }
0xe6: {  	[hbm4b:s14+s3] =	stream.linear.scatter [tilespmem:s6], [sflag:$0x9], $0x2000, $0x38;
	[tilespmem:$0x19400] =	vst v63  }
0xe7: {  	_ =	swait.ge [sflag:s19], $0x2000  }
0xe8: {  	[sflag:s19] =	ssyncset.done $0x0  }
0xe9: {  	[sflag:s19] =	ssyncadd.s32 $0xFFFFE000  }
0xea: {  	[tilespmem:s6], [sflag:$0x9] =	stream.linear.gather [spmem:s15], $0x2000, $0x38;
	[tilespmem:$0x19400] =	vst v63  }
0xeb: {  	_ =	swait.ge [sflag:s19], $0x2000  }
0xec: {  	[sflag:s19] =	ssyncset.done $0x0  }
0xed: {  	[sflag:s19] =	ssyncadd.s32 $0xFFFFE000  }
0xee: {  	[hbm4b:s16+s3] =	stream.linear.scatter [tilespmem:s6], [sflag:$0x9], $0x2000, $0x38;
	[tilespmem:$0x19400] =	vst v63  }
0xef: {  	_ =	swait.ge [sflag:s19], $0x2000  }
0xf0: {  	[sflag:s19] =	ssyncset.done $0x0  }
0xf1: {  	[sflag:s19] =	ssyncadd.s32 $0xFFFFE000  }
0xf2: {  	[tilespmem:s6], [sflag:$0x9] =	stream.linear.gather [spmem:s17], $0x2000, $0x38;
	[tilespmem:$0x19400] =	vst v63  }
0xf3: {  	_ =	swait.ge [sflag:s19], $0x2000  }
0xf4: {  	[sflag:s19] =	ssyncset.done $0x0  }
0xf5: {  	[sflag:s19] =	ssyncadd.s32 $0xFFFFE000  }
0xf6: {  	[hbm4b:s18+s3] =	stream.linear.scatter [tilespmem:s6], [sflag:$0x9], $0x2000, $0x38;
	[tilespmem:$0x19400] =	vst v63  }
0xf7: {  	_ =	swait.ge [sflag:s19], $0x2000  }
0xf8: {  	s8 =	sadd.s32 $0x1, s8;
	s11 =	rddreg [dreg:$0x6]  }
0xf9: {  	p0 =	sne.s32 s8, s11  }
.Ltmp2:
0xfa: {  	_ = 	snop;
	(pc) =	sbr.rel @p0 .LBB2_1-.Ltmp2, $3  }
0xfb: {  	_ =	sdelay $0x1  }
0xfc: {  	[sflag:s19] =	ssyncset.done $0x0  }
0xfd: {  	[sflag:s19] =	ssyncadd.s32 $0xFFFFE000  }
0xfe: {  	_ =	sfence.sel $0x180000  }
0xff: {  	[bflag:$0x0] =	sbarrier.arrive $0xFFFF  }
0x100: {  	_ =	strace $0x9000004D  }
0x101: {  	s0 =	stileid.u32;
	[bflag:$0x2] =	sbarrier.arrive $0xFFFF  }
0x102: {  	p0 =	sne.s32 s0, $0x0;
	s0 =	rddreg [dreg:$0x2]  }
0x103: {  	s0 =	sadd.s32 @!p0 $0x100000, s0  }
0x104: {  	[sflag:s0] =	ssyncadd.tile.s32 @!p0 $0x1;
	_ =	shalt  }
.Lfunc_end2:
_tile_overlayer_lowered:
.L_overlay_start_2:
0x105: {  	(tag) =	ssettag $0x2  }
0x106: {  	s0 =	rddreg [dreg:$0x0];
	s2 =	stileid.u32  }
0x107: {  	s1 =	rddreg [dreg:$0x1];
	p0 =	sne.s32 s2, $0x0  }
0x108: {  	s3 =	rddreg [dreg:$0x2];
	[bflag:$0x3] =	sbarrier.arrive $0xFFFF;
	s2 =	simm.s32 @!p0 $0x1C09  }
0x109: {  	[timem:s3], [sflag:s2] =	dma.local @!p0 [hbm:s0], s1  }
0x10a: {  	s0 =	simm.s32 @!p0 $0x9  }
0x10b: {  	_ =	swait.ge @!p0 [sflag:s0], s1  }
0x10c: {  	s1 =	ssub.s32 @!p0 $0x0, s1;
	[sflag:s0] =	ssyncset.done @!p0 $0x0  }
0x10d: {  	[sflag:s0] =	ssyncadd.s32 @!p0 s1  }
0x10e: {  	[bflag:$0x3] =	sbarrier.arrive $0xFFFF  }
0x10f: {  	_ =	shalt  }

// kernel: kernel.19.cloned.1.call-start
scs
__scs_entry_jumppad:
0x0: {  	(pc) =	sbr.rel $0x88, $3  }
0x1: {  	(tag) =	ssettag $0x0;
	lr =	simm.s32 $0x1  }
0x2: {  	[smem:$0x3F95] =	sst lr;
	_ =	strace $0xD0000000  }
0x3: {  	_ = 	snop  }
0x4: {  	_ = 	snop  }
0x5: {  	_ = 	snop  }
0x6: {  	_ = 	snop  }
0x7: {  	_ = 	snop  }
__scs_overlays_trampoline_lowered:
0x8: {  	[smem:$0x3FA4] =	sst s0  }
0x9: {  	[smem:$0x3FA5] =	sst s1  }
0xa: {  	[smem:$0x3FA6] =	sst s2  }
0xb: {  	[smem:$0x3FA7] =	sst s3  }
0xc: {  	[smem:$0x3FA8] =	sst s4  }
0xd: {  	[smem:$0x3FA9] =	sst s5  }
0xe: {  	[smem:$0x3FAA] =	sst s6  }
0xf: {  	[smem:$0x3FAB] =	sst s7  }
0x10: {  	[smem:$0x3FAC] =	sst s8  }
0x11: {  	[smem:$0x3FAD] =	sst s9;
	s0 =	simm.s32 @!p0 $0x0  }
0x12: {  	s1 =	sld [smem:$0x3F93];
	s0 =	simm.s32 @p0 $0x1  }
0x13: {  	[smem:$0x3FAE] =	sst s0;
	s0 =	simm.s32 @!p1 $0x0  }
0x14: {  	s2 =	sld [smem:$0x3F92];
	s0 =	simm.s32 @p1 $0x1  }
0x15: {  	[smem:$0x3FAF] =	sst s0;
	s0 =	simm.s32 @!p2 $0x0  }
0x16: {  	s3 =	sld [smem:$0x3FDB];
	s0 =	simm.s32 @p2 $0x1  }
0x17: {  	s4 =	simm.s32 $0x1BF5;
	[smem:$0x3FB1] =	sst s0  }
0x18: {  	s0 =	sld [smem:$0x3F94];
	_ =	swait.ge [sflag:s4], $0x0  }
0x19: {  	s7 =	sld [smem:$0x3F95]  }
0x1a: {  	s8 =	sadd.s32 $0xFFFFE003, lr  }
0x1b: {  	s9 =	sadd.s32 $0xFFFFFEF7, lr;
	s5 =	simm.s32 $0xFFFFFFFF;
	p2 =	slt.u32 s8, $0xFFFFF086  }
0x1c: {  	p1 =	slt.u32 s9, $0xF7A;
	s5 =	simm.s32 @!p2 $0x0  }
0x1d: {  	s5 =	simm.s32 @p1 $0x1;
	p0 =	seq.s32 s7, s2  }
0x1e: {  	s7 =	smul.u32 @!p0 $0xF7A, s2;
	p2 =	seq.s32 @!p0 s5, $0x0  }
0x1f: {  	s9 =	smul.u32 $0xF7A, s1;
	s8 =	simm.s32 @!p0 $0x1BF5;
	p2 =	por !p2, p0  }
0x20: {  	[sflag:s8] =	ssyncset.s32 @!p0 $0xFFFFF086;
	s6 =	sadd.s32 @!p0 s3, s7;
	s7 =	simm.s32 @!p0 $0x108  }
0x21: {  	s3 =	sadd.s32 s3, s9;
	s6 =	sadd.s32 @!p0 $0x88, s6;
	s7 =	simm.s32 @p2 $0x1082  }
0x22: {  	[simem:s7], [sflag:s8] =	dma.local @!p0 [hbm:s6], $0xF7A  }
0x23: {  	s9 =	sor.u32 $0xD0000000, s2;
	s6 =	simm.s32 $0x108;
	_ =	swait.ge @!p0 [sflag:s8], $0x0  }
0x24: {  	s3 =	sadd.s32 $0x88, s3;
	s6 =	simm.s32 @!p1 $0x1082;
	[sflag:s4] =	ssyncset.s32 $0xFFFFF086  }
0x25: {  	[simem:s6], [sflag:s4] =	dma.local [hbm:s3], $0xF7A  }
0x26: {  	[smem:$0x3F95] =	sst s1;
	(tag) =	ssettag s2;
	_ =	strace s9  }
0x27: {  	s1 =	sld [smem:$0x3FA5]  }
0x28: {  	s2 =	sld [smem:$0x3FA6]  }
0x29: {  	s4 =	sld [smem:$0x3FA8]  }
0x2a: {  	p0 =	seq.s32 s5, $0x0;
	s5 =	sld [smem:$0x3FA9]  }
0x2b: {  	s6 =	sld [smem:$0x3FAA]  }
0x2c: {  	s7 =	sld [smem:$0x3FAB]  }
0x2d: {  	s3 =	simm.s32 $0x108;
	s8 =	sld [smem:$0x3FAC]  }
0x2e: {  	s3 =	simm.s32 @!p0 $0x1082;
	s9 =	sld [smem:$0x3FAD]  }
0x2f: {  	lr =	sadd.s32 s0, s3;
	s0 =	sld [smem:$0x3FA4]  }
0x30: {  	s3 =	sld [smem:$0x3FA7]  }
0x31: {  	[smem:$0x3FB0] =	sst s10  }
0x32: {  	s10 =	sld [smem:$0x3FAE];
	_ =	sdelay $0x3  }
0x33: {  	p0 =	seq.s32 s10, $0x1;
	s10 =	sld [smem:$0x3FB0];
	_ =	sdelay $0x3  }
0x34: {  	[smem:$0x3FB0] =	sst s10  }
0x35: {  	s10 =	sld [smem:$0x3FAF];
	_ =	sdelay $0x3  }
0x36: {  	p1 =	seq.s32 s10, $0x1;
	s10 =	sld [smem:$0x3FB0];
	_ =	sdelay $0x3  }
0x37: {  	[smem:$0x3FB0] =	sst s10  }
0x38: {  	s10 =	sld [smem:$0x3FB1]  }
0x39: {  	_ = 	snop;
	(pc) =	sbr.ind lr, $3  }
0x3a: {  	_ = 	snop  }
0x3b: {  	_ = 	snop  }
0x3c: {  	p2 =	seq.s32 s10, $0x1;
	s10 =	sld [smem:$0x3FB0]  }
0x3d: {  	_ =	shalt  }
0x3e: {  	_ =	shalt  }
0x3f: {  	_ =	shalt  }
0x40: {  	_ =	shalt  }
0x41: {  	_ =	shalt  }
0x42: {  	_ =	shalt  }
0x43: {  	_ =	shalt  }
0x44: {  	_ =	shalt  }
0x45: {  	_ =	shalt  }
0x46: {  	_ =	shalt  }
0x47: {  	_ =	shalt  }
0x48: {  	_ =	shalt  }
0x49: {  	_ =	shalt  }
0x4a: {  	_ =	shalt  }
0x4b: {  	_ =	shalt  }
0x4c: {  	_ =	shalt  }
0x4d: {  	_ =	shalt  }
0x4e: {  	_ =	shalt  }
0x4f: {  	_ =	shalt  }
0x50: {  	_ =	shalt  }
0x51: {  	_ =	shalt  }
0x52: {  	_ =	shalt  }
0x53: {  	_ =	shalt  }
0x54: {  	_ =	shalt  }
0x55: {  	_ =	shalt  }
0x56: {  	_ =	shalt  }
0x57: {  	_ =	shalt  }
0x58: {  	_ =	shalt  }
0x59: {  	_ =	shalt  }
0x5a: {  	_ =	shalt  }
0x5b: {  	_ =	shalt  }
0x5c: {  	_ =	shalt  }
0x5d: {  	_ =	shalt  }
0x5e: {  	_ =	shalt  }
0x5f: {  	_ =	shalt  }
0x60: {  	_ =	shalt  }
0x61: {  	_ =	shalt  }
0x62: {  	_ =	shalt  }
0x63: {  	_ =	shalt  }
0x64: {  	_ =	shalt  }
0x65: {  	_ =	shalt  }
0x66: {  	_ =	shalt  }
0x67: {  	_ =	shalt  }
0x68: {  	_ =	shalt  }
0x69: {  	_ =	shalt  }
0x6a: {  	_ =	shalt  }
0x6b: {  	_ =	shalt  }
0x6c: {  	_ =	shalt  }
0x6d: {  	_ =	shalt  }
0x6e: {  	_ =	shalt  }
0x6f: {  	_ =	shalt  }
0x70: {  	_ =	shalt  }
0x71: {  	_ =	shalt  }
0x72: {  	_ =	shalt  }
0x73: {  	_ =	shalt  }
0x74: {  	_ =	shalt  }
0x75: {  	_ =	shalt  }
0x76: {  	_ =	shalt  }
0x77: {  	_ =	shalt  }
0x78: {  	_ =	shalt  }
0x79: {  	_ =	shalt  }
0x7a: {  	_ =	shalt  }
0x7b: {  	_ =	shalt  }
0x7c: {  	_ =	shalt  }
0x7d: {  	_ =	shalt  }
0x7e: {  	_ =	shalt  }
0x7f: {  	_ =	shalt  }
0x80: {  	_ =	shalt  }
0x81: {  	_ =	shalt  }
0x82: {  	_ =	shalt  }
0x83: {  	_ =	shalt  }
0x84: {  	_ =	shalt  }
0x85: {  	_ =	shalt  }
0x86: {  	_ =	shalt  }
0x87: {  	_ =	shalt  }
.Lfunc_end0:
.L_simem_size_0:
called_computation.3_lowered:
.L_overlay_start_0:
0x88: {  	s2 =	sld [smem:$0x3FD9]  }
0x89: {  	s3 =	sld [smem:$0x3FFE];
	_ =	sdelay $0x1  }
0x8a: {  	s1 =	srdreg.scid  }
0x8b: {  	s0 =	sand.u32 $0x1, s1  }
0x8c: {  	s16 =	sshll.u32 s0, $0xA;
	s2 =	sadd.s32 s3, s2  }
0x8d: {  	s2 =	sadd.s32 s2, s16  }
0x8e: {  	[smem:$0x3FBC] =	sst s2  }
0x8f: {  	_ = 	snop  }
0x90: {  	(tm) =	ssettm $0x1  }
0x91: {  	s17 =	sld [smem:$0x3FFB];
	_ =	sdelay $0x3  }
0x92: {  	_ =	strace s17  }
0x93: {  	s2 =	sld [smem:$0x3FFC];
	_ =	sdelay $0x3  }
0x94: {  	_ =	strace s2  }
0x95: {  	s2 =	sld [smem:$0x3FFD];
	_ =	sdelay $0x3  }
0x96: {  	_ =	strace s2  }
0x97: {  	_ =	strace $0x8FFFFFFF  }
0x98: {  	s18 =	sld [smem:$0x3FDB];
	_ =	sdelay $0x1  }
0x99: {  	s19 =	simm.s32 $_scs_section_size  }
0x9a: {  	s4 =	simm.s32 $_size__tile_overlayer_lowered;
	s5 =	simm.s32 $_tile_overlayer_lowered  }
0x9b: {  	s22 =	simm.s32 $0x1BFF;
	s21 =	sshll.u32 s5, $0x1;
	s2 =	sadd.s32 s19, s18  }
0x9c: {  	s6 =	simm.s32 $0x0;
	s20 =	sshll.u32 s4, $0x1;
	s4 =	sadd.s32 s21, s2  }
0x9d: {  	[timem:s6], [sflag:s22] =	dma.local [hbm:s4], s20  }
0x9e: {  	_ =	swait.ge [sflag:s22], s20  }
0x9f: {  	s3 =	ssub.s32 $0x0, s20;
	[sflag:s22] =	ssyncset.done $0x0  }
0xa0: {  	[sflag:s22] =	ssyncadd.s32 s3;
	_ =	sdelay $0x1  }
0xa1: {  	s23 =	simm.s32 $0x1B8B  }
0xa2: {  	_ =	swait.ge [sflag:s23], $0x1  }
0xa3: {  	[sflag:s23] =	ssyncset.done $0x0  }
0xa4: {  	s25 =	simm.s32 $0x1B8E;
	s24 =	sld [smem:$0x3FFE];
	[sflag:s23] =	ssyncadd.s32 $0xFFFFFFFF  }
0xa5: {  	s26 =	simm.s32 $execute0_lowered;
	[smem:$0x3FD2] =	sst s25  }
0xa6: {  	s4 =	sshll.u32 s26, $0x1;
	_ =	strace $0x8000004F;
	[dreg:$0x1] =	wrdreg $0xFFFFFFFF  }
0xa7: {  	s28 =	simm.s32 $_size_execute0_lowered;
	s2 =	sadd.s32 s2, s4;
	[dreg:$0x0] =	wrdreg $0x0  }
0xa8: {  	s4 =	sshll.u32 s28, $0x1;
	[dreg:$0x2] =	wrdreg s2  }
0xa9: {  	[dreg:$0x3] =	wrdreg s4  }
0xaa: {  	[dreg:$0x4] =	wrdreg $0xC0  }
0xab: {  	_ =	task [dreg:s6], $0x5FFFF  }
0xac: {  	[dreg:$0x1] =	wrdreg $0xFFFFFFFF  }
0xad: {  	[dreg:$0x0] =	wrdreg $0x60  }
0xae: {  	[dreg:$0x2] =	wrdreg s24  }
0xaf: {  	[dreg:$0x3] =	wrdreg $0xF4000  }
0xb0: {  	[dreg:$0x4] =	wrdreg $0x9  }
0xb1: {  	_ =	task.clear_ibuf [dreg:s6], $0x5FFFF;
	_ =	strace $0x9000004F  }
0xb2: {  	s29 =	simm.s32 $0x9;
	_ =	strace $0x80000051  }
0xb3: {  	_ =	swait.ge [sflag:s29], $0x1  }
0xb4: {  	[sflag:s29] =	ssyncadd.s32 $0xFFFFFFFF  }
0xb5: {  	_ =	strace $0x90000051  }
0xb6: {  	_ =	sfence  }
0xb7: {  	s30 =	sld [smem:$0x0];
	_ =	sdelay $0x2  }
0xb8: {  	s31 =	sshll.u32 s1, $0xD;
	s1 =	sshrl.u32 s1, $0x2  }
0xb9: {  	s3 =	sand.u32 $0x4000, s31;
	s1 =	sadd.s32 s1, s30  }
0xba: {  	s0 =	sor.u32 s3, s0;
	s1 =	sshll.u32 s1, $0x11  }
0xbb: {  	s0 =	sor.u32 s1, s0  }
0xbc: {  	s0 =	sadd.s32 $0x8F2B, s0  }
0xbd: {  	[sflag:s0] =	ssyncadd.remote.s32 $0x1  }
0xbe: {  	_ =	sfence.sel $0xFFFF  }
0xbf: {  	[dreg:$0x0] =	wrdreg $0xFFFFFFFF;
	(pc) =	sbr.abs _section_cstart, $3  }
0xc0: {  	[dreg:$0x1] =	wrdreg $0xFFFFFFFF  }
0xc1: {  	_ =	task.clear_ibuf [dreg:s6], $0x2FFFF;
	_ =	strace $0x9FFFFFFF  }
0xc2: {  	(tm) =	ssettm $0x7FFFFFFF  }
0xc3: {  	_ =	shalt  }
tec
execute0_lowered:
.L_overlay_start_1:
0x0: {  	(tag) =	ssettag $0x1  }
0x1: {  	s1 =	rddreg [dreg:$0x0]  }
0x2: {  	s0 =	srdreg.scid;
	s2 =	rddreg [dreg:$0x1]  }
0x3: {  	s8 =	stileid.u32;
	s3 =	simm.s32 $0x0;
	s29 =	simm.s32 $0xB000  }
0x4: {  	s30 =	simm.s32 $0x1;
	s31 =	simm.s32 $0x5;
	s28 =	simm.s32 $0x4  }
0x5: {  	s0 =	sand.u32 $0x1, s0;
	[smem:$0x7FF] =	sst s3;
	s6 =	smul.u32 $0x28000, s8  }
0x6: {  	s4 =	sshll.u32 s0, $0x4;
	s7 =	ssub.s32 $0x2, s0;
	s0 =	smul.u32 $0xA0000, s0  }
0x7: {  	_ =	strace $0x80000050;
	s4 =	sor.u32 s8, s4;
	s8 =	smul.u32 $0xA000, s8  }
0x8: {  	s9 =	sshrl.u32 s7, $0x1;
	s6 =	sshrl.u32 s6, $0x2;
	s5 =	smul.u32 $0x500, s4  }
0x9: {  	s4 =	sadd.s32 $0x20000, s1;
	s9 =	ssub.s32 s7, s9;
	s7 =	sadd.s32 s6, s2  }
0xa: {  	s19 =	sadd.s32 s0, s8;
	s20 =	sadd.s32 s8, s2;
	s21 =	sadd.s32 $0x2000, s8  }
0xb: {  	s9 =	smax.u32 s9, $0x1;
	s23 =	sadd.s32 $0x4000, s8;
	s25 =	sadd.s32 $0x6000, s8  }
0xc: {  	s8 =	sadd.s32 $0x8000, s8;
	s5 =	sadd.s32 s5, s1;
	[dreg:$0x5] =	wrdreg s20  }
0xd: {  	s1 =	sadd.s32 $0x34000, s1;
	[dreg:$0x6] =	wrdreg s9;
	s22 =	sadd.s32 s0, s21  }
0xe: {  	s6 =	sadd.s32 s21, s2;
	s13 =	sadd.s32 s23, s2;
	s24 =	sadd.s32 s0, s23  }
0xf: {  	s26 =	sadd.s32 s0, s25;
	s0 =	sadd.s32 s0, s8;
	s15 =	sadd.s32 s25, s2  }
0x10: {  	s17 =	sadd.s32 s8, s2;
	s21 =	simm.s32 $0xD000;
	s23 =	simm.s32 $0x5000  }
0x11: {  	s20 =	simm.s32 $0x3;
	s25 =	simm.s32 $0x7;
	s8 =	simm.s32 $0x0  }
0x12: {  	s18 =	sadd.s32 $0x16000, s5;
	s5 =	sadd.s32 $0x2000, s5;
	[dreg:$0x8] =	wrdreg s6  }
0x13: {  	s0 =	sshrl.u32 s0, $0x3;
	s6 =	simm.s32 $0xD400;
	[dreg:$0x3] =	wrdreg s18  }
0x14: {  	[dreg:$0x4] =	wrdreg s5;
	s5 =	sshrl.u32 s19, $0x3;
	s18 =	sadd.s32 s1, s0  }
0x15: {  	s19 =	simm.s32 $0x9;
	s0 =	simm.s32 $0x2;
	s5 =	sadd.s32 s1, s5  }
0x16: {  	[dreg:$0x7] =	wrdreg s5;
	s5 =	sshrl.u32 s22, $0x3;
	s22 =	simm.s32 $0x80  }
0x17: {  	s12 =	sadd.s32 s1, s5;
	s5 =	sshrl.u32 s24, $0x3;
	s24 =	simm.s32 $0x7000  }
0x18: {  	s14 =	sadd.s32 s1, s5;
	s5 =	sshrl.u32 s26, $0x3;
	s26 =	simm.s32 $0x9000  }
0x19: {  	v0 =	vimm.f32 $0.0e+00;
	s16 =	sadd.s32 s1, s5;
	s1 =	simm.s32 $0x6;
	s5 =	simm.s32 $0x8  }
.LBB2_1:
0x1a: {  	[tilespmem:$0xD000] =	vst v0  }
0x1b: {  	[tilespmem:$0xD010] =	vst v0  }
0x1c: {  	[tilespmem:$0xD020] =	vst v0  }
0x1d: {  	[tilespmem:$0xD030] =	vst v0  }
0x1e: {  	[tilespmem:$0xD040] =	vst v0  }
0x1f: {  	[tilespmem:$0xD050] =	vst v0  }
0x20: {  	[tilespmem:$0xD060] =	vst v0  }
0x21: {  	[tilespmem:$0xD070] =	vst v0  }
0x22: {  	[tilespmem:$0xD080] =	vst v0  }
0x23: {  	[tilespmem:$0xD090] =	vst v0  }
0x24: {  	[tilespmem:$0xD0A0] =	vst v0  }
0x25: {  	[tilespmem:$0xD0B0] =	vst v0  }
0x26: {  	[tilespmem:$0xD0C0] =	vst v0  }
0x27: {  	[tilespmem:$0xD0D0] =	vst v0  }
0x28: {  	[tilespmem:$0xD0E0] =	vst v0  }
0x29: {  	[tilespmem:$0xD0F0] =	vst v0  }
0x2a: {  	[tilespmem:$0xD100] =	vst v0  }
0x2b: {  	[tilespmem:$0xD110] =	vst v0  }
0x2c: {  	[tilespmem:$0xD120] =	vst v0  }
0x2d: {  	[tilespmem:$0xD130] =	vst v0  }
0x2e: {  	[tilespmem:$0xD140] =	vst v0  }
0x2f: {  	[tilespmem:$0xD150] =	vst v0  }
0x30: {  	[tilespmem:$0xD160] =	vst v0  }
0x31: {  	[tilespmem:$0xD170] =	vst v0  }
0x32: {  	[tilespmem:$0xD180] =	vst v0  }
0x33: {  	[tilespmem:$0xD190] =	vst v0  }
0x34: {  	[tilespmem:$0xD1A0] =	vst v0  }
0x35: {  	[tilespmem:$0xD1B0] =	vst v0  }
0x36: {  	[tilespmem:$0xD1C0] =	vst v0  }
0x37: {  	[tilespmem:$0xD1D0] =	vst v0  }
0x38: {  	[tilespmem:$0xD1E0] =	vst v0  }
0x39: {  	[tilespmem:$0xD1F0] =	vst v0  }
0x3a: {  	[tilespmem:$0xD200] =	vst v0  }
0x3b: {  	[tilespmem:$0xD210] =	vst v0  }
0x3c: {  	[tilespmem:$0xD220] =	vst v0  }
0x3d: {  	[tilespmem:$0xD230] =	vst v0  }
0x3e: {  	[tilespmem:$0xD240] =	vst v0  }
0x3f: {  	[tilespmem:$0xD250] =	vst v0  }
0x40: {  	[tilespmem:$0xD260] =	vst v0  }
0x41: {  	[tilespmem:$0xD270] =	vst v0  }
0x42: {  	[tilespmem:$0xD280] =	vst v0  }
0x43: {  	[tilespmem:$0xD290] =	vst v0  }
0x44: {  	[tilespmem:$0xD2A0] =	vst v0  }
0x45: {  	[tilespmem:$0xD2B0] =	vst v0  }
0x46: {  	[tilespmem:$0xD2C0] =	vst v0  }
0x47: {  	[tilespmem:$0xD2D0] =	vst v0  }
0x48: {  	[tilespmem:$0xD2E0] =	vst v0  }
0x49: {  	[tilespmem:$0xD2F0] =	vst v0  }
0x4a: {  	[tilespmem:$0xD300] =	vst v0  }
0x4b: {  	[tilespmem:$0xD310] =	vst v0  }
0x4c: {  	[tilespmem:$0xD320] =	vst v0  }
0x4d: {  	[tilespmem:$0xD330] =	vst v0  }
0x4e: {  	[tilespmem:$0xD340] =	vst v0  }
0x4f: {  	[tilespmem:$0xD350] =	vst v0  }
0x50: {  	[tilespmem:$0xD360] =	vst v0  }
0x51: {  	[tilespmem:$0xD370] =	vst v0  }
0x52: {  	[tilespmem:$0xD380] =	vst v0  }
0x53: {  	[tilespmem:$0xD390] =	vst v0  }
0x54: {  	[tilespmem:$0xD3A0] =	vst v0  }
0x55: {  	[tilespmem:$0xD3B0] =	vst v0  }
0x56: {  	[tilespmem:$0xD3C0] =	vst v0  }
0x57: {  	[tilespmem:$0xD3D0] =	vst v0  }
0x58: {  	[tilespmem:$0xD3E0] =	vst v0  }
0x59: {  	[tilespmem:$0xD3F0] =	vst v0;
	s9 =	rddreg [dreg:$0x3]  }
0x5a: {  	[tilespmem:s3], [sflag:$0x9] =	stream.linear.gather [hbm4b:s9+s3], $0x2800, $0x38;
	[tilespmem:$0x19400] =	vst v63  }
0x5b: {  	_ =	swait.ge [sflag:s19], $0x2800  }
0x5c: {  	[sflag:s19] =	ssyncset.done $0x0  }
0x5d: {  	s10 =	simm.s32 $0x2800;
	s11 =	rddreg [dreg:$0x4];
	[sflag:s19] =	ssyncadd.s32 $0xFFFFD800  }
0x5e: {  	[tilespmem:s10], [sflag:$0x9] =	stream.linear.gather [hbm4b:s11+s3], $0x2800, $0x38;
	[tilespmem:$0x19400] =	vst v63  }
0x5f: {  	_ =	swait.ge [sflag:s19], $0x2800  }
0x60: {  	[sflag:s19] =	ssyncset.done $0x0  }
0x61: {  	s11 =	sadd.s32 $0x0, s7;
	[sflag:s19] =	ssyncadd.s32 $0xFFFFD800  }
0x62: {  	[spmem:s11] =	stream.linear.scatter [tilespmem:s21], [sflag:$0x9], $0x400, $0x38;
	[tilespmem:$0x19400] =	vst v63  }
0x63: {  	s9 =	simm.s32 $0x1000;
	_ =	swait.ge [sflag:s19], $0x400  }
.LBB2_2:
0x64: {  	s10 =	sshra.s32 s9, $0x2;
	[sflag:s19] =	ssyncset.done $0x0;
	p0 =	sne.s32 s9, $0x27000  }
.Ltmp0:
0x65: {  	s10 =	sadd.s32 s10, s7;
	[sflag:s19] =	ssyncadd.s32 $0xFFFFFC00;
	(pc) =	sbr.rel @p0 .LBB2_2-.Ltmp0, $3  }
0x66: {  	[spmem:s10] =	stream.linear.scatter [tilespmem:s21], [sflag:$0x9], $0x400, $0x38;
	[tilespmem:$0x19400] =	vst v63  }
0x67: {  	s9 =	sadd.s32 $0x1000, s9;
	_ =	sdelay $0x1  }
0x68: {  	_ =	swait.ge [sflag:s19], $0x400  }
0x69: {  	[sflag:s19] =	ssyncset.done $0x0  }
0x6a: {  	[sflag:s19] =	ssyncadd.s32 $0xFFFFFC00  }
0x6b: {  	s9 =	simm.s32 $0x0;
	[bflag:$0x0] =	sbarrier.arrive $0xFFFF  }
0x6c: {  	[tilespmem:s23], [sflag:$0x1] =	stream.indirect.gather [hbm4b:s4+s22], $0x40, s9, s22, $0xb8;
	[tilespmem:$0x19400] =	vst v63  }
0x6d: {  	_ = 	snop  }
0x6e: {  	[tilespmem:s24], [sflag:$0x2] =	stream.indirect.gather [hbm4b:s4+s22], $0x40, s22, s22, $0xb8;
	[tilespmem:$0x19400] =	vst v63  }
0x6f: {  	s11 =	simm.s32 $0x100  }
0x70: {  	[tilespmem:s26], [sflag:$0x3] =	stream.indirect.gather [hbm4b:s4+s22], $0x40, s11, s22, $0xb8;
	[tilespmem:$0x19400] =	vst v63  }
0x71: {  	s10 =	simm.s32 $0x180  }
0x72: {  	[tilespmem:s29], [sflag:$0x4] =	stream.indirect.gather [hbm4b:s4+s22], $0x40, s10, s22, $0xb8;
	[tilespmem:$0x19400] =	vst v63  }
0x73: {  	_ =	swait.ge [sflag:s30], $0x2000  }
0x74: {  	[sflag:s30] =	ssyncset.done $0x0  }
0x75: {  	s11 =	simm.s32 $0x2800;
	[sflag:s30] =	ssyncadd.s32 $0xFFFFE000  }
0x76: {  	[spmem:s2] =	stream.indirect.scatter.add.f32 [tilespmem:s23], [sflag:$0x5], $0x40, s11, s22, $0xb8;
	[tilespmem:$0x19400] =	vst v63  }
0x77: {  	_ =	swait.ge [sflag:s31], $0x2000  }
0x78: {  	[sflag:s31] =	ssyncset.done $0x0  }
0x79: {  	s10 =	simm.s32 $0x200;
	[sflag:s31] =	ssyncadd.s32 $0xFFFFE000  }
0x7a: {  	[tilespmem:s23], [sflag:$0x1] =	stream.indirect.gather [hbm4b:s4+s22], $0x40, s10, s22, $0xb8;
	[tilespmem:$0x19400] =	vst v63  }
0x7b: {  	_ =	swait.ge [sflag:s0], $0x2000  }
0x7c: {  	[sflag:s0] =	ssyncset.done $0x0  }
0x7d: {  	s11 =	simm.s32 $0x2880;
	[sflag:s0] =	ssyncadd.s32 $0xFFFFE000  }
0x7e: {  	[spmem:s2] =	stream.indirect.scatter.add.f32 [tilespmem:s24], [sflag:$0x6], $0x40, s11, s22, $0xb8;
	[tilespmem:$0x19400] =	vst v63  }
0x7f: {  	_ =	swait.ge [sflag:s1], $0x2000  }
0x80: {  	[sflag:s1] =	ssyncset.done $0x0  }
0x81: {  	s10 =	simm.s32 $0x280;
	[sflag:s1] =	ssyncadd.s32 $0xFFFFE000  }
0x82: {  	[tilespmem:s24], [sflag:$0x2] =	stream.indirect.gather [hbm4b:s4+s22], $0x40, s10, s22, $0xb8;
	[tilespmem:$0x19400] =	vst v63  }
0x83: {  	_ =	swait.ge [sflag:s20], $0x2000  }
0x84: {  	[sflag:s20] =	ssyncset.done $0x0  }
0x85: {  	s11 =	simm.s32 $0x2900;
	[sflag:s20] =	ssyncadd.s32 $0xFFFFE000  }
0x86: {  	[spmem:s2] =	stream.indirect.scatter.add.f32 [tilespmem:s26], [sflag:$0x7], $0x40, s11, s22, $0xb8;
	[tilespmem:$0x19400] =	vst v63  }
0x87: {  	_ =	swait.ge [sflag:s25], $0x2000  }
0x88: {  	[sflag:s25] =	ssyncset.done $0x0  }
0x89: {  	s10 =	simm.s32 $0x300;
	[sflag:s25] =	ssyncadd.s32 $0xFFFFE000  }
0x8a: {  	[tilespmem:s26], [sflag:$0x3] =	stream.indirect.gather [hbm4b:s4+s22], $0x40, s10, s22, $0xb8;
	[tilespmem:$0x19400] =	vst v63  }
0x8b: {  	_ =	swait.ge [sflag:s28], $0x2000  }
0x8c: {  	[sflag:s28] =	ssyncset.done $0x0  }
0x8d: {  	s11 =	simm.s32 $0x2980;
	[sflag:s28] =	ssyncadd.s32 $0xFFFFE000  }
0x8e: {  	[spmem:s2] =	stream.indirect.scatter.add.f32 [tilespmem:s29], [sflag:$0x8], $0x40, s11, s22, $0xb8;
	[tilespmem:$0x19400] =	vst v63  }
0x8f: {  	_ =	swait.ge [sflag:s5], $0x2000  }
0x90: {  	[sflag:s5] =	ssyncset.done $0x0  }
0x91: {  	s9 =	simm.s32 $0x800;
	s10 =	simm.s32 $0x380;
	[sflag:s5] =	ssyncadd.s32 $0xFFFFE000  }
.LBB2_4:
0x92: {  	[tilespmem:s29], [sflag:$0x4] =	stream.indirect.gather [hbm4b:s4+s22], $0x40, s10, s22, $0xb8;
	[tilespmem:$0x19400] =	vst v63  }
0x93: {  	s10 =	smov.u32 s9  }
0x94: {  	p0 =	sne.s32 s9, $0x9000;
	s9 =	sadd.s32 $0x800, s9;
	_ =	swait.ge [sflag:s30], $0x2000  }
0x95: {  	s10 =	sshra.s32 s10, $0x2;
	[sflag:s30] =	ssyncset.done $0x0  }
0x96: {  	s11 =	sadd.s32 $0x2800, s10;
	[sflag:s30] =	ssyncadd.s32 $0xFFFFE000  }
0x97: {  	[spmem:s2] =	stream.indirect.scatter.add.f32 [tilespmem:s23], [sflag:$0x5], $0x40, s11, s22, $0xb8;
	[tilespmem:$0x19400] =	vst v63  }
0x98: {  	_ =	swait.ge [sflag:s31], $0x2000  }
0x99: {  	[sflag:s31] =	ssyncset.done $0x0  }
0x9a: {  	s11 =	sadd.s32 $0x200, s10;
	[sflag:s31] =	ssyncadd.s32 $0xFFFFE000  }
0x9b: {  	[tilespmem:s23], [sflag:$0x1] =	stream.indirect.gather [hbm4b:s4+s22], $0x40, s11, s22, $0xb8;
	[tilespmem:$0x19400] =	vst v63  }
0x9c: {  	_ =	swait.ge [sflag:s0], $0x2000  }
0x9d: {  	[sflag:s0] =	ssyncset.done $0x0  }
0x9e: {  	s11 =	sadd.s32 $0x2880, s10;
	[sflag:s0] =	ssyncadd.s32 $0xFFFFE000  }
0x9f: {  	[spmem:s2] =	stream.indirect.scatter.add.f32 [tilespmem:s24], [sflag:$0x6], $0x40, s11, s22, $0xb8;
	[tilespmem:$0x19400] =	vst v63  }
0xa0: {  	_ =	swait.ge [sflag:s1], $0x2000  }
0xa1: {  	[sflag:s1] =	ssyncset.done $0x0  }
0xa2: {  	s11 =	sadd.s32 $0x280, s10;
	[sflag:s1] =	ssyncadd.s32 $0xFFFFE000  }
0xa3: {  	[tilespmem:s24], [sflag:$0x2] =	stream.indirect.gather [hbm4b:s4+s22], $0x40, s11, s22, $0xb8;
	[tilespmem:$0x19400] =	vst v63  }
0xa4: {  	_ =	swait.ge [sflag:s20], $0x2000  }
0xa5: {  	[sflag:s20] =	ssyncset.done $0x0  }
0xa6: {  	s11 =	sadd.s32 $0x2900, s10;
	[sflag:s20] =	ssyncadd.s32 $0xFFFFE000  }
0xa7: {  	[spmem:s2] =	stream.indirect.scatter.add.f32 [tilespmem:s26], [sflag:$0x7], $0x40, s11, s22, $0xb8;
	[tilespmem:$0x19400] =	vst v63  }
0xa8: {  	_ =	swait.ge [sflag:s25], $0x2000  }
0xa9: {  	[sflag:s25] =	ssyncset.done $0x0  }
0xaa: {  	s11 =	sadd.s32 $0x300, s10;
	[sflag:s25] =	ssyncadd.s32 $0xFFFFE000  }
0xab: {  	[tilespmem:s26], [sflag:$0x3] =	stream.indirect.gather [hbm4b:s4+s22], $0x40, s11, s22, $0xb8;
	[tilespmem:$0x19400] =	vst v63  }
0xac: {  	_ =	swait.ge [sflag:s28], $0x2000  }
0xad: {  	[sflag:s28] =	ssyncset.done $0x0  }
.Ltmp1:
0xae: {  	s11 =	sadd.s32 $0x2980, s10;
	[sflag:s28] =	ssyncadd.s32 $0xFFFFE000;
	(pc) =	sbr.rel @p0 .LBB2_4-.Ltmp1, $4  }
0xaf: {  	[spmem:s2] =	stream.indirect.scatter.add.f32 [tilespmem:s29], [sflag:$0x8], $0x40, s11, s22, $0xb8;
	[tilespmem:$0x19400] =	vst v63  }
0xb0: {  	_ =	swait.ge [sflag:s5], $0x2000  }
0xb1: {  	[sflag:s5] =	ssyncset.done $0x0  }
0xb2: {  	s10 =	sadd.s32 $0x380, s10;
	[sflag:s5] =	ssyncadd.s32 $0xFFFFE000  }
0xb3: {  	[tilespmem:s29], [sflag:$0x4] =	stream.indirect.gather [hbm4b:s4+s22], $0x40, s10, s22, $0xb8;
	[tilespmem:$0x19400] =	vst v63  }
0xb4: {  	_ =	swait.ge [sflag:s30], $0x2000  }
0xb5: {  	[sflag:s30] =	ssyncset.done $0x0  }
0xb6: {  	s9 =	simm.s32 $0x4E00;
	[sflag:s30] =	ssyncadd.s32 $0xFFFFE000  }
0xb7: {  	[spmem:s2] =	stream.indirect.scatter.add.f32 [tilespmem:s23], [sflag:$0x5], $0x40, s9, s22, $0xb8;
	[tilespmem:$0x19400] =	vst v63  }
0xb8: {  	_ =	swait.ge [sflag:s0], $0x2000  }
0xb9: {  	[sflag:s0] =	ssyncset.done $0x0  }
0xba: {  	s11 =	simm.s32 $0x4E80;
	[sflag:s0] =	ssyncadd.s32 $0xFFFFE000  }
0xbb: {  	[spmem:s2] =	stream.indirect.scatter.add.f32 [tilespmem:s24], [sflag:$0x6], $0x40, s11, s22, $0xb8;
	[tilespmem:$0x19400] =	vst v63  }
0xbc: {  	_ =	swait.ge [sflag:s20], $0x2000  }
0xbd: {  	[sflag:s20] =	ssyncset.done $0x0  }
0xbe: {  	s10 =	simm.s32 $0x4F00;
	[sflag:s20] =	ssyncadd.s32 $0xFFFFE000  }
0xbf: {  	[spmem:s2] =	stream.indirect.scatter.add.f32 [tilespmem:s26], [sflag:$0x7], $0x40, s10, s22, $0xb8;
	[tilespmem:$0x19400] =	vst v63  }
0xc0: {  	_ =	swait.ge [sflag:s28], $0x2000  }
0xc1: {  	[sflag:s28] =	ssyncset.done $0x0  }
0xc2: {  	s11 =	simm.s32 $0x4F80;
	[sflag:s28] =	ssyncadd.s32 $0xFFFFE000  }
0xc3: {  	[spmem:s2] =	stream.indirect.scatter.add.f32 [tilespmem:s29], [sflag:$0x8], $0x40, s11, s22, $0xb8;
	[tilespmem:$0x19400] =	vst v63  }
0xc4: {  	_ =	swait.ge [sflag:s31], $0x2000  }
0xc5: {  	[sflag:s31] =	ssyncset.done $0x0  }
0xc6: {  	[sflag:s31] =	ssyncadd.s32 $0xFFFFE000  }
0xc7: {  	_ =	swait.ge [sflag:s1], $0x2000  }
0xc8: {  	[sflag:s1] =	ssyncset.done $0x0  }
0xc9: {  	[sflag:s1] =	ssyncadd.s32 $0xFFFFE000  }
0xca: {  	_ =	swait.ge [sflag:s25], $0x2000  }
0xcb: {  	[sflag:s25] =	ssyncset.done $0x0  }
0xcc: {  	[sflag:s25] =	ssyncadd.s32 $0xFFFFE000  }
0xcd: {  	_ =	swait.ge [sflag:s5], $0x2000  }
0xce: {  	[sflag:s5] =	ssyncset.done $0x0  }
0xcf: {  	[sflag:s5] =	ssyncadd.s32 $0xFFFFE000  }
0xd0: {  	[bflag:$0x0] =	sbarrier.arrive $0xFFFF  }
0xd1: {  	s10 =	rddreg [dreg:$0x5]  }
0xd2: {  	[tilespmem:s6], [sflag:$0x9] =	stream.linear.gather [spmem:s10], $0x2000, $0x38;
	[tilespmem:$0x19400] =	vst v63  }
0xd3: {  	_ =	swait.ge [sflag:s19], $0x2000  }
0xd4: {  	[sflag:s19] =	ssyncset.done $0x0  }
0xd5: {  	s11 =	rddreg [dreg:$0x7];
	[sflag:s19] =	ssyncadd.s32 $0xFFFFE000  }
0xd6: {  	[hbm4b:s11+s3] =	stream.linear.scatter [tilespmem:s6], [sflag:$0x9], $0x2000, $0x38;
	[tilespmem:$0x19400] =	vst v63  }
0xd7: {  	_ =	swait.ge [sflag:s19], $0x2000  }
0xd8: {  	[sflag:s19] =	ssyncset.done $0x0  }
0xd9: {  	s10 =	rddreg [dreg:$0x8];
	[sflag:s19] =	ssyncadd.s32 $0xFFFFE000  }
0xda: {  	[tilespmem:s6], [sflag:$0x9] =	stream.linear.gather [spmem:s10], $0x2000, $0x38;
	[tilespmem:$0x19400] =	vst v63  }
0xdb: {  	_ =	swait.ge [sflag:s19], $0x2000  }
0xdc: {  	[sflag:s19] =	ssyncset.done $0x0  }
0xdd: {  	[sflag:s19] =	ssyncadd.s32 $0xFFFFE000  }
0xde: {  	[hbm4b:s12+s3] =	stream.linear.scatter [tilespmem:s6], [sflag:$0x9], $0x2000, $0x38;
	[tilespmem:$0x19400] =	vst v63  }
0xdf: {  	_ =	swait.ge [sflag:s19], $0x2000  }
0xe0: {  	[sflag:s19] =	ssyncset.done $0x0  }
0xe1: {  	[sflag:s19] =	ssyncadd.s32 $0xFFFFE000  }
0xe2: {  	[tilespmem:s6], [sflag:$0x9] =	stream.linear.gather [spmem:s13], $0x2000, $0x38;
	[tilespmem:$0x19400] =	vst v63  }
0xe3: {  	_ =	swait.ge [sflag:s19], $0x2000  }
0xe4: {  	[sflag:s19] =	ssyncset.done $0x0  }
0xe5: {  	[sflag:s19] =	ssyncadd.s32 $0xFFFFE000  }
0xe6: {  	[hbm4b:s14+s3] =	stream.linear.scatter [tilespmem:s6], [sflag:$0x9], $0x2000, $0x38;
	[tilespmem:$0x19400] =	vst v63  }
0xe7: {  	_ =	swait.ge [sflag:s19], $0x2000  }
0xe8: {  	[sflag:s19] =	ssyncset.done $0x0  }
0xe9: {  	[sflag:s19] =	ssyncadd.s32 $0xFFFFE000  }
0xea: {  	[tilespmem:s6], [sflag:$0x9] =	stream.linear.gather [spmem:s15], $0x2000, $0x38;
	[tilespmem:$0x19400] =	vst v63  }
0xeb: {  	_ =	swait.ge [sflag:s19], $0x2000  }
0xec: {  	[sflag:s19] =	ssyncset.done $0x0  }
0xed: {  	[sflag:s19] =	ssyncadd.s32 $0xFFFFE000  }
0xee: {  	[hbm4b:s16+s3] =	stream.linear.scatter [tilespmem:s6], [sflag:$0x9], $0x2000, $0x38;
	[tilespmem:$0x19400] =	vst v63  }
0xef: {  	_ =	swait.ge [sflag:s19], $0x2000  }
0xf0: {  	[sflag:s19] =	ssyncset.done $0x0  }
0xf1: {  	[sflag:s19] =	ssyncadd.s32 $0xFFFFE000  }
0xf2: {  	[tilespmem:s6], [sflag:$0x9] =	stream.linear.gather [spmem:s17], $0x2000, $0x38;
	[tilespmem:$0x19400] =	vst v63  }
0xf3: {  	_ =	swait.ge [sflag:s19], $0x2000  }
0xf4: {  	[sflag:s19] =	ssyncset.done $0x0  }
0xf5: {  	[sflag:s19] =	ssyncadd.s32 $0xFFFFE000  }
0xf6: {  	[hbm4b:s18+s3] =	stream.linear.scatter [tilespmem:s6], [sflag:$0x9], $0x2000, $0x38;
	[tilespmem:$0x19400] =	vst v63  }
0xf7: {  	_ =	swait.ge [sflag:s19], $0x2000  }
0xf8: {  	s8 =	sadd.s32 $0x1, s8;
	s11 =	rddreg [dreg:$0x6]  }
0xf9: {  	p0 =	sne.s32 s8, s11  }
.Ltmp2:
0xfa: {  	_ = 	snop;
	(pc) =	sbr.rel @p0 .LBB2_1-.Ltmp2, $3  }
0xfb: {  	_ =	sdelay $0x1  }
0xfc: {  	[sflag:s19] =	ssyncset.done $0x0  }
0xfd: {  	[sflag:s19] =	ssyncadd.s32 $0xFFFFE000  }
0xfe: {  	_ =	sfence.sel $0x180000  }
0xff: {  	[bflag:$0x0] =	sbarrier.arrive $0xFFFF  }
0x100: {  	_ =	strace $0x90000050  }
0x101: {  	s0 =	stileid.u32;
	[bflag:$0x2] =	sbarrier.arrive $0xFFFF  }
0x102: {  	p0 =	sne.s32 s0, $0x0;
	s0 =	rddreg [dreg:$0x2]  }
0x103: {  	s0 =	sadd.s32 @!p0 $0x100000, s0  }
0x104: {  	[sflag:s0] =	ssyncadd.tile.s32 @!p0 $0x1;
	_ =	shalt  }
.Lfunc_end2:
_tile_overlayer_lowered:
.L_overlay_start_2:
0x105: {  	(tag) =	ssettag $0x2  }
0x106: {  	s0 =	rddreg [dreg:$0x0];
	s2 =	stileid.u32  }
0x107: {  	s1 =	rddreg [dreg:$0x1];
	p0 =	sne.s32 s2, $0x0  }
0x108: {  	s3 =	rddreg [dreg:$0x2];
	[bflag:$0x3] =	sbarrier.arrive $0xFFFF;
	s2 =	simm.s32 @!p0 $0x1C09  }
0x109: {  	[timem:s3], [sflag:s2] =	dma.local @!p0 [hbm:s0], s1  }
0x10a: {  	s0 =	simm.s32 @!p0 $0x9  }
0x10b: {  	_ =	swait.ge @!p0 [sflag:s0], s1  }
0x10c: {  	s1 =	ssub.s32 @!p0 $0x0, s1;
	[sflag:s0] =	ssyncset.done @!p0 $0x0  }
0x10d: {  	[sflag:s0] =	ssyncadd.s32 @!p0 s1  }
0x10e: {  	[bflag:$0x3] =	sbarrier.arrive $0xFFFF  }
0x10f: {  	_ =	shalt  }

</sc_bundles>
